<compile_context>
chip_gen: v7x
topology: tpu7x:2x2x1
jax: 0.10.2.dev20260603
libtpu: 0.0.44.dev20260713+nightly
codegen_flags: <defaults>
</compile_context>

<pallas_src>
import functools

import jax
import jax.numpy as jnp
from jax import lax
from jax.experimental import pallas as pl
from jax.experimental.pallas import tpu as pltpu
from jax.experimental.pallas import tpu_sc as plsc

N_AGENTS = 100000
N_VENUES = 2000
N_EDGES = 1600000
TAU = 0.1

NC = 2
NS = 16
NW = NC * NS
CHUNK = 2000
KC = N_EDGES // (NW * CHUNK)
NSLOT = 4
NA_PAD = 100096
ASLICE = NA_PAD // NS
NV_PAD = 2016
NVG = NV_PAD // 16

_MESH = plsc.VectorSubcoreMesh(
    core_axis_name="c", subcore_axis_name="s", num_cores=NC, num_subcores=NS)


def _slot_scratch():
    return (
        [pltpu.VMEM((CHUNK,), jnp.int32) for _ in range(NSLOT)] +
        [pltpu.VMEM((CHUNK,), jnp.int32) for _ in range(NSLOT)] +
        [pltpu.VMEM((CHUNK,), jnp.float32) for _ in range(NSLOT)] +
        [pltpu.SemaphoreType.DMA for _ in range(NSLOT)] +
        [pltpu.SemaphoreType.DMA for _ in range(NSLOT)] +
        [pltpu.SemaphoreType.DMA for _ in range(NSLOT)] +
        [pltpu.SemaphoreType.DMA for _ in range(NSLOT)]
    )


@functools.partial(
    pl.kernel,
    out_type=(
        jax.ShapeDtypeStruct((NC * NV_PAD,), jnp.float32),
        jax.ShapeDtypeStruct((NC * NV_PAD,), jnp.float32),
    ),
    mesh=_MESH,
    scratch_types=[
        pltpu.VMEM_SHARED((NA_PAD,), jnp.float32),
        pltpu.VMEM_SHARED((NV_PAD,), jnp.float32),
        pltpu.VMEM_SHARED((NV_PAD,), jnp.float32),
        pltpu.VMEM((ASLICE,), jnp.float32),
        pltpu.VMEM((ASLICE,), jnp.float32),
        pltpu.VMEM((NV_PAD,), jnp.float32),
        pltpu.VMEM((CHUNK,), jnp.float32),
    ] + _slot_scratch(),
)
def _venue_pass(tb_hbm, inf_hbm, ea_hbm, ev_hbm, vsum_out, vcnt_out,
                trans_sp, vsum_sp, vcnt_sp, tb_v, inf_v, zv, ones, *slots):
    cid = lax.axis_index("c")
    sid = lax.axis_index("s")
    wid = sid * NC + cid
    base = sid * ASLICE
    aidx = slots[0:NSLOT]
    vidx = slots[NSLOT:2 * NSLOT]
    vals = slots[2 * NSLOT:3 * NSLOT]
    dsem = slots[3 * NSLOT:4 * NSLOT]
    gsem = slots[4 * NSLOT:5 * NSLOT]
    s1sem = slots[5 * NSLOT:6 * NSLOT]
    s2sem = slots[6 * NSLOT:7 * NSLOT]

    pltpu.sync_copy(tb_hbm.at[pl.ds(base, ASLICE)], tb_v)
    pltpu.sync_copy(inf_hbm.at[pl.ds(base, ASLICE)], inf_v)

    def mul_body(i, carry):
        sl = pl.ds(i * 16, 16)
        tb_v[sl] = tb_v[sl] * inf_v[sl]
        return carry
    lax.fori_loop(0, ASLICE // 16, mul_body, 0)
    pltpu.sync_copy(tb_v, trans_sp.at[pl.ds(base, ASLICE)])

    def ones_body(i, carry):
        ones[pl.ds(i * 16, 16)] = jnp.full((16,), 1.0, jnp.float32)
        return carry
    lax.fori_loop(0, CHUNK // 16, ones_body, 0)

    @pl.when(sid == 0)
    def _():
        def zero_body(i, carry):
            zv[pl.ds(i * 16, 16)] = jnp.zeros((16,), jnp.float32)
            return carry
        lax.fori_loop(0, NVG, zero_body, 0)
        pltpu.sync_copy(zv, vsum_sp)
        pltpu.sync_copy(zv, vcnt_sp)
    plsc.subcore_barrier()

    def dma_in(k):
        s = k % NSLOT
        b = (k * NW + wid) * CHUNK
        da = pltpu.async_copy(ea_hbm.at[pl.ds(b, CHUNK)], aidx[s], dsem[s])
        dv = pltpu.async_copy(ev_hbm.at[pl.ds(b, CHUNK)], vidx[s], dsem[s])
        return (da, dv)

    def gather(k):
        s = k % NSLOT
        return pltpu.async_copy(trans_sp.at[aidx[s]], vals[s], gsem[s])

    def scat_cnt(k):
        s = k % NSLOT
        return pltpu.async_copy(ones, vcnt_sp.at[vidx[s]], s2sem[s], add=True)

    def scat_sum(k):
        s = k % NSLOT
        return pltpu.async_copy(vals[s], vsum_sp.at[vidx[s]], s1sem[s],
                                add=True)

    dmas = {0: dma_in(0), 1: dma_in(1)}
    gathers = {}
    scats = {}
    dmas[0][0].wait()
    dmas[0][1].wait()
    gathers[0] = gather(0)
    for k in range(KC):
        if k >= 2:
            scats[k - 2][0].wait()
            scats[k - 2][1].wait()
        d2 = scat_cnt(k)
        if k + 2 < KC:
            dmas[k + 2] = dma_in(k + 2)
        if k + 1 < KC:
            dmas[k + 1][0].wait()
            dmas[k + 1][1].wait()
            gathers[k + 1] = gather(k + 1)
        gathers[k].wait()
        scats[k] = (scat_sum(k), d2)
    for k in (KC - 2, KC - 1):
        scats[k][0].wait()
        scats[k][1].wait()
    plsc.subcore_barrier()

    @pl.when(sid == 0)
    def _():
        pltpu.sync_copy(vsum_sp, zv)
        pltpu.sync_copy(zv, vsum_out.at[pl.ds(cid * NV_PAD, NV_PAD)])
        pltpu.sync_copy(vcnt_sp, zv)
        pltpu.sync_copy(zv, vcnt_out.at[pl.ds(cid * NV_PAD, NV_PAD)])


@functools.partial(
    pl.kernel,
    out_type=jax.ShapeDtypeStruct((NC * NA_PAD,), jnp.float32),
    mesh=_MESH,
    scratch_types=[
        pltpu.VMEM_SHARED((NV_PAD,), jnp.float32),
        pltpu.VMEM_SHARED((NA_PAD,), jnp.float32),
        pltpu.VMEM((NC * NV_PAD,), jnp.float32),
        pltpu.VMEM((NC * NV_PAD,), jnp.float32),
        pltpu.VMEM((NV_PAD,), jnp.float32),
        pltpu.VMEM((ASLICE,), jnp.float32),
    ] + _slot_scratch(),
)
def _agent_pass(vsum_hbm, vcnt_hbm, beta_hbm, ea_hbm, ev_hbm, apart_out,
                fac_sp, ag_sp, vs, vc, bb, z, *slots):
    cid = lax.axis_index("c")
    sid = lax.axis_index("s")
    wid = sid * NC + cid
    base = sid * ASLICE
    aidx = slots[0:NSLOT]
    vidx = slots[NSLOT:2 * NSLOT]
    vals = slots[2 * NSLOT:3 * NSLOT]
    dsem = slots[3 * NSLOT:4 * NSLOT]
    gsem = slots[4 * NSLOT:5 * NSLOT]
    s1sem = slots[5 * NSLOT:6 * NSLOT]

    def zero_body(i, carry):
        z[pl.ds(i * 16, 16)] = jnp.zeros((16,), jnp.float32)
        return carry
    lax.fori_loop(0, ASLICE // 16, zero_body, 0)
    pltpu.sync_copy(z, ag_sp.at[pl.ds(base, ASLICE)])

    @pl.when(sid == 0)
    def _():
        pltpu.sync_copy(vsum_hbm, vs)
        pltpu.sync_copy(vcnt_hbm, vc)
        pltpu.sync_copy(beta_hbm, bb)

        def fac_body(i, carry):
            sl = pl.ds(i * 16, 16)
            sl1 = pl.ds(NV_PAD + i * 16, 16)
            s = vs[sl] + vs[sl1]
            cnt = vc[sl] + vc[sl1]
            bb[sl] = bb[sl] * s / jnp.maximum(cnt, 1.0)
            return carry
        lax.fori_loop(0, NVG, fac_body, 0)
        pltpu.sync_copy(bb, fac_sp)
    plsc.subcore_barrier()

    def dma_in(k):
        s = k % NSLOT
        b = (k * NW + wid) * CHUNK
        da = pltpu.async_copy(ea_hbm.at[pl.ds(b, CHUNK)], aidx[s], dsem[s])
        dv = pltpu.async_copy(ev_hbm.at[pl.ds(b, CHUNK)], vidx[s], dsem[s])
        return (da, dv)

    def gather(k):
        s = k % NSLOT
        return pltpu.async_copy(fac_sp.at[vidx[s]], vals[s], gsem[s])

    def scat(k):
        s = k % NSLOT
        return pltpu.async_copy(vals[s], ag_sp.at[aidx[s]], s1sem[s], add=True)

    dmas = {0: dma_in(0), 1: dma_in(1)}
    gathers = {}
    scats = {}
    dmas[0][0].wait()
    dmas[0][1].wait()
    gathers[0] = gather(0)
    for k in range(KC):
        if k >= 2:
            scats[k - 2].wait()
        if k + 2 < KC:
            dmas[k + 2] = dma_in(k + 2)
        if k + 1 < KC:
            dmas[k + 1][0].wait()
            dmas[k + 1][1].wait()
            gathers[k + 1] = gather(k + 1)
        gathers[k].wait()
        scats[k] = scat(k)
    scats[KC - 2].wait()
    scats[KC - 1].wait()

    plsc.subcore_barrier()
    pltpu.sync_copy(ag_sp.at[pl.ds(base, ASLICE)], z)
    pltpu.sync_copy(z, apart_out.at[pl.ds(cid * NA_PAD + base, ASLICE)])


def _elem_body(p0_ref, p1_ref, susc_ref, inf_ref, it_ref, u_ref,
               tn_ref, dt_ref, o_susc, o_inf, o_it, o_sym, o_pn):
    expo = p0_ref[...] + p1_ref[...]
    susc = susc_ref[...]
    inf = inf_ref[...]
    it = it_ref[...]
    u = u_ref[...]
    tn = tn_ref[0]
    dt = dt_ref[0]

    pn = jnp.exp(-dt * susc * expo)
    p = jnp.clip(pn, 1e-6, 1.0 - 1e-6)
    l0 = jnp.log(p)
    l1 = jnp.log1p(-p)
    g0 = -jnp.log(-jnp.log(u))
    g1 = -jnp.log(-jnp.log(1.0 - u))
    d = ((l1 + g1) - (l0 + g0)) / TAU
    y = 1.0 / (1.0 + jnp.exp(-d))

    inf_new = inf + y
    it_new = jnp.where(y > 0.5, tn, it)
    o_susc[...] = jnp.maximum(0.0, susc - y)
    o_inf[...] = inf_new
    o_it[...] = it_new
    o_sym[...] = inf_new * jnp.exp(-(tn - it_new))
    o_pn[...] = pn


def kernel(susceptibility, is_infected, infection_time, transmission_base,
           edge_agent, edge_venue, beta, noise_u, timer_now, delta_time):
    tb = jnp.pad(transmission_base, (0, NA_PAD - N_AGENTS))
    ip = jnp.pad(is_infected, (0, NA_PAD - N_AGENTS))
    bp = jnp.pad(beta, (0, NV_PAD - N_VENUES))

    vsum, vcnt = _venue_pass(tb, ip, edge_agent, edge_venue)
    apart = _agent_pass(vsum, vcnt, bp, edge_agent, edge_venue)
    p0 = apart[:N_AGENTS]
    p1 = apart[NA_PAD:NA_PAD + N_AGENTS]

    vec = jax.ShapeDtypeStruct((N_AGENTS,), jnp.float32)
    smem_spec = pl.BlockSpec(memory_space=pltpu.SMEM)
    return pl.pallas_call(
        _elem_body,
        out_shape=(vec, vec, vec, vec, vec),
        in_specs=[pl.BlockSpec()] * 6 + [smem_spec, smem_spec],
    )(p0, p1, susceptibility, is_infected, infection_time, noise_u,
      timer_now, delta_time)

# --- scband reference (transcript-rebuilt; emitter-appended) ---
"""Pipeline reference for scband-torch-june-7825430413698 (READ-ONLY COPY).

The authoritative reference and input builder live on the scoring server;
editing this copy changes nothing except your own understanding.
"""

import jax, jax.numpy as jnp
import numpy as np

N_AGENTS = 100000
N_VENUES = 2000
N_EDGES = 1600000
TAU = 0.1


def setup_inputs(seed: int = 0) -> dict:
    key = jax.random.key(seed)
    ks = jax.random.split(key, 8)
    susceptibility = jax.random.uniform(ks[0], (N_AGENTS,), dtype=jnp.float32)
    is_infected = (jax.random.uniform(ks[1], (N_AGENTS,)) < 0.05).astype(jnp.float32)
    infection_time = jnp.zeros((N_AGENTS,), jnp.float32)
    transmission_base = jax.random.uniform(ks[2], (N_AGENTS,), dtype=jnp.float32)
    edge_agent = jax.random.randint(ks[3], (N_EDGES,), 0, N_AGENTS, dtype=jnp.int32)
    edge_venue = jax.random.randint(ks[4], (N_EDGES,), 0, N_VENUES, dtype=jnp.int32)
    beta = jax.random.uniform(ks[5], (N_VENUES,), dtype=jnp.float32)
    noise_u = jax.random.uniform(ks[6], (N_AGENTS,), minval=1e-6, maxval=1.0 - 1e-6, dtype=jnp.float32)
    timer_now = jnp.ones((1,), jnp.float32)
    delta_time = jnp.ones((1,), jnp.float32)
    return {
        "susceptibility": susceptibility,
        "is_infected": is_infected,
        "infection_time": infection_time,
        "transmission_base": transmission_base,
        "edge_agent": edge_agent,
        "edge_venue": edge_venue,
        "beta": beta,
        "noise_u": noise_u,
        "timer_now": timer_now,
        "delta_time": delta_time,
    }


def reference(susceptibility, is_infected, infection_time, transmission_base,
              edge_agent, edge_venue, beta, noise_u, timer_now, delta_time):
    # TransmissionUpdater: per-agent viral load (infected agents only)
    transmission = transmission_base * is_infected
    # InfectionPassing: scatter-add agent transmissions into venues
    edge_trans = jnp.take(transmission, edge_agent)  # gather by agent id
    venue_trans = jax.ops.segment_sum(edge_trans, edge_venue, num_segments=N_VENUES)
    venue_count = jax.ops.segment_sum(jnp.ones_like(edge_trans), edge_venue, num_segments=N_VENUES)
    venue_ptrans = venue_trans / jnp.maximum(venue_count, 1.0)
    # gather venue pressure back to edges, scatter-add exposure onto agents
    edge_exposure = jnp.take(beta, edge_venue) * jnp.take(venue_ptrans, edge_venue)
    agent_exposure = jax.ops.segment_sum(edge_exposure, edge_agent, num_segments=N_AGENTS)
    not_infected_probs = jnp.exp(-delta_time[0] * susceptibility * agent_exposure)
    # IsInfectedSampler: Gumbel-softmax relaxed Bernoulli
    p_not = jnp.clip(not_infected_probs, 1e-6, 1.0 - 1e-6)
    logits = jnp.stack([jnp.log(p_not), jnp.log1p(-p_not)], axis=-1)
    g0 = -jnp.log(-jnp.log(noise_u))
    g1 = -jnp.log(-jnp.log(1.0 - noise_u))
    g = jnp.stack([g0, g1], axis=-1)
    y = jax.nn.softmax((logits + g) / TAU, axis=-1)
    new_infected = y[:, 1]
    # state updates (scatter-overwrite semantics on infection_time)
    susceptibility_new = jnp.maximum(0.0, susceptibility - new_infected)
    is_infected_new = is_infected + new_infected
    infection_time_new = jnp.where(new_infected > 0.5, timer_now[0], infection_time)
    # SymptomsUpdater proxy: severity decays from infection time
    symptoms = is_infected_new * jnp.exp(-(timer_now[0] - infection_time_new))
    return susceptibility_new, is_infected_new, infection_time_new, symptoms, not_infected_probs

if __name__ == "__main__":
    import jax
    _d = setup_inputs()
    print(jax.jit(kernel)(*tuple(_d.values())))

</pallas_src>

<mosaic_0001>
#map = affine_map<(d0, d1) -> (0)>
module attributes {stable_mosaic.version = 14 : i64} {
  func.func @_agent_pass(%arg0: i32, %arg1: i32, %arg2: memref<4032xf32, #tpu.memory_space<hbm>>, %arg3: memref<4032xf32, #tpu.memory_space<hbm>>, %arg4: memref<2016xf32, #tpu.memory_space<hbm>>, %arg5: memref<1600000xi32, #tpu.memory_space<hbm>>, %arg6: memref<1600000xi32, #tpu.memory_space<hbm>>, %arg7: memref<200192xf32, #tpu.memory_space<hbm>>, %arg8: memref<2016xf32, #tpu.memory_space<vmem_shared>>, %arg9: memref<100096xf32, #tpu.memory_space<vmem_shared>>, %arg10: memref<4032xf32, #tpu.memory_space<vmem>>, %arg11: memref<4032xf32, #tpu.memory_space<vmem>>, %arg12: memref<2016xf32, #tpu.memory_space<vmem>>, %arg13: memref<6256xf32, #tpu.memory_space<vmem>>, %arg14: memref<2000xi32, #tpu.memory_space<vmem>>, %arg15: memref<2000xi32, #tpu.memory_space<vmem>>, %arg16: memref<2000xi32, #tpu.memory_space<vmem>>, %arg17: memref<2000xi32, #tpu.memory_space<vmem>>, %arg18: memref<2000xi32, #tpu.memory_space<vmem>>, %arg19: memref<2000xi32, #tpu.memory_space<vmem>>, %arg20: memref<2000xi32, #tpu.memory_space<vmem>>, %arg21: memref<2000xi32, #tpu.memory_space<vmem>>, %arg22: memref<2000xf32, #tpu.memory_space<vmem>>, %arg23: memref<2000xf32, #tpu.memory_space<vmem>>, %arg24: memref<2000xf32, #tpu.memory_space<vmem>>, %arg25: memref<2000xf32, #tpu.memory_space<vmem>>, %arg26: memref<!tpu.dma_semaphore, #tpu.memory_space<semaphore_mem>>, %arg27: memref<!tpu.dma_semaphore, #tpu.memory_space<semaphore_mem>>, %arg28: memref<!tpu.dma_semaphore, #tpu.memory_space<semaphore_mem>>, %arg29: memref<!tpu.dma_semaphore, #tpu.memory_space<semaphore_mem>>, %arg30: memref<!tpu.dma_semaphore, #tpu.memory_space<semaphore_mem>>, %arg31: memref<!tpu.dma_semaphore, #tpu.memory_space<semaphore_mem>>, %arg32: memref<!tpu.dma_semaphore, #tpu.memory_space<semaphore_mem>>, %arg33: memref<!tpu.dma_semaphore, #tpu.memory_space<semaphore_mem>>, %arg34: memref<!tpu.dma_semaphore, #tpu.memory_space<semaphore_mem>>, %arg35: memref<!tpu.dma_semaphore, #tpu.memory_space<semaphore_mem>>, %arg36: memref<!tpu.dma_semaphore, #tpu.memory_space<semaphore_mem>>, %arg37: memref<!tpu.dma_semaphore, #tpu.memory_space<semaphore_mem>>, %arg38: memref<!tpu.dma_semaphore, #tpu.memory_space<semaphore_mem>>, %arg39: memref<!tpu.dma_semaphore, #tpu.memory_space<semaphore_mem>>, %arg40: memref<!tpu.dma_semaphore, #tpu.memory_space<semaphore_mem>>, %arg41: memref<!tpu.dma_semaphore, #tpu.memory_space<semaphore_mem>>) attributes {dimension_semantics = [#tpu.dimension_semantics<core_parallel>, #tpu.dimension_semantics<subcore_parallel>], iteration_bounds = array<i64: 2, 16>, scalar_prefetch = 0 : i64, scratch_operands = 34 : i64, tpu.core_type = #tpu.core_type<sc_vector_subcore>, window_params = [{transform_indices = #map}, {transform_indices = #map}, {transform_indices = #map}, {transform_indices = #map}, {transform_indices = #map}, {transform_indices = #map}]} {
    %mul3A = arith.constant 2 : i32
    %mul3A_0 = arith.muli %arg1, %mul3A : i32
    %add3A = arith.addi %mul3A_0, %arg0 : i32
    %mul3A_1 = arith.constant 6256 : i32
    %mul3A_2 = arith.muli %arg1, %mul3A_1 : i32
    %scan3A = arith.constant 0 : i32
    %scan3A_3 = arith.constant 0 : i32
    %scan3A_4 = arith.constant 391 : i32
    %scan3A_5 = arith.addi %scan3A_3, %scan3A_4 : i32
    %scan3A_6 = arith.constant 1 : i32
    scf.for %scan3A_512 = %scan3A_3 to %scan3A_5 step %scan3A_6  : i32 {
      %broadcast_in_dim3A = arith.constant 0.000000e+00 : f32
      %broadcast_in_dim3A_513 = vector.broadcast %broadcast_in_dim3A : f32 to vector<16xf32>
      %mul3A_514 = arith.constant 16 : i32
      %mul3A_515 = arith.muli %scan3A_512, %mul3A_514 : i32
      %swap3A = arith.index_cast %mul3A_515 : i32 to index
      %swap3A_516 = tpu.vector_load %arg13[%swap3A] {strides = array<i32>} : memref<6256xf32, #tpu.memory_space<vmem>>, vector<16xf32>,
      %swap3A_517 = vector.shape_cast %swap3A_516 : vector<16xf32> to vector<16xf32>
      %swap3A_518 = vector.shape_cast %broadcast_in_dim3A_513 : vector<16xf32> to vector<16xf32>
      tpu.vector_store %arg13[%swap3A], %swap3A_518 {strides = array<i32>} : memref<6256xf32, #tpu.memory_space<vmem>>, vector<16xf32>,
    }
    %scan3A_7 = arith.constant 391 : i32
    "tpu.region"() ({
      %run_scoped3A = tpu.sem_alloc : memref<!tpu.dma_semaphore, #tpu.memory_space<semaphore_mem>>
      %dma_start3A_512 = tpu.memref_slice %arg9[%mul3A_2] : memref<100096xf32, #tpu.memory_space<vmem_shared>> -> memref<6256xf32, #tpu.memory_space<vmem_shared>>
      %dma_start3A_513 = tpu.memref_slice %arg9[%mul3A_2] : memref<100096xf32, #tpu.memory_space<vmem_shared>> -> memref<6256xf32, #tpu.memory_space<vmem_shared>>
      tpu.enqueue_dma source(%arg13 : memref<6256xf32, #tpu.memory_space<vmem>>) target(%dma_start3A_513 : memref<6256xf32, #tpu.memory_space<vmem_shared>>) target_semaphore(%run_scoped3A : memref<!tpu.dma_semaphore, #tpu.memory_space<semaphore_mem>>)
      %dma_wait3A_514 = tpu.memref_slice %arg9[%mul3A_2] : memref<100096xf32, #tpu.memory_space<vmem_shared>> -> memref<6256xf32, #tpu.memory_space<vmem_shared>>
      %dma_wait3A_515 = tpu.memref_slice %arg9[%mul3A_2] : memref<100096xf32, #tpu.memory_space<vmem_shared>> -> memref<6256xf32, #tpu.memory_space<vmem_shared>>
      tpu.wait_dma2 semaphore(%run_scoped3A : memref<!tpu.dma_semaphore, #tpu.memory_space<semaphore_mem>>) src(%arg13 : memref<6256xf32, #tpu.memory_space<vmem>>) dst(%dma_wait3A_515 : memref<6256xf32, #tpu.memory_space<vmem_shared>>)
      tpu.yield
    }) : () -> ()
    %eq3A = arith.constant 0 : i32
    %eq3A_8 = arith.cmpi eq, %arg1, %eq3A : i32
    %convert_element_type3A = arith.extui %eq3A_8 : i1 to i32
    %cond3A = arith.constant 0 : i32
    %cond3A_9 = arith.cmpi ne, %convert_element_type3A, %cond3A : i32
    scf.if %cond3A_9 {
      "tpu.region"() ({
        %run_scoped3A = tpu.sem_alloc : memref<!tpu.dma_semaphore, #tpu.memory_space<semaphore_mem>>
        tpu.enqueue_dma source(%arg2 : memref<4032xf32, #tpu.memory_space<hbm>>) target(%arg10 : memref<4032xf32, #tpu.memory_space<vmem>>) target_semaphore(%run_scoped3A : memref<!tpu.dma_semaphore, #tpu.memory_space<semaphore_mem>>)
        tpu.wait_dma2 semaphore(%run_scoped3A : memref<!tpu.dma_semaphore, #tpu.memory_space<semaphore_mem>>) src(%arg2 : memref<4032xf32, #tpu.memory_space<hbm>>) dst(%arg10 : memref<4032xf32, #tpu.memory_space<vmem>>)
        tpu.yield
      }) : () -> ()
      "tpu.region"() ({
        %run_scoped3A = tpu.sem_alloc : memref<!tpu.dma_semaphore, #tpu.memory_space<semaphore_mem>>
        tpu.enqueue_dma source(%arg3 : memref<4032xf32, #tpu.memory_space<hbm>>) target(%arg11 : memref<4032xf32, #tpu.memory_space<vmem>>) target_semaphore(%run_scoped3A : memref<!tpu.dma_semaphore, #tpu.memory_space<semaphore_mem>>)
        tpu.wait_dma2 semaphore(%run_scoped3A : memref<!tpu.dma_semaphore, #tpu.memory_space<semaphore_mem>>) src(%arg3 : memref<4032xf32, #tpu.memory_space<hbm>>) dst(%arg11 : memref<4032xf32, #tpu.memory_space<vmem>>)
        tpu.yield
      }) : () -> ()
      "tpu.region"() ({
        %run_scoped3A = tpu.sem_alloc : memref<!tpu.dma_semaphore, #tpu.memory_space<semaphore_mem>>
        tpu.enqueue_dma source(%arg4 : memref<2016xf32, #tpu.memory_space<hbm>>) target(%arg12 : memref<2016xf32, #tpu.memory_space<vmem>>) target_semaphore(%run_scoped3A : memref<!tpu.dma_semaphore, #tpu.memory_space<semaphore_mem>>)
        tpu.wait_dma2 semaphore(%run_scoped3A : memref<!tpu.dma_semaphore, #tpu.memory_space<semaphore_mem>>) src(%arg4 : memref<2016xf32, #tpu.memory_space<hbm>>) dst(%arg12 : memref<2016xf32, #tpu.memory_space<vmem>>)
        tpu.yield
      }) : () -> ()
      %scan3A_512 = arith.constant 0 : i32
      %scan3A_513 = arith.constant 0 : i32
      %scan3A_514 = arith.constant 126 : i32
      %scan3A_515 = arith.addi %scan3A_513, %scan3A_514 : i32
      %scan3A_516 = arith.constant 1 : i32
      scf.for %scan3A_518 = %scan3A_513 to %scan3A_515 step %scan3A_516  : i32 {
        %mul3A_519 = arith.constant 16 : i32
        %mul3A_520 = arith.muli %scan3A_518, %mul3A_519 : i32
        %mul3A_521 = arith.constant 16 : i32
        %mul3A_522 = arith.muli %scan3A_518, %mul3A_521 : i32
        %add3A_523 = arith.constant 2016 : i32
        %add3A_524 = arith.addi %add3A_523, %mul3A_522 : i32
        %get3A = arith.index_cast %mul3A_520 : i32 to index
        %get3A_525 = tpu.vector_load %arg10[%get3A] {strides = array<i32>} : memref<4032xf32, #tpu.memory_space<vmem>>, vector<16xf32>,
        %get3A_526 = vector.shape_cast %get3A_525 : vector<16xf32> to vector<16xf32>
        %get3A_527 = arith.index_cast %add3A_524 : i32 to index
        %get3A_528 = tpu.vector_load %arg10[%get3A_527] {strides = array<i32>} : memref<4032xf32, #tpu.memory_space<vmem>>, vector<16xf32>,
        %get3A_529 = vector.shape_cast %get3A_528 : vector<16xf32> to vector<16xf32>
        %add3A_530 = arith.addf %get3A_526, %get3A_529 : vector<16xf32>
        %get3A_531 = arith.index_cast %mul3A_520 : i32 to index
        %get3A_532 = tpu.vector_load %arg11[%get3A_531] {strides = array<i32>} : memref<4032xf32, #tpu.memory_space<vmem>>, vector<16xf32>,
        %get3A_533 = vector.shape_cast %get3A_532 : vector<16xf32> to vector<16xf32>
        %get3A_534 = arith.index_cast %add3A_524 : i32 to index
        %get3A_535 = tpu.vector_load %arg11[%get3A_534] {strides = array<i32>} : memref<4032xf32, #tpu.memory_space<vmem>>, vector<16xf32>,
        %get3A_536 = vector.shape_cast %get3A_535 : vector<16xf32> to vector<16xf32>
        %add3A_537 = arith.addf %get3A_533, %get3A_536 : vector<16xf32>
        %get3A_538 = arith.index_cast %mul3A_520 : i32 to index
        %get3A_539 = tpu.vector_load %arg12[%get3A_538] {strides = array<i32>} : memref<2016xf32, #tpu.memory_space<vmem>>, vector<16xf32>,
        %get3A_540 = vector.shape_cast %get3A_539 : vector<16xf32> to vector<16xf32>
        %mul3A_541 = arith.mulf %get3A_540, %add3A_530 : vector<16xf32>
        %max3A = arith.constant 1.000000e+00 : f32
        %max3A_542 = vector.broadcast %max3A : f32 to vector<16xf32>
        %max3A_543 = arith.maximumf %add3A_537, %max3A_542 : vector<16xf32>
        %div3A = arith.divf %mul3A_541, %max3A_543 : vector<16xf32>
        %swap3A = arith.index_cast %mul3A_520 : i32 to index
        %swap3A_544 = tpu.vector_load %arg12[%swap3A] {strides = array<i32>} : memref<2016xf32, #tpu.memory_space<vmem>>, vector<16xf32>,
        %swap3A_545 = vector.shape_cast %swap3A_544 : vector<16xf32> to vector<16xf32>
        %swap3A_546 = vector.shape_cast %div3A : vector<16xf32> to vector<16xf32>
        tpu.vector_store %arg12[%swap3A], %swap3A_546 {strides = array<i32>} : memref<2016xf32, #tpu.memory_space<vmem>>, vector<16xf32>,
      }
      %scan3A_517 = arith.constant 126 : i32
      "tpu.region"() ({
        %run_scoped3A = tpu.sem_alloc : memref<!tpu.dma_semaphore, #tpu.memory_space<semaphore_mem>>
        tpu.enqueue_dma source(%arg12 : memref<2016xf32, #tpu.memory_space<vmem>>) target(%arg8 : memref<2016xf32, #tpu.memory_space<vmem_shared>>) target_semaphore(%run_scoped3A : memref<!tpu.dma_semaphore, #tpu.memory_space<semaphore_mem>>)
        tpu.wait_dma2 semaphore(%run_scoped3A : memref<!tpu.dma_semaphore, #tpu.memory_space<semaphore_mem>>) src(%arg12 : memref<2016xf32, #tpu.memory_space<vmem>>) dst(%arg8 : memref<2016xf32, #tpu.memory_space<vmem_shared>>)
        tpu.yield
      }) : () -> ()
    } else {
    }
    %barrier3A = arith.constant 0 : index
    tpu.barrier barrier_id(%barrier3A)
    %add3A_10 = arith.constant 0 : i32
    %add3A_11 = arith.addi %add3A_10, %add3A : i32
    %mul3A_12 = arith.constant 2000 : i32
    %mul3A_13 = arith.muli %add3A_11, %mul3A_12 : i32
    %dma_start3A = tpu.memref_slice %arg5[%mul3A_13] : memref<1600000xi32, #tpu.memory_space<hbm>> -> memref<2000xi32, #tpu.memory_space<hbm>>
    %dma_start3A_14 = tpu.memref_slice %arg5[%mul3A_13] : memref<1600000xi32, #tpu.memory_space<hbm>> -> memref<2000xi32, #tpu.memory_space<hbm>>
    tpu.enqueue_dma source(%dma_start3A_14 : memref<2000xi32, #tpu.memory_space<hbm>>) target(%arg14 : memref<2000xi32, #tpu.memory_space<vmem>>) target_semaphore(%arg26 : memref<!tpu.dma_semaphore, #tpu.memory_space<semaphore_mem>>)
    %dma_start3A_15 = tpu.memref_slice %arg6[%mul3A_13] : memref<1600000xi32, #tpu.memory_space<hbm>> -> memref<2000xi32, #tpu.memory_space<hbm>>
    %dma_start3A_16 = tpu.memref_slice %arg6[%mul3A_13] : memref<1600000xi32, #tpu.memory_space<hbm>> -> memref<2000xi32, #tpu.memory_space<hbm>>
    tpu.enqueue_dma source(%dma_start3A_16 : memref<2000xi32, #tpu.memory_space<hbm>>) target(%arg18 : memref<2000xi32, #tpu.memory_space<vmem>>) target_semaphore(%arg26 : memref<!tpu.dma_semaphore, #tpu.memory_space<semaphore_mem>>)
    %add3A_17 = arith.constant 32 : i32
    %add3A_18 = arith.addi %add3A_17, %add3A : i32
    %mul3A_19 = arith.constant 2000 : i32
    %mul3A_20 = arith.muli %add3A_18, %mul3A_19 : i32
    %dma_start3A_21 = tpu.memref_slice %arg5[%mul3A_20] : memref<1600000xi32, #tpu.memory_space<hbm>> -> memref<2000xi32, #tpu.memory_space<hbm>>
    %dma_start3A_22 = tpu.memref_slice %arg5[%mul3A_20] : memref<1600000xi32, #tpu.memory_space<hbm>> -> memref<2000xi32, #tpu.memory_space<hbm>>
    tpu.enqueue_dma source(%dma_start3A_22 : memref<2000xi32, #tpu.memory_space<hbm>>) target(%arg15 : memref<2000xi32, #tpu.memory_space<vmem>>) target_semaphore(%arg27 : memref<!tpu.dma_semaphore, #tpu.memory_space<semaphore_mem>>)
    %dma_start3A_23 = tpu.memref_slice %arg6[%mul3A_20] : memref<1600000xi32, #tpu.memory_space<hbm>> -> memref<2000xi32, #tpu.memory_space<hbm>>
    %dma_start3A_24 = tpu.memref_slice %arg6[%mul3A_20] : memref<1600000xi32, #tpu.memory_space<hbm>> -> memref<2000xi32, #tpu.memory_space<hbm>>
    tpu.enqueue_dma source(%dma_start3A_24 : memref<2000xi32, #tpu.memory_space<hbm>>) target(%arg19 : memref<2000xi32, #tpu.memory_space<vmem>>) target_semaphore(%arg27 : memref<!tpu.dma_semaphore, #tpu.memory_space<semaphore_mem>>)
    %dma_wait3A = tpu.memref_slice %arg5[%mul3A_13] : memref<1600000xi32, #tpu.memory_space<hbm>> -> memref<2000xi32, #tpu.memory_space<hbm>>
    %dma_wait3A_25 = tpu.memref_slice %arg5[%mul3A_13] : memref<1600000xi32, #tpu.memory_space<hbm>> -> memref<2000xi32, #tpu.memory_space<hbm>>
    tpu.wait_dma2 semaphore(%arg26 : memref<!tpu.dma_semaphore, #tpu.memory_space<semaphore_mem>>) src(%dma_wait3A_25 : memref<2000xi32, #tpu.memory_space<hbm>>) dst(%arg14 : memref<2000xi32, #tpu.memory_space<vmem>>)
    %dma_wait3A_26 = tpu.memref_slice %arg6[%mul3A_13] : memref<1600000xi32, #tpu.memory_space<hbm>> -> memref<2000xi32, #tpu.memory_space<hbm>>
    %dma_wait3A_27 = tpu.memref_slice %arg6[%mul3A_13] : memref<1600000xi32, #tpu.memory_space<hbm>> -> memref<2000xi32, #tpu.memory_space<hbm>>
    tpu.wait_dma2 semaphore(%arg26 : memref<!tpu.dma_semaphore, #tpu.memory_space<semaphore_mem>>) src(%dma_wait3A_27 : memref<2000xi32, #tpu.memory_space<hbm>>) dst(%arg18 : memref<2000xi32, #tpu.memory_space<vmem>>)
    %dma_start3A_28 = arith.constant 0 : i32
    %dma_start3A_29 = tpu.memref_slice %arg8[%dma_start3A_28] : memref<2016xf32, #tpu.memory_space<vmem_shared>> -> memref<2016xf32, #tpu.memory_space<vmem_shared>>
    tpu.enqueue_indirect_dma source(%dma_start3A_29 : memref<2016xf32, #tpu.memory_space<vmem_shared>>) target(%arg22 : memref<2000xf32, #tpu.memory_space<vmem>>) offsets(%arg18 : memref<2000xi32, #tpu.memory_space<vmem>>) semaphore(%arg30 : memref<!tpu.dma_semaphore, #tpu.memory_space<semaphore_mem>>)
    %add3A_30 = arith.constant 64 : i32
    %add3A_31 = arith.addi %add3A_30, %add3A : i32
    %mul3A_32 = arith.constant 2000 : i32
    %mul3A_33 = arith.muli %add3A_31, %mul3A_32 : i32
    %dma_start3A_34 = tpu.memref_slice %arg5[%mul3A_33] : memref<1600000xi32, #tpu.memory_space<hbm>> -> memref<2000xi32, #tpu.memory_space<hbm>>
    %dma_start3A_35 = tpu.memref_slice %arg5[%mul3A_33] : memref<1600000xi32, #tpu.memory_space<hbm>> -> memref<2000xi32, #tpu.memory_space<hbm>>
    tpu.enqueue_dma source(%dma_start3A_35 : memref<2000xi32, #tpu.memory_space<hbm>>) target(%arg16 : memref<2000xi32, #tpu.memory_space<vmem>>) target_semaphore(%arg28 : memref<!tpu.dma_semaphore, #tpu.memory_space<semaphore_mem>>)
    %dma_start3A_36 = tpu.memref_slice %arg6[%mul3A_33] : memref<1600000xi32, #tpu.memory_space<hbm>> -> memref<2000xi32, #tpu.memory_space<hbm>>
    %dma_start3A_37 = tpu.memref_slice %arg6[%mul3A_33] : memref<1600000xi32, #tpu.memory_space<hbm>> -> memref<2000xi32, #tpu.memory_space<hbm>>
    tpu.enqueue_dma source(%dma_start3A_37 : memref<2000xi32, #tpu.memory_space<hbm>>) target(%arg20 : memref<2000xi32, #tpu.memory_space<vmem>>) target_semaphore(%arg28 : memref<!tpu.dma_semaphore, #tpu.memory_space<semaphore_mem>>)
    %dma_wait3A_38 = tpu.memref_slice %arg5[%mul3A_20] : memref<1600000xi32, #tpu.memory_space<hbm>> -> memref<2000xi32, #tpu.memory_space<hbm>>
    %dma_wait3A_39 = tpu.memref_slice %arg5[%mul3A_20] : memref<1600000xi32, #tpu.memory_space<hbm>> -> memref<2000xi32, #tpu.memory_space<hbm>>
    tpu.wait_dma2 semaphore(%arg27 : memref<!tpu.dma_semaphore, #tpu.memory_space<semaphore_mem>>) src(%dma_wait3A_39 : memref<2000xi32, #tpu.memory_space<hbm>>) dst(%arg15 : memref<2000xi32, #tpu.memory_space<vmem>>)
    %dma_wait3A_40 = tpu.memref_slice %arg6[%mul3A_20] : memref<1600000xi32, #tpu.memory_space<hbm>> -> memref<2000xi32, #tpu.memory_space<hbm>>
    %dma_wait3A_41 = tpu.memref_slice %arg6[%mul3A_20] : memref<1600000xi32, #tpu.memory_space<hbm>> -> memref<2000xi32, #tpu.memory_space<hbm>>
    tpu.wait_dma2 semaphore(%arg27 : memref<!tpu.dma_semaphore, #tpu.memory_space<semaphore_mem>>) src(%dma_wait3A_41 : memref<2000xi32, #tpu.memory_space<hbm>>) dst(%arg19 : memref<2000xi32, #tpu.memory_space<vmem>>)
    %dma_start3A_42 = arith.constant 0 : i32
    %dma_start3A_43 = tpu.memref_slice %arg8[%dma_start3A_42] : memref<2016xf32, #tpu.memory_space<vmem_shared>> -> memref<2016xf32, #tpu.memory_space<vmem_shared>>
    tpu.enqueue_indirect_dma source(%dma_start3A_43 : memref<2016xf32, #tpu.memory_space<vmem_shared>>) target(%arg23 : memref<2000xf32, #tpu.memory_space<vmem>>) offsets(%arg19 : memref<2000xi32, #tpu.memory_space<vmem>>) semaphore(%arg31 : memref<!tpu.dma_semaphore, #tpu.memory_space<semaphore_mem>>)
    %dma_wait3A_44 = arith.constant 0 : i32
    %dma_wait3A_45 = tpu.memref_slice %arg8[%dma_wait3A_44] : memref<2016xf32, #tpu.memory_space<vmem_shared>> -> memref<2016xf32, #tpu.memory_space<vmem_shared>>
    tpu.wait_indirect_dma semaphore(%arg30 : memref<!tpu.dma_semaphore, #tpu.memory_space<semaphore_mem>>) src(%dma_wait3A_45 : memref<2016xf32, #tpu.memory_space<vmem_shared>>) dst(%arg22 : memref<2000xf32, #tpu.memory_space<vmem>>)
    %dma_start3A_46 = arith.constant 0 : i32
    %dma_start3A_47 = tpu.memref_slice %arg9[%dma_start3A_46] : memref<100096xf32, #tpu.memory_space<vmem_shared>> -> memref<100096xf32, #tpu.memory_space<vmem_shared>>
    tpu.enqueue_indirect_dma source(%arg22 : memref<2000xf32, #tpu.memory_space<vmem>>) target(%dma_start3A_47 : memref<100096xf32, #tpu.memory_space<vmem_shared>>) offsets(%arg14 : memref<2000xi32, #tpu.memory_space<vmem>>) semaphore(%arg34 : memref<!tpu.dma_semaphore, #tpu.memory_space<semaphore_mem>>) {add = true}
    %add3A_48 = arith.constant 96 : i32
    %add3A_49 = arith.addi %add3A_48, %add3A : i32
    %mul3A_50 = arith.constant 2000 : i32
    %mul3A_51 = arith.muli %add3A_49, %mul3A_50 : i32
    %dma_start3A_52 = tpu.memref_slice %arg5[%mul3A_51] : memref<1600000xi32, #tpu.memory_space<hbm>> -> memref<2000xi32, #tpu.memory_space<hbm>>
    %dma_start3A_53 = tpu.memref_slice %arg5[%mul3A_51] : memref<1600000xi32, #tpu.memory_space<hbm>> -> memref<2000xi32, #tpu.memory_space<hbm>>
    tpu.enqueue_dma source(%dma_start3A_53 : memref<2000xi32, #tpu.memory_space<hbm>>) target(%arg17 : memref<2000xi32, #tpu.memory_space<vmem>>) target_semaphore(%arg29 : memref<!tpu.dma_semaphore, #tpu.memory_space<semaphore_mem>>)
    %dma_start3A_54 = tpu.memref_slice %arg6[%mul3A_51] : memref<1600000xi32, #tpu.memory_space<hbm>> -> memref<2000xi32, #tpu.memory_space<hbm>>
    %dma_start3A_55 = tpu.memref_slice %arg6[%mul3A_51] : memref<1600000xi32, #tpu.memory_space<hbm>> -> memref<2000xi32, #tpu.memory_space<hbm>>
    tpu.enqueue_dma source(%dma_start3A_55 : memref<2000xi32, #tpu.memory_space<hbm>>) target(%arg21 : memref<2000xi32, #tpu.memory_space<vmem>>) target_semaphore(%arg29 : memref<!tpu.dma_semaphore, #tpu.memory_space<semaphore_mem>>)
    %dma_wait3A_56 = tpu.memref_slice %arg5[%mul3A_33] : memref<1600000xi32, #tpu.memory_space<hbm>> -> memref<2000xi32, #tpu.memory_space<hbm>>
    %dma_wait3A_57 = tpu.memref_slice %arg5[%mul3A_33] : memref<1600000xi32, #tpu.memory_space<hbm>> -> memref<2000xi32, #tpu.memory_space<hbm>>
    tpu.wait_dma2 semaphore(%arg28 : memref<!tpu.dma_semaphore, #tpu.memory_space<semaphore_mem>>) src(%dma_wait3A_57 : memref<2000xi32, #tpu.memory_space<hbm>>) dst(%arg16 : memref<2000xi32, #tpu.memory_space<vmem>>)
    %dma_wait3A_58 = tpu.memref_slice %arg6[%mul3A_33] : memref<1600000xi32, #tpu.memory_space<hbm>> -> memref<2000xi32, #tpu.memory_space<hbm>>
    %dma_wait3A_59 = tpu.memref_slice %arg6[%mul3A_33] : memref<1600000xi32, #tpu.memory_space<hbm>> -> memref<2000xi32, #tpu.memory_space<hbm>>
    tpu.wait_dma2 semaphore(%arg28 : memref<!tpu.dma_semaphore, #tpu.memory_space<semaphore_mem>>) src(%dma_wait3A_59 : memref<2000xi32, #tpu.memory_space<hbm>>) dst(%arg20 : memref<2000xi32, #tpu.memory_space<vmem>>)
    %dma_start3A_60 = arith.constant 0 : i32
    %dma_start3A_61 = tpu.memref_slice %arg8[%dma_start3A_60] : memref<2016xf32, #tpu.memory_space<vmem_shared>> -> memref<2016xf32, #tpu.memory_space<vmem_shared>>
    tpu.enqueue_indirect_dma source(%dma_start3A_61 : memref<2016xf32, #tpu.memory_space<vmem_shared>>) target(%arg24 : memref<2000xf32, #tpu.memory_space<vmem>>) offsets(%arg20 : memref<2000xi32, #tpu.memory_space<vmem>>) semaphore(%arg32 : memref<!tpu.dma_semaphore, #tpu.memory_space<semaphore_mem>>)
    %dma_wait3A_62 = arith.constant 0 : i32
    %dma_wait3A_63 = tpu.memref_slice %arg8[%dma_wait3A_62] : memref<2016xf32, #tpu.memory_space<vmem_shared>> -> memref<2016xf32, #tpu.memory_space<vmem_shared>>
    tpu.wait_indirect_dma semaphore(%arg31 : memref<!tpu.dma_semaphore, #tpu.memory_space<semaphore_mem>>) src(%dma_wait3A_63 : memref<2016xf32, #tpu.memory_space<vmem_shared>>) dst(%arg23 : memref<2000xf32, #tpu.memory_space<vmem>>)
    %dma_start3A_64 = arith.constant 0 : i32
    %dma_start3A_65 = tpu.memref_slice %arg9[%dma_start3A_64] : memref<100096xf32, #tpu.memory_space<vmem_shared>> -> memref<100096xf32, #tpu.memory_space<vmem_shared>>
    tpu.enqueue_indirect_dma source(%arg23 : memref<2000xf32, #tpu.memory_space<vmem>>) target(%dma_start3A_65 : memref<100096xf32, #tpu.memory_space<vmem_shared>>) offsets(%arg15 : memref<2000xi32, #tpu.memory_space<vmem>>) semaphore(%arg35 : memref<!tpu.dma_semaphore, #tpu.memory_space<semaphore_mem>>) {add = true}
    %dma_wait3A_66 = arith.constant 0 : i32
    %dma_wait3A_67 = tpu.memref_slice %arg9[%dma_wait3A_66] : memref<100096xf32, #tpu.memory_space<vmem_shared>> -> memref<100096xf32, #tpu.memory_space<vmem_shared>>
    tpu.wait_indirect_dma semaphore(%arg34 : memref<!tpu.dma_semaphore, #tpu.memory_space<semaphore_mem>>) src(%arg22 : memref<2000xf32, #tpu.memory_space<vmem>>) dst(%dma_wait3A_67 : memref<100096xf32, #tpu.memory_space<vmem_shared>>)
    %add3A_68 = arith.constant 128 : i32
    %add3A_69 = arith.addi %add3A_68, %add3A : i32
    %mul3A_70 = arith.constant 2000 : i32
    %mul3A_71 = arith.muli %add3A_69, %mul3A_70 : i32
    %dma_start3A_72 = tpu.memref_slice %arg5[%mul3A_71] : memref<1600000xi32, #tpu.memory_space<hbm>> -> memref<2000xi32, #tpu.memory_space<hbm>>
    %dma_start3A_73 = tpu.memref_slice %arg5[%mul3A_71] : memref<1600000xi32, #tpu.memory_space<hbm>> -> memref<2000xi32, #tpu.memory_space<hbm>>
    tpu.enqueue_dma source(%dma_start3A_73 : memref<2000xi32, #tpu.memory_space<hbm>>) target(%arg14 : memref<2000xi32, #tpu.memory_space<vmem>>) target_semaphore(%arg26 : memref<!tpu.dma_semaphore, #tpu.memory_space<semaphore_mem>>)
    %dma_start3A_74 = tpu.memref_slice %arg6[%mul3A_71] : memref<1600000xi32, #tpu.memory_space<hbm>> -> memref<2000xi32, #tpu.memory_space<hbm>>
    %dma_start3A_75 = tpu.memref_slice %arg6[%mul3A_71] : memref<1600000xi32, #tpu.memory_space<hbm>> -> memref<2000xi32, #tpu.memory_space<hbm>>
    tpu.enqueue_dma source(%dma_start3A_75 : memref<2000xi32, #tpu.memory_space<hbm>>) target(%arg18 : memref<2000xi32, #tpu.memory_space<vmem>>) target_semaphore(%arg26 : memref<!tpu.dma_semaphore, #tpu.memory_space<semaphore_mem>>)
    %dma_wait3A_76 = tpu.memref_slice %arg5[%mul3A_51] : memref<1600000xi32, #tpu.memory_space<hbm>> -> memref<2000xi32, #tpu.memory_space<hbm>>
    %dma_wait3A_77 = tpu.memref_slice %arg5[%mul3A_51] : memref<1600000xi32, #tpu.memory_space<hbm>> -> memref<2000xi32, #tpu.memory_space<hbm>>
    tpu.wait_dma2 semaphore(%arg29 : memref<!tpu.dma_semaphore, #tpu.memory_space<semaphore_mem>>) src(%dma_wait3A_77 : memref<2000xi32, #tpu.memory_space<hbm>>) dst(%arg17 : memref<2000xi32, #tpu.memory_space<vmem>>)
    %dma_wait3A_78 = tpu.memref_slice %arg6[%mul3A_51] : memref<1600000xi32, #tpu.memory_space<hbm>> -> memref<2000xi32, #tpu.memory_space<hbm>>
    %dma_wait3A_79 = tpu.memref_slice %arg6[%mul3A_51] : memref<1600000xi32, #tpu.memory_space<hbm>> -> memref<2000xi32, #tpu.memory_space<hbm>>
    tpu.wait_dma2 semaphore(%arg29 : memref<!tpu.dma_semaphore, #tpu.memory_space<semaphore_mem>>) src(%dma_wait3A_79 : memref<2000xi32, #tpu.memory_space<hbm>>) dst(%arg21 : memref<2000xi32, #tpu.memory_space<vmem>>)
    %dma_start3A_80 = arith.constant 0 : i32
    %dma_start3A_81 = tpu.memref_slice %arg8[%dma_start3A_80] : memref<2016xf32, #tpu.memory_space<vmem_shared>> -> memref<2016xf32, #tpu.memory_space<vmem_shared>>
    tpu.enqueue_indirect_dma source(%dma_start3A_81 : memref<2016xf32, #tpu.memory_space<vmem_shared>>) target(%arg25 : memref<2000xf32, #tpu.memory_space<vmem>>) offsets(%arg21 : memref<2000xi32, #tpu.memory_space<vmem>>) semaphore(%arg33 : memref<!tpu.dma_semaphore, #tpu.memory_space<semaphore_mem>>)
    %dma_wait3A_82 = arith.constant 0 : i32
    %dma_wait3A_83 = tpu.memref_slice %arg8[%dma_wait3A_82] : memref<2016xf32, #tpu.memory_space<vmem_shared>> -> memref<2016xf32, #tpu.memory_space<vmem_shared>>
    tpu.wait_indirect_dma semaphore(%arg32 : memref<!tpu.dma_semaphore, #tpu.memory_space<semaphore_mem>>) src(%dma_wait3A_83 : memref<2016xf32, #tpu.memory_space<vmem_shared>>) dst(%arg24 : memref<2000xf32, #tpu.memory_space<vmem>>)
    %dma_start3A_84 = arith.constant 0 : i32
    %dma_start3A_85 = tpu.memref_slice %arg9[%dma_start3A_84] : memref<100096xf32, #tpu.memory_space<vmem_shared>> -> memref<100096xf32, #tpu.memory_space<vmem_shared>>
    tpu.enqueue_indirect_dma source(%arg24 : memref<2000xf32, #tpu.memory_space<vmem>>) target(%dma_start3A_85 : memref<100096xf32, #tpu.memory_space<vmem_shared>>) offsets(%arg16 : memref<2000xi32, #tpu.memory_space<vmem>>) semaphore(%arg36 : memref<!tpu.dma_semaphore, #tpu.memory_space<semaphore_mem>>) {add = true}
    %dma_wait3A_86 = arith.constant 0 : i32
    %dma_wait3A_87 = tpu.memref_slice %arg9[%dma_wait3A_86] : memref<100096xf32, #tpu.memory_space<vmem_shared>> -> memref<100096xf32, #tpu.memory_space<vmem_shared>>
    tpu.wait_indirect_dma semaphore(%arg35 : memref<!tpu.dma_semaphore, #tpu.memory_space<semaphore_mem>>) src(%arg23 : memref<2000xf32, #tpu.memory_space<vmem>>) dst(%dma_wait3A_87 : memref<100096xf32, #tpu.memory_space<vmem_shared>>)
    %add3A_88 = arith.constant 160 : i32
    %add3A_89 = arith.addi %add3A_88, %add3A : i32
    %mul3A_90 = arith.constant 2000 : i32
    %mul3A_91 = arith.muli %add3A_89, %mul3A_90 : i32
    %dma_start3A_92 = tpu.memref_slice %arg5[%mul3A_91] : memref<1600000xi32, #tpu.memory_space<hbm>> -> memref<2000xi32, #tpu.memory_space<hbm>>
    %dma_start3A_93 = tpu.memref_slice %arg5[%mul3A_91] : memref<1600000xi32, #tpu.memory_space<hbm>> -> memref<2000xi32, #tpu.memory_space<hbm>>
    tpu.enqueue_dma source(%dma_start3A_93 : memref<2000xi32, #tpu.memory_space<hbm>>) target(%arg15 : memref<2000xi32, #tpu.memory_space<vmem>>) target_semaphore(%arg27 : memref<!tpu.dma_semaphore, #tpu.memory_space<semaphore_mem>>)
    %dma_start3A_94 = tpu.memref_slice %arg6[%mul3A_91] : memref<1600000xi32, #tpu.memory_space<hbm>> -> memref<2000xi32, #tpu.memory_space<hbm>>
    %dma_start3A_95 = tpu.memref_slice %arg6[%mul3A_91] : memref<1600000xi32, #tpu.memory_space<hbm>> -> memref<2000xi32, #tpu.memory_space<hbm>>
    tpu.enqueue_dma source(%dma_start3A_95 : memref<2000xi32, #tpu.memory_space<hbm>>) target(%arg19 : memref<2000xi32, #tpu.memory_space<vmem>>) target_semaphore(%arg27 : memref<!tpu.dma_semaphore, #tpu.memory_space<semaphore_mem>>)
    %dma_wait3A_96 = tpu.memref_slice %arg5[%mul3A_71] : memref<1600000xi32, #tpu.memory_space<hbm>> -> memref<2000xi32, #tpu.memory_space<hbm>>
    %dma_wait3A_97 = tpu.memref_slice %arg5[%mul3A_71] : memref<1600000xi32, #tpu.memory_space<hbm>> -> memref<2000xi32, #tpu.memory_space<hbm>>
    tpu.wait_dma2 semaphore(%arg26 : memref<!tpu.dma_semaphore, #tpu.memory_space<semaphore_mem>>) src(%dma_wait3A_97 : memref<2000xi32, #tpu.memory_space<hbm>>) dst(%arg14 : memref<2000xi32, #tpu.memory_space<vmem>>)
    %dma_wait3A_98 = tpu.memref_slice %arg6[%mul3A_71] : memref<1600000xi32, #tpu.memory_space<hbm>> -> memref<2000xi32, #tpu.memory_space<hbm>>
    %dma_wait3A_99 = tpu.memref_slice %arg6[%mul3A_71] : memref<1600000xi32, #tpu.memory_space<hbm>> -> memref<2000xi32, #tpu.memory_space<hbm>>
    tpu.wait_dma2 semaphore(%arg26 : memref<!tpu.dma_semaphore, #tpu.memory_space<semaphore_mem>>) src(%dma_wait3A_99 : memref<2000xi32, #tpu.memory_space<hbm>>) dst(%arg18 : memref<2000xi32, #tpu.memory_space<vmem>>)
    %dma_start3A_100 = arith.constant 0 : i32
    %dma_start3A_101 = tpu.memref_slice %arg8[%dma_start3A_100] : memref<2016xf32, #tpu.memory_space<vmem_shared>> -> memref<2016xf32, #tpu.memory_space<vmem_shared>>
    tpu.enqueue_indirect_dma source(%dma_start3A_101 : memref<2016xf32, #tpu.memory_space<vmem_shared>>) target(%arg22 : memref<2000xf32, #tpu.memory_space<vmem>>) offsets(%arg18 : memref<2000xi32, #tpu.memory_space<vmem>>) semaphore(%arg30 : memref<!tpu.dma_semaphore, #tpu.memory_space<semaphore_mem>>)
    %dma_wait3A_102 = arith.constant 0 : i32
    %dma_wait3A_103 = tpu.memref_slice %arg8[%dma_wait3A_102] : memref<2016xf32, #tpu.memory_space<vmem_shared>> -> memref<2016xf32, #tpu.memory_space<vmem_shared>>
    tpu.wait_indirect_dma semaphore(%arg33 : memref<!tpu.dma_semaphore, #tpu.memory_space<semaphore_mem>>) src(%dma_wait3A_103 : memref<2016xf32, #tpu.memory_space<vmem_shared>>) dst(%arg25 : memref<2000xf32, #tpu.memory_space<vmem>>)
    %dma_start3A_104 = arith.constant 0 : i32
    %dma_start3A_105 = tpu.memref_slice %arg9[%dma_start3A_104] : memref<100096xf32, #tpu.memory_space<vmem_shared>> -> memref<100096xf32, #tpu.memory_space<vmem_shared>>
    tpu.enqueue_indirect_dma source(%arg25 : memref<2000xf32, #tpu.memory_space<vmem>>) target(%dma_start3A_105 : memref<100096xf32, #tpu.memory_space<vmem_shared>>) offsets(%arg17 : memref<2000xi32, #tpu.memory_space<vmem>>) semaphore(%arg37 : memref<!tpu.dma_semaphore, #tpu.memory_space<semaphore_mem>>) {add = true}
    %dma_wait3A_106 = arith.constant 0 : i32
    %dma_wait3A_107 = tpu.memref_slice %arg9[%dma_wait3A_106] : memref<100096xf32, #tpu.memory_space<vmem_shared>> -> memref<100096xf32, #tpu.memory_space<vmem_shared>>
    tpu.wait_indirect_dma semaphore(%arg36 : memref<!tpu.dma_semaphore, #tpu.memory_space<semaphore_mem>>) src(%arg24 : memref<2000xf32, #tpu.memory_space<vmem>>) dst(%dma_wait3A_107 : memref<100096xf32, #tpu.memory_space<vmem_shared>>)
    %add3A_108 = arith.constant 192 : i32
    %add3A_109 = arith.addi %add3A_108, %add3A : i32
    %mul3A_110 = arith.constant 2000 : i32
    %mul3A_111 = arith.muli %add3A_109, %mul3A_110 : i32
    %dma_start3A_112 = tpu.memref_slice %arg5[%mul3A_111] : memref<1600000xi32, #tpu.memory_space<hbm>> -> memref<2000xi32, #tpu.memory_space<hbm>>
    %dma_start3A_113 = tpu.memref_slice %arg5[%mul3A_111] : memref<1600000xi32, #tpu.memory_space<hbm>> -> memref<2000xi32, #tpu.memory_space<hbm>>
    tpu.enqueue_dma source(%dma_start3A_113 : memref<2000xi32, #tpu.memory_space<hbm>>) target(%arg16 : memref<2000xi32, #tpu.memory_space<vmem>>) target_semaphore(%arg28 : memref<!tpu.dma_semaphore, #tpu.memory_space<semaphore_mem>>)
    %dma_start3A_114 = tpu.memref_slice %arg6[%mul3A_111] : memref<1600000xi32, #tpu.memory_space<hbm>> -> memref<2000xi32, #tpu.memory_space<hbm>>
    %dma_start3A_115 = tpu.memref_slice %arg6[%mul3A_111] : memref<1600000xi32, #tpu.memory_space<hbm>> -> memref<2000xi32, #tpu.memory_space<hbm>>
    tpu.enqueue_dma source(%dma_start3A_115 : memref<2000xi32, #tpu.memory_space<hbm>>) target(%arg20 : memref<2000xi32, #tpu.memory_space<vmem>>) target_semaphore(%arg28 : memref<!tpu.dma_semaphore, #tpu.memory_space<semaphore_mem>>)
    %dma_wait3A_116 = tpu.memref_slice %arg5[%mul3A_91] : memref<1600000xi32, #tpu.memory_space<hbm>> -> memref<2000xi32, #tpu.memory_space<hbm>>
    %dma_wait3A_117 = tpu.memref_slice %arg5[%mul3A_91] : memref<1600000xi32, #tpu.memory_space<hbm>> -> memref<2000xi32, #tpu.memory_space<hbm>>
    tpu.wait_dma2 semaphore(%arg27 : memref<!tpu.dma_semaphore, #tpu.memory_space<semaphore_mem>>) src(%dma_wait3A_117 : memref<2000xi32, #tpu.memory_space<hbm>>) dst(%arg15 : memref<2000xi32, #tpu.memory_space<vmem>>)
    %dma_wait3A_118 = tpu.memref_slice %arg6[%mul3A_91] : memref<1600000xi32, #tpu.memory_space<hbm>> -> memref<2000xi32, #tpu.memory_space<hbm>>
    %dma_wait3A_119 = tpu.memref_slice %arg6[%mul3A_91] : memref<1600000xi32, #tpu.memory_space<hbm>> -> memref<2000xi32, #tpu.memory_space<hbm>>
    tpu.wait_dma2 semaphore(%arg27 : memref<!tpu.dma_semaphore, #tpu.memory_space<semaphore_mem>>) src(%dma_wait3A_119 : memref<2000xi32, #tpu.memory_space<hbm>>) dst(%arg19 : memref<2000xi32, #tpu.memory_space<vmem>>)
    %dma_start3A_120 = arith.constant 0 : i32
    %dma_start3A_121 = tpu.memref_slice %arg8[%dma_start3A_120] : memref<2016xf32, #tpu.memory_space<vmem_shared>> -> memref<2016xf32, #tpu.memory_space<vmem_shared>>
    tpu.enqueue_indirect_dma source(%dma_start3A_121 : memref<2016xf32, #tpu.memory_space<vmem_shared>>) target(%arg23 : memref<2000xf32, #tpu.memory_space<vmem>>) offsets(%arg19 : memref<2000xi32, #tpu.memory_space<vmem>>) semaphore(%arg31 : memref<!tpu.dma_semaphore, #tpu.memory_space<semaphore_mem>>)
    %dma_wait3A_122 = arith.constant 0 : i32
    %dma_wait3A_123 = tpu.memref_slice %arg8[%dma_wait3A_122] : memref<2016xf32, #tpu.memory_space<vmem_shared>> -> memref<2016xf32, #tpu.memory_space<vmem_shared>>
    tpu.wait_indirect_dma semaphore(%arg30 : memref<!tpu.dma_semaphore, #tpu.memory_space<semaphore_mem>>) src(%dma_wait3A_123 : memref<2016xf32, #tpu.memory_space<vmem_shared>>) dst(%arg22 : memref<2000xf32, #tpu.memory_space<vmem>>)
    %dma_start3A_124 = arith.constant 0 : i32
    %dma_start3A_125 = tpu.memref_slice %arg9[%dma_start3A_124] : memref<100096xf32, #tpu.memory_space<vmem_shared>> -> memref<100096xf32, #tpu.memory_space<vmem_shared>>
    tpu.enqueue_indirect_dma source(%arg22 : memref<2000xf32, #tpu.memory_space<vmem>>) target(%dma_start3A_125 : memref<100096xf32, #tpu.memory_space<vmem_shared>>) offsets(%arg14 : memref<2000xi32, #tpu.memory_space<vmem>>) semaphore(%arg34 : memref<!tpu.dma_semaphore, #tpu.memory_space<semaphore_mem>>) {add = true}
    %dma_wait3A_126 = arith.constant 0 : i32
    %dma_wait3A_127 = tpu.memref_slice %arg9[%dma_wait3A_126] : memref<100096xf32, #tpu.memory_space<vmem_shared>> -> memref<100096xf32, #tpu.memory_space<vmem_shared>>
    tpu.wait_indirect_dma semaphore(%arg37 : memref<!tpu.dma_semaphore, #tpu.memory_space<semaphore_mem>>) src(%arg25 : memref<2000xf32, #tpu.memory_space<vmem>>) dst(%dma_wait3A_127 : memref<100096xf32, #tpu.memory_space<vmem_shared>>)
    %add3A_128 = arith.constant 224 : i32
    %add3A_129 = arith.addi %add3A_128, %add3A : i32
    %mul3A_130 = arith.constant 2000 : i32
    %mul3A_131 = arith.muli %add3A_129, %mul3A_130 : i32
    %dma_start3A_132 = tpu.memref_slice %arg5[%mul3A_131] : memref<1600000xi32, #tpu.memory_space<hbm>> -> memref<2000xi32, #tpu.memory_space<hbm>>
    %dma_start3A_133 = tpu.memref_slice %arg5[%mul3A_131] : memref<1600000xi32, #tpu.memory_space<hbm>> -> memref<2000xi32, #tpu.memory_space<hbm>>
    tpu.enqueue_dma source(%dma_start3A_133 : memref<2000xi32, #tpu.memory_space<hbm>>) target(%arg17 : memref<2000xi32, #tpu.memory_space<vmem>>) target_semaphore(%arg29 : memref<!tpu.dma_semaphore, #tpu.memory_space<semaphore_mem>>)
    %dma_start3A_134 = tpu.memref_slice %arg6[%mul3A_131] : memref<1600000xi32, #tpu.memory_space<hbm>> -> memref<2000xi32, #tpu.memory_space<hbm>>
    %dma_start3A_135 = tpu.memref_slice %arg6[%mul3A_131] : memref<1600000xi32, #tpu.memory_space<hbm>> -> memref<2000xi32, #tpu.memory_space<hbm>>
    tpu.enqueue_dma source(%dma_start3A_135 : memref<2000xi32, #tpu.memory_space<hbm>>) target(%arg21 : memref<2000xi32, #tpu.memory_space<vmem>>) target_semaphore(%arg29 : memref<!tpu.dma_semaphore, #tpu.memory_space<semaphore_mem>>)
    %dma_wait3A_136 = tpu.memref_slice %arg5[%mul3A_111] : memref<1600000xi32, #tpu.memory_space<hbm>> -> memref<2000xi32, #tpu.memory_space<hbm>>
    %dma_wait3A_137 = tpu.memref_slice %arg5[%mul3A_111] : memref<1600000xi32, #tpu.memory_space<hbm>> -> memref<2000xi32, #tpu.memory_space<hbm>>
    tpu.wait_dma2 semaphore(%arg28 : memref<!tpu.dma_semaphore, #tpu.memory_space<semaphore_mem>>) src(%dma_wait3A_137 : memref<2000xi32, #tpu.memory_space<hbm>>) dst(%arg16 : memref<2000xi32, #tpu.memory_space<vmem>>)
    %dma_wait3A_138 = tpu.memref_slice %arg6[%mul3A_111] : memref<1600000xi32, #tpu.memory_space<hbm>> -> memref<2000xi32, #tpu.memory_space<hbm>>
    %dma_wait3A_139 = tpu.memref_slice %arg6[%mul3A_111] : memref<1600000xi32, #tpu.memory_space<hbm>> -> memref<2000xi32, #tpu.memory_space<hbm>>
    tpu.wait_dma2 semaphore(%arg28 : memref<!tpu.dma_semaphore, #tpu.memory_space<semaphore_mem>>) src(%dma_wait3A_139 : memref<2000xi32, #tpu.memory_space<hbm>>) dst(%arg20 : memref<2000xi32, #tpu.memory_space<vmem>>)
    %dma_start3A_140 = arith.constant 0 : i32
    %dma_start3A_141 = tpu.memref_slice %arg8[%dma_start3A_140] : memref<2016xf32, #tpu.memory_space<vmem_shared>> -> memref<2016xf32, #tpu.memory_space<vmem_shared>>
    tpu.enqueue_indirect_dma source(%dma_start3A_141 : memref<2016xf32, #tpu.memory_space<vmem_shared>>) target(%arg24 : memref<2000xf32, #tpu.memory_space<vmem>>) offsets(%arg20 : memref<2000xi32, #tpu.memory_space<vmem>>) semaphore(%arg32 : memref<!tpu.dma_semaphore, #tpu.memory_space<semaphore_mem>>)
    %dma_wait3A_142 = arith.constant 0 : i32
    %dma_wait3A_143 = tpu.memref_slice %arg8[%dma_wait3A_142] : memref<2016xf32, #tpu.memory_space<vmem_shared>> -> memref<2016xf32, #tpu.memory_space<vmem_shared>>
    tpu.wait_indirect_dma semaphore(%arg31 : memref<!tpu.dma_semaphore, #tpu.memory_space<semaphore_mem>>) src(%dma_wait3A_143 : memref<2016xf32, #tpu.memory_space<vmem_shared>>) dst(%arg23 : memref<2000xf32, #tpu.memory_space<vmem>>)
    %dma_start3A_144 = arith.constant 0 : i32
    %dma_start3A_145 = tpu.memref_slice %arg9[%dma_start3A_144] : memref<100096xf32, #tpu.memory_space<vmem_shared>> -> memref<100096xf32, #tpu.memory_space<vmem_shared>>
    tpu.enqueue_indirect_dma source(%arg23 : memref<2000xf32, #tpu.memory_space<vmem>>) target(%dma_start3A_145 : memref<100096xf32, #tpu.memory_space<vmem_shared>>) offsets(%arg15 : memref<2000xi32, #tpu.memory_space<vmem>>) semaphore(%arg35 : memref<!tpu.dma_semaphore, #tpu.memory_space<semaphore_mem>>) {add = true}
    %dma_wait3A_146 = arith.constant 0 : i32
    %dma_wait3A_147 = tpu.memref_slice %arg9[%dma_wait3A_146] : memref<100096xf32, #tpu.memory_space<vmem_shared>> -> memref<100096xf32, #tpu.memory_space<vmem_shared>>
    tpu.wait_indirect_dma semaphore(%arg34 : memref<!tpu.dma_semaphore, #tpu.memory_space<semaphore_mem>>) src(%arg22 : memref<2000xf32, #tpu.memory_space<vmem>>) dst(%dma_wait3A_147 : memref<100096xf32, #tpu.memory_space<vmem_shared>>)
    %add3A_148 = arith.constant 256 : i32
    %add3A_149 = arith.addi %add3A_148, %add3A : i32
    %mul3A_150 = arith.constant 2000 : i32
    %mul3A_151 = arith.muli %add3A_149, %mul3A_150 : i32
    %dma_start3A_152 = tpu.memref_slice %arg5[%mul3A_151] : memref<1600000xi32, #tpu.memory_space<hbm>> -> memref<2000xi32, #tpu.memory_space<hbm>>
    %dma_start3A_153 = tpu.memref_slice %arg5[%mul3A_151] : memref<1600000xi32, #tpu.memory_space<hbm>> -> memref<2000xi32, #tpu.memory_space<hbm>>
    tpu.enqueue_dma source(%dma_start3A_153 : memref<2000xi32, #tpu.memory_space<hbm>>) target(%arg14 : memref<2000xi32, #tpu.memory_space<vmem>>) target_semaphore(%arg26 : memref<!tpu.dma_semaphore, #tpu.memory_space<semaphore_mem>>)
    %dma_start3A_154 = tpu.memref_slice %arg6[%mul3A_151] : memref<1600000xi32, #tpu.memory_space<hbm>> -> memref<2000xi32, #tpu.memory_space<hbm>>
    %dma_start3A_155 = tpu.memref_slice %arg6[%mul3A_151] : memref<1600000xi32, #tpu.memory_space<hbm>> -> memref<2000xi32, #tpu.memory_space<hbm>>
    tpu.enqueue_dma source(%dma_start3A_155 : memref<2000xi32, #tpu.memory_space<hbm>>) target(%arg18 : memref<2000xi32, #tpu.memory_space<vmem>>) target_semaphore(%arg26 : memref<!tpu.dma_semaphore, #tpu.memory_space<semaphore_mem>>)
    %dma_wait3A_156 = tpu.memref_slice %arg5[%mul3A_131] : memref<1600000xi32, #tpu.memory_space<hbm>> -> memref<2000xi32, #tpu.memory_space<hbm>>
    %dma_wait3A_157 = tpu.memref_slice %arg5[%mul3A_131] : memref<1600000xi32, #tpu.memory_space<hbm>> -> memref<2000xi32, #tpu.memory_space<hbm>>
    tpu.wait_dma2 semaphore(%arg29 : memref<!tpu.dma_semaphore, #tpu.memory_space<semaphore_mem>>) src(%dma_wait3A_157 : memref<2000xi32, #tpu.memory_space<hbm>>) dst(%arg17 : memref<2000xi32, #tpu.memory_space<vmem>>)
    %dma_wait3A_158 = tpu.memref_slice %arg6[%mul3A_131] : memref<1600000xi32, #tpu.memory_space<hbm>> -> memref<2000xi32, #tpu.memory_space<hbm>>
    %dma_wait3A_159 = tpu.memref_slice %arg6[%mul3A_131] : memref<1600000xi32, #tpu.memory_space<hbm>> -> memref<2000xi32, #tpu.memory_space<hbm>>
    tpu.wait_dma2 semaphore(%arg29 : memref<!tpu.dma_semaphore, #tpu.memory_space<semaphore_mem>>) src(%dma_wait3A_159 : memref<2000xi32, #tpu.memory_space<hbm>>) dst(%arg21 : memref<2000xi32, #tpu.memory_space<vmem>>)
    %dma_start3A_160 = arith.constant 0 : i32
    %dma_start3A_161 = tpu.memref_slice %arg8[%dma_start3A_160] : memref<2016xf32, #tpu.memory_space<vmem_shared>> -> memref<2016xf32, #tpu.memory_space<vmem_shared>>
    tpu.enqueue_indirect_dma source(%dma_start3A_161 : memref<2016xf32, #tpu.memory_space<vmem_shared>>) target(%arg25 : memref<2000xf32, #tpu.memory_space<vmem>>) offsets(%arg21 : memref<2000xi32, #tpu.memory_space<vmem>>) semaphore(%arg33 : memref<!tpu.dma_semaphore, #tpu.memory_space<semaphore_mem>>)
    %dma_wait3A_162 = arith.constant 0 : i32
    %dma_wait3A_163 = tpu.memref_slice %arg8[%dma_wait3A_162] : memref<2016xf32, #tpu.memory_space<vmem_shared>> -> memref<2016xf32, #tpu.memory_space<vmem_shared>>
    tpu.wait_indirect_dma semaphore(%arg32 : memref<!tpu.dma_semaphore, #tpu.memory_space<semaphore_mem>>) src(%dma_wait3A_163 : memref<2016xf32, #tpu.memory_space<vmem_shared>>) dst(%arg24 : memref<2000xf32, #tpu.memory_space<vmem>>)
    %dma_start3A_164 = arith.constant 0 : i32
    %dma_start3A_165 = tpu.memref_slice %arg9[%dma_start3A_164] : memref<100096xf32, #tpu.memory_space<vmem_shared>> -> memref<100096xf32, #tpu.memory_space<vmem_shared>>
    tpu.enqueue_indirect_dma source(%arg24 : memref<2000xf32, #tpu.memory_space<vmem>>) target(%dma_start3A_165 : memref<100096xf32, #tpu.memory_space<vmem_shared>>) offsets(%arg16 : memref<2000xi32, #tpu.memory_space<vmem>>) semaphore(%arg36 : memref<!tpu.dma_semaphore, #tpu.memory_space<semaphore_mem>>) {add = true}
    %dma_wait3A_166 = arith.constant 0 : i32
    %dma_wait3A_167 = tpu.memref_slice %arg9[%dma_wait3A_166] : memref<100096xf32, #tpu.memory_space<vmem_shared>> -> memref<100096xf32, #tpu.memory_space<vmem_shared>>
    tpu.wait_indirect_dma semaphore(%arg35 : memref<!tpu.dma_semaphore, #tpu.memory_space<semaphore_mem>>) src(%arg23 : memref<2000xf32, #tpu.memory_space<vmem>>) dst(%dma_wait3A_167 : memref<100096xf32, #tpu.memory_space<vmem_shared>>)
    %add3A_168 = arith.constant 288 : i32
    %add3A_169 = arith.addi %add3A_168, %add3A : i32
    %mul3A_170 = arith.constant 2000 : i32
    %mul3A_171 = arith.muli %add3A_169, %mul3A_170 : i32
    %dma_start3A_172 = tpu.memref_slice %arg5[%mul3A_171] : memref<1600000xi32, #tpu.memory_space<hbm>> -> memref<2000xi32, #tpu.memory_space<hbm>>
    %dma_start3A_173 = tpu.memref_slice %arg5[%mul3A_171] : memref<1600000xi32, #tpu.memory_space<hbm>> -> memref<2000xi32, #tpu.memory_space<hbm>>
    tpu.enqueue_dma source(%dma_start3A_173 : memref<2000xi32, #tpu.memory_space<hbm>>) target(%arg15 : memref<2000xi32, #tpu.memory_space<vmem>>) target_semaphore(%arg27 : memref<!tpu.dma_semaphore, #tpu.memory_space<semaphore_mem>>)
    %dma_start3A_174 = tpu.memref_slice %arg6[%mul3A_171] : memref<1600000xi32, #tpu.memory_space<hbm>> -> memref<2000xi32, #tpu.memory_space<hbm>>
    %dma_start3A_175 = tpu.memref_slice %arg6[%mul3A_171] : memref<1600000xi32, #tpu.memory_space<hbm>> -> memref<2000xi32, #tpu.memory_space<hbm>>
    tpu.enqueue_dma source(%dma_start3A_175 : memref<2000xi32, #tpu.memory_space<hbm>>) target(%arg19 : memref<2000xi32, #tpu.memory_space<vmem>>) target_semaphore(%arg27 : memref<!tpu.dma_semaphore, #tpu.memory_space<semaphore_mem>>)
    %dma_wait3A_176 = tpu.memref_slice %arg5[%mul3A_151] : memref<1600000xi32, #tpu.memory_space<hbm>> -> memref<2000xi32, #tpu.memory_space<hbm>>
    %dma_wait3A_177 = tpu.memref_slice %arg5[%mul3A_151] : memref<1600000xi32, #tpu.memory_space<hbm>> -> memref<2000xi32, #tpu.memory_space<hbm>>
    tpu.wait_dma2 semaphore(%arg26 : memref<!tpu.dma_semaphore, #tpu.memory_space<semaphore_mem>>) src(%dma_wait3A_177 : memref<2000xi32, #tpu.memory_space<hbm>>) dst(%arg14 : memref<2000xi32, #tpu.memory_space<vmem>>)
    %dma_wait3A_178 = tpu.memref_slice %arg6[%mul3A_151] : memref<1600000xi32, #tpu.memory_space<hbm>> -> memref<2000xi32, #tpu.memory_space<hbm>>
    %dma_wait3A_179 = tpu.memref_slice %arg6[%mul3A_151] : memref<1600000xi32, #tpu.memory_space<hbm>> -> memref<2000xi32, #tpu.memory_space<hbm>>
    tpu.wait_dma2 semaphore(%arg26 : memref<!tpu.dma_semaphore, #tpu.memory_space<semaphore_mem>>) src(%dma_wait3A_179 : memref<2000xi32, #tpu.memory_space<hbm>>) dst(%arg18 : memref<2000xi32, #tpu.memory_space<vmem>>)
    %dma_start3A_180 = arith.constant 0 : i32
    %dma_start3A_181 = tpu.memref_slice %arg8[%dma_start3A_180] : memref<2016xf32, #tpu.memory_space<vmem_shared>> -> memref<2016xf32, #tpu.memory_space<vmem_shared>>
    tpu.enqueue_indirect_dma source(%dma_start3A_181 : memref<2016xf32, #tpu.memory_space<vmem_shared>>) target(%arg22 : memref<2000xf32, #tpu.memory_space<vmem>>) offsets(%arg18 : memref<2000xi32, #tpu.memory_space<vmem>>) semaphore(%arg30 : memref<!tpu.dma_semaphore, #tpu.memory_space<semaphore_mem>>)
    %dma_wait3A_182 = arith.constant 0 : i32
    %dma_wait3A_183 = tpu.memref_slice %arg8[%dma_wait3A_182] : memref<2016xf32, #tpu.memory_space<vmem_shared>> -> memref<2016xf32, #tpu.memory_space<vmem_shared>>
    tpu.wait_indirect_dma semaphore(%arg33 : memref<!tpu.dma_semaphore, #tpu.memory_space<semaphore_mem>>) src(%dma_wait3A_183 : memref<2016xf32, #tpu.memory_space<vmem_shared>>) dst(%arg25 : memref<2000xf32, #tpu.memory_space<vmem>>)
    %dma_start3A_184 = arith.constant 0 : i32
    %dma_start3A_185 = tpu.memref_slice %arg9[%dma_start3A_184] : memref<100096xf32, #tpu.memory_space<vmem_shared>> -> memref<100096xf32, #tpu.memory_space<vmem_shared>>
    tpu.enqueue_indirect_dma source(%arg25 : memref<2000xf32, #tpu.memory_space<vmem>>) target(%dma_start3A_185 : memref<100096xf32, #tpu.memory_space<vmem_shared>>) offsets(%arg17 : memref<2000xi32, #tpu.memory_space<vmem>>) semaphore(%arg37 : memref<!tpu.dma_semaphore, #tpu.memory_space<semaphore_mem>>) {add = true}
    %dma_wait3A_186 = arith.constant 0 : i32
    %dma_wait3A_187 = tpu.memref_slice %arg9[%dma_wait3A_186] : memref<100096xf32, #tpu.memory_space<vmem_shared>> -> memref<100096xf32, #tpu.memory_space<vmem_shared>>
    tpu.wait_indirect_dma semaphore(%arg36 : memref<!tpu.dma_semaphore, #tpu.memory_space<semaphore_mem>>) src(%arg24 : memref<2000xf32, #tpu.memory_space<vmem>>) dst(%dma_wait3A_187 : memref<100096xf32, #tpu.memory_space<vmem_shared>>)
    %add3A_188 = arith.constant 320 : i32
    %add3A_189 = arith.addi %add3A_188, %add3A : i32
    %mul3A_190 = arith.constant 2000 : i32
    %mul3A_191 = arith.muli %add3A_189, %mul3A_190 : i32
    %dma_start3A_192 = tpu.memref_slice %arg5[%mul3A_191] : memref<1600000xi32, #tpu.memory_space<hbm>> -> memref<2000xi32, #tpu.memory_space<hbm>>
    %dma_start3A_193 = tpu.memref_slice %arg5[%mul3A_191] : memref<1600000xi32, #tpu.memory_space<hbm>> -> memref<2000xi32, #tpu.memory_space<hbm>>
    tpu.enqueue_dma source(%dma_start3A_193 : memref<2000xi32, #tpu.memory_space<hbm>>) target(%arg16 : memref<2000xi32, #tpu.memory_space<vmem>>) target_semaphore(%arg28 : memref<!tpu.dma_semaphore, #tpu.memory_space<semaphore_mem>>)
    %dma_start3A_194 = tpu.memref_slice %arg6[%mul3A_191] : memref<1600000xi32, #tpu.memory_space<hbm>> -> memref<2000xi32, #tpu.memory_space<hbm>>
    %dma_start3A_195 = tpu.memref_slice %arg6[%mul3A_191] : memref<1600000xi32, #tpu.memory_space<hbm>> -> memref<2000xi32, #tpu.memory_space<hbm>>
    tpu.enqueue_dma source(%dma_start3A_195 : memref<2000xi32, #tpu.memory_space<hbm>>) target(%arg20 : memref<2000xi32, #tpu.memory_space<vmem>>) target_semaphore(%arg28 : memref<!tpu.dma_semaphore, #tpu.memory_space<semaphore_mem>>)
    %dma_wait3A_196 = tpu.memref_slice %arg5[%mul3A_171] : memref<1600000xi32, #tpu.memory_space<hbm>> -> memref<2000xi32, #tpu.memory_space<hbm>>
    %dma_wait3A_197 = tpu.memref_slice %arg5[%mul3A_171] : memref<1600000xi32, #tpu.memory_space<hbm>> -> memref<2000xi32, #tpu.memory_space<hbm>>
    tpu.wait_dma2 semaphore(%arg27 : memref<!tpu.dma_semaphore, #tpu.memory_space<semaphore_mem>>) src(%dma_wait3A_197 : memref<2000xi32, #tpu.memory_space<hbm>>) dst(%arg15 : memref<2000xi32, #tpu.memory_space<vmem>>)
    %dma_wait3A_198 = tpu.memref_slice %arg6[%mul3A_171] : memref<1600000xi32, #tpu.memory_space<hbm>> -> memref<2000xi32, #tpu.memory_space<hbm>>
    %dma_wait3A_199 = tpu.memref_slice %arg6[%mul3A_171] : memref<1600000xi32, #tpu.memory_space<hbm>> -> memref<2000xi32, #tpu.memory_space<hbm>>
    tpu.wait_dma2 semaphore(%arg27 : memref<!tpu.dma_semaphore, #tpu.memory_space<semaphore_mem>>) src(%dma_wait3A_199 : memref<2000xi32, #tpu.memory_space<hbm>>) dst(%arg19 : memref<2000xi32, #tpu.memory_space<vmem>>)
    %dma_start3A_200 = arith.constant 0 : i32
    %dma_start3A_201 = tpu.memref_slice %arg8[%dma_start3A_200] : memref<2016xf32, #tpu.memory_space<vmem_shared>> -> memref<2016xf32, #tpu.memory_space<vmem_shared>>
    tpu.enqueue_indirect_dma source(%dma_start3A_201 : memref<2016xf32, #tpu.memory_space<vmem_shared>>) target(%arg23 : memref<2000xf32, #tpu.memory_space<vmem>>) offsets(%arg19 : memref<2000xi32, #tpu.memory_space<vmem>>) semaphore(%arg31 : memref<!tpu.dma_semaphore, #tpu.memory_space<semaphore_mem>>)
    %dma_wait3A_202 = arith.constant 0 : i32
    %dma_wait3A_203 = tpu.memref_slice %arg8[%dma_wait3A_202] : memref<2016xf32, #tpu.memory_space<vmem_shared>> -> memref<2016xf32, #tpu.memory_space<vmem_shared>>
    tpu.wait_indirect_dma semaphore(%arg30 : memref<!tpu.dma_semaphore, #tpu.memory_space<semaphore_mem>>) src(%dma_wait3A_203 : memref<2016xf32, #tpu.memory_space<vmem_shared>>) dst(%arg22 : memref<2000xf32, #tpu.memory_space<vmem>>)
    %dma_start3A_204 = arith.constant 0 : i32
    %dma_start3A_205 = tpu.memref_slice %arg9[%dma_start3A_204] : memref<100096xf32, #tpu.memory_space<vmem_shared>> -> memref<100096xf32, #tpu.memory_space<vmem_shared>>
    tpu.enqueue_indirect_dma source(%arg22 : memref<2000xf32, #tpu.memory_space<vmem>>) target(%dma_start3A_205 : memref<100096xf32, #tpu.memory_space<vmem_shared>>) offsets(%arg14 : memref<2000xi32, #tpu.memory_space<vmem>>) semaphore(%arg34 : memref<!tpu.dma_semaphore, #tpu.memory_space<semaphore_mem>>) {add = true}
    %dma_wait3A_206 = arith.constant 0 : i32
    %dma_wait3A_207 = tpu.memref_slice %arg9[%dma_wait3A_206] : memref<100096xf32, #tpu.memory_space<vmem_shared>> -> memref<100096xf32, #tpu.memory_space<vmem_shared>>
    tpu.wait_indirect_dma semaphore(%arg37 : memref<!tpu.dma_semaphore, #tpu.memory_space<semaphore_mem>>) src(%arg25 : memref<2000xf32, #tpu.memory_space<vmem>>) dst(%dma_wait3A_207 : memref<100096xf32, #tpu.memory_space<vmem_shared>>)
    %add3A_208 = arith.constant 352 : i32
    %add3A_209 = arith.addi %add3A_208, %add3A : i32
    %mul3A_210 = arith.constant 2000 : i32
    %mul3A_211 = arith.muli %add3A_209, %mul3A_210 : i32
    %dma_start3A_212 = tpu.memref_slice %arg5[%mul3A_211] : memref<1600000xi32, #tpu.memory_space<hbm>> -> memref<2000xi32, #tpu.memory_space<hbm>>
    %dma_start3A_213 = tpu.memref_slice %arg5[%mul3A_211] : memref<1600000xi32, #tpu.memory_space<hbm>> -> memref<2000xi32, #tpu.memory_space<hbm>>
    tpu.enqueue_dma source(%dma_start3A_213 : memref<2000xi32, #tpu.memory_space<hbm>>) target(%arg17 : memref<2000xi32, #tpu.memory_space<vmem>>) target_semaphore(%arg29 : memref<!tpu.dma_semaphore, #tpu.memory_space<semaphore_mem>>)
    %dma_start3A_214 = tpu.memref_slice %arg6[%mul3A_211] : memref<1600000xi32, #tpu.memory_space<hbm>> -> memref<2000xi32, #tpu.memory_space<hbm>>
    %dma_start3A_215 = tpu.memref_slice %arg6[%mul3A_211] : memref<1600000xi32, #tpu.memory_space<hbm>> -> memref<2000xi32, #tpu.memory_space<hbm>>
    tpu.enqueue_dma source(%dma_start3A_215 : memref<2000xi32, #tpu.memory_space<hbm>>) target(%arg21 : memref<2000xi32, #tpu.memory_space<vmem>>) target_semaphore(%arg29 : memref<!tpu.dma_semaphore, #tpu.memory_space<semaphore_mem>>)
    %dma_wait3A_216 = tpu.memref_slice %arg5[%mul3A_191] : memref<1600000xi32, #tpu.memory_space<hbm>> -> memref<2000xi32, #tpu.memory_space<hbm>>
    %dma_wait3A_217 = tpu.memref_slice %arg5[%mul3A_191] : memref<1600000xi32, #tpu.memory_space<hbm>> -> memref<2000xi32, #tpu.memory_space<hbm>>
    tpu.wait_dma2 semaphore(%arg28 : memref<!tpu.dma_semaphore, #tpu.memory_space<semaphore_mem>>) src(%dma_wait3A_217 : memref<2000xi32, #tpu.memory_space<hbm>>) dst(%arg16 : memref<2000xi32, #tpu.memory_space<vmem>>)
    %dma_wait3A_218 = tpu.memref_slice %arg6[%mul3A_191] : memref<1600000xi32, #tpu.memory_space<hbm>> -> memref<2000xi32, #tpu.memory_space<hbm>>
    %dma_wait3A_219 = tpu.memref_slice %arg6[%mul3A_191] : memref<1600000xi32, #tpu.memory_space<hbm>> -> memref<2000xi32, #tpu.memory_space<hbm>>
    tpu.wait_dma2 semaphore(%arg28 : memref<!tpu.dma_semaphore, #tpu.memory_space<semaphore_mem>>) src(%dma_wait3A_219 : memref<2000xi32, #tpu.memory_space<hbm>>) dst(%arg20 : memref<2000xi32, #tpu.memory_space<vmem>>)
    %dma_start3A_220 = arith.constant 0 : i32
    %dma_start3A_221 = tpu.memref_slice %arg8[%dma_start3A_220] : memref<2016xf32, #tpu.memory_space<vmem_shared>> -> memref<2016xf32, #tpu.memory_space<vmem_shared>>
    tpu.enqueue_indirect_dma source(%dma_start3A_221 : memref<2016xf32, #tpu.memory_space<vmem_shared>>) target(%arg24 : memref<2000xf32, #tpu.memory_space<vmem>>) offsets(%arg20 : memref<2000xi32, #tpu.memory_space<vmem>>) semaphore(%arg32 : memref<!tpu.dma_semaphore, #tpu.memory_space<semaphore_mem>>)
    %dma_wait3A_222 = arith.constant 0 : i32
    %dma_wait3A_223 = tpu.memref_slice %arg8[%dma_wait3A_222] : memref<2016xf32, #tpu.memory_space<vmem_shared>> -> memref<2016xf32, #tpu.memory_space<vmem_shared>>
    tpu.wait_indirect_dma semaphore(%arg31 : memref<!tpu.dma_semaphore, #tpu.memory_space<semaphore_mem>>) src(%dma_wait3A_223 : memref<2016xf32, #tpu.memory_space<vmem_shared>>) dst(%arg23 : memref<2000xf32, #tpu.memory_space<vmem>>)
    %dma_start3A_224 = arith.constant 0 : i32
    %dma_start3A_225 = tpu.memref_slice %arg9[%dma_start3A_224] : memref<100096xf32, #tpu.memory_space<vmem_shared>> -> memref<100096xf32, #tpu.memory_space<vmem_shared>>
    tpu.enqueue_indirect_dma source(%arg23 : memref<2000xf32, #tpu.memory_space<vmem>>) target(%dma_start3A_225 : memref<100096xf32, #tpu.memory_space<vmem_shared>>) offsets(%arg15 : memref<2000xi32, #tpu.memory_space<vmem>>) semaphore(%arg35 : memref<!tpu.dma_semaphore, #tpu.memory_space<semaphore_mem>>) {add = true}
    %dma_wait3A_226 = arith.constant 0 : i32
    %dma_wait3A_227 = tpu.memref_slice %arg9[%dma_wait3A_226] : memref<100096xf32, #tpu.memory_space<vmem_shared>> -> memref<100096xf32, #tpu.memory_space<vmem_shared>>
    tpu.wait_indirect_dma semaphore(%arg34 : memref<!tpu.dma_semaphore, #tpu.memory_space<semaphore_mem>>) src(%arg22 : memref<2000xf32, #tpu.memory_space<vmem>>) dst(%dma_wait3A_227 : memref<100096xf32, #tpu.memory_space<vmem_shared>>)
    %add3A_228 = arith.constant 384 : i32
    %add3A_229 = arith.addi %add3A_228, %add3A : i32
    %mul3A_230 = arith.constant 2000 : i32
    %mul3A_231 = arith.muli %add3A_229, %mul3A_230 : i32
    %dma_start3A_232 = tpu.memref_slice %arg5[%mul3A_231] : memref<1600000xi32, #tpu.memory_space<hbm>> -> memref<2000xi32, #tpu.memory_space<hbm>>
    %dma_start3A_233 = tpu.memref_slice %arg5[%mul3A_231] : memref<1600000xi32, #tpu.memory_space<hbm>> -> memref<2000xi32, #tpu.memory_space<hbm>>
    tpu.enqueue_dma source(%dma_start3A_233 : memref<2000xi32, #tpu.memory_space<hbm>>) target(%arg14 : memref<2000xi32, #tpu.memory_space<vmem>>) target_semaphore(%arg26 : memref<!tpu.dma_semaphore, #tpu.memory_space<semaphore_mem>>)
    %dma_start3A_234 = tpu.memref_slice %arg6[%mul3A_231] : memref<1600000xi32, #tpu.memory_space<hbm>> -> memref<2000xi32, #tpu.memory_space<hbm>>
    %dma_start3A_235 = tpu.memref_slice %arg6[%mul3A_231] : memref<1600000xi32, #tpu.memory_space<hbm>> -> memref<2000xi32, #tpu.memory_space<hbm>>
    tpu.enqueue_dma source(%dma_start3A_235 : memref<2000xi32, #tpu.memory_space<hbm>>) target(%arg18 : memref<2000xi32, #tpu.memory_space<vmem>>) target_semaphore(%arg26 : memref<!tpu.dma_semaphore, #tpu.memory_space<semaphore_mem>>)
    %dma_wait3A_236 = tpu.memref_slice %arg5[%mul3A_211] : memref<1600000xi32, #tpu.memory_space<hbm>> -> memref<2000xi32, #tpu.memory_space<hbm>>
    %dma_wait3A_237 = tpu.memref_slice %arg5[%mul3A_211] : memref<1600000xi32, #tpu.memory_space<hbm>> -> memref<2000xi32, #tpu.memory_space<hbm>>
    tpu.wait_dma2 semaphore(%arg29 : memref<!tpu.dma_semaphore, #tpu.memory_space<semaphore_mem>>) src(%dma_wait3A_237 : memref<2000xi32, #tpu.memory_space<hbm>>) dst(%arg17 : memref<2000xi32, #tpu.memory_space<vmem>>)
    %dma_wait3A_238 = tpu.memref_slice %arg6[%mul3A_211] : memref<1600000xi32, #tpu.memory_space<hbm>> -> memref<2000xi32, #tpu.memory_space<hbm>>
    %dma_wait3A_239 = tpu.memref_slice %arg6[%mul3A_211] : memref<1600000xi32, #tpu.memory_space<hbm>> -> memref<2000xi32, #tpu.memory_space<hbm>>
    tpu.wait_dma2 semaphore(%arg29 : memref<!tpu.dma_semaphore, #tpu.memory_space<semaphore_mem>>) src(%dma_wait3A_239 : memref<2000xi32, #tpu.memory_space<hbm>>) dst(%arg21 : memref<2000xi32, #tpu.memory_space<vmem>>)
    %dma_start3A_240 = arith.constant 0 : i32
    %dma_start3A_241 = tpu.memref_slice %arg8[%dma_start3A_240] : memref<2016xf32, #tpu.memory_space<vmem_shared>> -> memref<2016xf32, #tpu.memory_space<vmem_shared>>
    tpu.enqueue_indirect_dma source(%dma_start3A_241 : memref<2016xf32, #tpu.memory_space<vmem_shared>>) target(%arg25 : memref<2000xf32, #tpu.memory_space<vmem>>) offsets(%arg21 : memref<2000xi32, #tpu.memory_space<vmem>>) semaphore(%arg33 : memref<!tpu.dma_semaphore, #tpu.memory_space<semaphore_mem>>)
    %dma_wait3A_242 = arith.constant 0 : i32
    %dma_wait3A_243 = tpu.memref_slice %arg8[%dma_wait3A_242] : memref<2016xf32, #tpu.memory_space<vmem_shared>> -> memref<2016xf32, #tpu.memory_space<vmem_shared>>
    tpu.wait_indirect_dma semaphore(%arg32 : memref<!tpu.dma_semaphore, #tpu.memory_space<semaphore_mem>>) src(%dma_wait3A_243 : memref<2016xf32, #tpu.memory_space<vmem_shared>>) dst(%arg24 : memref<2000xf32, #tpu.memory_space<vmem>>)
    %dma_start3A_244 = arith.constant 0 : i32
    %dma_start3A_245 = tpu.memref_slice %arg9[%dma_start3A_244] : memref<100096xf32, #tpu.memory_space<vmem_shared>> -> memref<100096xf32, #tpu.memory_space<vmem_shared>>
    tpu.enqueue_indirect_dma source(%arg24 : memref<2000xf32, #tpu.memory_space<vmem>>) target(%dma_start3A_245 : memref<100096xf32, #tpu.memory_space<vmem_shared>>) offsets(%arg16 : memref<2000xi32, #tpu.memory_space<vmem>>) semaphore(%arg36 : memref<!tpu.dma_semaphore, #tpu.memory_space<semaphore_mem>>) {add = true}
    %dma_wait3A_246 = arith.constant 0 : i32
    %dma_wait3A_247 = tpu.memref_slice %arg9[%dma_wait3A_246] : memref<100096xf32, #tpu.memory_space<vmem_shared>> -> memref<100096xf32, #tpu.memory_space<vmem_shared>>
    tpu.wait_indirect_dma semaphore(%arg35 : memref<!tpu.dma_semaphore, #tpu.memory_space<semaphore_mem>>) src(%arg23 : memref<2000xf32, #tpu.memory_space<vmem>>) dst(%dma_wait3A_247 : memref<100096xf32, #tpu.memory_space<vmem_shared>>)
    %add3A_248 = arith.constant 416 : i32
    %add3A_249 = arith.addi %add3A_248, %add3A : i32
    %mul3A_250 = arith.constant 2000 : i32
    %mul3A_251 = arith.muli %add3A_249, %mul3A_250 : i32
    %dma_start3A_252 = tpu.memref_slice %arg5[%mul3A_251] : memref<1600000xi32, #tpu.memory_space<hbm>> -> memref<2000xi32, #tpu.memory_space<hbm>>
    %dma_start3A_253 = tpu.memref_slice %arg5[%mul3A_251] : memref<1600000xi32, #tpu.memory_space<hbm>> -> memref<2000xi32, #tpu.memory_space<hbm>>
    tpu.enqueue_dma source(%dma_start3A_253 : memref<2000xi32, #tpu.memory_space<hbm>>) target(%arg15 : memref<2000xi32, #tpu.memory_space<vmem>>) target_semaphore(%arg27 : memref<!tpu.dma_semaphore, #tpu.memory_space<semaphore_mem>>)
    %dma_start3A_254 = tpu.memref_slice %arg6[%mul3A_251] : memref<1600000xi32, #tpu.memory_space<hbm>> -> memref<2000xi32, #tpu.memory_space<hbm>>
    %dma_start3A_255 = tpu.memref_slice %arg6[%mul3A_251] : memref<1600000xi32, #tpu.memory_space<hbm>> -> memref<2000xi32, #tpu.memory_space<hbm>>
    tpu.enqueue_dma source(%dma_start3A_255 : memref<2000xi32, #tpu.memory_space<hbm>>) target(%arg19 : memref<2000xi32, #tpu.memory_space<vmem>>) target_semaphore(%arg27 : memref<!tpu.dma_semaphore, #tpu.memory_space<semaphore_mem>>)
    %dma_wait3A_256 = tpu.memref_slice %arg5[%mul3A_231] : memref<1600000xi32, #tpu.memory_space<hbm>> -> memref<2000xi32, #tpu.memory_space<hbm>>
    %dma_wait3A_257 = tpu.memref_slice %arg5[%mul3A_231] : memref<1600000xi32, #tpu.memory_space<hbm>> -> memref<2000xi32, #tpu.memory_space<hbm>>
    tpu.wait_dma2 semaphore(%arg26 : memref<!tpu.dma_semaphore, #tpu.memory_space<semaphore_mem>>) src(%dma_wait3A_257 : memref<2000xi32, #tpu.memory_space<hbm>>) dst(%arg14 : memref<2000xi32, #tpu.memory_space<vmem>>)
    %dma_wait3A_258 = tpu.memref_slice %arg6[%mul3A_231] : memref<1600000xi32, #tpu.memory_space<hbm>> -> memref<2000xi32, #tpu.memory_space<hbm>>
    %dma_wait3A_259 = tpu.memref_slice %arg6[%mul3A_231] : memref<1600000xi32, #tpu.memory_space<hbm>> -> memref<2000xi32, #tpu.memory_space<hbm>>
    tpu.wait_dma2 semaphore(%arg26 : memref<!tpu.dma_semaphore, #tpu.memory_space<semaphore_mem>>) src(%dma_wait3A_259 : memref<2000xi32, #tpu.memory_space<hbm>>) dst(%arg18 : memref<2000xi32, #tpu.memory_space<vmem>>)
    %dma_start3A_260 = arith.constant 0 : i32
    %dma_start3A_261 = tpu.memref_slice %arg8[%dma_start3A_260] : memref<2016xf32, #tpu.memory_space<vmem_shared>> -> memref<2016xf32, #tpu.memory_space<vmem_shared>>
    tpu.enqueue_indirect_dma source(%dma_start3A_261 : memref<2016xf32, #tpu.memory_space<vmem_shared>>) target(%arg22 : memref<2000xf32, #tpu.memory_space<vmem>>) offsets(%arg18 : memref<2000xi32, #tpu.memory_space<vmem>>) semaphore(%arg30 : memref<!tpu.dma_semaphore, #tpu.memory_space<semaphore_mem>>)
    %dma_wait3A_262 = arith.constant 0 : i32
    %dma_wait3A_263 = tpu.memref_slice %arg8[%dma_wait3A_262] : memref<2016xf32, #tpu.memory_space<vmem_shared>> -> memref<2016xf32, #tpu.memory_space<vmem_shared>>
    tpu.wait_indirect_dma semaphore(%arg33 : memref<!tpu.dma_semaphore, #tpu.memory_space<semaphore_mem>>) src(%dma_wait3A_263 : memref<2016xf32, #tpu.memory_space<vmem_shared>>) dst(%arg25 : memref<2000xf32, #tpu.memory_space<vmem>>)
    %dma_start3A_264 = arith.constant 0 : i32
    %dma_start3A_265 = tpu.memref_slice %arg9[%dma_start3A_264] : memref<100096xf32, #tpu.memory_space<vmem_shared>> -> memref<100096xf32, #tpu.memory_space<vmem_shared>>
    tpu.enqueue_indirect_dma source(%arg25 : memref<2000xf32, #tpu.memory_space<vmem>>) target(%dma_start3A_265 : memref<100096xf32, #tpu.memory_space<vmem_shared>>) offsets(%arg17 : memref<2000xi32, #tpu.memory_space<vmem>>) semaphore(%arg37 : memref<!tpu.dma_semaphore, #tpu.memory_space<semaphore_mem>>) {add = true}
    %dma_wait3A_266 = arith.constant 0 : i32
    %dma_wait3A_267 = tpu.memref_slice %arg9[%dma_wait3A_266] : memref<100096xf32, #tpu.memory_space<vmem_shared>> -> memref<100096xf32, #tpu.memory_space<vmem_shared>>
    tpu.wait_indirect_dma semaphore(%arg36 : memref<!tpu.dma_semaphore, #tpu.memory_space<semaphore_mem>>) src(%arg24 : memref<2000xf32, #tpu.memory_space<vmem>>) dst(%dma_wait3A_267 : memref<100096xf32, #tpu.memory_space<vmem_shared>>)
    %add3A_268 = arith.constant 448 : i32
    %add3A_269 = arith.addi %add3A_268, %add3A : i32
    %mul3A_270 = arith.constant 2000 : i32
    %mul3A_271 = arith.muli %add3A_269, %mul3A_270 : i32
    %dma_start3A_272 = tpu.memref_slice %arg5[%mul3A_271] : memref<1600000xi32, #tpu.memory_space<hbm>> -> memref<2000xi32, #tpu.memory_space<hbm>>
    %dma_start3A_273 = tpu.memref_slice %arg5[%mul3A_271] : memref<1600000xi32, #tpu.memory_space<hbm>> -> memref<2000xi32, #tpu.memory_space<hbm>>
    tpu.enqueue_dma source(%dma_start3A_273 : memref<2000xi32, #tpu.memory_space<hbm>>) target(%arg16 : memref<2000xi32, #tpu.memory_space<vmem>>) target_semaphore(%arg28 : memref<!tpu.dma_semaphore, #tpu.memory_space<semaphore_mem>>)
    %dma_start3A_274 = tpu.memref_slice %arg6[%mul3A_271] : memref<1600000xi32, #tpu.memory_space<hbm>> -> memref<2000xi32, #tpu.memory_space<hbm>>
    %dma_start3A_275 = tpu.memref_slice %arg6[%mul3A_271] : memref<1600000xi32, #tpu.memory_space<hbm>> -> memref<2000xi32, #tpu.memory_space<hbm>>
    tpu.enqueue_dma source(%dma_start3A_275 : memref<2000xi32, #tpu.memory_space<hbm>>) target(%arg20 : memref<2000xi32, #tpu.memory_space<vmem>>) target_semaphore(%arg28 : memref<!tpu.dma_semaphore, #tpu.memory_space<semaphore_mem>>)
    %dma_wait3A_276 = tpu.memref_slice %arg5[%mul3A_251] : memref<1600000xi32, #tpu.memory_space<hbm>> -> memref<2000xi32, #tpu.memory_space<hbm>>
    %dma_wait3A_277 = tpu.memref_slice %arg5[%mul3A_251] : memref<1600000xi32, #tpu.memory_space<hbm>> -> memref<2000xi32, #tpu.memory_space<hbm>>
    tpu.wait_dma2 semaphore(%arg27 : memref<!tpu.dma_semaphore, #tpu.memory_space<semaphore_mem>>) src(%dma_wait3A_277 : memref<2000xi32, #tpu.memory_space<hbm>>) dst(%arg15 : memref<2000xi32, #tpu.memory_space<vmem>>)
    %dma_wait3A_278 = tpu.memref_slice %arg6[%mul3A_251] : memref<1600000xi32, #tpu.memory_space<hbm>> -> memref<2000xi32, #tpu.memory_space<hbm>>
    %dma_wait3A_279 = tpu.memref_slice %arg6[%mul3A_251] : memref<1600000xi32, #tpu.memory_space<hbm>> -> memref<2000xi32, #tpu.memory_space<hbm>>
    tpu.wait_dma2 semaphore(%arg27 : memref<!tpu.dma_semaphore, #tpu.memory_space<semaphore_mem>>) src(%dma_wait3A_279 : memref<2000xi32, #tpu.memory_space<hbm>>) dst(%arg19 : memref<2000xi32, #tpu.memory_space<vmem>>)
    %dma_start3A_280 = arith.constant 0 : i32
    %dma_start3A_281 = tpu.memref_slice %arg8[%dma_start3A_280] : memref<2016xf32, #tpu.memory_space<vmem_shared>> -> memref<2016xf32, #tpu.memory_space<vmem_shared>>
    tpu.enqueue_indirect_dma source(%dma_start3A_281 : memref<2016xf32, #tpu.memory_space<vmem_shared>>) target(%arg23 : memref<2000xf32, #tpu.memory_space<vmem>>) offsets(%arg19 : memref<2000xi32, #tpu.memory_space<vmem>>) semaphore(%arg31 : memref<!tpu.dma_semaphore, #tpu.memory_space<semaphore_mem>>)
    %dma_wait3A_282 = arith.constant 0 : i32
    %dma_wait3A_283 = tpu.memref_slice %arg8[%dma_wait3A_282] : memref<2016xf32, #tpu.memory_space<vmem_shared>> -> memref<2016xf32, #tpu.memory_space<vmem_shared>>
    tpu.wait_indirect_dma semaphore(%arg30 : memref<!tpu.dma_semaphore, #tpu.memory_space<semaphore_mem>>) src(%dma_wait3A_283 : memref<2016xf32, #tpu.memory_space<vmem_shared>>) dst(%arg22 : memref<2000xf32, #tpu.memory_space<vmem>>)
    %dma_start3A_284 = arith.constant 0 : i32
    %dma_start3A_285 = tpu.memref_slice %arg9[%dma_start3A_284] : memref<100096xf32, #tpu.memory_space<vmem_shared>> -> memref<100096xf32, #tpu.memory_space<vmem_shared>>
    tpu.enqueue_indirect_dma source(%arg22 : memref<2000xf32, #tpu.memory_space<vmem>>) target(%dma_start3A_285 : memref<100096xf32, #tpu.memory_space<vmem_shared>>) offsets(%arg14 : memref<2000xi32, #tpu.memory_space<vmem>>) semaphore(%arg34 : memref<!tpu.dma_semaphore, #tpu.memory_space<semaphore_mem>>) {add = true}
    %dma_wait3A_286 = arith.constant 0 : i32
    %dma_wait3A_287 = tpu.memref_slice %arg9[%dma_wait3A_286] : memref<100096xf32, #tpu.memory_space<vmem_shared>> -> memref<100096xf32, #tpu.memory_space<vmem_shared>>
    tpu.wait_indirect_dma semaphore(%arg37 : memref<!tpu.dma_semaphore, #tpu.memory_space<semaphore_mem>>) src(%arg25 : memref<2000xf32, #tpu.memory_space<vmem>>) dst(%dma_wait3A_287 : memref<100096xf32, #tpu.memory_space<vmem_shared>>)
    %add3A_288 = arith.constant 480 : i32
    %add3A_289 = arith.addi %add3A_288, %add3A : i32
    %mul3A_290 = arith.constant 2000 : i32
    %mul3A_291 = arith.muli %add3A_289, %mul3A_290 : i32
    %dma_start3A_292 = tpu.memref_slice %arg5[%mul3A_291] : memref<1600000xi32, #tpu.memory_space<hbm>> -> memref<2000xi32, #tpu.memory_space<hbm>>
    %dma_start3A_293 = tpu.memref_slice %arg5[%mul3A_291] : memref<1600000xi32, #tpu.memory_space<hbm>> -> memref<2000xi32, #tpu.memory_space<hbm>>
    tpu.enqueue_dma source(%dma_start3A_293 : memref<2000xi32, #tpu.memory_space<hbm>>) target(%arg17 : memref<2000xi32, #tpu.memory_space<vmem>>) target_semaphore(%arg29 : memref<!tpu.dma_semaphore, #tpu.memory_space<semaphore_mem>>)
    %dma_start3A_294 = tpu.memref_slice %arg6[%mul3A_291] : memref<1600000xi32, #tpu.memory_space<hbm>> -> memref<2000xi32, #tpu.memory_space<hbm>>
    %dma_start3A_295 = tpu.memref_slice %arg6[%mul3A_291] : memref<1600000xi32, #tpu.memory_space<hbm>> -> memref<2000xi32, #tpu.memory_space<hbm>>
    tpu.enqueue_dma source(%dma_start3A_295 : memref<2000xi32, #tpu.memory_space<hbm>>) target(%arg21 : memref<2000xi32, #tpu.memory_space<vmem>>) target_semaphore(%arg29 : memref<!tpu.dma_semaphore, #tpu.memory_space<semaphore_mem>>)
    %dma_wait3A_296 = tpu.memref_slice %arg5[%mul3A_271] : memref<1600000xi32, #tpu.memory_space<hbm>> -> memref<2000xi32, #tpu.memory_space<hbm>>
    %dma_wait3A_297 = tpu.memref_slice %arg5[%mul3A_271] : memref<1600000xi32, #tpu.memory_space<hbm>> -> memref<2000xi32, #tpu.memory_space<hbm>>
    tpu.wait_dma2 semaphore(%arg28 : memref<!tpu.dma_semaphore, #tpu.memory_space<semaphore_mem>>) src(%dma_wait3A_297 : memref<2000xi32, #tpu.memory_space<hbm>>) dst(%arg16 : memref<2000xi32, #tpu.memory_space<vmem>>)
    %dma_wait3A_298 = tpu.memref_slice %arg6[%mul3A_271] : memref<1600000xi32, #tpu.memory_space<hbm>> -> memref<2000xi32, #tpu.memory_space<hbm>>
    %dma_wait3A_299 = tpu.memref_slice %arg6[%mul3A_271] : memref<1600000xi32, #tpu.memory_space<hbm>> -> memref<2000xi32, #tpu.memory_space<hbm>>
    tpu.wait_dma2 semaphore(%arg28 : memref<!tpu.dma_semaphore, #tpu.memory_space<semaphore_mem>>) src(%dma_wait3A_299 : memref<2000xi32, #tpu.memory_space<hbm>>) dst(%arg20 : memref<2000xi32, #tpu.memory_space<vmem>>)
    %dma_start3A_300 = arith.constant 0 : i32
    %dma_start3A_301 = tpu.memref_slice %arg8[%dma_start3A_300] : memref<2016xf32, #tpu.memory_space<vmem_shared>> -> memref<2016xf32, #tpu.memory_space<vmem_shared>>
    tpu.enqueue_indirect_dma source(%dma_start3A_301 : memref<2016xf32, #tpu.memory_space<vmem_shared>>) target(%arg24 : memref<2000xf32, #tpu.memory_space<vmem>>) offsets(%arg20 : memref<2000xi32, #tpu.memory_space<vmem>>) semaphore(%arg32 : memref<!tpu.dma_semaphore, #tpu.memory_space<semaphore_mem>>)
    %dma_wait3A_302 = arith.constant 0 : i32
    %dma_wait3A_303 = tpu.memref_slice %arg8[%dma_wait3A_302] : memref<2016xf32, #tpu.memory_space<vmem_shared>> -> memref<2016xf32, #tpu.memory_space<vmem_shared>>
    tpu.wait_indirect_dma semaphore(%arg31 : memref<!tpu.dma_semaphore, #tpu.memory_space<semaphore_mem>>) src(%dma_wait3A_303 : memref<2016xf32, #tpu.memory_space<vmem_shared>>) dst(%arg23 : memref<2000xf32, #tpu.memory_space<vmem>>)
    %dma_start3A_304 = arith.constant 0 : i32
    %dma_start3A_305 = tpu.memref_slice %arg9[%dma_start3A_304] : memref<100096xf32, #tpu.memory_space<vmem_shared>> -> memref<100096xf32, #tpu.memory_space<vmem_shared>>
    tpu.enqueue_indirect_dma source(%arg23 : memref<2000xf32, #tpu.memory_space<vmem>>) target(%dma_start3A_305 : memref<100096xf32, #tpu.memory_space<vmem_shared>>) offsets(%arg15 : memref<2000xi32, #tpu.memory_space<vmem>>) semaphore(%arg35 : memref<!tpu.dma_semaphore, #tpu.memory_space<semaphore_mem>>) {add = true}
    %dma_wait3A_306 = arith.constant 0 : i32
    %dma_wait3A_307 = tpu.memref_slice %arg9[%dma_wait3A_306] : memref<100096xf32, #tpu.memory_space<vmem_shared>> -> memref<100096xf32, #tpu.memory_space<vmem_shared>>
    tpu.wait_indirect_dma semaphore(%arg34 : memref<!tpu.dma_semaphore, #tpu.memory_space<semaphore_mem>>) src(%arg22 : memref<2000xf32, #tpu.memory_space<vmem>>) dst(%dma_wait3A_307 : memref<100096xf32, #tpu.memory_space<vmem_shared>>)
    %add3A_308 = arith.constant 512 : i32
    %add3A_309 = arith.addi %add3A_308, %add3A : i32
    %mul3A_310 = arith.constant 2000 : i32
    %mul3A_311 = arith.muli %add3A_309, %mul3A_310 : i32
    %dma_start3A_312 = tpu.memref_slice %arg5[%mul3A_311] : memref<1600000xi32, #tpu.memory_space<hbm>> -> memref<2000xi32, #tpu.memory_space<hbm>>
    %dma_start3A_313 = tpu.memref_slice %arg5[%mul3A_311] : memref<1600000xi32, #tpu.memory_space<hbm>> -> memref<2000xi32, #tpu.memory_space<hbm>>
    tpu.enqueue_dma source(%dma_start3A_313 : memref<2000xi32, #tpu.memory_space<hbm>>) target(%arg14 : memref<2000xi32, #tpu.memory_space<vmem>>) target_semaphore(%arg26 : memref<!tpu.dma_semaphore, #tpu.memory_space<semaphore_mem>>)
    %dma_start3A_314 = tpu.memref_slice %arg6[%mul3A_311] : memref<1600000xi32, #tpu.memory_space<hbm>> -> memref<2000xi32, #tpu.memory_space<hbm>>
    %dma_start3A_315 = tpu.memref_slice %arg6[%mul3A_311] : memref<1600000xi32, #tpu.memory_space<hbm>> -> memref<2000xi32, #tpu.memory_space<hbm>>
    tpu.enqueue_dma source(%dma_start3A_315 : memref<2000xi32, #tpu.memory_space<hbm>>) target(%arg18 : memref<2000xi32, #tpu.memory_space<vmem>>) target_semaphore(%arg26 : memref<!tpu.dma_semaphore, #tpu.memory_space<semaphore_mem>>)
    %dma_wait3A_316 = tpu.memref_slice %arg5[%mul3A_291] : memref<1600000xi32, #tpu.memory_space<hbm>> -> memref<2000xi32, #tpu.memory_space<hbm>>
    %dma_wait3A_317 = tpu.memref_slice %arg5[%mul3A_291] : memref<1600000xi32, #tpu.memory_space<hbm>> -> memref<2000xi32, #tpu.memory_space<hbm>>
    tpu.wait_dma2 semaphore(%arg29 : memref<!tpu.dma_semaphore, #tpu.memory_space<semaphore_mem>>) src(%dma_wait3A_317 : memref<2000xi32, #tpu.memory_space<hbm>>) dst(%arg17 : memref<2000xi32, #tpu.memory_space<vmem>>)
    %dma_wait3A_318 = tpu.memref_slice %arg6[%mul3A_291] : memref<1600000xi32, #tpu.memory_space<hbm>> -> memref<2000xi32, #tpu.memory_space<hbm>>
    %dma_wait3A_319 = tpu.memref_slice %arg6[%mul3A_291] : memref<1600000xi32, #tpu.memory_space<hbm>> -> memref<2000xi32, #tpu.memory_space<hbm>>
    tpu.wait_dma2 semaphore(%arg29 : memref<!tpu.dma_semaphore, #tpu.memory_space<semaphore_mem>>) src(%dma_wait3A_319 : memref<2000xi32, #tpu.memory_space<hbm>>) dst(%arg21 : memref<2000xi32, #tpu.memory_space<vmem>>)
    %dma_start3A_320 = arith.constant 0 : i32
    %dma_start3A_321 = tpu.memref_slice %arg8[%dma_start3A_320] : memref<2016xf32, #tpu.memory_space<vmem_shared>> -> memref<2016xf32, #tpu.memory_space<vmem_shared>>
    tpu.enqueue_indirect_dma source(%dma_start3A_321 : memref<2016xf32, #tpu.memory_space<vmem_shared>>) target(%arg25 : memref<2000xf32, #tpu.memory_space<vmem>>) offsets(%arg21 : memref<2000xi32, #tpu.memory_space<vmem>>) semaphore(%arg33 : memref<!tpu.dma_semaphore, #tpu.memory_space<semaphore_mem>>)
    %dma_wait3A_322 = arith.constant 0 : i32
    %dma_wait3A_323 = tpu.memref_slice %arg8[%dma_wait3A_322] : memref<2016xf32, #tpu.memory_space<vmem_shared>> -> memref<2016xf32, #tpu.memory_space<vmem_shared>>
    tpu.wait_indirect_dma semaphore(%arg32 : memref<!tpu.dma_semaphore, #tpu.memory_space<semaphore_mem>>) src(%dma_wait3A_323 : memref<2016xf32, #tpu.memory_space<vmem_shared>>) dst(%arg24 : memref<2000xf32, #tpu.memory_space<vmem>>)
    %dma_start3A_324 = arith.constant 0 : i32
    %dma_start3A_325 = tpu.memref_slice %arg9[%dma_start3A_324] : memref<100096xf32, #tpu.memory_space<vmem_shared>> -> memref<100096xf32, #tpu.memory_space<vmem_shared>>
    tpu.enqueue_indirect_dma source(%arg24 : memref<2000xf32, #tpu.memory_space<vmem>>) target(%dma_start3A_325 : memref<100096xf32, #tpu.memory_space<vmem_shared>>) offsets(%arg16 : memref<2000xi32, #tpu.memory_space<vmem>>) semaphore(%arg36 : memref<!tpu.dma_semaphore, #tpu.memory_space<semaphore_mem>>) {add = true}
    %dma_wait3A_326 = arith.constant 0 : i32
    %dma_wait3A_327 = tpu.memref_slice %arg9[%dma_wait3A_326] : memref<100096xf32, #tpu.memory_space<vmem_shared>> -> memref<100096xf32, #tpu.memory_space<vmem_shared>>
    tpu.wait_indirect_dma semaphore(%arg35 : memref<!tpu.dma_semaphore, #tpu.memory_space<semaphore_mem>>) src(%arg23 : memref<2000xf32, #tpu.memory_space<vmem>>) dst(%dma_wait3A_327 : memref<100096xf32, #tpu.memory_space<vmem_shared>>)
    %add3A_328 = arith.constant 544 : i32
    %add3A_329 = arith.addi %add3A_328, %add3A : i32
    %mul3A_330 = arith.constant 2000 : i32
    %mul3A_331 = arith.muli %add3A_329, %mul3A_330 : i32
    %dma_start3A_332 = tpu.memref_slice %arg5[%mul3A_331] : memref<1600000xi32, #tpu.memory_space<hbm>> -> memref<2000xi32, #tpu.memory_space<hbm>>
    %dma_start3A_333 = tpu.memref_slice %arg5[%mul3A_331] : memref<1600000xi32, #tpu.memory_space<hbm>> -> memref<2000xi32, #tpu.memory_space<hbm>>
    tpu.enqueue_dma source(%dma_start3A_333 : memref<2000xi32, #tpu.memory_space<hbm>>) target(%arg15 : memref<2000xi32, #tpu.memory_space<vmem>>) target_semaphore(%arg27 : memref<!tpu.dma_semaphore, #tpu.memory_space<semaphore_mem>>)
    %dma_start3A_334 = tpu.memref_slice %arg6[%mul3A_331] : memref<1600000xi32, #tpu.memory_space<hbm>> -> memref<2000xi32, #tpu.memory_space<hbm>>
    %dma_start3A_335 = tpu.memref_slice %arg6[%mul3A_331] : memref<1600000xi32, #tpu.memory_space<hbm>> -> memref<2000xi32, #tpu.memory_space<hbm>>
    tpu.enqueue_dma source(%dma_start3A_335 : memref<2000xi32, #tpu.memory_space<hbm>>) target(%arg19 : memref<2000xi32, #tpu.memory_space<vmem>>) target_semaphore(%arg27 : memref<!tpu.dma_semaphore, #tpu.memory_space<semaphore_mem>>)
    %dma_wait3A_336 = tpu.memref_slice %arg5[%mul3A_311] : memref<1600000xi32, #tpu.memory_space<hbm>> -> memref<2000xi32, #tpu.memory_space<hbm>>
    %dma_wait3A_337 = tpu.memref_slice %arg5[%mul3A_311] : memref<1600000xi32, #tpu.memory_space<hbm>> -> memref<2000xi32, #tpu.memory_space<hbm>>
    tpu.wait_dma2 semaphore(%arg26 : memref<!tpu.dma_semaphore, #tpu.memory_space<semaphore_mem>>) src(%dma_wait3A_337 : memref<2000xi32, #tpu.memory_space<hbm>>) dst(%arg14 : memref<2000xi32, #tpu.memory_space<vmem>>)
    %dma_wait3A_338 = tpu.memref_slice %arg6[%mul3A_311] : memref<1600000xi32, #tpu.memory_space<hbm>> -> memref<2000xi32, #tpu.memory_space<hbm>>
    %dma_wait3A_339 = tpu.memref_slice %arg6[%mul3A_311] : memref<1600000xi32, #tpu.memory_space<hbm>> -> memref<2000xi32, #tpu.memory_space<hbm>>
    tpu.wait_dma2 semaphore(%arg26 : memref<!tpu.dma_semaphore, #tpu.memory_space<semaphore_mem>>) src(%dma_wait3A_339 : memref<2000xi32, #tpu.memory_space<hbm>>) dst(%arg18 : memref<2000xi32, #tpu.memory_space<vmem>>)
    %dma_start3A_340 = arith.constant 0 : i32
    %dma_start3A_341 = tpu.memref_slice %arg8[%dma_start3A_340] : memref<2016xf32, #tpu.memory_space<vmem_shared>> -> memref<2016xf32, #tpu.memory_space<vmem_shared>>
    tpu.enqueue_indirect_dma source(%dma_start3A_341 : memref<2016xf32, #tpu.memory_space<vmem_shared>>) target(%arg22 : memref<2000xf32, #tpu.memory_space<vmem>>) offsets(%arg18 : memref<2000xi32, #tpu.memory_space<vmem>>) semaphore(%arg30 : memref<!tpu.dma_semaphore, #tpu.memory_space<semaphore_mem>>)
    %dma_wait3A_342 = arith.constant 0 : i32
    %dma_wait3A_343 = tpu.memref_slice %arg8[%dma_wait3A_342] : memref<2016xf32, #tpu.memory_space<vmem_shared>> -> memref<2016xf32, #tpu.memory_space<vmem_shared>>
    tpu.wait_indirect_dma semaphore(%arg33 : memref<!tpu.dma_semaphore, #tpu.memory_space<semaphore_mem>>) src(%dma_wait3A_343 : memref<2016xf32, #tpu.memory_space<vmem_shared>>) dst(%arg25 : memref<2000xf32, #tpu.memory_space<vmem>>)
    %dma_start3A_344 = arith.constant 0 : i32
    %dma_start3A_345 = tpu.memref_slice %arg9[%dma_start3A_344] : memref<100096xf32, #tpu.memory_space<vmem_shared>> -> memref<100096xf32, #tpu.memory_space<vmem_shared>>
    tpu.enqueue_indirect_dma source(%arg25 : memref<2000xf32, #tpu.memory_space<vmem>>) target(%dma_start3A_345 : memref<100096xf32, #tpu.memory_space<vmem_shared>>) offsets(%arg17 : memref<2000xi32, #tpu.memory_space<vmem>>) semaphore(%arg37 : memref<!tpu.dma_semaphore, #tpu.memory_space<semaphore_mem>>) {add = true}
    %dma_wait3A_346 = arith.constant 0 : i32
    %dma_wait3A_347 = tpu.memref_slice %arg9[%dma_wait3A_346] : memref<100096xf32, #tpu.memory_space<vmem_shared>> -> memref<100096xf32, #tpu.memory_space<vmem_shared>>
    tpu.wait_indirect_dma semaphore(%arg36 : memref<!tpu.dma_semaphore, #tpu.memory_space<semaphore_mem>>) src(%arg24 : memref<2000xf32, #tpu.memory_space<vmem>>) dst(%dma_wait3A_347 : memref<100096xf32, #tpu.memory_space<vmem_shared>>)
    %add3A_348 = arith.constant 576 : i32
    %add3A_349 = arith.addi %add3A_348, %add3A : i32
    %mul3A_350 = arith.constant 2000 : i32
    %mul3A_351 = arith.muli %add3A_349, %mul3A_350 : i32
    %dma_start3A_352 = tpu.memref_slice %arg5[%mul3A_351] : memref<1600000xi32, #tpu.memory_space<hbm>> -> memref<2000xi32, #tpu.memory_space<hbm>>
    %dma_start3A_353 = tpu.memref_slice %arg5[%mul3A_351] : memref<1600000xi32, #tpu.memory_space<hbm>> -> memref<2000xi32, #tpu.memory_space<hbm>>
    tpu.enqueue_dma source(%dma_start3A_353 : memref<2000xi32, #tpu.memory_space<hbm>>) target(%arg16 : memref<2000xi32, #tpu.memory_space<vmem>>) target_semaphore(%arg28 : memref<!tpu.dma_semaphore, #tpu.memory_space<semaphore_mem>>)
    %dma_start3A_354 = tpu.memref_slice %arg6[%mul3A_351] : memref<1600000xi32, #tpu.memory_space<hbm>> -> memref<2000xi32, #tpu.memory_space<hbm>>
    %dma_start3A_355 = tpu.memref_slice %arg6[%mul3A_351] : memref<1600000xi32, #tpu.memory_space<hbm>> -> memref<2000xi32, #tpu.memory_space<hbm>>
    tpu.enqueue_dma source(%dma_start3A_355 : memref<2000xi32, #tpu.memory_space<hbm>>) target(%arg20 : memref<2000xi32, #tpu.memory_space<vmem>>) target_semaphore(%arg28 : memref<!tpu.dma_semaphore, #tpu.memory_space<semaphore_mem>>)
    %dma_wait3A_356 = tpu.memref_slice %arg5[%mul3A_331] : memref<1600000xi32, #tpu.memory_space<hbm>> -> memref<2000xi32, #tpu.memory_space<hbm>>
    %dma_wait3A_357 = tpu.memref_slice %arg5[%mul3A_331] : memref<1600000xi32, #tpu.memory_space<hbm>> -> memref<2000xi32, #tpu.memory_space<hbm>>
    tpu.wait_dma2 semaphore(%arg27 : memref<!tpu.dma_semaphore, #tpu.memory_space<semaphore_mem>>) src(%dma_wait3A_357 : memref<2000xi32, #tpu.memory_space<hbm>>) dst(%arg15 : memref<2000xi32, #tpu.memory_space<vmem>>)
    %dma_wait3A_358 = tpu.memref_slice %arg6[%mul3A_331] : memref<1600000xi32, #tpu.memory_space<hbm>> -> memref<2000xi32, #tpu.memory_space<hbm>>
    %dma_wait3A_359 = tpu.memref_slice %arg6[%mul3A_331] : memref<1600000xi32, #tpu.memory_space<hbm>> -> memref<2000xi32, #tpu.memory_space<hbm>>
    tpu.wait_dma2 semaphore(%arg27 : memref<!tpu.dma_semaphore, #tpu.memory_space<semaphore_mem>>) src(%dma_wait3A_359 : memref<2000xi32, #tpu.memory_space<hbm>>) dst(%arg19 : memref<2000xi32, #tpu.memory_space<vmem>>)
    %dma_start3A_360 = arith.constant 0 : i32
    %dma_start3A_361 = tpu.memref_slice %arg8[%dma_start3A_360] : memref<2016xf32, #tpu.memory_space<vmem_shared>> -> memref<2016xf32, #tpu.memory_space<vmem_shared>>
    tpu.enqueue_indirect_dma source(%dma_start3A_361 : memref<2016xf32, #tpu.memory_space<vmem_shared>>) target(%arg23 : memref<2000xf32, #tpu.memory_space<vmem>>) offsets(%arg19 : memref<2000xi32, #tpu.memory_space<vmem>>) semaphore(%arg31 : memref<!tpu.dma_semaphore, #tpu.memory_space<semaphore_mem>>)
    %dma_wait3A_362 = arith.constant 0 : i32
    %dma_wait3A_363 = tpu.memref_slice %arg8[%dma_wait3A_362] : memref<2016xf32, #tpu.memory_space<vmem_shared>> -> memref<2016xf32, #tpu.memory_space<vmem_shared>>
    tpu.wait_indirect_dma semaphore(%arg30 : memref<!tpu.dma_semaphore, #tpu.memory_space<semaphore_mem>>) src(%dma_wait3A_363 : memref<2016xf32, #tpu.memory_space<vmem_shared>>) dst(%arg22 : memref<2000xf32, #tpu.memory_space<vmem>>)
    %dma_start3A_364 = arith.constant 0 : i32
    %dma_start3A_365 = tpu.memref_slice %arg9[%dma_start3A_364] : memref<100096xf32, #tpu.memory_space<vmem_shared>> -> memref<100096xf32, #tpu.memory_space<vmem_shared>>
    tpu.enqueue_indirect_dma source(%arg22 : memref<2000xf32, #tpu.memory_space<vmem>>) target(%dma_start3A_365 : memref<100096xf32, #tpu.memory_space<vmem_shared>>) offsets(%arg14 : memref<2000xi32, #tpu.memory_space<vmem>>) semaphore(%arg34 : memref<!tpu.dma_semaphore, #tpu.memory_space<semaphore_mem>>) {add = true}
    %dma_wait3A_366 = arith.constant 0 : i32
    %dma_wait3A_367 = tpu.memref_slice %arg9[%dma_wait3A_366] : memref<100096xf32, #tpu.memory_space<vmem_shared>> -> memref<100096xf32, #tpu.memory_space<vmem_shared>>
    tpu.wait_indirect_dma semaphore(%arg37 : memref<!tpu.dma_semaphore, #tpu.memory_space<semaphore_mem>>) src(%arg25 : memref<2000xf32, #tpu.memory_space<vmem>>) dst(%dma_wait3A_367 : memref<100096xf32, #tpu.memory_space<vmem_shared>>)
    %add3A_368 = arith.constant 608 : i32
    %add3A_369 = arith.addi %add3A_368, %add3A : i32
    %mul3A_370 = arith.constant 2000 : i32
    %mul3A_371 = arith.muli %add3A_369, %mul3A_370 : i32
    %dma_start3A_372 = tpu.memref_slice %arg5[%mul3A_371] : memref<1600000xi32, #tpu.memory_space<hbm>> -> memref<2000xi32, #tpu.memory_space<hbm>>
    %dma_start3A_373 = tpu.memref_slice %arg5[%mul3A_371] : memref<1600000xi32, #tpu.memory_space<hbm>> -> memref<2000xi32, #tpu.memory_space<hbm>>
    tpu.enqueue_dma source(%dma_start3A_373 : memref<2000xi32, #tpu.memory_space<hbm>>) target(%arg17 : memref<2000xi32, #tpu.memory_space<vmem>>) target_semaphore(%arg29 : memref<!tpu.dma_semaphore, #tpu.memory_space<semaphore_mem>>)
    %dma_start3A_374 = tpu.memref_slice %arg6[%mul3A_371] : memref<1600000xi32, #tpu.memory_space<hbm>> -> memref<2000xi32, #tpu.memory_space<hbm>>
    %dma_start3A_375 = tpu.memref_slice %arg6[%mul3A_371] : memref<1600000xi32, #tpu.memory_space<hbm>> -> memref<2000xi32, #tpu.memory_space<hbm>>
    tpu.enqueue_dma source(%dma_start3A_375 : memref<2000xi32, #tpu.memory_space<hbm>>) target(%arg21 : memref<2000xi32, #tpu.memory_space<vmem>>) target_semaphore(%arg29 : memref<!tpu.dma_semaphore, #tpu.memory_space<semaphore_mem>>)
    %dma_wait3A_376 = tpu.memref_slice %arg5[%mul3A_351] : memref<1600000xi32, #tpu.memory_space<hbm>> -> memref<2000xi32, #tpu.memory_space<hbm>>
    %dma_wait3A_377 = tpu.memref_slice %arg5[%mul3A_351] : memref<1600000xi32, #tpu.memory_space<hbm>> -> memref<2000xi32, #tpu.memory_space<hbm>>
    tpu.wait_dma2 semaphore(%arg28 : memref<!tpu.dma_semaphore, #tpu.memory_space<semaphore_mem>>) src(%dma_wait3A_377 : memref<2000xi32, #tpu.memory_space<hbm>>) dst(%arg16 : memref<2000xi32, #tpu.memory_space<vmem>>)
    %dma_wait3A_378 = tpu.memref_slice %arg6[%mul3A_351] : memref<1600000xi32, #tpu.memory_space<hbm>> -> memref<2000xi32, #tpu.memory_space<hbm>>
    %dma_wait3A_379 = tpu.memref_slice %arg6[%mul3A_351] : memref<1600000xi32, #tpu.memory_space<hbm>> -> memref<2000xi32, #tpu.memory_space<hbm>>
    tpu.wait_dma2 semaphore(%arg28 : memref<!tpu.dma_semaphore, #tpu.memory_space<semaphore_mem>>) src(%dma_wait3A_379 : memref<2000xi32, #tpu.memory_space<hbm>>) dst(%arg20 : memref<2000xi32, #tpu.memory_space<vmem>>)
    %dma_start3A_380 = arith.constant 0 : i32
    %dma_start3A_381 = tpu.memref_slice %arg8[%dma_start3A_380] : memref<2016xf32, #tpu.memory_space<vmem_shared>> -> memref<2016xf32, #tpu.memory_space<vmem_shared>>
    tpu.enqueue_indirect_dma source(%dma_start3A_381 : memref<2016xf32, #tpu.memory_space<vmem_shared>>) target(%arg24 : memref<2000xf32, #tpu.memory_space<vmem>>) offsets(%arg20 : memref<2000xi32, #tpu.memory_space<vmem>>) semaphore(%arg32 : memref<!tpu.dma_semaphore, #tpu.memory_space<semaphore_mem>>)
    %dma_wait3A_382 = arith.constant 0 : i32
    %dma_wait3A_383 = tpu.memref_slice %arg8[%dma_wait3A_382] : memref<2016xf32, #tpu.memory_space<vmem_shared>> -> memref<2016xf32, #tpu.memory_space<vmem_shared>>
    tpu.wait_indirect_dma semaphore(%arg31 : memref<!tpu.dma_semaphore, #tpu.memory_space<semaphore_mem>>) src(%dma_wait3A_383 : memref<2016xf32, #tpu.memory_space<vmem_shared>>) dst(%arg23 : memref<2000xf32, #tpu.memory_space<vmem>>)
    %dma_start3A_384 = arith.constant 0 : i32
    %dma_start3A_385 = tpu.memref_slice %arg9[%dma_start3A_384] : memref<100096xf32, #tpu.memory_space<vmem_shared>> -> memref<100096xf32, #tpu.memory_space<vmem_shared>>
    tpu.enqueue_indirect_dma source(%arg23 : memref<2000xf32, #tpu.memory_space<vmem>>) target(%dma_start3A_385 : memref<100096xf32, #tpu.memory_space<vmem_shared>>) offsets(%arg15 : memref<2000xi32, #tpu.memory_space<vmem>>) semaphore(%arg35 : memref<!tpu.dma_semaphore, #tpu.memory_space<semaphore_mem>>) {add = true}
    %dma_wait3A_386 = arith.constant 0 : i32
    %dma_wait3A_387 = tpu.memref_slice %arg9[%dma_wait3A_386] : memref<100096xf32, #tpu.memory_space<vmem_shared>> -> memref<100096xf32, #tpu.memory_space<vmem_shared>>
    tpu.wait_indirect_dma semaphore(%arg34 : memref<!tpu.dma_semaphore, #tpu.memory_space<semaphore_mem>>) src(%arg22 : memref<2000xf32, #tpu.memory_space<vmem>>) dst(%dma_wait3A_387 : memref<100096xf32, #tpu.memory_space<vmem_shared>>)
    %add3A_388 = arith.constant 640 : i32
    %add3A_389 = arith.addi %add3A_388, %add3A : i32
    %mul3A_390 = arith.constant 2000 : i32
    %mul3A_391 = arith.muli %add3A_389, %mul3A_390 : i32
    %dma_start3A_392 = tpu.memref_slice %arg5[%mul3A_391] : memref<1600000xi32, #tpu.memory_space<hbm>> -> memref<2000xi32, #tpu.memory_space<hbm>>
    %dma_start3A_393 = tpu.memref_slice %arg5[%mul3A_391] : memref<1600000xi32, #tpu.memory_space<hbm>> -> memref<2000xi32, #tpu.memory_space<hbm>>
    tpu.enqueue_dma source(%dma_start3A_393 : memref<2000xi32, #tpu.memory_space<hbm>>) target(%arg14 : memref<2000xi32, #tpu.memory_space<vmem>>) target_semaphore(%arg26 : memref<!tpu.dma_semaphore, #tpu.memory_space<semaphore_mem>>)
    %dma_start3A_394 = tpu.memref_slice %arg6[%mul3A_391] : memref<1600000xi32, #tpu.memory_space<hbm>> -> memref<2000xi32, #tpu.memory_space<hbm>>
    %dma_start3A_395 = tpu.memref_slice %arg6[%mul3A_391] : memref<1600000xi32, #tpu.memory_space<hbm>> -> memref<2000xi32, #tpu.memory_space<hbm>>
    tpu.enqueue_dma source(%dma_start3A_395 : memref<2000xi32, #tpu.memory_space<hbm>>) target(%arg18 : memref<2000xi32, #tpu.memory_space<vmem>>) target_semaphore(%arg26 : memref<!tpu.dma_semaphore, #tpu.memory_space<semaphore_mem>>)
    %dma_wait3A_396 = tpu.memref_slice %arg5[%mul3A_371] : memref<1600000xi32, #tpu.memory_space<hbm>> -> memref<2000xi32, #tpu.memory_space<hbm>>
    %dma_wait3A_397 = tpu.memref_slice %arg5[%mul3A_371] : memref<1600000xi32, #tpu.memory_space<hbm>> -> memref<2000xi32, #tpu.memory_space<hbm>>
    tpu.wait_dma2 semaphore(%arg29 : memref<!tpu.dma_semaphore, #tpu.memory_space<semaphore_mem>>) src(%dma_wait3A_397 : memref<2000xi32, #tpu.memory_space<hbm>>) dst(%arg17 : memref<2000xi32, #tpu.memory_space<vmem>>)
    %dma_wait3A_398 = tpu.memref_slice %arg6[%mul3A_371] : memref<1600000xi32, #tpu.memory_space<hbm>> -> memref<2000xi32, #tpu.memory_space<hbm>>
    %dma_wait3A_399 = tpu.memref_slice %arg6[%mul3A_371] : memref<1600000xi32, #tpu.memory_space<hbm>> -> memref<2000xi32, #tpu.memory_space<hbm>>
    tpu.wait_dma2 semaphore(%arg29 : memref<!tpu.dma_semaphore, #tpu.memory_space<semaphore_mem>>) src(%dma_wait3A_399 : memref<2000xi32, #tpu.memory_space<hbm>>) dst(%arg21 : memref<2000xi32, #tpu.memory_space<vmem>>)
    %dma_start3A_400 = arith.constant 0 : i32
    %dma_start3A_401 = tpu.memref_slice %arg8[%dma_start3A_400] : memref<2016xf32, #tpu.memory_space<vmem_shared>> -> memref<2016xf32, #tpu.memory_space<vmem_shared>>
    tpu.enqueue_indirect_dma source(%dma_start3A_401 : memref<2016xf32, #tpu.memory_space<vmem_shared>>) target(%arg25 : memref<2000xf32, #tpu.memory_space<vmem>>) offsets(%arg21 : memref<2000xi32, #tpu.memory_space<vmem>>) semaphore(%arg33 : memref<!tpu.dma_semaphore, #tpu.memory_space<semaphore_mem>>)
    %dma_wait3A_402 = arith.constant 0 : i32
    %dma_wait3A_403 = tpu.memref_slice %arg8[%dma_wait3A_402] : memref<2016xf32, #tpu.memory_space<vmem_shared>> -> memref<2016xf32, #tpu.memory_space<vmem_shared>>
    tpu.wait_indirect_dma semaphore(%arg32 : memref<!tpu.dma_semaphore, #tpu.memory_space<semaphore_mem>>) src(%dma_wait3A_403 : memref<2016xf32, #tpu.memory_space<vmem_shared>>) dst(%arg24 : memref<2000xf32, #tpu.memory_space<vmem>>)
    %dma_start3A_404 = arith.constant 0 : i32
    %dma_start3A_405 = tpu.memref_slice %arg9[%dma_start3A_404] : memref<100096xf32, #tpu.memory_space<vmem_shared>> -> memref<100096xf32, #tpu.memory_space<vmem_shared>>
    tpu.enqueue_indirect_dma source(%arg24 : memref<2000xf32, #tpu.memory_space<vmem>>) target(%dma_start3A_405 : memref<100096xf32, #tpu.memory_space<vmem_shared>>) offsets(%arg16 : memref<2000xi32, #tpu.memory_space<vmem>>) semaphore(%arg36 : memref<!tpu.dma_semaphore, #tpu.memory_space<semaphore_mem>>) {add = true}
    %dma_wait3A_406 = arith.constant 0 : i32
    %dma_wait3A_407 = tpu.memref_slice %arg9[%dma_wait3A_406] : memref<100096xf32, #tpu.memory_space<vmem_shared>> -> memref<100096xf32, #tpu.memory_space<vmem_shared>>
    tpu.wait_indirect_dma semaphore(%arg35 : memref<!tpu.dma_semaphore, #tpu.memory_space<semaphore_mem>>) src(%arg23 : memref<2000xf32, #tpu.memory_space<vmem>>) dst(%dma_wait3A_407 : memref<100096xf32, #tpu.memory_space<vmem_shared>>)
    %add3A_408 = arith.constant 672 : i32
    %add3A_409 = arith.addi %add3A_408, %add3A : i32
    %mul3A_410 = arith.constant 2000 : i32
    %mul3A_411 = arith.muli %add3A_409, %mul3A_410 : i32
    %dma_start3A_412 = tpu.memref_slice %arg5[%mul3A_411] : memref<1600000xi32, #tpu.memory_space<hbm>> -> memref<2000xi32, #tpu.memory_space<hbm>>
    %dma_start3A_413 = tpu.memref_slice %arg5[%mul3A_411] : memref<1600000xi32, #tpu.memory_space<hbm>> -> memref<2000xi32, #tpu.memory_space<hbm>>
    tpu.enqueue_dma source(%dma_start3A_413 : memref<2000xi32, #tpu.memory_space<hbm>>) target(%arg15 : memref<2000xi32, #tpu.memory_space<vmem>>) target_semaphore(%arg27 : memref<!tpu.dma_semaphore, #tpu.memory_space<semaphore_mem>>)
    %dma_start3A_414 = tpu.memref_slice %arg6[%mul3A_411] : memref<1600000xi32, #tpu.memory_space<hbm>> -> memref<2000xi32, #tpu.memory_space<hbm>>
    %dma_start3A_415 = tpu.memref_slice %arg6[%mul3A_411] : memref<1600000xi32, #tpu.memory_space<hbm>> -> memref<2000xi32, #tpu.memory_space<hbm>>
    tpu.enqueue_dma source(%dma_start3A_415 : memref<2000xi32, #tpu.memory_space<hbm>>) target(%arg19 : memref<2000xi32, #tpu.memory_space<vmem>>) target_semaphore(%arg27 : memref<!tpu.dma_semaphore, #tpu.memory_space<semaphore_mem>>)
    %dma_wait3A_416 = tpu.memref_slice %arg5[%mul3A_391] : memref<1600000xi32, #tpu.memory_space<hbm>> -> memref<2000xi32, #tpu.memory_space<hbm>>
    %dma_wait3A_417 = tpu.memref_slice %arg5[%mul3A_391] : memref<1600000xi32, #tpu.memory_space<hbm>> -> memref<2000xi32, #tpu.memory_space<hbm>>
    tpu.wait_dma2 semaphore(%arg26 : memref<!tpu.dma_semaphore, #tpu.memory_space<semaphore_mem>>) src(%dma_wait3A_417 : memref<2000xi32, #tpu.memory_space<hbm>>) dst(%arg14 : memref<2000xi32, #tpu.memory_space<vmem>>)
    %dma_wait3A_418 = tpu.memref_slice %arg6[%mul3A_391] : memref<1600000xi32, #tpu.memory_space<hbm>> -> memref<2000xi32, #tpu.memory_space<hbm>>
    %dma_wait3A_419 = tpu.memref_slice %arg6[%mul3A_391] : memref<1600000xi32, #tpu.memory_space<hbm>> -> memref<2000xi32, #tpu.memory_space<hbm>>
    tpu.wait_dma2 semaphore(%arg26 : memref<!tpu.dma_semaphore, #tpu.memory_space<semaphore_mem>>) src(%dma_wait3A_419 : memref<2000xi32, #tpu.memory_space<hbm>>) dst(%arg18 : memref<2000xi32, #tpu.memory_space<vmem>>)
    %dma_start3A_420 = arith.constant 0 : i32
    %dma_start3A_421 = tpu.memref_slice %arg8[%dma_start3A_420] : memref<2016xf32, #tpu.memory_space<vmem_shared>> -> memref<2016xf32, #tpu.memory_space<vmem_shared>>
    tpu.enqueue_indirect_dma source(%dma_start3A_421 : memref<2016xf32, #tpu.memory_space<vmem_shared>>) target(%arg22 : memref<2000xf32, #tpu.memory_space<vmem>>) offsets(%arg18 : memref<2000xi32, #tpu.memory_space<vmem>>) semaphore(%arg30 : memref<!tpu.dma_semaphore, #tpu.memory_space<semaphore_mem>>)
    %dma_wait3A_422 = arith.constant 0 : i32
    %dma_wait3A_423 = tpu.memref_slice %arg8[%dma_wait3A_422] : memref<2016xf32, #tpu.memory_space<vmem_shared>> -> memref<2016xf32, #tpu.memory_space<vmem_shared>>
    tpu.wait_indirect_dma semaphore(%arg33 : memref<!tpu.dma_semaphore, #tpu.memory_space<semaphore_mem>>) src(%dma_wait3A_423 : memref<2016xf32, #tpu.memory_space<vmem_shared>>) dst(%arg25 : memref<2000xf32, #tpu.memory_space<vmem>>)
    %dma_start3A_424 = arith.constant 0 : i32
    %dma_start3A_425 = tpu.memref_slice %arg9[%dma_start3A_424] : memref<100096xf32, #tpu.memory_space<vmem_shared>> -> memref<100096xf32, #tpu.memory_space<vmem_shared>>
    tpu.enqueue_indirect_dma source(%arg25 : memref<2000xf32, #tpu.memory_space<vmem>>) target(%dma_start3A_425 : memref<100096xf32, #tpu.memory_space<vmem_shared>>) offsets(%arg17 : memref<2000xi32, #tpu.memory_space<vmem>>) semaphore(%arg37 : memref<!tpu.dma_semaphore, #tpu.memory_space<semaphore_mem>>) {add = true}
    %dma_wait3A_426 = arith.constant 0 : i32
    %dma_wait3A_427 = tpu.memref_slice %arg9[%dma_wait3A_426] : memref<100096xf32, #tpu.memory_space<vmem_shared>> -> memref<100096xf32, #tpu.memory_space<vmem_shared>>
    tpu.wait_indirect_dma semaphore(%arg36 : memref<!tpu.dma_semaphore, #tpu.memory_space<semaphore_mem>>) src(%arg24 : memref<2000xf32, #tpu.memory_space<vmem>>) dst(%dma_wait3A_427 : memref<100096xf32, #tpu.memory_space<vmem_shared>>)
    %add3A_428 = arith.constant 704 : i32
    %add3A_429 = arith.addi %add3A_428, %add3A : i32
    %mul3A_430 = arith.constant 2000 : i32
    %mul3A_431 = arith.muli %add3A_429, %mul3A_430 : i32
    %dma_start3A_432 = tpu.memref_slice %arg5[%mul3A_431] : memref<1600000xi32, #tpu.memory_space<hbm>> -> memref<2000xi32, #tpu.memory_space<hbm>>
    %dma_start3A_433 = tpu.memref_slice %arg5[%mul3A_431] : memref<1600000xi32, #tpu.memory_space<hbm>> -> memref<2000xi32, #tpu.memory_space<hbm>>
    tpu.enqueue_dma source(%dma_start3A_433 : memref<2000xi32, #tpu.memory_space<hbm>>) target(%arg16 : memref<2000xi32, #tpu.memory_space<vmem>>) target_semaphore(%arg28 : memref<!tpu.dma_semaphore, #tpu.memory_space<semaphore_mem>>)
    %dma_start3A_434 = tpu.memref_slice %arg6[%mul3A_431] : memref<1600000xi32, #tpu.memory_space<hbm>> -> memref<2000xi32, #tpu.memory_space<hbm>>
    %dma_start3A_435 = tpu.memref_slice %arg6[%mul3A_431] : memref<1600000xi32, #tpu.memory_space<hbm>> -> memref<2000xi32, #tpu.memory_space<hbm>>
    tpu.enqueue_dma source(%dma_start3A_435 : memref<2000xi32, #tpu.memory_space<hbm>>) target(%arg20 : memref<2000xi32, #tpu.memory_space<vmem>>) target_semaphore(%arg28 : memref<!tpu.dma_semaphore, #tpu.memory_space<semaphore_mem>>)
    %dma_wait3A_436 = tpu.memref_slice %arg5[%mul3A_411] : memref<1600000xi32, #tpu.memory_space<hbm>> -> memref<2000xi32, #tpu.memory_space<hbm>>
    %dma_wait3A_437 = tpu.memref_slice %arg5[%mul3A_411] : memref<1600000xi32, #tpu.memory_space<hbm>> -> memref<2000xi32, #tpu.memory_space<hbm>>
    tpu.wait_dma2 semaphore(%arg27 : memref<!tpu.dma_semaphore, #tpu.memory_space<semaphore_mem>>) src(%dma_wait3A_437 : memref<2000xi32, #tpu.memory_space<hbm>>) dst(%arg15 : memref<2000xi32, #tpu.memory_space<vmem>>)
    %dma_wait3A_438 = tpu.memref_slice %arg6[%mul3A_411] : memref<1600000xi32, #tpu.memory_space<hbm>> -> memref<2000xi32, #tpu.memory_space<hbm>>
    %dma_wait3A_439 = tpu.memref_slice %arg6[%mul3A_411] : memref<1600000xi32, #tpu.memory_space<hbm>> -> memref<2000xi32, #tpu.memory_space<hbm>>
    tpu.wait_dma2 semaphore(%arg27 : memref<!tpu.dma_semaphore, #tpu.memory_space<semaphore_mem>>) src(%dma_wait3A_439 : memref<2000xi32, #tpu.memory_space<hbm>>) dst(%arg19 : memref<2000xi32, #tpu.memory_space<vmem>>)
    %dma_start3A_440 = arith.constant 0 : i32
    %dma_start3A_441 = tpu.memref_slice %arg8[%dma_start3A_440] : memref<2016xf32, #tpu.memory_space<vmem_shared>> -> memref<2016xf32, #tpu.memory_space<vmem_shared>>
    tpu.enqueue_indirect_dma source(%dma_start3A_441 : memref<2016xf32, #tpu.memory_space<vmem_shared>>) target(%arg23 : memref<2000xf32, #tpu.memory_space<vmem>>) offsets(%arg19 : memref<2000xi32, #tpu.memory_space<vmem>>) semaphore(%arg31 : memref<!tpu.dma_semaphore, #tpu.memory_space<semaphore_mem>>)
    %dma_wait3A_442 = arith.constant 0 : i32
    %dma_wait3A_443 = tpu.memref_slice %arg8[%dma_wait3A_442] : memref<2016xf32, #tpu.memory_space<vmem_shared>> -> memref<2016xf32, #tpu.memory_space<vmem_shared>>
    tpu.wait_indirect_dma semaphore(%arg30 : memref<!tpu.dma_semaphore, #tpu.memory_space<semaphore_mem>>) src(%dma_wait3A_443 : memref<2016xf32, #tpu.memory_space<vmem_shared>>) dst(%arg22 : memref<2000xf32, #tpu.memory_space<vmem>>)
    %dma_start3A_444 = arith.constant 0 : i32
    %dma_start3A_445 = tpu.memref_slice %arg9[%dma_start3A_444] : memref<100096xf32, #tpu.memory_space<vmem_shared>> -> memref<100096xf32, #tpu.memory_space<vmem_shared>>
    tpu.enqueue_indirect_dma source(%arg22 : memref<2000xf32, #tpu.memory_space<vmem>>) target(%dma_start3A_445 : memref<100096xf32, #tpu.memory_space<vmem_shared>>) offsets(%arg14 : memref<2000xi32, #tpu.memory_space<vmem>>) semaphore(%arg34 : memref<!tpu.dma_semaphore, #tpu.memory_space<semaphore_mem>>) {add = true}
    %dma_wait3A_446 = arith.constant 0 : i32
    %dma_wait3A_447 = tpu.memref_slice %arg9[%dma_wait3A_446] : memref<100096xf32, #tpu.memory_space<vmem_shared>> -> memref<100096xf32, #tpu.memory_space<vmem_shared>>
    tpu.wait_indirect_dma semaphore(%arg37 : memref<!tpu.dma_semaphore, #tpu.memory_space<semaphore_mem>>) src(%arg25 : memref<2000xf32, #tpu.memory_space<vmem>>) dst(%dma_wait3A_447 : memref<100096xf32, #tpu.memory_space<vmem_shared>>)
    %add3A_448 = arith.constant 736 : i32
    %add3A_449 = arith.addi %add3A_448, %add3A : i32
    %mul3A_450 = arith.constant 2000 : i32
    %mul3A_451 = arith.muli %add3A_449, %mul3A_450 : i32
    %dma_start3A_452 = tpu.memref_slice %arg5[%mul3A_451] : memref<1600000xi32, #tpu.memory_space<hbm>> -> memref<2000xi32, #tpu.memory_space<hbm>>
    %dma_start3A_453 = tpu.memref_slice %arg5[%mul3A_451] : memref<1600000xi32, #tpu.memory_space<hbm>> -> memref<2000xi32, #tpu.memory_space<hbm>>
    tpu.enqueue_dma source(%dma_start3A_453 : memref<2000xi32, #tpu.memory_space<hbm>>) target(%arg17 : memref<2000xi32, #tpu.memory_space<vmem>>) target_semaphore(%arg29 : memref<!tpu.dma_semaphore, #tpu.memory_space<semaphore_mem>>)
    %dma_start3A_454 = tpu.memref_slice %arg6[%mul3A_451] : memref<1600000xi32, #tpu.memory_space<hbm>> -> memref<2000xi32, #tpu.memory_space<hbm>>
    %dma_start3A_455 = tpu.memref_slice %arg6[%mul3A_451] : memref<1600000xi32, #tpu.memory_space<hbm>> -> memref<2000xi32, #tpu.memory_space<hbm>>
    tpu.enqueue_dma source(%dma_start3A_455 : memref<2000xi32, #tpu.memory_space<hbm>>) target(%arg21 : memref<2000xi32, #tpu.memory_space<vmem>>) target_semaphore(%arg29 : memref<!tpu.dma_semaphore, #tpu.memory_space<semaphore_mem>>)
    %dma_wait3A_456 = tpu.memref_slice %arg5[%mul3A_431] : memref<1600000xi32, #tpu.memory_space<hbm>> -> memref<2000xi32, #tpu.memory_space<hbm>>
    %dma_wait3A_457 = tpu.memref_slice %arg5[%mul3A_431] : memref<1600000xi32, #tpu.memory_space<hbm>> -> memref<2000xi32, #tpu.memory_space<hbm>>
    tpu.wait_dma2 semaphore(%arg28 : memref<!tpu.dma_semaphore, #tpu.memory_space<semaphore_mem>>) src(%dma_wait3A_457 : memref<2000xi32, #tpu.memory_space<hbm>>) dst(%arg16 : memref<2000xi32, #tpu.memory_space<vmem>>)
    %dma_wait3A_458 = tpu.memref_slice %arg6[%mul3A_431] : memref<1600000xi32, #tpu.memory_space<hbm>> -> memref<2000xi32, #tpu.memory_space<hbm>>
    %dma_wait3A_459 = tpu.memref_slice %arg6[%mul3A_431] : memref<1600000xi32, #tpu.memory_space<hbm>> -> memref<2000xi32, #tpu.memory_space<hbm>>
    tpu.wait_dma2 semaphore(%arg28 : memref<!tpu.dma_semaphore, #tpu.memory_space<semaphore_mem>>) src(%dma_wait3A_459 : memref<2000xi32, #tpu.memory_space<hbm>>) dst(%arg20 : memref<2000xi32, #tpu.memory_space<vmem>>)
    %dma_start3A_460 = arith.constant 0 : i32
    %dma_start3A_461 = tpu.memref_slice %arg8[%dma_start3A_460] : memref<2016xf32, #tpu.memory_space<vmem_shared>> -> memref<2016xf32, #tpu.memory_space<vmem_shared>>
    tpu.enqueue_indirect_dma source(%dma_start3A_461 : memref<2016xf32, #tpu.memory_space<vmem_shared>>) target(%arg24 : memref<2000xf32, #tpu.memory_space<vmem>>) offsets(%arg20 : memref<2000xi32, #tpu.memory_space<vmem>>) semaphore(%arg32 : memref<!tpu.dma_semaphore, #tpu.memory_space<semaphore_mem>>)
    %dma_wait3A_462 = arith.constant 0 : i32
    %dma_wait3A_463 = tpu.memref_slice %arg8[%dma_wait3A_462] : memref<2016xf32, #tpu.memory_space<vmem_shared>> -> memref<2016xf32, #tpu.memory_space<vmem_shared>>
    tpu.wait_indirect_dma semaphore(%arg31 : memref<!tpu.dma_semaphore, #tpu.memory_space<semaphore_mem>>) src(%dma_wait3A_463 : memref<2016xf32, #tpu.memory_space<vmem_shared>>) dst(%arg23 : memref<2000xf32, #tpu.memory_space<vmem>>)
    %dma_start3A_464 = arith.constant 0 : i32
    %dma_start3A_465 = tpu.memref_slice %arg9[%dma_start3A_464] : memref<100096xf32, #tpu.memory_space<vmem_shared>> -> memref<100096xf32, #tpu.memory_space<vmem_shared>>
    tpu.enqueue_indirect_dma source(%arg23 : memref<2000xf32, #tpu.memory_space<vmem>>) target(%dma_start3A_465 : memref<100096xf32, #tpu.memory_space<vmem_shared>>) offsets(%arg15 : memref<2000xi32, #tpu.memory_space<vmem>>) semaphore(%arg35 : memref<!tpu.dma_semaphore, #tpu.memory_space<semaphore_mem>>) {add = true}
    %dma_wait3A_466 = arith.constant 0 : i32
    %dma_wait3A_467 = tpu.memref_slice %arg9[%dma_wait3A_466] : memref<100096xf32, #tpu.memory_space<vmem_shared>> -> memref<100096xf32, #tpu.memory_space<vmem_shared>>
    tpu.wait_indirect_dma semaphore(%arg34 : memref<!tpu.dma_semaphore, #tpu.memory_space<semaphore_mem>>) src(%arg22 : memref<2000xf32, #tpu.memory_space<vmem>>) dst(%dma_wait3A_467 : memref<100096xf32, #tpu.memory_space<vmem_shared>>)
    %add3A_468 = arith.constant 768 : i32
    %add3A_469 = arith.addi %add3A_468, %add3A : i32
    %mul3A_470 = arith.constant 2000 : i32
    %mul3A_471 = arith.muli %add3A_469, %mul3A_470 : i32
    %dma_start3A_472 = tpu.memref_slice %arg5[%mul3A_471] : memref<1600000xi32, #tpu.memory_space<hbm>> -> memref<2000xi32, #tpu.memory_space<hbm>>
    %dma_start3A_473 = tpu.memref_slice %arg5[%mul3A_471] : memref<1600000xi32, #tpu.memory_space<hbm>> -> memref<2000xi32, #tpu.memory_space<hbm>>
    tpu.enqueue_dma source(%dma_start3A_473 : memref<2000xi32, #tpu.memory_space<hbm>>) target(%arg14 : memref<2000xi32, #tpu.memory_space<vmem>>) target_semaphore(%arg26 : memref<!tpu.dma_semaphore, #tpu.memory_space<semaphore_mem>>)
    %dma_start3A_474 = tpu.memref_slice %arg6[%mul3A_471] : memref<1600000xi32, #tpu.memory_space<hbm>> -> memref<2000xi32, #tpu.memory_space<hbm>>
    %dma_start3A_475 = tpu.memref_slice %arg6[%mul3A_471] : memref<1600000xi32, #tpu.memory_space<hbm>> -> memref<2000xi32, #tpu.memory_space<hbm>>
    tpu.enqueue_dma source(%dma_start3A_475 : memref<2000xi32, #tpu.memory_space<hbm>>) target(%arg18 : memref<2000xi32, #tpu.memory_space<vmem>>) target_semaphore(%arg26 : memref<!tpu.dma_semaphore, #tpu.memory_space<semaphore_mem>>)
    %dma_wait3A_476 = tpu.memref_slice %arg5[%mul3A_451] : memref<1600000xi32, #tpu.memory_space<hbm>> -> memref<2000xi32, #tpu.memory_space<hbm>>
    %dma_wait3A_477 = tpu.memref_slice %arg5[%mul3A_451] : memref<1600000xi32, #tpu.memory_space<hbm>> -> memref<2000xi32, #tpu.memory_space<hbm>>
    tpu.wait_dma2 semaphore(%arg29 : memref<!tpu.dma_semaphore, #tpu.memory_space<semaphore_mem>>) src(%dma_wait3A_477 : memref<2000xi32, #tpu.memory_space<hbm>>) dst(%arg17 : memref<2000xi32, #tpu.memory_space<vmem>>)
    %dma_wait3A_478 = tpu.memref_slice %arg6[%mul3A_451] : memref<1600000xi32, #tpu.memory_space<hbm>> -> memref<2000xi32, #tpu.memory_space<hbm>>
    %dma_wait3A_479 = tpu.memref_slice %arg6[%mul3A_451] : memref<1600000xi32, #tpu.memory_space<hbm>> -> memref<2000xi32, #tpu.memory_space<hbm>>
    tpu.wait_dma2 semaphore(%arg29 : memref<!tpu.dma_semaphore, #tpu.memory_space<semaphore_mem>>) src(%dma_wait3A_479 : memref<2000xi32, #tpu.memory_space<hbm>>) dst(%arg21 : memref<2000xi32, #tpu.memory_space<vmem>>)
    %dma_start3A_480 = arith.constant 0 : i32
    %dma_start3A_481 = tpu.memref_slice %arg8[%dma_start3A_480] : memref<2016xf32, #tpu.memory_space<vmem_shared>> -> memref<2016xf32, #tpu.memory_space<vmem_shared>>
    tpu.enqueue_indirect_dma source(%dma_start3A_481 : memref<2016xf32, #tpu.memory_space<vmem_shared>>) target(%arg25 : memref<2000xf32, #tpu.memory_space<vmem>>) offsets(%arg21 : memref<2000xi32, #tpu.memory_space<vmem>>) semaphore(%arg33 : memref<!tpu.dma_semaphore, #tpu.memory_space<semaphore_mem>>)
    %dma_wait3A_482 = arith.constant 0 : i32
    %dma_wait3A_483 = tpu.memref_slice %arg8[%dma_wait3A_482] : memref<2016xf32, #tpu.memory_space<vmem_shared>> -> memref<2016xf32, #tpu.memory_space<vmem_shared>>
    tpu.wait_indirect_dma semaphore(%arg32 : memref<!tpu.dma_semaphore, #tpu.memory_space<semaphore_mem>>) src(%dma_wait3A_483 : memref<2016xf32, #tpu.memory_space<vmem_shared>>) dst(%arg24 : memref<2000xf32, #tpu.memory_space<vmem>>)
    %dma_start3A_484 = arith.constant 0 : i32
    %dma_start3A_485 = tpu.memref_slice %arg9[%dma_start3A_484] : memref<100096xf32, #tpu.memory_space<vmem_shared>> -> memref<100096xf32, #tpu.memory_space<vmem_shared>>
    tpu.enqueue_indirect_dma source(%arg24 : memref<2000xf32, #tpu.memory_space<vmem>>) target(%dma_start3A_485 : memref<100096xf32, #tpu.memory_space<vmem_shared>>) offsets(%arg16 : memref<2000xi32, #tpu.memory_space<vmem>>) semaphore(%arg36 : memref<!tpu.dma_semaphore, #tpu.memory_space<semaphore_mem>>) {add = true}
    %dma_wait3A_486 = arith.constant 0 : i32
    %dma_wait3A_487 = tpu.memref_slice %arg9[%dma_wait3A_486] : memref<100096xf32, #tpu.memory_space<vmem_shared>> -> memref<100096xf32, #tpu.memory_space<vmem_shared>>
    tpu.wait_indirect_dma semaphore(%arg35 : memref<!tpu.dma_semaphore, #tpu.memory_space<semaphore_mem>>) src(%arg23 : memref<2000xf32, #tpu.memory_space<vmem>>) dst(%dma_wait3A_487 : memref<100096xf32, #tpu.memory_space<vmem_shared>>)
    %dma_wait3A_488 = tpu.memref_slice %arg5[%mul3A_471] : memref<1600000xi32, #tpu.memory_space<hbm>> -> memref<2000xi32, #tpu.memory_space<hbm>>
    %dma_wait3A_489 = tpu.memref_slice %arg5[%mul3A_471] : memref<1600000xi32, #tpu.memory_space<hbm>> -> memref<2000xi32, #tpu.memory_space<hbm>>
    tpu.wait_dma2 semaphore(%arg26 : memref<!tpu.dma_semaphore, #tpu.memory_space<semaphore_mem>>) src(%dma_wait3A_489 : memref<2000xi32, #tpu.memory_space<hbm>>) dst(%arg14 : memref<2000xi32, #tpu.memory_space<vmem>>)
    %dma_wait3A_490 = tpu.memref_slice %arg6[%mul3A_471] : memref<1600000xi32, #tpu.memory_space<hbm>> -> memref<2000xi32, #tpu.memory_space<hbm>>
    %dma_wait3A_491 = tpu.memref_slice %arg6[%mul3A_471] : memref<1600000xi32, #tpu.memory_space<hbm>> -> memref<2000xi32, #tpu.memory_space<hbm>>
    tpu.wait_dma2 semaphore(%arg26 : memref<!tpu.dma_semaphore, #tpu.memory_space<semaphore_mem>>) src(%dma_wait3A_491 : memref<2000xi32, #tpu.memory_space<hbm>>) dst(%arg18 : memref<2000xi32, #tpu.memory_space<vmem>>)
    %dma_start3A_492 = arith.constant 0 : i32
    %dma_start3A_493 = tpu.memref_slice %arg8[%dma_start3A_492] : memref<2016xf32, #tpu.memory_space<vmem_shared>> -> memref<2016xf32, #tpu.memory_space<vmem_shared>>
    tpu.enqueue_indirect_dma source(%dma_start3A_493 : memref<2016xf32, #tpu.memory_space<vmem_shared>>) target(%arg22 : memref<2000xf32, #tpu.memory_space<vmem>>) offsets(%arg18 : memref<2000xi32, #tpu.memory_space<vmem>>) semaphore(%arg30 : memref<!tpu.dma_semaphore, #tpu.memory_space<semaphore_mem>>)
    %dma_wait3A_494 = arith.constant 0 : i32
    %dma_wait3A_495 = tpu.memref_slice %arg8[%dma_wait3A_494] : memref<2016xf32, #tpu.memory_space<vmem_shared>> -> memref<2016xf32, #tpu.memory_space<vmem_shared>>
    tpu.wait_indirect_dma semaphore(%arg33 : memref<!tpu.dma_semaphore, #tpu.memory_space<semaphore_mem>>) src(%dma_wait3A_495 : memref<2016xf32, #tpu.memory_space<vmem_shared>>) dst(%arg25 : memref<2000xf32, #tpu.memory_space<vmem>>)
    %dma_start3A_496 = arith.constant 0 : i32
    %dma_start3A_497 = tpu.memref_slice %arg9[%dma_start3A_496] : memref<100096xf32, #tpu.memory_space<vmem_shared>> -> memref<100096xf32, #tpu.memory_space<vmem_shared>>
    tpu.enqueue_indirect_dma source(%arg25 : memref<2000xf32, #tpu.memory_space<vmem>>) target(%dma_start3A_497 : memref<100096xf32, #tpu.memory_space<vmem_shared>>) offsets(%arg17 : memref<2000xi32, #tpu.memory_space<vmem>>) semaphore(%arg37 : memref<!tpu.dma_semaphore, #tpu.memory_space<semaphore_mem>>) {add = true}
    %dma_wait3A_498 = arith.constant 0 : i32
    %dma_wait3A_499 = tpu.memref_slice %arg9[%dma_wait3A_498] : memref<100096xf32, #tpu.memory_space<vmem_shared>> -> memref<100096xf32, #tpu.memory_space<vmem_shared>>
    tpu.wait_indirect_dma semaphore(%arg36 : memref<!tpu.dma_semaphore, #tpu.memory_space<semaphore_mem>>) src(%arg24 : memref<2000xf32, #tpu.memory_space<vmem>>) dst(%dma_wait3A_499 : memref<100096xf32, #tpu.memory_space<vmem_shared>>)
    %dma_wait3A_500 = arith.constant 0 : i32
    %dma_wait3A_501 = tpu.memref_slice %arg8[%dma_wait3A_500] : memref<2016xf32, #tpu.memory_space<vmem_shared>> -> memref<2016xf32, #tpu.memory_space<vmem_shared>>
    tpu.wait_indirect_dma semaphore(%arg30 : memref<!tpu.dma_semaphore, #tpu.memory_space<semaphore_mem>>) src(%dma_wait3A_501 : memref<2016xf32, #tpu.memory_space<vmem_shared>>) dst(%arg22 : memref<2000xf32, #tpu.memory_space<vmem>>)
    %dma_start3A_502 = arith.constant 0 : i32
    %dma_start3A_503 = tpu.memref_slice %arg9[%dma_start3A_502] : memref<100096xf32, #tpu.memory_space<vmem_shared>> -> memref<100096xf32, #tpu.memory_space<vmem_shared>>
    tpu.enqueue_indirect_dma source(%arg22 : memref<2000xf32, #tpu.memory_space<vmem>>) target(%dma_start3A_503 : memref<100096xf32, #tpu.memory_space<vmem_shared>>) offsets(%arg14 : memref<2000xi32, #tpu.memory_space<vmem>>) semaphore(%arg34 : memref<!tpu.dma_semaphore, #tpu.memory_space<semaphore_mem>>) {add = true}
    %dma_wait3A_504 = arith.constant 0 : i32
    %dma_wait3A_505 = tpu.memref_slice %arg9[%dma_wait3A_504] : memref<100096xf32, #tpu.memory_space<vmem_shared>> -> memref<100096xf32, #tpu.memory_space<vmem_shared>>
    tpu.wait_indirect_dma semaphore(%arg37 : memref<!tpu.dma_semaphore, #tpu.memory_space<semaphore_mem>>) src(%arg25 : memref<2000xf32, #tpu.memory_space<vmem>>) dst(%dma_wait3A_505 : memref<100096xf32, #tpu.memory_space<vmem_shared>>)
    %dma_wait3A_506 = arith.constant 0 : i32
    %dma_wait3A_507 = tpu.memref_slice %arg9[%dma_wait3A_506] : memref<100096xf32, #tpu.memory_space<vmem_shared>> -> memref<100096xf32, #tpu.memory_space<vmem_shared>>
    tpu.wait_indirect_dma semaphore(%arg34 : memref<!tpu.dma_semaphore, #tpu.memory_space<semaphore_mem>>) src(%arg22 : memref<2000xf32, #tpu.memory_space<vmem>>) dst(%dma_wait3A_507 : memref<100096xf32, #tpu.memory_space<vmem_shared>>)
    %barrier3A_508 = arith.constant 0 : index
    tpu.barrier barrier_id(%barrier3A_508)
    "tpu.region"() ({
      %run_scoped3A = tpu.sem_alloc : memref<!tpu.dma_semaphore, #tpu.memory_space<semaphore_mem>>
      %dma_start3A_512 = tpu.memref_slice %arg9[%mul3A_2] : memref<100096xf32, #tpu.memory_space<vmem_shared>> -> memref<6256xf32, #tpu.memory_space<vmem_shared>>
      %dma_start3A_513 = tpu.memref_slice %arg9[%mul3A_2] : memref<100096xf32, #tpu.memory_space<vmem_shared>> -> memref<6256xf32, #tpu.memory_space<vmem_shared>>
      tpu.enqueue_dma source(%dma_start3A_513 : memref<6256xf32, #tpu.memory_space<vmem_shared>>) target(%arg13 : memref<6256xf32, #tpu.memory_space<vmem>>) target_semaphore(%run_scoped3A : memref<!tpu.dma_semaphore, #tpu.memory_space<semaphore_mem>>)
      %dma_wait3A_514 = tpu.memref_slice %arg9[%mul3A_2] : memref<100096xf32, #tpu.memory_space<vmem_shared>> -> memref<6256xf32, #tpu.memory_space<vmem_shared>>
      %dma_wait3A_515 = tpu.memref_slice %arg9[%mul3A_2] : memref<100096xf32, #tpu.memory_space<vmem_shared>> -> memref<6256xf32, #tpu.memory_space<vmem_shared>>
      tpu.wait_dma2 semaphore(%run_scoped3A : memref<!tpu.dma_semaphore, #tpu.memory_space<semaphore_mem>>) src(%dma_wait3A_515 : memref<6256xf32, #tpu.memory_space<vmem_shared>>) dst(%arg13 : memref<6256xf32, #tpu.memory_space<vmem>>)
      tpu.yield
    }) : () -> ()
    %mul3A_509 = arith.constant 100096 : i32
    %mul3A_510 = arith.muli %arg0, %mul3A_509 : i32
    %add3A_511 = arith.addi %mul3A_510, %mul3A_2 : i32
    "tpu.region"() ({
      %run_scoped3A = tpu.sem_alloc : memref<!tpu.dma_semaphore, #tpu.memory_space<semaphore_mem>>
      %dma_start3A_512 = tpu.memref_slice %arg7[%add3A_511] : memref<200192xf32, #tpu.memory_space<hbm>> -> memref<6256xf32, #tpu.memory_space<hbm>>
      %dma_start3A_513 = tpu.memref_slice %arg7[%add3A_511] : memref<200192xf32, #tpu.memory_space<hbm>> -> memref<6256xf32, #tpu.memory_space<hbm>>
      tpu.enqueue_dma source(%arg13 : memref<6256xf32, #tpu.memory_space<vmem>>) target(%dma_start3A_513 : memref<6256xf32, #tpu.memory_space<hbm>>) target_semaphore(%run_scoped3A : memref<!tpu.dma_semaphore, #tpu.memory_space<semaphore_mem>>)
      %dma_wait3A_514 = tpu.memref_slice %arg7[%add3A_511] : memref<200192xf32, #tpu.memory_space<hbm>> -> memref<6256xf32, #tpu.memory_space<hbm>>
      %dma_wait3A_515 = tpu.memref_slice %arg7[%add3A_511] : memref<200192xf32, #tpu.memory_space<hbm>> -> memref<6256xf32, #tpu.memory_space<hbm>>
      tpu.wait_dma2 semaphore(%run_scoped3A : memref<!tpu.dma_semaphore, #tpu.memory_space<semaphore_mem>>) src(%arg13 : memref<6256xf32, #tpu.memory_space<vmem>>) dst(%dma_wait3A_515 : memref<6256xf32, #tpu.memory_space<hbm>>)
      tpu.yield
    }) : () -> ()
    return
  }
}

#map = affine_map<(d0, d1) -> (0)>
module attributes {stable_mosaic.version = 14 : i64} {
  func.func @_venue_pass(%arg0: i32, %arg1: i32, %arg2: memref<100096xf32, #tpu.memory_space<hbm>>, %arg3: memref<100096xf32, #tpu.memory_space<hbm>>, %arg4: memref<1600000xi32, #tpu.memory_space<hbm>>, %arg5: memref<1600000xi32, #tpu.memory_space<hbm>>, %arg6: memref<4032xf32, #tpu.memory_space<hbm>>, %arg7: memref<4032xf32, #tpu.memory_space<hbm>>, %arg8: memref<100096xf32, #tpu.memory_space<vmem_shared>>, %arg9: memref<2016xf32, #tpu.memory_space<vmem_shared>>, %arg10: memref<2016xf32, #tpu.memory_space<vmem_shared>>, %arg11: memref<6256xf32, #tpu.memory_space<vmem>>, %arg12: memref<6256xf32, #tpu.memory_space<vmem>>, %arg13: memref<2016xf32, #tpu.memory_space<vmem>>, %arg14: memref<2000xf32, #tpu.memory_space<vmem>>, %arg15: memref<2000xi32, #tpu.memory_space<vmem>>, %arg16: memref<2000xi32, #tpu.memory_space<vmem>>, %arg17: memref<2000xi32, #tpu.memory_space<vmem>>, %arg18: memref<2000xi32, #tpu.memory_space<vmem>>, %arg19: memref<2000xi32, #tpu.memory_space<vmem>>, %arg20: memref<2000xi32, #tpu.memory_space<vmem>>, %arg21: memref<2000xi32, #tpu.memory_space<vmem>>, %arg22: memref<2000xi32, #tpu.memory_space<vmem>>, %arg23: memref<2000xf32, #tpu.memory_space<vmem>>, %arg24: memref<2000xf32, #tpu.memory_space<vmem>>, %arg25: memref<2000xf32, #tpu.memory_space<vmem>>, %arg26: memref<2000xf32, #tpu.memory_space<vmem>>, %arg27: memref<!tpu.dma_semaphore, #tpu.memory_space<semaphore_mem>>, %arg28: memref<!tpu.dma_semaphore, #tpu.memory_space<semaphore_mem>>, %arg29: memref<!tpu.dma_semaphore, #tpu.memory_space<semaphore_mem>>, %arg30: memref<!tpu.dma_semaphore, #tpu.memory_space<semaphore_mem>>, %arg31: memref<!tpu.dma_semaphore, #tpu.memory_space<semaphore_mem>>, %arg32: memref<!tpu.dma_semaphore, #tpu.memory_space<semaphore_mem>>, %arg33: memref<!tpu.dma_semaphore, #tpu.memory_space<semaphore_mem>>, %arg34: memref<!tpu.dma_semaphore, #tpu.memory_space<semaphore_mem>>, %arg35: memref<!tpu.dma_semaphore, #tpu.memory_space<semaphore_mem>>, %arg36: memref<!tpu.dma_semaphore, #tpu.memory_space<semaphore_mem>>, %arg37: memref<!tpu.dma_semaphore, #tpu.memory_space<semaphore_mem>>, %arg38: memref<!tpu.dma_semaphore, #tpu.memory_space<semaphore_mem>>, %arg39: memref<!tpu.dma_semaphore, #tpu.memory_space<semaphore_mem>>, %arg40: memref<!tpu.dma_semaphore, #tpu.memory_space<semaphore_mem>>, %arg41: memref<!tpu.dma_semaphore, #tpu.memory_space<semaphore_mem>>, %arg42: memref<!tpu.dma_semaphore, #tpu.memory_space<semaphore_mem>>) attributes {dimension_semantics = [#tpu.dimension_semantics<core_parallel>, #tpu.dimension_semantics<subcore_parallel>], iteration_bounds = array<i64: 2, 16>, scalar_prefetch = 0 : i64, scratch_operands = 35 : i64, tpu.core_type = #tpu.core_type<sc_vector_subcore>, window_params = [{transform_indices = #map}, {transform_indices = #map}, {transform_indices = #map}, {transform_indices = #map}, {transform_indices = #map}, {transform_indices = #map}]} {
    %mul3A = arith.constant 2 : i32
    %mul3A_0 = arith.muli %arg1, %mul3A : i32
    %add3A = arith.addi %mul3A_0, %arg0 : i32
    %mul3A_1 = arith.constant 6256 : i32
    %mul3A_2 = arith.muli %arg1, %mul3A_1 : i32
    "tpu.region"() ({
      %run_scoped3A = tpu.sem_alloc : memref<!tpu.dma_semaphore, #tpu.memory_space<semaphore_mem>>
      %dma_start3A_620 = tpu.memref_slice %arg2[%mul3A_2] : memref<100096xf32, #tpu.memory_space<hbm>> -> memref<6256xf32, #tpu.memory_space<hbm>>
      %dma_start3A_621 = tpu.memref_slice %arg2[%mul3A_2] : memref<100096xf32, #tpu.memory_space<hbm>> -> memref<6256xf32, #tpu.memory_space<hbm>>
      tpu.enqueue_dma source(%dma_start3A_621 : memref<6256xf32, #tpu.memory_space<hbm>>) target(%arg11 : memref<6256xf32, #tpu.memory_space<vmem>>) target_semaphore(%run_scoped3A : memref<!tpu.dma_semaphore, #tpu.memory_space<semaphore_mem>>)
      %dma_wait3A_622 = tpu.memref_slice %arg2[%mul3A_2] : memref<100096xf32, #tpu.memory_space<hbm>> -> memref<6256xf32, #tpu.memory_space<hbm>>
      %dma_wait3A_623 = tpu.memref_slice %arg2[%mul3A_2] : memref<100096xf32, #tpu.memory_space<hbm>> -> memref<6256xf32, #tpu.memory_space<hbm>>
      tpu.wait_dma2 semaphore(%run_scoped3A : memref<!tpu.dma_semaphore, #tpu.memory_space<semaphore_mem>>) src(%dma_wait3A_623 : memref<6256xf32, #tpu.memory_space<hbm>>) dst(%arg11 : memref<6256xf32, #tpu.memory_space<vmem>>)
      tpu.yield
    }) : () -> ()
    "tpu.region"() ({
      %run_scoped3A = tpu.sem_alloc : memref<!tpu.dma_semaphore, #tpu.memory_space<semaphore_mem>>
      %dma_start3A_620 = tpu.memref_slice %arg3[%mul3A_2] : memref<100096xf32, #tpu.memory_space<hbm>> -> memref<6256xf32, #tpu.memory_space<hbm>>
      %dma_start3A_621 = tpu.memref_slice %arg3[%mul3A_2] : memref<100096xf32, #tpu.memory_space<hbm>> -> memref<6256xf32, #tpu.memory_space<hbm>>
      tpu.enqueue_dma source(%dma_start3A_621 : memref<6256xf32, #tpu.memory_space<hbm>>) target(%arg12 : memref<6256xf32, #tpu.memory_space<vmem>>) target_semaphore(%run_scoped3A : memref<!tpu.dma_semaphore, #tpu.memory_space<semaphore_mem>>)
      %dma_wait3A_622 = tpu.memref_slice %arg3[%mul3A_2] : memref<100096xf32, #tpu.memory_space<hbm>> -> memref<6256xf32, #tpu.memory_space<hbm>>
      %dma_wait3A_623 = tpu.memref_slice %arg3[%mul3A_2] : memref<100096xf32, #tpu.memory_space<hbm>> -> memref<6256xf32, #tpu.memory_space<hbm>>
      tpu.wait_dma2 semaphore(%run_scoped3A : memref<!tpu.dma_semaphore, #tpu.memory_space<semaphore_mem>>) src(%dma_wait3A_623 : memref<6256xf32, #tpu.memory_space<hbm>>) dst(%arg12 : memref<6256xf32, #tpu.memory_space<vmem>>)
      tpu.yield
    }) : () -> ()
    %scan3A = arith.constant 0 : i32
    %scan3A_3 = arith.constant 0 : i32
    %scan3A_4 = arith.constant 391 : i32
    %scan3A_5 = arith.addi %scan3A_3, %scan3A_4 : i32
    %scan3A_6 = arith.constant 1 : i32
    scf.for %scan3A_620 = %scan3A_3 to %scan3A_5 step %scan3A_6  : i32 {
      %mul3A_621 = arith.constant 16 : i32
      %mul3A_622 = arith.muli %scan3A_620, %mul3A_621 : i32
      %get3A = arith.index_cast %mul3A_622 : i32 to index
      %get3A_623 = tpu.vector_load %arg11[%get3A] {strides = array<i32>} : memref<6256xf32, #tpu.memory_space<vmem>>, vector<16xf32>,
      %get3A_624 = vector.shape_cast %get3A_623 : vector<16xf32> to vector<16xf32>
      %get3A_625 = arith.index_cast %mul3A_622 : i32 to index
      %get3A_626 = tpu.vector_load %arg12[%get3A_625] {strides = array<i32>} : memref<6256xf32, #tpu.memory_space<vmem>>, vector<16xf32>,
      %get3A_627 = vector.shape_cast %get3A_626 : vector<16xf32> to vector<16xf32>
      %mul3A_628 = arith.mulf %get3A_624, %get3A_627 : vector<16xf32>
      %swap3A = arith.index_cast %mul3A_622 : i32 to index
      %swap3A_629 = tpu.vector_load %arg11[%swap3A] {strides = array<i32>} : memref<6256xf32, #tpu.memory_space<vmem>>, vector<16xf32>,
      %swap3A_630 = vector.shape_cast %swap3A_629 : vector<16xf32> to vector<16xf32>
      %swap3A_631 = vector.shape_cast %mul3A_628 : vector<16xf32> to vector<16xf32>
      tpu.vector_store %arg11[%swap3A], %swap3A_631 {strides = array<i32>} : memref<6256xf32, #tpu.memory_space<vmem>>, vector<16xf32>,
    }
    %scan3A_7 = arith.constant 391 : i32
    "tpu.region"() ({
      %run_scoped3A = tpu.sem_alloc : memref<!tpu.dma_semaphore, #tpu.memory_space<semaphore_mem>>
      %dma_start3A_620 = tpu.memref_slice %arg8[%mul3A_2] : memref<100096xf32, #tpu.memory_space<vmem_shared>> -> memref<6256xf32, #tpu.memory_space<vmem_shared>>
      %dma_start3A_621 = tpu.memref_slice %arg8[%mul3A_2] : memref<100096xf32, #tpu.memory_space<vmem_shared>> -> memref<6256xf32, #tpu.memory_space<vmem_shared>>
      tpu.enqueue_dma source(%arg11 : memref<6256xf32, #tpu.memory_space<vmem>>) target(%dma_start3A_621 : memref<6256xf32, #tpu.memory_space<vmem_shared>>) target_semaphore(%run_scoped3A : memref<!tpu.dma_semaphore, #tpu.memory_space<semaphore_mem>>)
      %dma_wait3A_622 = tpu.memref_slice %arg8[%mul3A_2] : memref<100096xf32, #tpu.memory_space<vmem_shared>> -> memref<6256xf32, #tpu.memory_space<vmem_shared>>
      %dma_wait3A_623 = tpu.memref_slice %arg8[%mul3A_2] : memref<100096xf32, #tpu.memory_space<vmem_shared>> -> memref<6256xf32, #tpu.memory_space<vmem_shared>>
      tpu.wait_dma2 semaphore(%run_scoped3A : memref<!tpu.dma_semaphore, #tpu.memory_space<semaphore_mem>>) src(%arg11 : memref<6256xf32, #tpu.memory_space<vmem>>) dst(%dma_wait3A_623 : memref<6256xf32, #tpu.memory_space<vmem_shared>>)
      tpu.yield
    }) : () -> ()
    %scan3A_8 = arith.constant 0 : i32
    %scan3A_9 = arith.constant 0 : i32
    %scan3A_10 = arith.constant 125 : i32
    %scan3A_11 = arith.addi %scan3A_9, %scan3A_10 : i32
    %scan3A_12 = arith.constant 1 : i32
    scf.for %scan3A_620 = %scan3A_9 to %scan3A_11 step %scan3A_12  : i32 {
      %broadcast_in_dim3A = arith.constant 1.000000e+00 : f32
      %broadcast_in_dim3A_621 = vector.broadcast %broadcast_in_dim3A : f32 to vector<16xf32>
      %mul3A_622 = arith.constant 16 : i32
      %mul3A_623 = arith.muli %scan3A_620, %mul3A_622 : i32
      %swap3A = arith.index_cast %mul3A_623 : i32 to index
      %swap3A_624 = tpu.vector_load %arg14[%swap3A] {strides = array<i32>} : memref<2000xf32, #tpu.memory_space<vmem>>, vector<16xf32>,
      %swap3A_625 = vector.shape_cast %swap3A_624 : vector<16xf32> to vector<16xf32>
      %swap3A_626 = vector.shape_cast %broadcast_in_dim3A_621 : vector<16xf32> to vector<16xf32>
      tpu.vector_store %arg14[%swap3A], %swap3A_626 {strides = array<i32>} : memref<2000xf32, #tpu.memory_space<vmem>>, vector<16xf32>,
    }
    %scan3A_13 = arith.constant 125 : i32
    %eq3A = arith.constant 0 : i32
    %eq3A_14 = arith.cmpi eq, %arg1, %eq3A : i32
    %convert_element_type3A = arith.extui %eq3A_14 : i1 to i32
    %cond3A = arith.constant 0 : i32
    %cond3A_15 = arith.cmpi ne, %convert_element_type3A, %cond3A : i32
    scf.if %cond3A_15 {
      %scan3A_620 = arith.constant 0 : i32
      %scan3A_621 = arith.constant 0 : i32
      %scan3A_622 = arith.constant 126 : i32
      %scan3A_623 = arith.addi %scan3A_621, %scan3A_622 : i32
      %scan3A_624 = arith.constant 1 : i32
      scf.for %scan3A_626 = %scan3A_621 to %scan3A_623 step %scan3A_624  : i32 {
        %broadcast_in_dim3A = arith.constant 0.000000e+00 : f32
        %broadcast_in_dim3A_627 = vector.broadcast %broadcast_in_dim3A : f32 to vector<16xf32>
        %mul3A_628 = arith.constant 16 : i32
        %mul3A_629 = arith.muli %scan3A_626, %mul3A_628 : i32
        %swap3A = arith.index_cast %mul3A_629 : i32 to index
        %swap3A_630 = tpu.vector_load %arg13[%swap3A] {strides = array<i32>} : memref<2016xf32, #tpu.memory_space<vmem>>, vector<16xf32>,
        %swap3A_631 = vector.shape_cast %swap3A_630 : vector<16xf32> to vector<16xf32>
        %swap3A_632 = vector.shape_cast %broadcast_in_dim3A_627 : vector<16xf32> to vector<16xf32>
        tpu.vector_store %arg13[%swap3A], %swap3A_632 {strides = array<i32>} : memref<2016xf32, #tpu.memory_space<vmem>>, vector<16xf32>,
      }
      %scan3A_625 = arith.constant 126 : i32
      "tpu.region"() ({
        %run_scoped3A = tpu.sem_alloc : memref<!tpu.dma_semaphore, #tpu.memory_space<semaphore_mem>>
        tpu.enqueue_dma source(%arg13 : memref<2016xf32, #tpu.memory_space<vmem>>) target(%arg9 : memref<2016xf32, #tpu.memory_space<vmem_shared>>) target_semaphore(%run_scoped3A : memref<!tpu.dma_semaphore, #tpu.memory_space<semaphore_mem>>)
        tpu.wait_dma2 semaphore(%run_scoped3A : memref<!tpu.dma_semaphore, #tpu.memory_space<semaphore_mem>>) src(%arg13 : memref<2016xf32, #tpu.memory_space<vmem>>) dst(%arg9 : memref<2016xf32, #tpu.memory_space<vmem_shared>>)
        tpu.yield
      }) : () -> ()
      "tpu.region"() ({
        %run_scoped3A = tpu.sem_alloc : memref<!tpu.dma_semaphore, #tpu.memory_space<semaphore_mem>>
        tpu.enqueue_dma source(%arg13 : memref<2016xf32, #tpu.memory_space<vmem>>) target(%arg10 : memref<2016xf32, #tpu.memory_space<vmem_shared>>) target_semaphore(%run_scoped3A : memref<!tpu.dma_semaphore, #tpu.memory_space<semaphore_mem>>)
        tpu.wait_dma2 semaphore(%run_scoped3A : memref<!tpu.dma_semaphore, #tpu.memory_space<semaphore_mem>>) src(%arg13 : memref<2016xf32, #tpu.memory_space<vmem>>) dst(%arg10 : memref<2016xf32, #tpu.memory_space<vmem_shared>>)
        tpu.yield
      }) : () -> ()
    } else {
    }
    %barrier3A = arith.constant 0 : index
    tpu.barrier barrier_id(%barrier3A)
    %add3A_16 = arith.constant 0 : i32
    %add3A_17 = arith.addi %add3A_16, %add3A : i32
    %mul3A_18 = arith.constant 2000 : i32
    %mul3A_19 = arith.muli %add3A_17, %mul3A_18 : i32
    %dma_start3A = tpu.memref_slice %arg4[%mul3A_19] : memref<1600000xi32, #tpu.memory_space<hbm>> -> memref<2000xi32, #tpu.memory_space<hbm>>
    %dma_start3A_20 = tpu.memref_slice %arg4[%mul3A_19] : memref<1600000xi32, #tpu.memory_space<hbm>> -> memref<2000xi32, #tpu.memory_space<hbm>>
    tpu.enqueue_dma source(%dma_start3A_20 : memref<2000xi32, #tpu.memory_space<hbm>>) target(%arg15 : memref<2000xi32, #tpu.memory_space<vmem>>) target_semaphore(%arg27 : memref<!tpu.dma_semaphore, #tpu.memory_space<semaphore_mem>>)
    %dma_start3A_21 = tpu.memref_slice %arg5[%mul3A_19] : memref<1600000xi32, #tpu.memory_space<hbm>> -> memref<2000xi32, #tpu.memory_space<hbm>>
    %dma_start3A_22 = tpu.memref_slice %arg5[%mul3A_19] : memref<1600000xi32, #tpu.memory_space<hbm>> -> memref<2000xi32, #tpu.memory_space<hbm>>
    tpu.enqueue_dma source(%dma_start3A_22 : memref<2000xi32, #tpu.memory_space<hbm>>) target(%arg19 : memref<2000xi32, #tpu.memory_space<vmem>>) target_semaphore(%arg27 : memref<!tpu.dma_semaphore, #tpu.memory_space<semaphore_mem>>)
    %add3A_23 = arith.constant 32 : i32
    %add3A_24 = arith.addi %add3A_23, %add3A : i32
    %mul3A_25 = arith.constant 2000 : i32
    %mul3A_26 = arith.muli %add3A_24, %mul3A_25 : i32
    %dma_start3A_27 = tpu.memref_slice %arg4[%mul3A_26] : memref<1600000xi32, #tpu.memory_space<hbm>> -> memref<2000xi32, #tpu.memory_space<hbm>>
    %dma_start3A_28 = tpu.memref_slice %arg4[%mul3A_26] : memref<1600000xi32, #tpu.memory_space<hbm>> -> memref<2000xi32, #tpu.memory_space<hbm>>
    tpu.enqueue_dma source(%dma_start3A_28 : memref<2000xi32, #tpu.memory_space<hbm>>) target(%arg16 : memref<2000xi32, #tpu.memory_space<vmem>>) target_semaphore(%arg28 : memref<!tpu.dma_semaphore, #tpu.memory_space<semaphore_mem>>)
    %dma_start3A_29 = tpu.memref_slice %arg5[%mul3A_26] : memref<1600000xi32, #tpu.memory_space<hbm>> -> memref<2000xi32, #tpu.memory_space<hbm>>
    %dma_start3A_30 = tpu.memref_slice %arg5[%mul3A_26] : memref<1600000xi32, #tpu.memory_space<hbm>> -> memref<2000xi32, #tpu.memory_space<hbm>>
    tpu.enqueue_dma source(%dma_start3A_30 : memref<2000xi32, #tpu.memory_space<hbm>>) target(%arg20 : memref<2000xi32, #tpu.memory_space<vmem>>) target_semaphore(%arg28 : memref<!tpu.dma_semaphore, #tpu.memory_space<semaphore_mem>>)
    %dma_wait3A = tpu.memref_slice %arg4[%mul3A_19] : memref<1600000xi32, #tpu.memory_space<hbm>> -> memref<2000xi32, #tpu.memory_space<hbm>>
    %dma_wait3A_31 = tpu.memref_slice %arg4[%mul3A_19] : memref<1600000xi32, #tpu.memory_space<hbm>> -> memref<2000xi32, #tpu.memory_space<hbm>>
    tpu.wait_dma2 semaphore(%arg27 : memref<!tpu.dma_semaphore, #tpu.memory_space<semaphore_mem>>) src(%dma_wait3A_31 : memref<2000xi32, #tpu.memory_space<hbm>>) dst(%arg15 : memref<2000xi32, #tpu.memory_space<vmem>>)
    %dma_wait3A_32 = tpu.memref_slice %arg5[%mul3A_19] : memref<1600000xi32, #tpu.memory_space<hbm>> -> memref<2000xi32, #tpu.memory_space<hbm>>
    %dma_wait3A_33 = tpu.memref_slice %arg5[%mul3A_19] : memref<1600000xi32, #tpu.memory_space<hbm>> -> memref<2000xi32, #tpu.memory_space<hbm>>
    tpu.wait_dma2 semaphore(%arg27 : memref<!tpu.dma_semaphore, #tpu.memory_space<semaphore_mem>>) src(%dma_wait3A_33 : memref<2000xi32, #tpu.memory_space<hbm>>) dst(%arg19 : memref<2000xi32, #tpu.memory_space<vmem>>)
    %dma_start3A_34 = arith.constant 0 : i32
    %dma_start3A_35 = tpu.memref_slice %arg8[%dma_start3A_34] : memref<100096xf32, #tpu.memory_space<vmem_shared>> -> memref<100096xf32, #tpu.memory_space<vmem_shared>>
    tpu.enqueue_indirect_dma source(%dma_start3A_35 : memref<100096xf32, #tpu.memory_space<vmem_shared>>) target(%arg23 : memref<2000xf32, #tpu.memory_space<vmem>>) offsets(%arg15 : memref<2000xi32, #tpu.memory_space<vmem>>) semaphore(%arg31 : memref<!tpu.dma_semaphore, #tpu.memory_space<semaphore_mem>>)
    %dma_start3A_36 = arith.constant 0 : i32
    %dma_start3A_37 = tpu.memref_slice %arg10[%dma_start3A_36] : memref<2016xf32, #tpu.memory_space<vmem_shared>> -> memref<2016xf32, #tpu.memory_space<vmem_shared>>
    tpu.enqueue_indirect_dma source(%arg14 : memref<2000xf32, #tpu.memory_space<vmem>>) target(%dma_start3A_37 : memref<2016xf32, #tpu.memory_space<vmem_shared>>) offsets(%arg19 : memref<2000xi32, #tpu.memory_space<vmem>>) semaphore(%arg39 : memref<!tpu.dma_semaphore, #tpu.memory_space<semaphore_mem>>) {add = true}
    %add3A_38 = arith.constant 64 : i32
    %add3A_39 = arith.addi %add3A_38, %add3A : i32
    %mul3A_40 = arith.constant 2000 : i32
    %mul3A_41 = arith.muli %add3A_39, %mul3A_40 : i32
    %dma_start3A_42 = tpu.memref_slice %arg4[%mul3A_41] : memref<1600000xi32, #tpu.memory_space<hbm>> -> memref<2000xi32, #tpu.memory_space<hbm>>
    %dma_start3A_43 = tpu.memref_slice %arg4[%mul3A_41] : memref<1600000xi32, #tpu.memory_space<hbm>> -> memref<2000xi32, #tpu.memory_space<hbm>>
    tpu.enqueue_dma source(%dma_start3A_43 : memref<2000xi32, #tpu.memory_space<hbm>>) target(%arg17 : memref<2000xi32, #tpu.memory_space<vmem>>) target_semaphore(%arg29 : memref<!tpu.dma_semaphore, #tpu.memory_space<semaphore_mem>>)
    %dma_start3A_44 = tpu.memref_slice %arg5[%mul3A_41] : memref<1600000xi32, #tpu.memory_space<hbm>> -> memref<2000xi32, #tpu.memory_space<hbm>>
    %dma_start3A_45 = tpu.memref_slice %arg5[%mul3A_41] : memref<1600000xi32, #tpu.memory_space<hbm>> -> memref<2000xi32, #tpu.memory_space<hbm>>
    tpu.enqueue_dma source(%dma_start3A_45 : memref<2000xi32, #tpu.memory_space<hbm>>) target(%arg21 : memref<2000xi32, #tpu.memory_space<vmem>>) target_semaphore(%arg29 : memref<!tpu.dma_semaphore, #tpu.memory_space<semaphore_mem>>)
    %dma_wait3A_46 = tpu.memref_slice %arg4[%mul3A_26] : memref<1600000xi32, #tpu.memory_space<hbm>> -> memref<2000xi32, #tpu.memory_space<hbm>>
    %dma_wait3A_47 = tpu.memref_slice %arg4[%mul3A_26] : memref<1600000xi32, #tpu.memory_space<hbm>> -> memref<2000xi32, #tpu.memory_space<hbm>>
    tpu.wait_dma2 semaphore(%arg28 : memref<!tpu.dma_semaphore, #tpu.memory_space<semaphore_mem>>) src(%dma_wait3A_47 : memref<2000xi32, #tpu.memory_space<hbm>>) dst(%arg16 : memref<2000xi32, #tpu.memory_space<vmem>>)
    %dma_wait3A_48 = tpu.memref_slice %arg5[%mul3A_26] : memref<1600000xi32, #tpu.memory_space<hbm>> -> memref<2000xi32, #tpu.memory_space<hbm>>
    %dma_wait3A_49 = tpu.memref_slice %arg5[%mul3A_26] : memref<1600000xi32, #tpu.memory_space<hbm>> -> memref<2000xi32, #tpu.memory_space<hbm>>
    tpu.wait_dma2 semaphore(%arg28 : memref<!tpu.dma_semaphore, #tpu.memory_space<semaphore_mem>>) src(%dma_wait3A_49 : memref<2000xi32, #tpu.memory_space<hbm>>) dst(%arg20 : memref<2000xi32, #tpu.memory_space<vmem>>)
    %dma_start3A_50 = arith.constant 0 : i32
    %dma_start3A_51 = tpu.memref_slice %arg8[%dma_start3A_50] : memref<100096xf32, #tpu.memory_space<vmem_shared>> -> memref<100096xf32, #tpu.memory_space<vmem_shared>>
    tpu.enqueue_indirect_dma source(%dma_start3A_51 : memref<100096xf32, #tpu.memory_space<vmem_shared>>) target(%arg24 : memref<2000xf32, #tpu.memory_space<vmem>>) offsets(%arg16 : memref<2000xi32, #tpu.memory_space<vmem>>) semaphore(%arg32 : memref<!tpu.dma_semaphore, #tpu.memory_space<semaphore_mem>>)
    %dma_wait3A_52 = arith.constant 0 : i32
    %dma_wait3A_53 = tpu.memref_slice %arg8[%dma_wait3A_52] : memref<100096xf32, #tpu.memory_space<vmem_shared>> -> memref<100096xf32, #tpu.memory_space<vmem_shared>>
    tpu.wait_indirect_dma semaphore(%arg31 : memref<!tpu.dma_semaphore, #tpu.memory_space<semaphore_mem>>) src(%dma_wait3A_53 : memref<100096xf32, #tpu.memory_space<vmem_shared>>) dst(%arg23 : memref<2000xf32, #tpu.memory_space<vmem>>)
    %dma_start3A_54 = arith.constant 0 : i32
    %dma_start3A_55 = tpu.memref_slice %arg9[%dma_start3A_54] : memref<2016xf32, #tpu.memory_space<vmem_shared>> -> memref<2016xf32, #tpu.memory_space<vmem_shared>>
    tpu.enqueue_indirect_dma source(%arg23 : memref<2000xf32, #tpu.memory_space<vmem>>) target(%dma_start3A_55 : memref<2016xf32, #tpu.memory_space<vmem_shared>>) offsets(%arg19 : memref<2000xi32, #tpu.memory_space<vmem>>) semaphore(%arg35 : memref<!tpu.dma_semaphore, #tpu.memory_space<semaphore_mem>>) {add = true}
    %dma_start3A_56 = arith.constant 0 : i32
    %dma_start3A_57 = tpu.memref_slice %arg10[%dma_start3A_56] : memref<2016xf32, #tpu.memory_space<vmem_shared>> -> memref<2016xf32, #tpu.memory_space<vmem_shared>>
    tpu.enqueue_indirect_dma source(%arg14 : memref<2000xf32, #tpu.memory_space<vmem>>) target(%dma_start3A_57 : memref<2016xf32, #tpu.memory_space<vmem_shared>>) offsets(%arg20 : memref<2000xi32, #tpu.memory_space<vmem>>) semaphore(%arg40 : memref<!tpu.dma_semaphore, #tpu.memory_space<semaphore_mem>>) {add = true}
    %add3A_58 = arith.constant 96 : i32
    %add3A_59 = arith.addi %add3A_58, %add3A : i32
    %mul3A_60 = arith.constant 2000 : i32
    %mul3A_61 = arith.muli %add3A_59, %mul3A_60 : i32
    %dma_start3A_62 = tpu.memref_slice %arg4[%mul3A_61] : memref<1600000xi32, #tpu.memory_space<hbm>> -> memref<2000xi32, #tpu.memory_space<hbm>>
    %dma_start3A_63 = tpu.memref_slice %arg4[%mul3A_61] : memref<1600000xi32, #tpu.memory_space<hbm>> -> memref<2000xi32, #tpu.memory_space<hbm>>
    tpu.enqueue_dma source(%dma_start3A_63 : memref<2000xi32, #tpu.memory_space<hbm>>) target(%arg18 : memref<2000xi32, #tpu.memory_space<vmem>>) target_semaphore(%arg30 : memref<!tpu.dma_semaphore, #tpu.memory_space<semaphore_mem>>)
    %dma_start3A_64 = tpu.memref_slice %arg5[%mul3A_61] : memref<1600000xi32, #tpu.memory_space<hbm>> -> memref<2000xi32, #tpu.memory_space<hbm>>
    %dma_start3A_65 = tpu.memref_slice %arg5[%mul3A_61] : memref<1600000xi32, #tpu.memory_space<hbm>> -> memref<2000xi32, #tpu.memory_space<hbm>>
    tpu.enqueue_dma source(%dma_start3A_65 : memref<2000xi32, #tpu.memory_space<hbm>>) target(%arg22 : memref<2000xi32, #tpu.memory_space<vmem>>) target_semaphore(%arg30 : memref<!tpu.dma_semaphore, #tpu.memory_space<semaphore_mem>>)
    %dma_wait3A_66 = tpu.memref_slice %arg4[%mul3A_41] : memref<1600000xi32, #tpu.memory_space<hbm>> -> memref<2000xi32, #tpu.memory_space<hbm>>
    %dma_wait3A_67 = tpu.memref_slice %arg4[%mul3A_41] : memref<1600000xi32, #tpu.memory_space<hbm>> -> memref<2000xi32, #tpu.memory_space<hbm>>
    tpu.wait_dma2 semaphore(%arg29 : memref<!tpu.dma_semaphore, #tpu.memory_space<semaphore_mem>>) src(%dma_wait3A_67 : memref<2000xi32, #tpu.memory_space<hbm>>) dst(%arg17 : memref<2000xi32, #tpu.memory_space<vmem>>)
    %dma_wait3A_68 = tpu.memref_slice %arg5[%mul3A_41] : memref<1600000xi32, #tpu.memory_space<hbm>> -> memref<2000xi32, #tpu.memory_space<hbm>>
    %dma_wait3A_69 = tpu.memref_slice %arg5[%mul3A_41] : memref<1600000xi32, #tpu.memory_space<hbm>> -> memref<2000xi32, #tpu.memory_space<hbm>>
    tpu.wait_dma2 semaphore(%arg29 : memref<!tpu.dma_semaphore, #tpu.memory_space<semaphore_mem>>) src(%dma_wait3A_69 : memref<2000xi32, #tpu.memory_space<hbm>>) dst(%arg21 : memref<2000xi32, #tpu.memory_space<vmem>>)
    %dma_start3A_70 = arith.constant 0 : i32
    %dma_start3A_71 = tpu.memref_slice %arg8[%dma_start3A_70] : memref<100096xf32, #tpu.memory_space<vmem_shared>> -> memref<100096xf32, #tpu.memory_space<vmem_shared>>
    tpu.enqueue_indirect_dma source(%dma_start3A_71 : memref<100096xf32, #tpu.memory_space<vmem_shared>>) target(%arg25 : memref<2000xf32, #tpu.memory_space<vmem>>) offsets(%arg17 : memref<2000xi32, #tpu.memory_space<vmem>>) semaphore(%arg33 : memref<!tpu.dma_semaphore, #tpu.memory_space<semaphore_mem>>)
    %dma_wait3A_72 = arith.constant 0 : i32
    %dma_wait3A_73 = tpu.memref_slice %arg8[%dma_wait3A_72] : memref<100096xf32, #tpu.memory_space<vmem_shared>> -> memref<100096xf32, #tpu.memory_space<vmem_shared>>
    tpu.wait_indirect_dma semaphore(%arg32 : memref<!tpu.dma_semaphore, #tpu.memory_space<semaphore_mem>>) src(%dma_wait3A_73 : memref<100096xf32, #tpu.memory_space<vmem_shared>>) dst(%arg24 : memref<2000xf32, #tpu.memory_space<vmem>>)
    %dma_start3A_74 = arith.constant 0 : i32
    %dma_start3A_75 = tpu.memref_slice %arg9[%dma_start3A_74] : memref<2016xf32, #tpu.memory_space<vmem_shared>> -> memref<2016xf32, #tpu.memory_space<vmem_shared>>
    tpu.enqueue_indirect_dma source(%arg24 : memref<2000xf32, #tpu.memory_space<vmem>>) target(%dma_start3A_75 : memref<2016xf32, #tpu.memory_space<vmem_shared>>) offsets(%arg20 : memref<2000xi32, #tpu.memory_space<vmem>>) semaphore(%arg36 : memref<!tpu.dma_semaphore, #tpu.memory_space<semaphore_mem>>) {add = true}
    %dma_wait3A_76 = arith.constant 0 : i32
    %dma_wait3A_77 = tpu.memref_slice %arg9[%dma_wait3A_76] : memref<2016xf32, #tpu.memory_space<vmem_shared>> -> memref<2016xf32, #tpu.memory_space<vmem_shared>>
    tpu.wait_indirect_dma semaphore(%arg35 : memref<!tpu.dma_semaphore, #tpu.memory_space<semaphore_mem>>) src(%arg23 : memref<2000xf32, #tpu.memory_space<vmem>>) dst(%dma_wait3A_77 : memref<2016xf32, #tpu.memory_space<vmem_shared>>)
    %dma_wait3A_78 = arith.constant 0 : i32
    %dma_wait3A_79 = tpu.memref_slice %arg10[%dma_wait3A_78] : memref<2016xf32, #tpu.memory_space<vmem_shared>> -> memref<2016xf32, #tpu.memory_space<vmem_shared>>
    tpu.wait_indirect_dma semaphore(%arg39 : memref<!tpu.dma_semaphore, #tpu.memory_space<semaphore_mem>>) src(%arg14 : memref<2000xf32, #tpu.memory_space<vmem>>) dst(%dma_wait3A_79 : memref<2016xf32, #tpu.memory_space<vmem_shared>>)
    %dma_start3A_80 = arith.constant 0 : i32
    %dma_start3A_81 = tpu.memref_slice %arg10[%dma_start3A_80] : memref<2016xf32, #tpu.memory_space<vmem_shared>> -> memref<2016xf32, #tpu.memory_space<vmem_shared>>
    tpu.enqueue_indirect_dma source(%arg14 : memref<2000xf32, #tpu.memory_space<vmem>>) target(%dma_start3A_81 : memref<2016xf32, #tpu.memory_space<vmem_shared>>) offsets(%arg21 : memref<2000xi32, #tpu.memory_space<vmem>>) semaphore(%arg41 : memref<!tpu.dma_semaphore, #tpu.memory_space<semaphore_mem>>) {add = true}
    %add3A_82 = arith.constant 128 : i32
    %add3A_83 = arith.addi %add3A_82, %add3A : i32
    %mul3A_84 = arith.constant 2000 : i32
    %mul3A_85 = arith.muli %add3A_83, %mul3A_84 : i32
    %dma_start3A_86 = tpu.memref_slice %arg4[%mul3A_85] : memref<1600000xi32, #tpu.memory_space<hbm>> -> memref<2000xi32, #tpu.memory_space<hbm>>
    %dma_start3A_87 = tpu.memref_slice %arg4[%mul3A_85] : memref<1600000xi32, #tpu.memory_space<hbm>> -> memref<2000xi32, #tpu.memory_space<hbm>>
    tpu.enqueue_dma source(%dma_start3A_87 : memref<2000xi32, #tpu.memory_space<hbm>>) target(%arg15 : memref<2000xi32, #tpu.memory_space<vmem>>) target_semaphore(%arg27 : memref<!tpu.dma_semaphore, #tpu.memory_space<semaphore_mem>>)
    %dma_start3A_88 = tpu.memref_slice %arg5[%mul3A_85] : memref<1600000xi32, #tpu.memory_space<hbm>> -> memref<2000xi32, #tpu.memory_space<hbm>>
    %dma_start3A_89 = tpu.memref_slice %arg5[%mul3A_85] : memref<1600000xi32, #tpu.memory_space<hbm>> -> memref<2000xi32, #tpu.memory_space<hbm>>
    tpu.enqueue_dma source(%dma_start3A_89 : memref<2000xi32, #tpu.memory_space<hbm>>) target(%arg19 : memref<2000xi32, #tpu.memory_space<vmem>>) target_semaphore(%arg27 : memref<!tpu.dma_semaphore, #tpu.memory_space<semaphore_mem>>)
    %dma_wait3A_90 = tpu.memref_slice %arg4[%mul3A_61] : memref<1600000xi32, #tpu.memory_space<hbm>> -> memref<2000xi32, #tpu.memory_space<hbm>>
    %dma_wait3A_91 = tpu.memref_slice %arg4[%mul3A_61] : memref<1600000xi32, #tpu.memory_space<hbm>> -> memref<2000xi32, #tpu.memory_space<hbm>>
    tpu.wait_dma2 semaphore(%arg30 : memref<!tpu.dma_semaphore, #tpu.memory_space<semaphore_mem>>) src(%dma_wait3A_91 : memref<2000xi32, #tpu.memory_space<hbm>>) dst(%arg18 : memref<2000xi32, #tpu.memory_space<vmem>>)
    %dma_wait3A_92 = tpu.memref_slice %arg5[%mul3A_61] : memref<1600000xi32, #tpu.memory_space<hbm>> -> memref<2000xi32, #tpu.memory_space<hbm>>
    %dma_wait3A_93 = tpu.memref_slice %arg5[%mul3A_61] : memref<1600000xi32, #tpu.memory_space<hbm>> -> memref<2000xi32, #tpu.memory_space<hbm>>
    tpu.wait_dma2 semaphore(%arg30 : memref<!tpu.dma_semaphore, #tpu.memory_space<semaphore_mem>>) src(%dma_wait3A_93 : memref<2000xi32, #tpu.memory_space<hbm>>) dst(%arg22 : memref<2000xi32, #tpu.memory_space<vmem>>)
    %dma_start3A_94 = arith.constant 0 : i32
    %dma_start3A_95 = tpu.memref_slice %arg8[%dma_start3A_94] : memref<100096xf32, #tpu.memory_space<vmem_shared>> -> memref<100096xf32, #tpu.memory_space<vmem_shared>>
    tpu.enqueue_indirect_dma source(%dma_start3A_95 : memref<100096xf32, #tpu.memory_space<vmem_shared>>) target(%arg26 : memref<2000xf32, #tpu.memory_space<vmem>>) offsets(%arg18 : memref<2000xi32, #tpu.memory_space<vmem>>) semaphore(%arg34 : memref<!tpu.dma_semaphore, #tpu.memory_space<semaphore_mem>>)
    %dma_wait3A_96 = arith.constant 0 : i32
    %dma_wait3A_97 = tpu.memref_slice %arg8[%dma_wait3A_96] : memref<100096xf32, #tpu.memory_space<vmem_shared>> -> memref<100096xf32, #tpu.memory_space<vmem_shared>>
    tpu.wait_indirect_dma semaphore(%arg33 : memref<!tpu.dma_semaphore, #tpu.memory_space<semaphore_mem>>) src(%dma_wait3A_97 : memref<100096xf32, #tpu.memory_space<vmem_shared>>) dst(%arg25 : memref<2000xf32, #tpu.memory_space<vmem>>)
    %dma_start3A_98 = arith.constant 0 : i32
    %dma_start3A_99 = tpu.memref_slice %arg9[%dma_start3A_98] : memref<2016xf32, #tpu.memory_space<vmem_shared>> -> memref<2016xf32, #tpu.memory_space<vmem_shared>>
    tpu.enqueue_indirect_dma source(%arg25 : memref<2000xf32, #tpu.memory_space<vmem>>) target(%dma_start3A_99 : memref<2016xf32, #tpu.memory_space<vmem_shared>>) offsets(%arg21 : memref<2000xi32, #tpu.memory_space<vmem>>) semaphore(%arg37 : memref<!tpu.dma_semaphore, #tpu.memory_space<semaphore_mem>>) {add = true}
    %dma_wait3A_100 = arith.constant 0 : i32
    %dma_wait3A_101 = tpu.memref_slice %arg9[%dma_wait3A_100] : memref<2016xf32, #tpu.memory_space<vmem_shared>> -> memref<2016xf32, #tpu.memory_space<vmem_shared>>
    tpu.wait_indirect_dma semaphore(%arg36 : memref<!tpu.dma_semaphore, #tpu.memory_space<semaphore_mem>>) src(%arg24 : memref<2000xf32, #tpu.memory_space<vmem>>) dst(%dma_wait3A_101 : memref<2016xf32, #tpu.memory_space<vmem_shared>>)
    %dma_wait3A_102 = arith.constant 0 : i32
    %dma_wait3A_103 = tpu.memref_slice %arg10[%dma_wait3A_102] : memref<2016xf32, #tpu.memory_space<vmem_shared>> -> memref<2016xf32, #tpu.memory_space<vmem_shared>>
    tpu.wait_indirect_dma semaphore(%arg40 : memref<!tpu.dma_semaphore, #tpu.memory_space<semaphore_mem>>) src(%arg14 : memref<2000xf32, #tpu.memory_space<vmem>>) dst(%dma_wait3A_103 : memref<2016xf32, #tpu.memory_space<vmem_shared>>)
    %dma_start3A_104 = arith.constant 0 : i32
    %dma_start3A_105 = tpu.memref_slice %arg10[%dma_start3A_104] : memref<2016xf32, #tpu.memory_space<vmem_shared>> -> memref<2016xf32, #tpu.memory_space<vmem_shared>>
    tpu.enqueue_indirect_dma source(%arg14 : memref<2000xf32, #tpu.memory_space<vmem>>) target(%dma_start3A_105 : memref<2016xf32, #tpu.memory_space<vmem_shared>>) offsets(%arg22 : memref<2000xi32, #tpu.memory_space<vmem>>) semaphore(%arg42 : memref<!tpu.dma_semaphore, #tpu.memory_space<semaphore_mem>>) {add = true}
    %add3A_106 = arith.constant 160 : i32
    %add3A_107 = arith.addi %add3A_106, %add3A : i32
    %mul3A_108 = arith.constant 2000 : i32
    %mul3A_109 = arith.muli %add3A_107, %mul3A_108 : i32
    %dma_start3A_110 = tpu.memref_slice %arg4[%mul3A_109] : memref<1600000xi32, #tpu.memory_space<hbm>> -> memref<2000xi32, #tpu.memory_space<hbm>>
    %dma_start3A_111 = tpu.memref_slice %arg4[%mul3A_109] : memref<1600000xi32, #tpu.memory_space<hbm>> -> memref<2000xi32, #tpu.memory_space<hbm>>
    tpu.enqueue_dma source(%dma_start3A_111 : memref<2000xi32, #tpu.memory_space<hbm>>) target(%arg16 : memref<2000xi32, #tpu.memory_space<vmem>>) target_semaphore(%arg28 : memref<!tpu.dma_semaphore, #tpu.memory_space<semaphore_mem>>)
    %dma_start3A_112 = tpu.memref_slice %arg5[%mul3A_109] : memref<1600000xi32, #tpu.memory_space<hbm>> -> memref<2000xi32, #tpu.memory_space<hbm>>
    %dma_start3A_113 = tpu.memref_slice %arg5[%mul3A_109] : memref<1600000xi32, #tpu.memory_space<hbm>> -> memref<2000xi32, #tpu.memory_space<hbm>>
    tpu.enqueue_dma source(%dma_start3A_113 : memref<2000xi32, #tpu.memory_space<hbm>>) target(%arg20 : memref<2000xi32, #tpu.memory_space<vmem>>) target_semaphore(%arg28 : memref<!tpu.dma_semaphore, #tpu.memory_space<semaphore_mem>>)
    %dma_wait3A_114 = tpu.memref_slice %arg4[%mul3A_85] : memref<1600000xi32, #tpu.memory_space<hbm>> -> memref<2000xi32, #tpu.memory_space<hbm>>
    %dma_wait3A_115 = tpu.memref_slice %arg4[%mul3A_85] : memref<1600000xi32, #tpu.memory_space<hbm>> -> memref<2000xi32, #tpu.memory_space<hbm>>
    tpu.wait_dma2 semaphore(%arg27 : memref<!tpu.dma_semaphore, #tpu.memory_space<semaphore_mem>>) src(%dma_wait3A_115 : memref<2000xi32, #tpu.memory_space<hbm>>) dst(%arg15 : memref<2000xi32, #tpu.memory_space<vmem>>)
    %dma_wait3A_116 = tpu.memref_slice %arg5[%mul3A_85] : memref<1600000xi32, #tpu.memory_space<hbm>> -> memref<2000xi32, #tpu.memory_space<hbm>>
    %dma_wait3A_117 = tpu.memref_slice %arg5[%mul3A_85] : memref<1600000xi32, #tpu.memory_space<hbm>> -> memref<2000xi32, #tpu.memory_space<hbm>>
    tpu.wait_dma2 semaphore(%arg27 : memref<!tpu.dma_semaphore, #tpu.memory_space<semaphore_mem>>) src(%dma_wait3A_117 : memref<2000xi32, #tpu.memory_space<hbm>>) dst(%arg19 : memref<2000xi32, #tpu.memory_space<vmem>>)
    %dma_start3A_118 = arith.constant 0 : i32
    %dma_start3A_119 = tpu.memref_slice %arg8[%dma_start3A_118] : memref<100096xf32, #tpu.memory_space<vmem_shared>> -> memref<100096xf32, #tpu.memory_space<vmem_shared>>
    tpu.enqueue_indirect_dma source(%dma_start3A_119 : memref<100096xf32, #tpu.memory_space<vmem_shared>>) target(%arg23 : memref<2000xf32, #tpu.memory_space<vmem>>) offsets(%arg15 : memref<2000xi32, #tpu.memory_space<vmem>>) semaphore(%arg31 : memref<!tpu.dma_semaphore, #tpu.memory_space<semaphore_mem>>)
    %dma_wait3A_120 = arith.constant 0 : i32
    %dma_wait3A_121 = tpu.memref_slice %arg8[%dma_wait3A_120] : memref<100096xf32, #tpu.memory_space<vmem_shared>> -> memref<100096xf32, #tpu.memory_space<vmem_shared>>
    tpu.wait_indirect_dma semaphore(%arg34 : memref<!tpu.dma_semaphore, #tpu.memory_space<semaphore_mem>>) src(%dma_wait3A_121 : memref<100096xf32, #tpu.memory_space<vmem_shared>>) dst(%arg26 : memref<2000xf32, #tpu.memory_space<vmem>>)
    %dma_start3A_122 = arith.constant 0 : i32
    %dma_start3A_123 = tpu.memref_slice %arg9[%dma_start3A_122] : memref<2016xf32, #tpu.memory_space<vmem_shared>> -> memref<2016xf32, #tpu.memory_space<vmem_shared>>
    tpu.enqueue_indirect_dma source(%arg26 : memref<2000xf32, #tpu.memory_space<vmem>>) target(%dma_start3A_123 : memref<2016xf32, #tpu.memory_space<vmem_shared>>) offsets(%arg22 : memref<2000xi32, #tpu.memory_space<vmem>>) semaphore(%arg38 : memref<!tpu.dma_semaphore, #tpu.memory_space<semaphore_mem>>) {add = true}
    %dma_wait3A_124 = arith.constant 0 : i32
    %dma_wait3A_125 = tpu.memref_slice %arg9[%dma_wait3A_124] : memref<2016xf32, #tpu.memory_space<vmem_shared>> -> memref<2016xf32, #tpu.memory_space<vmem_shared>>
    tpu.wait_indirect_dma semaphore(%arg37 : memref<!tpu.dma_semaphore, #tpu.memory_space<semaphore_mem>>) src(%arg25 : memref<2000xf32, #tpu.memory_space<vmem>>) dst(%dma_wait3A_125 : memref<2016xf32, #tpu.memory_space<vmem_shared>>)
    %dma_wait3A_126 = arith.constant 0 : i32
    %dma_wait3A_127 = tpu.memref_slice %arg10[%dma_wait3A_126] : memref<2016xf32, #tpu.memory_space<vmem_shared>> -> memref<2016xf32, #tpu.memory_space<vmem_shared>>
    tpu.wait_indirect_dma semaphore(%arg41 : memref<!tpu.dma_semaphore, #tpu.memory_space<semaphore_mem>>) src(%arg14 : memref<2000xf32, #tpu.memory_space<vmem>>) dst(%dma_wait3A_127 : memref<2016xf32, #tpu.memory_space<vmem_shared>>)
    %dma_start3A_128 = arith.constant 0 : i32
    %dma_start3A_129 = tpu.memref_slice %arg10[%dma_start3A_128] : memref<2016xf32, #tpu.memory_space<vmem_shared>> -> memref<2016xf32, #tpu.memory_space<vmem_shared>>
    tpu.enqueue_indirect_dma source(%arg14 : memref<2000xf32, #tpu.memory_space<vmem>>) target(%dma_start3A_129 : memref<2016xf32, #tpu.memory_space<vmem_shared>>) offsets(%arg19 : memref<2000xi32, #tpu.memory_space<vmem>>) semaphore(%arg39 : memref<!tpu.dma_semaphore, #tpu.memory_space<semaphore_mem>>) {add = true}
    %add3A_130 = arith.constant 192 : i32
    %add3A_131 = arith.addi %add3A_130, %add3A : i32
    %mul3A_132 = arith.constant 2000 : i32
    %mul3A_133 = arith.muli %add3A_131, %mul3A_132 : i32
    %dma_start3A_134 = tpu.memref_slice %arg4[%mul3A_133] : memref<1600000xi32, #tpu.memory_space<hbm>> -> memref<2000xi32, #tpu.memory_space<hbm>>
    %dma_start3A_135 = tpu.memref_slice %arg4[%mul3A_133] : memref<1600000xi32, #tpu.memory_space<hbm>> -> memref<2000xi32, #tpu.memory_space<hbm>>
    tpu.enqueue_dma source(%dma_start3A_135 : memref<2000xi32, #tpu.memory_space<hbm>>) target(%arg17 : memref<2000xi32, #tpu.memory_space<vmem>>) target_semaphore(%arg29 : memref<!tpu.dma_semaphore, #tpu.memory_space<semaphore_mem>>)
    %dma_start3A_136 = tpu.memref_slice %arg5[%mul3A_133] : memref<1600000xi32, #tpu.memory_space<hbm>> -> memref<2000xi32, #tpu.memory_space<hbm>>
    %dma_start3A_137 = tpu.memref_slice %arg5[%mul3A_133] : memref<1600000xi32, #tpu.memory_space<hbm>> -> memref<2000xi32, #tpu.memory_space<hbm>>
    tpu.enqueue_dma source(%dma_start3A_137 : memref<2000xi32, #tpu.memory_space<hbm>>) target(%arg21 : memref<2000xi32, #tpu.memory_space<vmem>>) target_semaphore(%arg29 : memref<!tpu.dma_semaphore, #tpu.memory_space<semaphore_mem>>)
    %dma_wait3A_138 = tpu.memref_slice %arg4[%mul3A_109] : memref<1600000xi32, #tpu.memory_space<hbm>> -> memref<2000xi32, #tpu.memory_space<hbm>>
    %dma_wait3A_139 = tpu.memref_slice %arg4[%mul3A_109] : memref<1600000xi32, #tpu.memory_space<hbm>> -> memref<2000xi32, #tpu.memory_space<hbm>>
    tpu.wait_dma2 semaphore(%arg28 : memref<!tpu.dma_semaphore, #tpu.memory_space<semaphore_mem>>) src(%dma_wait3A_139 : memref<2000xi32, #tpu.memory_space<hbm>>) dst(%arg16 : memref<2000xi32, #tpu.memory_space<vmem>>)
    %dma_wait3A_140 = tpu.memref_slice %arg5[%mul3A_109] : memref<1600000xi32, #tpu.memory_space<hbm>> -> memref<2000xi32, #tpu.memory_space<hbm>>
    %dma_wait3A_141 = tpu.memref_slice %arg5[%mul3A_109] : memref<1600000xi32, #tpu.memory_space<hbm>> -> memref<2000xi32, #tpu.memory_space<hbm>>
    tpu.wait_dma2 semaphore(%arg28 : memref<!tpu.dma_semaphore, #tpu.memory_space<semaphore_mem>>) src(%dma_wait3A_141 : memref<2000xi32, #tpu.memory_space<hbm>>) dst(%arg20 : memref<2000xi32, #tpu.memory_space<vmem>>)
    %dma_start3A_142 = arith.constant 0 : i32
    %dma_start3A_143 = tpu.memref_slice %arg8[%dma_start3A_142] : memref<100096xf32, #tpu.memory_space<vmem_shared>> -> memref<100096xf32, #tpu.memory_space<vmem_shared>>
    tpu.enqueue_indirect_dma source(%dma_start3A_143 : memref<100096xf32, #tpu.memory_space<vmem_shared>>) target(%arg24 : memref<2000xf32, #tpu.memory_space<vmem>>) offsets(%arg16 : memref<2000xi32, #tpu.memory_space<vmem>>) semaphore(%arg32 : memref<!tpu.dma_semaphore, #tpu.memory_space<semaphore_mem>>)
    %dma_wait3A_144 = arith.constant 0 : i32
    %dma_wait3A_145 = tpu.memref_slice %arg8[%dma_wait3A_144] : memref<100096xf32, #tpu.memory_space<vmem_shared>> -> memref<100096xf32, #tpu.memory_space<vmem_shared>>
    tpu.wait_indirect_dma semaphore(%arg31 : memref<!tpu.dma_semaphore, #tpu.memory_space<semaphore_mem>>) src(%dma_wait3A_145 : memref<100096xf32, #tpu.memory_space<vmem_shared>>) dst(%arg23 : memref<2000xf32, #tpu.memory_space<vmem>>)
    %dma_start3A_146 = arith.constant 0 : i32
    %dma_start3A_147 = tpu.memref_slice %arg9[%dma_start3A_146] : memref<2016xf32, #tpu.memory_space<vmem_shared>> -> memref<2016xf32, #tpu.memory_space<vmem_shared>>
    tpu.enqueue_indirect_dma source(%arg23 : memref<2000xf32, #tpu.memory_space<vmem>>) target(%dma_start3A_147 : memref<2016xf32, #tpu.memory_space<vmem_shared>>) offsets(%arg19 : memref<2000xi32, #tpu.memory_space<vmem>>) semaphore(%arg35 : memref<!tpu.dma_semaphore, #tpu.memory_space<semaphore_mem>>) {add = true}
    %dma_wait3A_148 = arith.constant 0 : i32
    %dma_wait3A_149 = tpu.memref_slice %arg9[%dma_wait3A_148] : memref<2016xf32, #tpu.memory_space<vmem_shared>> -> memref<2016xf32, #tpu.memory_space<vmem_shared>>
    tpu.wait_indirect_dma semaphore(%arg38 : memref<!tpu.dma_semaphore, #tpu.memory_space<semaphore_mem>>) src(%arg26 : memref<2000xf32, #tpu.memory_space<vmem>>) dst(%dma_wait3A_149 : memref<2016xf32, #tpu.memory_space<vmem_shared>>)
    %dma_wait3A_150 = arith.constant 0 : i32
    %dma_wait3A_151 = tpu.memref_slice %arg10[%dma_wait3A_150] : memref<2016xf32, #tpu.memory_space<vmem_shared>> -> memref<2016xf32, #tpu.memory_space<vmem_shared>>
    tpu.wait_indirect_dma semaphore(%arg42 : memref<!tpu.dma_semaphore, #tpu.memory_space<semaphore_mem>>) src(%arg14 : memref<2000xf32, #tpu.memory_space<vmem>>) dst(%dma_wait3A_151 : memref<2016xf32, #tpu.memory_space<vmem_shared>>)
    %dma_start3A_152 = arith.constant 0 : i32
    %dma_start3A_153 = tpu.memref_slice %arg10[%dma_start3A_152] : memref<2016xf32, #tpu.memory_space<vmem_shared>> -> memref<2016xf32, #tpu.memory_space<vmem_shared>>
    tpu.enqueue_indirect_dma source(%arg14 : memref<2000xf32, #tpu.memory_space<vmem>>) target(%dma_start3A_153 : memref<2016xf32, #tpu.memory_space<vmem_shared>>) offsets(%arg20 : memref<2000xi32, #tpu.memory_space<vmem>>) semaphore(%arg40 : memref<!tpu.dma_semaphore, #tpu.memory_space<semaphore_mem>>) {add = true}
    %add3A_154 = arith.constant 224 : i32
    %add3A_155 = arith.addi %add3A_154, %add3A : i32
    %mul3A_156 = arith.constant 2000 : i32
    %mul3A_157 = arith.muli %add3A_155, %mul3A_156 : i32
    %dma_start3A_158 = tpu.memref_slice %arg4[%mul3A_157] : memref<1600000xi32, #tpu.memory_space<hbm>> -> memref<2000xi32, #tpu.memory_space<hbm>>
    %dma_start3A_159 = tpu.memref_slice %arg4[%mul3A_157] : memref<1600000xi32, #tpu.memory_space<hbm>> -> memref<2000xi32, #tpu.memory_space<hbm>>
    tpu.enqueue_dma source(%dma_start3A_159 : memref<2000xi32, #tpu.memory_space<hbm>>) target(%arg18 : memref<2000xi32, #tpu.memory_space<vmem>>) target_semaphore(%arg30 : memref<!tpu.dma_semaphore, #tpu.memory_space<semaphore_mem>>)
    %dma_start3A_160 = tpu.memref_slice %arg5[%mul3A_157] : memref<1600000xi32, #tpu.memory_space<hbm>> -> memref<2000xi32, #tpu.memory_space<hbm>>
    %dma_start3A_161 = tpu.memref_slice %arg5[%mul3A_157] : memref<1600000xi32, #tpu.memory_space<hbm>> -> memref<2000xi32, #tpu.memory_space<hbm>>
    tpu.enqueue_dma source(%dma_start3A_161 : memref<2000xi32, #tpu.memory_space<hbm>>) target(%arg22 : memref<2000xi32, #tpu.memory_space<vmem>>) target_semaphore(%arg30 : memref<!tpu.dma_semaphore, #tpu.memory_space<semaphore_mem>>)
    %dma_wait3A_162 = tpu.memref_slice %arg4[%mul3A_133] : memref<1600000xi32, #tpu.memory_space<hbm>> -> memref<2000xi32, #tpu.memory_space<hbm>>
    %dma_wait3A_163 = tpu.memref_slice %arg4[%mul3A_133] : memref<1600000xi32, #tpu.memory_space<hbm>> -> memref<2000xi32, #tpu.memory_space<hbm>>
    tpu.wait_dma2 semaphore(%arg29 : memref<!tpu.dma_semaphore, #tpu.memory_space<semaphore_mem>>) src(%dma_wait3A_163 : memref<2000xi32, #tpu.memory_space<hbm>>) dst(%arg17 : memref<2000xi32, #tpu.memory_space<vmem>>)
    %dma_wait3A_164 = tpu.memref_slice %arg5[%mul3A_133] : memref<1600000xi32, #tpu.memory_space<hbm>> -> memref<2000xi32, #tpu.memory_space<hbm>>
    %dma_wait3A_165 = tpu.memref_slice %arg5[%mul3A_133] : memref<1600000xi32, #tpu.memory_space<hbm>> -> memref<2000xi32, #tpu.memory_space<hbm>>
    tpu.wait_dma2 semaphore(%arg29 : memref<!tpu.dma_semaphore, #tpu.memory_space<semaphore_mem>>) src(%dma_wait3A_165 : memref<2000xi32, #tpu.memory_space<hbm>>) dst(%arg21 : memref<2000xi32, #tpu.memory_space<vmem>>)
    %dma_start3A_166 = arith.constant 0 : i32
    %dma_start3A_167 = tpu.memref_slice %arg8[%dma_start3A_166] : memref<100096xf32, #tpu.memory_space<vmem_shared>> -> memref<100096xf32, #tpu.memory_space<vmem_shared>>
    tpu.enqueue_indirect_dma source(%dma_start3A_167 : memref<100096xf32, #tpu.memory_space<vmem_shared>>) target(%arg25 : memref<2000xf32, #tpu.memory_space<vmem>>) offsets(%arg17 : memref<2000xi32, #tpu.memory_space<vmem>>) semaphore(%arg33 : memref<!tpu.dma_semaphore, #tpu.memory_space<semaphore_mem>>)
    %dma_wait3A_168 = arith.constant 0 : i32
    %dma_wait3A_169 = tpu.memref_slice %arg8[%dma_wait3A_168] : memref<100096xf32, #tpu.memory_space<vmem_shared>> -> memref<100096xf32, #tpu.memory_space<vmem_shared>>
    tpu.wait_indirect_dma semaphore(%arg32 : memref<!tpu.dma_semaphore, #tpu.memory_space<semaphore_mem>>) src(%dma_wait3A_169 : memref<100096xf32, #tpu.memory_space<vmem_shared>>) dst(%arg24 : memref<2000xf32, #tpu.memory_space<vmem>>)
    %dma_start3A_170 = arith.constant 0 : i32
    %dma_start3A_171 = tpu.memref_slice %arg9[%dma_start3A_170] : memref<2016xf32, #tpu.memory_space<vmem_shared>> -> memref<2016xf32, #tpu.memory_space<vmem_shared>>
    tpu.enqueue_indirect_dma source(%arg24 : memref<2000xf32, #tpu.memory_space<vmem>>) target(%dma_start3A_171 : memref<2016xf32, #tpu.memory_space<vmem_shared>>) offsets(%arg20 : memref<2000xi32, #tpu.memory_space<vmem>>) semaphore(%arg36 : memref<!tpu.dma_semaphore, #tpu.memory_space<semaphore_mem>>) {add = true}
    %dma_wait3A_172 = arith.constant 0 : i32
    %dma_wait3A_173 = tpu.memref_slice %arg9[%dma_wait3A_172] : memref<2016xf32, #tpu.memory_space<vmem_shared>> -> memref<2016xf32, #tpu.memory_space<vmem_shared>>
    tpu.wait_indirect_dma semaphore(%arg35 : memref<!tpu.dma_semaphore, #tpu.memory_space<semaphore_mem>>) src(%arg23 : memref<2000xf32, #tpu.memory_space<vmem>>) dst(%dma_wait3A_173 : memref<2016xf32, #tpu.memory_space<vmem_shared>>)
    %dma_wait3A_174 = arith.constant 0 : i32
    %dma_wait3A_175 = tpu.memref_slice %arg10[%dma_wait3A_174] : memref<2016xf32, #tpu.memory_space<vmem_shared>> -> memref<2016xf32, #tpu.memory_space<vmem_shared>>
    tpu.wait_indirect_dma semaphore(%arg39 : memref<!tpu.dma_semaphore, #tpu.memory_space<semaphore_mem>>) src(%arg14 : memref<2000xf32, #tpu.memory_space<vmem>>) dst(%dma_wait3A_175 : memref<2016xf32, #tpu.memory_space<vmem_shared>>)
    %dma_start3A_176 = arith.constant 0 : i32
    %dma_start3A_177 = tpu.memref_slice %arg10[%dma_start3A_176] : memref<2016xf32, #tpu.memory_space<vmem_shared>> -> memref<2016xf32, #tpu.memory_space<vmem_shared>>
    tpu.enqueue_indirect_dma source(%arg14 : memref<2000xf32, #tpu.memory_space<vmem>>) target(%dma_start3A_177 : memref<2016xf32, #tpu.memory_space<vmem_shared>>) offsets(%arg21 : memref<2000xi32, #tpu.memory_space<vmem>>) semaphore(%arg41 : memref<!tpu.dma_semaphore, #tpu.memory_space<semaphore_mem>>) {add = true}
    %add3A_178 = arith.constant 256 : i32
    %add3A_179 = arith.addi %add3A_178, %add3A : i32
    %mul3A_180 = arith.constant 2000 : i32
    %mul3A_181 = arith.muli %add3A_179, %mul3A_180 : i32
    %dma_start3A_182 = tpu.memref_slice %arg4[%mul3A_181] : memref<1600000xi32, #tpu.memory_space<hbm>> -> memref<2000xi32, #tpu.memory_space<hbm>>
    %dma_start3A_183 = tpu.memref_slice %arg4[%mul3A_181] : memref<1600000xi32, #tpu.memory_space<hbm>> -> memref<2000xi32, #tpu.memory_space<hbm>>
    tpu.enqueue_dma source(%dma_start3A_183 : memref<2000xi32, #tpu.memory_space<hbm>>) target(%arg15 : memref<2000xi32, #tpu.memory_space<vmem>>) target_semaphore(%arg27 : memref<!tpu.dma_semaphore, #tpu.memory_space<semaphore_mem>>)
    %dma_start3A_184 = tpu.memref_slice %arg5[%mul3A_181] : memref<1600000xi32, #tpu.memory_space<hbm>> -> memref<2000xi32, #tpu.memory_space<hbm>>
    %dma_start3A_185 = tpu.memref_slice %arg5[%mul3A_181] : memref<1600000xi32, #tpu.memory_space<hbm>> -> memref<2000xi32, #tpu.memory_space<hbm>>
    tpu.enqueue_dma source(%dma_start3A_185 : memref<2000xi32, #tpu.memory_space<hbm>>) target(%arg19 : memref<2000xi32, #tpu.memory_space<vmem>>) target_semaphore(%arg27 : memref<!tpu.dma_semaphore, #tpu.memory_space<semaphore_mem>>)
    %dma_wait3A_186 = tpu.memref_slice %arg4[%mul3A_157] : memref<1600000xi32, #tpu.memory_space<hbm>> -> memref<2000xi32, #tpu.memory_space<hbm>>
    %dma_wait3A_187 = tpu.memref_slice %arg4[%mul3A_157] : memref<1600000xi32, #tpu.memory_space<hbm>> -> memref<2000xi32, #tpu.memory_space<hbm>>
    tpu.wait_dma2 semaphore(%arg30 : memref<!tpu.dma_semaphore, #tpu.memory_space<semaphore_mem>>) src(%dma_wait3A_187 : memref<2000xi32, #tpu.memory_space<hbm>>) dst(%arg18 : memref<2000xi32, #tpu.memory_space<vmem>>)
    %dma_wait3A_188 = tpu.memref_slice %arg5[%mul3A_157] : memref<1600000xi32, #tpu.memory_space<hbm>> -> memref<2000xi32, #tpu.memory_space<hbm>>
    %dma_wait3A_189 = tpu.memref_slice %arg5[%mul3A_157] : memref<1600000xi32, #tpu.memory_space<hbm>> -> memref<2000xi32, #tpu.memory_space<hbm>>
    tpu.wait_dma2 semaphore(%arg30 : memref<!tpu.dma_semaphore, #tpu.memory_space<semaphore_mem>>) src(%dma_wait3A_189 : memref<2000xi32, #tpu.memory_space<hbm>>) dst(%arg22 : memref<2000xi32, #tpu.memory_space<vmem>>)
    %dma_start3A_190 = arith.constant 0 : i32
    %dma_start3A_191 = tpu.memref_slice %arg8[%dma_start3A_190] : memref<100096xf32, #tpu.memory_space<vmem_shared>> -> memref<100096xf32, #tpu.memory_space<vmem_shared>>
    tpu.enqueue_indirect_dma source(%dma_start3A_191 : memref<100096xf32, #tpu.memory_space<vmem_shared>>) target(%arg26 : memref<2000xf32, #tpu.memory_space<vmem>>) offsets(%arg18 : memref<2000xi32, #tpu.memory_space<vmem>>) semaphore(%arg34 : memref<!tpu.dma_semaphore, #tpu.memory_space<semaphore_mem>>)
    %dma_wait3A_192 = arith.constant 0 : i32
    %dma_wait3A_193 = tpu.memref_slice %arg8[%dma_wait3A_192] : memref<100096xf32, #tpu.memory_space<vmem_shared>> -> memref<100096xf32, #tpu.memory_space<vmem_shared>>
    tpu.wait_indirect_dma semaphore(%arg33 : memref<!tpu.dma_semaphore, #tpu.memory_space<semaphore_mem>>) src(%dma_wait3A_193 : memref<100096xf32, #tpu.memory_space<vmem_shared>>) dst(%arg25 : memref<2000xf32, #tpu.memory_space<vmem>>)
    %dma_start3A_194 = arith.constant 0 : i32
    %dma_start3A_195 = tpu.memref_slice %arg9[%dma_start3A_194] : memref<2016xf32, #tpu.memory_space<vmem_shared>> -> memref<2016xf32, #tpu.memory_space<vmem_shared>>
    tpu.enqueue_indirect_dma source(%arg25 : memref<2000xf32, #tpu.memory_space<vmem>>) target(%dma_start3A_195 : memref<2016xf32, #tpu.memory_space<vmem_shared>>) offsets(%arg21 : memref<2000xi32, #tpu.memory_space<vmem>>) semaphore(%arg37 : memref<!tpu.dma_semaphore, #tpu.memory_space<semaphore_mem>>) {add = true}
    %dma_wait3A_196 = arith.constant 0 : i32
    %dma_wait3A_197 = tpu.memref_slice %arg9[%dma_wait3A_196] : memref<2016xf32, #tpu.memory_space<vmem_shared>> -> memref<2016xf32, #tpu.memory_space<vmem_shared>>
    tpu.wait_indirect_dma semaphore(%arg36 : memref<!tpu.dma_semaphore, #tpu.memory_space<semaphore_mem>>) src(%arg24 : memref<2000xf32, #tpu.memory_space<vmem>>) dst(%dma_wait3A_197 : memref<2016xf32, #tpu.memory_space<vmem_shared>>)
    %dma_wait3A_198 = arith.constant 0 : i32
    %dma_wait3A_199 = tpu.memref_slice %arg10[%dma_wait3A_198] : memref<2016xf32, #tpu.memory_space<vmem_shared>> -> memref<2016xf32, #tpu.memory_space<vmem_shared>>
    tpu.wait_indirect_dma semaphore(%arg40 : memref<!tpu.dma_semaphore, #tpu.memory_space<semaphore_mem>>) src(%arg14 : memref<2000xf32, #tpu.memory_space<vmem>>) dst(%dma_wait3A_199 : memref<2016xf32, #tpu.memory_space<vmem_shared>>)
    %dma_start3A_200 = arith.constant 0 : i32
    %dma_start3A_201 = tpu.memref_slice %arg10[%dma_start3A_200] : memref<2016xf32, #tpu.memory_space<vmem_shared>> -> memref<2016xf32, #tpu.memory_space<vmem_shared>>
    tpu.enqueue_indirect_dma source(%arg14 : memref<2000xf32, #tpu.memory_space<vmem>>) target(%dma_start3A_201 : memref<2016xf32, #tpu.memory_space<vmem_shared>>) offsets(%arg22 : memref<2000xi32, #tpu.memory_space<vmem>>) semaphore(%arg42 : memref<!tpu.dma_semaphore, #tpu.memory_space<semaphore_mem>>) {add = true}
    %add3A_202 = arith.constant 288 : i32
    %add3A_203 = arith.addi %add3A_202, %add3A : i32
    %mul3A_204 = arith.constant 2000 : i32
    %mul3A_205 = arith.muli %add3A_203, %mul3A_204 : i32
    %dma_start3A_206 = tpu.memref_slice %arg4[%mul3A_205] : memref<1600000xi32, #tpu.memory_space<hbm>> -> memref<2000xi32, #tpu.memory_space<hbm>>
    %dma_start3A_207 = tpu.memref_slice %arg4[%mul3A_205] : memref<1600000xi32, #tpu.memory_space<hbm>> -> memref<2000xi32, #tpu.memory_space<hbm>>
    tpu.enqueue_dma source(%dma_start3A_207 : memref<2000xi32, #tpu.memory_space<hbm>>) target(%arg16 : memref<2000xi32, #tpu.memory_space<vmem>>) target_semaphore(%arg28 : memref<!tpu.dma_semaphore, #tpu.memory_space<semaphore_mem>>)
    %dma_start3A_208 = tpu.memref_slice %arg5[%mul3A_205] : memref<1600000xi32, #tpu.memory_space<hbm>> -> memref<2000xi32, #tpu.memory_space<hbm>>
    %dma_start3A_209 = tpu.memref_slice %arg5[%mul3A_205] : memref<1600000xi32, #tpu.memory_space<hbm>> -> memref<2000xi32, #tpu.memory_space<hbm>>
    tpu.enqueue_dma source(%dma_start3A_209 : memref<2000xi32, #tpu.memory_space<hbm>>) target(%arg20 : memref<2000xi32, #tpu.memory_space<vmem>>) target_semaphore(%arg28 : memref<!tpu.dma_semaphore, #tpu.memory_space<semaphore_mem>>)
    %dma_wait3A_210 = tpu.memref_slice %arg4[%mul3A_181] : memref<1600000xi32, #tpu.memory_space<hbm>> -> memref<2000xi32, #tpu.memory_space<hbm>>
    %dma_wait3A_211 = tpu.memref_slice %arg4[%mul3A_181] : memref<1600000xi32, #tpu.memory_space<hbm>> -> memref<2000xi32, #tpu.memory_space<hbm>>
    tpu.wait_dma2 semaphore(%arg27 : memref<!tpu.dma_semaphore, #tpu.memory_space<semaphore_mem>>) src(%dma_wait3A_211 : memref<2000xi32, #tpu.memory_space<hbm>>) dst(%arg15 : memref<2000xi32, #tpu.memory_space<vmem>>)
    %dma_wait3A_212 = tpu.memref_slice %arg5[%mul3A_181] : memref<1600000xi32, #tpu.memory_space<hbm>> -> memref<2000xi32, #tpu.memory_space<hbm>>
    %dma_wait3A_213 = tpu.memref_slice %arg5[%mul3A_181] : memref<1600000xi32, #tpu.memory_space<hbm>> -> memref<2000xi32, #tpu.memory_space<hbm>>
    tpu.wait_dma2 semaphore(%arg27 : memref<!tpu.dma_semaphore, #tpu.memory_space<semaphore_mem>>) src(%dma_wait3A_213 : memref<2000xi32, #tpu.memory_space<hbm>>) dst(%arg19 : memref<2000xi32, #tpu.memory_space<vmem>>)
    %dma_start3A_214 = arith.constant 0 : i32
    %dma_start3A_215 = tpu.memref_slice %arg8[%dma_start3A_214] : memref<100096xf32, #tpu.memory_space<vmem_shared>> -> memref<100096xf32, #tpu.memory_space<vmem_shared>>
    tpu.enqueue_indirect_dma source(%dma_start3A_215 : memref<100096xf32, #tpu.memory_space<vmem_shared>>) target(%arg23 : memref<2000xf32, #tpu.memory_space<vmem>>) offsets(%arg15 : memref<2000xi32, #tpu.memory_space<vmem>>) semaphore(%arg31 : memref<!tpu.dma_semaphore, #tpu.memory_space<semaphore_mem>>)
    %dma_wait3A_216 = arith.constant 0 : i32
    %dma_wait3A_217 = tpu.memref_slice %arg8[%dma_wait3A_216] : memref<100096xf32, #tpu.memory_space<vmem_shared>> -> memref<100096xf32, #tpu.memory_space<vmem_shared>>
    tpu.wait_indirect_dma semaphore(%arg34 : memref<!tpu.dma_semaphore, #tpu.memory_space<semaphore_mem>>) src(%dma_wait3A_217 : memref<100096xf32, #tpu.memory_space<vmem_shared>>) dst(%arg26 : memref<2000xf32, #tpu.memory_space<vmem>>)
    %dma_start3A_218 = arith.constant 0 : i32
    %dma_start3A_219 = tpu.memref_slice %arg9[%dma_start3A_218] : memref<2016xf32, #tpu.memory_space<vmem_shared>> -> memref<2016xf32, #tpu.memory_space<vmem_shared>>
    tpu.enqueue_indirect_dma source(%arg26 : memref<2000xf32, #tpu.memory_space<vmem>>) target(%dma_start3A_219 : memref<2016xf32, #tpu.memory_space<vmem_shared>>) offsets(%arg22 : memref<2000xi32, #tpu.memory_space<vmem>>) semaphore(%arg38 : memref<!tpu.dma_semaphore, #tpu.memory_space<semaphore_mem>>) {add = true}
    %dma_wait3A_220 = arith.constant 0 : i32
    %dma_wait3A_221 = tpu.memref_slice %arg9[%dma_wait3A_220] : memref<2016xf32, #tpu.memory_space<vmem_shared>> -> memref<2016xf32, #tpu.memory_space<vmem_shared>>
    tpu.wait_indirect_dma semaphore(%arg37 : memref<!tpu.dma_semaphore, #tpu.memory_space<semaphore_mem>>) src(%arg25 : memref<2000xf32, #tpu.memory_space<vmem>>) dst(%dma_wait3A_221 : memref<2016xf32, #tpu.memory_space<vmem_shared>>)
    %dma_wait3A_222 = arith.constant 0 : i32
    %dma_wait3A_223 = tpu.memref_slice %arg10[%dma_wait3A_222] : memref<2016xf32, #tpu.memory_space<vmem_shared>> -> memref<2016xf32, #tpu.memory_space<vmem_shared>>
    tpu.wait_indirect_dma semaphore(%arg41 : memref<!tpu.dma_semaphore, #tpu.memory_space<semaphore_mem>>) src(%arg14 : memref<2000xf32, #tpu.memory_space<vmem>>) dst(%dma_wait3A_223 : memref<2016xf32, #tpu.memory_space<vmem_shared>>)
    %dma_start3A_224 = arith.constant 0 : i32
    %dma_start3A_225 = tpu.memref_slice %arg10[%dma_start3A_224] : memref<2016xf32, #tpu.memory_space<vmem_shared>> -> memref<2016xf32, #tpu.memory_space<vmem_shared>>
    tpu.enqueue_indirect_dma source(%arg14 : memref<2000xf32, #tpu.memory_space<vmem>>) target(%dma_start3A_225 : memref<2016xf32, #tpu.memory_space<vmem_shared>>) offsets(%arg19 : memref<2000xi32, #tpu.memory_space<vmem>>) semaphore(%arg39 : memref<!tpu.dma_semaphore, #tpu.memory_space<semaphore_mem>>) {add = true}
    %add3A_226 = arith.constant 320 : i32
    %add3A_227 = arith.addi %add3A_226, %add3A : i32
    %mul3A_228 = arith.constant 2000 : i32
    %mul3A_229 = arith.muli %add3A_227, %mul3A_228 : i32
    %dma_start3A_230 = tpu.memref_slice %arg4[%mul3A_229] : memref<1600000xi32, #tpu.memory_space<hbm>> -> memref<2000xi32, #tpu.memory_space<hbm>>
    %dma_start3A_231 = tpu.memref_slice %arg4[%mul3A_229] : memref<1600000xi32, #tpu.memory_space<hbm>> -> memref<2000xi32, #tpu.memory_space<hbm>>
    tpu.enqueue_dma source(%dma_start3A_231 : memref<2000xi32, #tpu.memory_space<hbm>>) target(%arg17 : memref<2000xi32, #tpu.memory_space<vmem>>) target_semaphore(%arg29 : memref<!tpu.dma_semaphore, #tpu.memory_space<semaphore_mem>>)
    %dma_start3A_232 = tpu.memref_slice %arg5[%mul3A_229] : memref<1600000xi32, #tpu.memory_space<hbm>> -> memref<2000xi32, #tpu.memory_space<hbm>>
    %dma_start3A_233 = tpu.memref_slice %arg5[%mul3A_229] : memref<1600000xi32, #tpu.memory_space<hbm>> -> memref<2000xi32, #tpu.memory_space<hbm>>
    tpu.enqueue_dma source(%dma_start3A_233 : memref<2000xi32, #tpu.memory_space<hbm>>) target(%arg21 : memref<2000xi32, #tpu.memory_space<vmem>>) target_semaphore(%arg29 : memref<!tpu.dma_semaphore, #tpu.memory_space<semaphore_mem>>)
    %dma_wait3A_234 = tpu.memref_slice %arg4[%mul3A_205] : memref<1600000xi32, #tpu.memory_space<hbm>> -> memref<2000xi32, #tpu.memory_space<hbm>>
    %dma_wait3A_235 = tpu.memref_slice %arg4[%mul3A_205] : memref<1600000xi32, #tpu.memory_space<hbm>> -> memref<2000xi32, #tpu.memory_space<hbm>>
    tpu.wait_dma2 semaphore(%arg28 : memref<!tpu.dma_semaphore, #tpu.memory_space<semaphore_mem>>) src(%dma_wait3A_235 : memref<2000xi32, #tpu.memory_space<hbm>>) dst(%arg16 : memref<2000xi32, #tpu.memory_space<vmem>>)
    %dma_wait3A_236 = tpu.memref_slice %arg5[%mul3A_205] : memref<1600000xi32, #tpu.memory_space<hbm>> -> memref<2000xi32, #tpu.memory_space<hbm>>
    %dma_wait3A_237 = tpu.memref_slice %arg5[%mul3A_205] : memref<1600000xi32, #tpu.memory_space<hbm>> -> memref<2000xi32, #tpu.memory_space<hbm>>
    tpu.wait_dma2 semaphore(%arg28 : memref<!tpu.dma_semaphore, #tpu.memory_space<semaphore_mem>>) src(%dma_wait3A_237 : memref<2000xi32, #tpu.memory_space<hbm>>) dst(%arg20 : memref<2000xi32, #tpu.memory_space<vmem>>)
    %dma_start3A_238 = arith.constant 0 : i32
    %dma_start3A_239 = tpu.memref_slice %arg8[%dma_start3A_238] : memref<100096xf32, #tpu.memory_space<vmem_shared>> -> memref<100096xf32, #tpu.memory_space<vmem_shared>>
    tpu.enqueue_indirect_dma source(%dma_start3A_239 : memref<100096xf32, #tpu.memory_space<vmem_shared>>) target(%arg24 : memref<2000xf32, #tpu.memory_space<vmem>>) offsets(%arg16 : memref<2000xi32, #tpu.memory_space<vmem>>) semaphore(%arg32 : memref<!tpu.dma_semaphore, #tpu.memory_space<semaphore_mem>>)
    %dma_wait3A_240 = arith.constant 0 : i32
    %dma_wait3A_241 = tpu.memref_slice %arg8[%dma_wait3A_240] : memref<100096xf32, #tpu.memory_space<vmem_shared>> -> memref<100096xf32, #tpu.memory_space<vmem_shared>>
    tpu.wait_indirect_dma semaphore(%arg31 : memref<!tpu.dma_semaphore, #tpu.memory_space<semaphore_mem>>) src(%dma_wait3A_241 : memref<100096xf32, #tpu.memory_space<vmem_shared>>) dst(%arg23 : memref<2000xf32, #tpu.memory_space<vmem>>)
    %dma_start3A_242 = arith.constant 0 : i32
    %dma_start3A_243 = tpu.memref_slice %arg9[%dma_start3A_242] : memref<2016xf32, #tpu.memory_space<vmem_shared>> -> memref<2016xf32, #tpu.memory_space<vmem_shared>>
    tpu.enqueue_indirect_dma source(%arg23 : memref<2000xf32, #tpu.memory_space<vmem>>) target(%dma_start3A_243 : memref<2016xf32, #tpu.memory_space<vmem_shared>>) offsets(%arg19 : memref<2000xi32, #tpu.memory_space<vmem>>) semaphore(%arg35 : memref<!tpu.dma_semaphore, #tpu.memory_space<semaphore_mem>>) {add = true}
    %dma_wait3A_244 = arith.constant 0 : i32
    %dma_wait3A_245 = tpu.memref_slice %arg9[%dma_wait3A_244] : memref<2016xf32, #tpu.memory_space<vmem_shared>> -> memref<2016xf32, #tpu.memory_space<vmem_shared>>
    tpu.wait_indirect_dma semaphore(%arg38 : memref<!tpu.dma_semaphore, #tpu.memory_space<semaphore_mem>>) src(%arg26 : memref<2000xf32, #tpu.memory_space<vmem>>) dst(%dma_wait3A_245 : memref<2016xf32, #tpu.memory_space<vmem_shared>>)
    %dma_wait3A_246 = arith.constant 0 : i32
    %dma_wait3A_247 = tpu.memref_slice %arg10[%dma_wait3A_246] : memref<2016xf32, #tpu.memory_space<vmem_shared>> -> memref<2016xf32, #tpu.memory_space<vmem_shared>>
    tpu.wait_indirect_dma semaphore(%arg42 : memref<!tpu.dma_semaphore, #tpu.memory_space<semaphore_mem>>) src(%arg14 : memref<2000xf32, #tpu.memory_space<vmem>>) dst(%dma_wait3A_247 : memref<2016xf32, #tpu.memory_space<vmem_shared>>)
    %dma_start3A_248 = arith.constant 0 : i32
    %dma_start3A_249 = tpu.memref_slice %arg10[%dma_start3A_248] : memref<2016xf32, #tpu.memory_space<vmem_shared>> -> memref<2016xf32, #tpu.memory_space<vmem_shared>>
    tpu.enqueue_indirect_dma source(%arg14 : memref<2000xf32, #tpu.memory_space<vmem>>) target(%dma_start3A_249 : memref<2016xf32, #tpu.memory_space<vmem_shared>>) offsets(%arg20 : memref<2000xi32, #tpu.memory_space<vmem>>) semaphore(%arg40 : memref<!tpu.dma_semaphore, #tpu.memory_space<semaphore_mem>>) {add = true}
    %add3A_250 = arith.constant 352 : i32
    %add3A_251 = arith.addi %add3A_250, %add3A : i32
    %mul3A_252 = arith.constant 2000 : i32
    %mul3A_253 = arith.muli %add3A_251, %mul3A_252 : i32
    %dma_start3A_254 = tpu.memref_slice %arg4[%mul3A_253] : memref<1600000xi32, #tpu.memory_space<hbm>> -> memref<2000xi32, #tpu.memory_space<hbm>>
    %dma_start3A_255 = tpu.memref_slice %arg4[%mul3A_253] : memref<1600000xi32, #tpu.memory_space<hbm>> -> memref<2000xi32, #tpu.memory_space<hbm>>
    tpu.enqueue_dma source(%dma_start3A_255 : memref<2000xi32, #tpu.memory_space<hbm>>) target(%arg18 : memref<2000xi32, #tpu.memory_space<vmem>>) target_semaphore(%arg30 : memref<!tpu.dma_semaphore, #tpu.memory_space<semaphore_mem>>)
    %dma_start3A_256 = tpu.memref_slice %arg5[%mul3A_253] : memref<1600000xi32, #tpu.memory_space<hbm>> -> memref<2000xi32, #tpu.memory_space<hbm>>
    %dma_start3A_257 = tpu.memref_slice %arg5[%mul3A_253] : memref<1600000xi32, #tpu.memory_space<hbm>> -> memref<2000xi32, #tpu.memory_space<hbm>>
    tpu.enqueue_dma source(%dma_start3A_257 : memref<2000xi32, #tpu.memory_space<hbm>>) target(%arg22 : memref<2000xi32, #tpu.memory_space<vmem>>) target_semaphore(%arg30 : memref<!tpu.dma_semaphore, #tpu.memory_space<semaphore_mem>>)
    %dma_wait3A_258 = tpu.memref_slice %arg4[%mul3A_229] : memref<1600000xi32, #tpu.memory_space<hbm>> -> memref<2000xi32, #tpu.memory_space<hbm>>
    %dma_wait3A_259 = tpu.memref_slice %arg4[%mul3A_229] : memref<1600000xi32, #tpu.memory_space<hbm>> -> memref<2000xi32, #tpu.memory_space<hbm>>
    tpu.wait_dma2 semaphore(%arg29 : memref<!tpu.dma_semaphore, #tpu.memory_space<semaphore_mem>>) src(%dma_wait3A_259 : memref<2000xi32, #tpu.memory_space<hbm>>) dst(%arg17 : memref<2000xi32, #tpu.memory_space<vmem>>)
    %dma_wait3A_260 = tpu.memref_slice %arg5[%mul3A_229] : memref<1600000xi32, #tpu.memory_space<hbm>> -> memref<2000xi32, #tpu.memory_space<hbm>>
    %dma_wait3A_261 = tpu.memref_slice %arg5[%mul3A_229] : memref<1600000xi32, #tpu.memory_space<hbm>> -> memref<2000xi32, #tpu.memory_space<hbm>>
    tpu.wait_dma2 semaphore(%arg29 : memref<!tpu.dma_semaphore, #tpu.memory_space<semaphore_mem>>) src(%dma_wait3A_261 : memref<2000xi32, #tpu.memory_space<hbm>>) dst(%arg21 : memref<2000xi32, #tpu.memory_space<vmem>>)
    %dma_start3A_262 = arith.constant 0 : i32
    %dma_start3A_263 = tpu.memref_slice %arg8[%dma_start3A_262] : memref<100096xf32, #tpu.memory_space<vmem_shared>> -> memref<100096xf32, #tpu.memory_space<vmem_shared>>
    tpu.enqueue_indirect_dma source(%dma_start3A_263 : memref<100096xf32, #tpu.memory_space<vmem_shared>>) target(%arg25 : memref<2000xf32, #tpu.memory_space<vmem>>) offsets(%arg17 : memref<2000xi32, #tpu.memory_space<vmem>>) semaphore(%arg33 : memref<!tpu.dma_semaphore, #tpu.memory_space<semaphore_mem>>)
    %dma_wait3A_264 = arith.constant 0 : i32
    %dma_wait3A_265 = tpu.memref_slice %arg8[%dma_wait3A_264] : memref<100096xf32, #tpu.memory_space<vmem_shared>> -> memref<100096xf32, #tpu.memory_space<vmem_shared>>
    tpu.wait_indirect_dma semaphore(%arg32 : memref<!tpu.dma_semaphore, #tpu.memory_space<semaphore_mem>>) src(%dma_wait3A_265 : memref<100096xf32, #tpu.memory_space<vmem_shared>>) dst(%arg24 : memref<2000xf32, #tpu.memory_space<vmem>>)
    %dma_start3A_266 = arith.constant 0 : i32
    %dma_start3A_267 = tpu.memref_slice %arg9[%dma_start3A_266] : memref<2016xf32, #tpu.memory_space<vmem_shared>> -> memref<2016xf32, #tpu.memory_space<vmem_shared>>
    tpu.enqueue_indirect_dma source(%arg24 : memref<2000xf32, #tpu.memory_space<vmem>>) target(%dma_start3A_267 : memref<2016xf32, #tpu.memory_space<vmem_shared>>) offsets(%arg20 : memref<2000xi32, #tpu.memory_space<vmem>>) semaphore(%arg36 : memref<!tpu.dma_semaphore, #tpu.memory_space<semaphore_mem>>) {add = true}
    %dma_wait3A_268 = arith.constant 0 : i32
    %dma_wait3A_269 = tpu.memref_slice %arg9[%dma_wait3A_268] : memref<2016xf32, #tpu.memory_space<vmem_shared>> -> memref<2016xf32, #tpu.memory_space<vmem_shared>>
    tpu.wait_indirect_dma semaphore(%arg35 : memref<!tpu.dma_semaphore, #tpu.memory_space<semaphore_mem>>) src(%arg23 : memref<2000xf32, #tpu.memory_space<vmem>>) dst(%dma_wait3A_269 : memref<2016xf32, #tpu.memory_space<vmem_shared>>)
    %dma_wait3A_270 = arith.constant 0 : i32
    %dma_wait3A_271 = tpu.memref_slice %arg10[%dma_wait3A_270] : memref<2016xf32, #tpu.memory_space<vmem_shared>> -> memref<2016xf32, #tpu.memory_space<vmem_shared>>
    tpu.wait_indirect_dma semaphore(%arg39 : memref<!tpu.dma_semaphore, #tpu.memory_space<semaphore_mem>>) src(%arg14 : memref<2000xf32, #tpu.memory_space<vmem>>) dst(%dma_wait3A_271 : memref<2016xf32, #tpu.memory_space<vmem_shared>>)
    %dma_start3A_272 = arith.constant 0 : i32
    %dma_start3A_273 = tpu.memref_slice %arg10[%dma_start3A_272] : memref<2016xf32, #tpu.memory_space<vmem_shared>> -> memref<2016xf32, #tpu.memory_space<vmem_shared>>
    tpu.enqueue_indirect_dma source(%arg14 : memref<2000xf32, #tpu.memory_space<vmem>>) target(%dma_start3A_273 : memref<2016xf32, #tpu.memory_space<vmem_shared>>) offsets(%arg21 : memref<2000xi32, #tpu.memory_space<vmem>>) semaphore(%arg41 : memref<!tpu.dma_semaphore, #tpu.memory_space<semaphore_mem>>) {add = true}
    %add3A_274 = arith.constant 384 : i32
    %add3A_275 = arith.addi %add3A_274, %add3A : i32
    %mul3A_276 = arith.constant 2000 : i32
    %mul3A_277 = arith.muli %add3A_275, %mul3A_276 : i32
    %dma_start3A_278 = tpu.memref_slice %arg4[%mul3A_277] : memref<1600000xi32, #tpu.memory_space<hbm>> -> memref<2000xi32, #tpu.memory_space<hbm>>
    %dma_start3A_279 = tpu.memref_slice %arg4[%mul3A_277] : memref<1600000xi32, #tpu.memory_space<hbm>> -> memref<2000xi32, #tpu.memory_space<hbm>>
    tpu.enqueue_dma source(%dma_start3A_279 : memref<2000xi32, #tpu.memory_space<hbm>>) target(%arg15 : memref<2000xi32, #tpu.memory_space<vmem>>) target_semaphore(%arg27 : memref<!tpu.dma_semaphore, #tpu.memory_space<semaphore_mem>>)
    %dma_start3A_280 = tpu.memref_slice %arg5[%mul3A_277] : memref<1600000xi32, #tpu.memory_space<hbm>> -> memref<2000xi32, #tpu.memory_space<hbm>>
    %dma_start3A_281 = tpu.memref_slice %arg5[%mul3A_277] : memref<1600000xi32, #tpu.memory_space<hbm>> -> memref<2000xi32, #tpu.memory_space<hbm>>
    tpu.enqueue_dma source(%dma_start3A_281 : memref<2000xi32, #tpu.memory_space<hbm>>) target(%arg19 : memref<2000xi32, #tpu.memory_space<vmem>>) target_semaphore(%arg27 : memref<!tpu.dma_semaphore, #tpu.memory_space<semaphore_mem>>)
    %dma_wait3A_282 = tpu.memref_slice %arg4[%mul3A_253] : memref<1600000xi32, #tpu.memory_space<hbm>> -> memref<2000xi32, #tpu.memory_space<hbm>>
    %dma_wait3A_283 = tpu.memref_slice %arg4[%mul3A_253] : memref<1600000xi32, #tpu.memory_space<hbm>> -> memref<2000xi32, #tpu.memory_space<hbm>>
    tpu.wait_dma2 semaphore(%arg30 : memref<!tpu.dma_semaphore, #tpu.memory_space<semaphore_mem>>) src(%dma_wait3A_283 : memref<2000xi32, #tpu.memory_space<hbm>>) dst(%arg18 : memref<2000xi32, #tpu.memory_space<vmem>>)
    %dma_wait3A_284 = tpu.memref_slice %arg5[%mul3A_253] : memref<1600000xi32, #tpu.memory_space<hbm>> -> memref<2000xi32, #tpu.memory_space<hbm>>
    %dma_wait3A_285 = tpu.memref_slice %arg5[%mul3A_253] : memref<1600000xi32, #tpu.memory_space<hbm>> -> memref<2000xi32, #tpu.memory_space<hbm>>
    tpu.wait_dma2 semaphore(%arg30 : memref<!tpu.dma_semaphore, #tpu.memory_space<semaphore_mem>>) src(%dma_wait3A_285 : memref<2000xi32, #tpu.memory_space<hbm>>) dst(%arg22 : memref<2000xi32, #tpu.memory_space<vmem>>)
    %dma_start3A_286 = arith.constant 0 : i32
    %dma_start3A_287 = tpu.memref_slice %arg8[%dma_start3A_286] : memref<100096xf32, #tpu.memory_space<vmem_shared>> -> memref<100096xf32, #tpu.memory_space<vmem_shared>>
    tpu.enqueue_indirect_dma source(%dma_start3A_287 : memref<100096xf32, #tpu.memory_space<vmem_shared>>) target(%arg26 : memref<2000xf32, #tpu.memory_space<vmem>>) offsets(%arg18 : memref<2000xi32, #tpu.memory_space<vmem>>) semaphore(%arg34 : memref<!tpu.dma_semaphore, #tpu.memory_space<semaphore_mem>>)
    %dma_wait3A_288 = arith.constant 0 : i32
    %dma_wait3A_289 = tpu.memref_slice %arg8[%dma_wait3A_288] : memref<100096xf32, #tpu.memory_space<vmem_shared>> -> memref<100096xf32, #tpu.memory_space<vmem_shared>>
    tpu.wait_indirect_dma semaphore(%arg33 : memref<!tpu.dma_semaphore, #tpu.memory_space<semaphore_mem>>) src(%dma_wait3A_289 : memref<100096xf32, #tpu.memory_space<vmem_shared>>) dst(%arg25 : memref<2000xf32, #tpu.memory_space<vmem>>)
    %dma_start3A_290 = arith.constant 0 : i32
    %dma_start3A_291 = tpu.memref_slice %arg9[%dma_start3A_290] : memref<2016xf32, #tpu.memory_space<vmem_shared>> -> memref<2016xf32, #tpu.memory_space<vmem_shared>>
    tpu.enqueue_indirect_dma source(%arg25 : memref<2000xf32, #tpu.memory_space<vmem>>) target(%dma_start3A_291 : memref<2016xf32, #tpu.memory_space<vmem_shared>>) offsets(%arg21 : memref<2000xi32, #tpu.memory_space<vmem>>) semaphore(%arg37 : memref<!tpu.dma_semaphore, #tpu.memory_space<semaphore_mem>>) {add = true}
    %dma_wait3A_292 = arith.constant 0 : i32
    %dma_wait3A_293 = tpu.memref_slice %arg9[%dma_wait3A_292] : memref<2016xf32, #tpu.memory_space<vmem_shared>> -> memref<2016xf32, #tpu.memory_space<vmem_shared>>
    tpu.wait_indirect_dma semaphore(%arg36 : memref<!tpu.dma_semaphore, #tpu.memory_space<semaphore_mem>>) src(%arg24 : memref<2000xf32, #tpu.memory_space<vmem>>) dst(%dma_wait3A_293 : memref<2016xf32, #tpu.memory_space<vmem_shared>>)
    %dma_wait3A_294 = arith.constant 0 : i32
    %dma_wait3A_295 = tpu.memref_slice %arg10[%dma_wait3A_294] : memref<2016xf32, #tpu.memory_space<vmem_shared>> -> memref<2016xf32, #tpu.memory_space<vmem_shared>>
    tpu.wait_indirect_dma semaphore(%arg40 : memref<!tpu.dma_semaphore, #tpu.memory_space<semaphore_mem>>) src(%arg14 : memref<2000xf32, #tpu.memory_space<vmem>>) dst(%dma_wait3A_295 : memref<2016xf32, #tpu.memory_space<vmem_shared>>)
    %dma_start3A_296 = arith.constant 0 : i32
    %dma_start3A_297 = tpu.memref_slice %arg10[%dma_start3A_296] : memref<2016xf32, #tpu.memory_space<vmem_shared>> -> memref<2016xf32, #tpu.memory_space<vmem_shared>>
    tpu.enqueue_indirect_dma source(%arg14 : memref<2000xf32, #tpu.memory_space<vmem>>) target(%dma_start3A_297 : memref<2016xf32, #tpu.memory_space<vmem_shared>>) offsets(%arg22 : memref<2000xi32, #tpu.memory_space<vmem>>) semaphore(%arg42 : memref<!tpu.dma_semaphore, #tpu.memory_space<semaphore_mem>>) {add = true}
    %add3A_298 = arith.constant 416 : i32
    %add3A_299 = arith.addi %add3A_298, %add3A : i32
    %mul3A_300 = arith.constant 2000 : i32
    %mul3A_301 = arith.muli %add3A_299, %mul3A_300 : i32
    %dma_start3A_302 = tpu.memref_slice %arg4[%mul3A_301] : memref<1600000xi32, #tpu.memory_space<hbm>> -> memref<2000xi32, #tpu.memory_space<hbm>>
    %dma_start3A_303 = tpu.memref_slice %arg4[%mul3A_301] : memref<1600000xi32, #tpu.memory_space<hbm>> -> memref<2000xi32, #tpu.memory_space<hbm>>
    tpu.enqueue_dma source(%dma_start3A_303 : memref<2000xi32, #tpu.memory_space<hbm>>) target(%arg16 : memref<2000xi32, #tpu.memory_space<vmem>>) target_semaphore(%arg28 : memref<!tpu.dma_semaphore, #tpu.memory_space<semaphore_mem>>)
    %dma_start3A_304 = tpu.memref_slice %arg5[%mul3A_301] : memref<1600000xi32, #tpu.memory_space<hbm>> -> memref<2000xi32, #tpu.memory_space<hbm>>
    %dma_start3A_305 = tpu.memref_slice %arg5[%mul3A_301] : memref<1600000xi32, #tpu.memory_space<hbm>> -> memref<2000xi32, #tpu.memory_space<hbm>>
    tpu.enqueue_dma source(%dma_start3A_305 : memref<2000xi32, #tpu.memory_space<hbm>>) target(%arg20 : memref<2000xi32, #tpu.memory_space<vmem>>) target_semaphore(%arg28 : memref<!tpu.dma_semaphore, #tpu.memory_space<semaphore_mem>>)
    %dma_wait3A_306 = tpu.memref_slice %arg4[%mul3A_277] : memref<1600000xi32, #tpu.memory_space<hbm>> -> memref<2000xi32, #tpu.memory_space<hbm>>
    %dma_wait3A_307 = tpu.memref_slice %arg4[%mul3A_277] : memref<1600000xi32, #tpu.memory_space<hbm>> -> memref<2000xi32, #tpu.memory_space<hbm>>
    tpu.wait_dma2 semaphore(%arg27 : memref<!tpu.dma_semaphore, #tpu.memory_space<semaphore_mem>>) src(%dma_wait3A_307 : memref<2000xi32, #tpu.memory_space<hbm>>) dst(%arg15 : memref<2000xi32, #tpu.memory_space<vmem>>)
    %dma_wait3A_308 = tpu.memref_slice %arg5[%mul3A_277] : memref<1600000xi32, #tpu.memory_space<hbm>> -> memref<2000xi32, #tpu.memory_space<hbm>>
    %dma_wait3A_309 = tpu.memref_slice %arg5[%mul3A_277] : memref<1600000xi32, #tpu.memory_space<hbm>> -> memref<2000xi32, #tpu.memory_space<hbm>>
    tpu.wait_dma2 semaphore(%arg27 : memref<!tpu.dma_semaphore, #tpu.memory_space<semaphore_mem>>) src(%dma_wait3A_309 : memref<2000xi32, #tpu.memory_space<hbm>>) dst(%arg19 : memref<2000xi32, #tpu.memory_space<vmem>>)
    %dma_start3A_310 = arith.constant 0 : i32
    %dma_start3A_311 = tpu.memref_slice %arg8[%dma_start3A_310] : memref<100096xf32, #tpu.memory_space<vmem_shared>> -> memref<100096xf32, #tpu.memory_space<vmem_shared>>
    tpu.enqueue_indirect_dma source(%dma_start3A_311 : memref<100096xf32, #tpu.memory_space<vmem_shared>>) target(%arg23 : memref<2000xf32, #tpu.memory_space<vmem>>) offsets(%arg15 : memref<2000xi32, #tpu.memory_space<vmem>>) semaphore(%arg31 : memref<!tpu.dma_semaphore, #tpu.memory_space<semaphore_mem>>)
    %dma_wait3A_312 = arith.constant 0 : i32
    %dma_wait3A_313 = tpu.memref_slice %arg8[%dma_wait3A_312] : memref<100096xf32, #tpu.memory_space<vmem_shared>> -> memref<100096xf32, #tpu.memory_space<vmem_shared>>
    tpu.wait_indirect_dma semaphore(%arg34 : memref<!tpu.dma_semaphore, #tpu.memory_space<semaphore_mem>>) src(%dma_wait3A_313 : memref<100096xf32, #tpu.memory_space<vmem_shared>>) dst(%arg26 : memref<2000xf32, #tpu.memory_space<vmem>>)
    %dma_start3A_314 = arith.constant 0 : i32
    %dma_start3A_315 = tpu.memref_slice %arg9[%dma_start3A_314] : memref<2016xf32, #tpu.memory_space<vmem_shared>> -> memref<2016xf32, #tpu.memory_space<vmem_shared>>
    tpu.enqueue_indirect_dma source(%arg26 : memref<2000xf32, #tpu.memory_space<vmem>>) target(%dma_start3A_315 : memref<2016xf32, #tpu.memory_space<vmem_shared>>) offsets(%arg22 : memref<2000xi32, #tpu.memory_space<vmem>>) semaphore(%arg38 : memref<!tpu.dma_semaphore, #tpu.memory_space<semaphore_mem>>) {add = true}
    %dma_wait3A_316 = arith.constant 0 : i32
    %dma_wait3A_317 = tpu.memref_slice %arg9[%dma_wait3A_316] : memref<2016xf32, #tpu.memory_space<vmem_shared>> -> memref<2016xf32, #tpu.memory_space<vmem_shared>>
    tpu.wait_indirect_dma semaphore(%arg37 : memref<!tpu.dma_semaphore, #tpu.memory_space<semaphore_mem>>) src(%arg25 : memref<2000xf32, #tpu.memory_space<vmem>>) dst(%dma_wait3A_317 : memref<2016xf32, #tpu.memory_space<vmem_shared>>)
    %dma_wait3A_318 = arith.constant 0 : i32
    %dma_wait3A_319 = tpu.memref_slice %arg10[%dma_wait3A_318] : memref<2016xf32, #tpu.memory_space<vmem_shared>> -> memref<2016xf32, #tpu.memory_space<vmem_shared>>
    tpu.wait_indirect_dma semaphore(%arg41 : memref<!tpu.dma_semaphore, #tpu.memory_space<semaphore_mem>>) src(%arg14 : memref<2000xf32, #tpu.memory_space<vmem>>) dst(%dma_wait3A_319 : memref<2016xf32, #tpu.memory_space<vmem_shared>>)
    %dma_start3A_320 = arith.constant 0 : i32
    %dma_start3A_321 = tpu.memref_slice %arg10[%dma_start3A_320] : memref<2016xf32, #tpu.memory_space<vmem_shared>> -> memref<2016xf32, #tpu.memory_space<vmem_shared>>
    tpu.enqueue_indirect_dma source(%arg14 : memref<2000xf32, #tpu.memory_space<vmem>>) target(%dma_start3A_321 : memref<2016xf32, #tpu.memory_space<vmem_shared>>) offsets(%arg19 : memref<2000xi32, #tpu.memory_space<vmem>>) semaphore(%arg39 : memref<!tpu.dma_semaphore, #tpu.memory_space<semaphore_mem>>) {add = true}
    %add3A_322 = arith.constant 448 : i32
    %add3A_323 = arith.addi %add3A_322, %add3A : i32
    %mul3A_324 = arith.constant 2000 : i32
    %mul3A_325 = arith.muli %add3A_323, %mul3A_324 : i32
    %dma_start3A_326 = tpu.memref_slice %arg4[%mul3A_325] : memref<1600000xi32, #tpu.memory_space<hbm>> -> memref<2000xi32, #tpu.memory_space<hbm>>
    %dma_start3A_327 = tpu.memref_slice %arg4[%mul3A_325] : memref<1600000xi32, #tpu.memory_space<hbm>> -> memref<2000xi32, #tpu.memory_space<hbm>>
    tpu.enqueue_dma source(%dma_start3A_327 : memref<2000xi32, #tpu.memory_space<hbm>>) target(%arg17 : memref<2000xi32, #tpu.memory_space<vmem>>) target_semaphore(%arg29 : memref<!tpu.dma_semaphore, #tpu.memory_space<semaphore_mem>>)
    %dma_start3A_328 = tpu.memref_slice %arg5[%mul3A_325] : memref<1600000xi32, #tpu.memory_space<hbm>> -> memref<2000xi32, #tpu.memory_space<hbm>>
    %dma_start3A_329 = tpu.memref_slice %arg5[%mul3A_325] : memref<1600000xi32, #tpu.memory_space<hbm>> -> memref<2000xi32, #tpu.memory_space<hbm>>
    tpu.enqueue_dma source(%dma_start3A_329 : memref<2000xi32, #tpu.memory_space<hbm>>) target(%arg21 : memref<2000xi32, #tpu.memory_space<vmem>>) target_semaphore(%arg29 : memref<!tpu.dma_semaphore, #tpu.memory_space<semaphore_mem>>)
    %dma_wait3A_330 = tpu.memref_slice %arg4[%mul3A_301] : memref<1600000xi32, #tpu.memory_space<hbm>> -> memref<2000xi32, #tpu.memory_space<hbm>>
    %dma_wait3A_331 = tpu.memref_slice %arg4[%mul3A_301] : memref<1600000xi32, #tpu.memory_space<hbm>> -> memref<2000xi32, #tpu.memory_space<hbm>>
    tpu.wait_dma2 semaphore(%arg28 : memref<!tpu.dma_semaphore, #tpu.memory_space<semaphore_mem>>) src(%dma_wait3A_331 : memref<2000xi32, #tpu.memory_space<hbm>>) dst(%arg16 : memref<2000xi32, #tpu.memory_space<vmem>>)
    %dma_wait3A_332 = tpu.memref_slice %arg5[%mul3A_301] : memref<1600000xi32, #tpu.memory_space<hbm>> -> memref<2000xi32, #tpu.memory_space<hbm>>
    %dma_wait3A_333 = tpu.memref_slice %arg5[%mul3A_301] : memref<1600000xi32, #tpu.memory_space<hbm>> -> memref<2000xi32, #tpu.memory_space<hbm>>
    tpu.wait_dma2 semaphore(%arg28 : memref<!tpu.dma_semaphore, #tpu.memory_space<semaphore_mem>>) src(%dma_wait3A_333 : memref<2000xi32, #tpu.memory_space<hbm>>) dst(%arg20 : memref<2000xi32, #tpu.memory_space<vmem>>)
    %dma_start3A_334 = arith.constant 0 : i32
    %dma_start3A_335 = tpu.memref_slice %arg8[%dma_start3A_334] : memref<100096xf32, #tpu.memory_space<vmem_shared>> -> memref<100096xf32, #tpu.memory_space<vmem_shared>>
    tpu.enqueue_indirect_dma source(%dma_start3A_335 : memref<100096xf32, #tpu.memory_space<vmem_shared>>) target(%arg24 : memref<2000xf32, #tpu.memory_space<vmem>>) offsets(%arg16 : memref<2000xi32, #tpu.memory_space<vmem>>) semaphore(%arg32 : memref<!tpu.dma_semaphore, #tpu.memory_space<semaphore_mem>>)
    %dma_wait3A_336 = arith.constant 0 : i32
    %dma_wait3A_337 = tpu.memref_slice %arg8[%dma_wait3A_336] : memref<100096xf32, #tpu.memory_space<vmem_shared>> -> memref<100096xf32, #tpu.memory_space<vmem_shared>>
    tpu.wait_indirect_dma semaphore(%arg31 : memref<!tpu.dma_semaphore, #tpu.memory_space<semaphore_mem>>) src(%dma_wait3A_337 : memref<100096xf32, #tpu.memory_space<vmem_shared>>) dst(%arg23 : memref<2000xf32, #tpu.memory_space<vmem>>)
    %dma_start3A_338 = arith.constant 0 : i32
    %dma_start3A_339 = tpu.memref_slice %arg9[%dma_start3A_338] : memref<2016xf32, #tpu.memory_space<vmem_shared>> -> memref<2016xf32, #tpu.memory_space<vmem_shared>>
    tpu.enqueue_indirect_dma source(%arg23 : memref<2000xf32, #tpu.memory_space<vmem>>) target(%dma_start3A_339 : memref<2016xf32, #tpu.memory_space<vmem_shared>>) offsets(%arg19 : memref<2000xi32, #tpu.memory_space<vmem>>) semaphore(%arg35 : memref<!tpu.dma_semaphore, #tpu.memory_space<semaphore_mem>>) {add = true}
    %dma_wait3A_340 = arith.constant 0 : i32
    %dma_wait3A_341 = tpu.memref_slice %arg9[%dma_wait3A_340] : memref<2016xf32, #tpu.memory_space<vmem_shared>> -> memref<2016xf32, #tpu.memory_space<vmem_shared>>
    tpu.wait_indirect_dma semaphore(%arg38 : memref<!tpu.dma_semaphore, #tpu.memory_space<semaphore_mem>>) src(%arg26 : memref<2000xf32, #tpu.memory_space<vmem>>) dst(%dma_wait3A_341 : memref<2016xf32, #tpu.memory_space<vmem_shared>>)
    %dma_wait3A_342 = arith.constant 0 : i32
    %dma_wait3A_343 = tpu.memref_slice %arg10[%dma_wait3A_342] : memref<2016xf32, #tpu.memory_space<vmem_shared>> -> memref<2016xf32, #tpu.memory_space<vmem_shared>>
    tpu.wait_indirect_dma semaphore(%arg42 : memref<!tpu.dma_semaphore, #tpu.memory_space<semaphore_mem>>) src(%arg14 : memref<2000xf32, #tpu.memory_space<vmem>>) dst(%dma_wait3A_343 : memref<2016xf32, #tpu.memory_space<vmem_shared>>)
    %dma_start3A_344 = arith.constant 0 : i32
    %dma_start3A_345 = tpu.memref_slice %arg10[%dma_start3A_344] : memref<2016xf32, #tpu.memory_space<vmem_shared>> -> memref<2016xf32, #tpu.memory_space<vmem_shared>>
    tpu.enqueue_indirect_dma source(%arg14 : memref<2000xf32, #tpu.memory_space<vmem>>) target(%dma_start3A_345 : memref<2016xf32, #tpu.memory_space<vmem_shared>>) offsets(%arg20 : memref<2000xi32, #tpu.memory_space<vmem>>) semaphore(%arg40 : memref<!tpu.dma_semaphore, #tpu.memory_space<semaphore_mem>>) {add = true}
    %add3A_346 = arith.constant 480 : i32
    %add3A_347 = arith.addi %add3A_346, %add3A : i32
    %mul3A_348 = arith.constant 2000 : i32
    %mul3A_349 = arith.muli %add3A_347, %mul3A_348 : i32
    %dma_start3A_350 = tpu.memref_slice %arg4[%mul3A_349] : memref<1600000xi32, #tpu.memory_space<hbm>> -> memref<2000xi32, #tpu.memory_space<hbm>>
    %dma_start3A_351 = tpu.memref_slice %arg4[%mul3A_349] : memref<1600000xi32, #tpu.memory_space<hbm>> -> memref<2000xi32, #tpu.memory_space<hbm>>
    tpu.enqueue_dma source(%dma_start3A_351 : memref<2000xi32, #tpu.memory_space<hbm>>) target(%arg18 : memref<2000xi32, #tpu.memory_space<vmem>>) target_semaphore(%arg30 : memref<!tpu.dma_semaphore, #tpu.memory_space<semaphore_mem>>)
    %dma_start3A_352 = tpu.memref_slice %arg5[%mul3A_349] : memref<1600000xi32, #tpu.memory_space<hbm>> -> memref<2000xi32, #tpu.memory_space<hbm>>
    %dma_start3A_353 = tpu.memref_slice %arg5[%mul3A_349] : memref<1600000xi32, #tpu.memory_space<hbm>> -> memref<2000xi32, #tpu.memory_space<hbm>>
    tpu.enqueue_dma source(%dma_start3A_353 : memref<2000xi32, #tpu.memory_space<hbm>>) target(%arg22 : memref<2000xi32, #tpu.memory_space<vmem>>) target_semaphore(%arg30 : memref<!tpu.dma_semaphore, #tpu.memory_space<semaphore_mem>>)
    %dma_wait3A_354 = tpu.memref_slice %arg4[%mul3A_325] : memref<1600000xi32, #tpu.memory_space<hbm>> -> memref<2000xi32, #tpu.memory_space<hbm>>
    %dma_wait3A_355 = tpu.memref_slice %arg4[%mul3A_325] : memref<1600000xi32, #tpu.memory_space<hbm>> -> memref<2000xi32, #tpu.memory_space<hbm>>
    tpu.wait_dma2 semaphore(%arg29 : memref<!tpu.dma_semaphore, #tpu.memory_space<semaphore_mem>>) src(%dma_wait3A_355 : memref<2000xi32, #tpu.memory_space<hbm>>) dst(%arg17 : memref<2000xi32, #tpu.memory_space<vmem>>)
    %dma_wait3A_356 = tpu.memref_slice %arg5[%mul3A_325] : memref<1600000xi32, #tpu.memory_space<hbm>> -> memref<2000xi32, #tpu.memory_space<hbm>>
    %dma_wait3A_357 = tpu.memref_slice %arg5[%mul3A_325] : memref<1600000xi32, #tpu.memory_space<hbm>> -> memref<2000xi32, #tpu.memory_space<hbm>>
    tpu.wait_dma2 semaphore(%arg29 : memref<!tpu.dma_semaphore, #tpu.memory_space<semaphore_mem>>) src(%dma_wait3A_357 : memref<2000xi32, #tpu.memory_space<hbm>>) dst(%arg21 : memref<2000xi32, #tpu.memory_space<vmem>>)
    %dma_start3A_358 = arith.constant 0 : i32
    %dma_start3A_359 = tpu.memref_slice %arg8[%dma_start3A_358] : memref<100096xf32, #tpu.memory_space<vmem_shared>> -> memref<100096xf32, #tpu.memory_space<vmem_shared>>
    tpu.enqueue_indirect_dma source(%dma_start3A_359 : memref<100096xf32, #tpu.memory_space<vmem_shared>>) target(%arg25 : memref<2000xf32, #tpu.memory_space<vmem>>) offsets(%arg17 : memref<2000xi32, #tpu.memory_space<vmem>>) semaphore(%arg33 : memref<!tpu.dma_semaphore, #tpu.memory_space<semaphore_mem>>)
    %dma_wait3A_360 = arith.constant 0 : i32
    %dma_wait3A_361 = tpu.memref_slice %arg8[%dma_wait3A_360] : memref<100096xf32, #tpu.memory_space<vmem_shared>> -> memref<100096xf32, #tpu.memory_space<vmem_shared>>
    tpu.wait_indirect_dma semaphore(%arg32 : memref<!tpu.dma_semaphore, #tpu.memory_space<semaphore_mem>>) src(%dma_wait3A_361 : memref<100096xf32, #tpu.memory_space<vmem_shared>>) dst(%arg24 : memref<2000xf32, #tpu.memory_space<vmem>>)
    %dma_start3A_362 = arith.constant 0 : i32
    %dma_start3A_363 = tpu.memref_slice %arg9[%dma_start3A_362] : memref<2016xf32, #tpu.memory_space<vmem_shared>> -> memref<2016xf32, #tpu.memory_space<vmem_shared>>
    tpu.enqueue_indirect_dma source(%arg24 : memref<2000xf32, #tpu.memory_space<vmem>>) target(%dma_start3A_363 : memref<2016xf32, #tpu.memory_space<vmem_shared>>) offsets(%arg20 : memref<2000xi32, #tpu.memory_space<vmem>>) semaphore(%arg36 : memref<!tpu.dma_semaphore, #tpu.memory_space<semaphore_mem>>) {add = true}
    %dma_wait3A_364 = arith.constant 0 : i32
    %dma_wait3A_365 = tpu.memref_slice %arg9[%dma_wait3A_364] : memref<2016xf32, #tpu.memory_space<vmem_shared>> -> memref<2016xf32, #tpu.memory_space<vmem_shared>>
    tpu.wait_indirect_dma semaphore(%arg35 : memref<!tpu.dma_semaphore, #tpu.memory_space<semaphore_mem>>) src(%arg23 : memref<2000xf32, #tpu.memory_space<vmem>>) dst(%dma_wait3A_365 : memref<2016xf32, #tpu.memory_space<vmem_shared>>)
    %dma_wait3A_366 = arith.constant 0 : i32
    %dma_wait3A_367 = tpu.memref_slice %arg10[%dma_wait3A_366] : memref<2016xf32, #tpu.memory_space<vmem_shared>> -> memref<2016xf32, #tpu.memory_space<vmem_shared>>
    tpu.wait_indirect_dma semaphore(%arg39 : memref<!tpu.dma_semaphore, #tpu.memory_space<semaphore_mem>>) src(%arg14 : memref<2000xf32, #tpu.memory_space<vmem>>) dst(%dma_wait3A_367 : memref<2016xf32, #tpu.memory_space<vmem_shared>>)
    %dma_start3A_368 = arith.constant 0 : i32
    %dma_start3A_369 = tpu.memref_slice %arg10[%dma_start3A_368] : memref<2016xf32, #tpu.memory_space<vmem_shared>> -> memref<2016xf32, #tpu.memory_space<vmem_shared>>
    tpu.enqueue_indirect_dma source(%arg14 : memref<2000xf32, #tpu.memory_space<vmem>>) target(%dma_start3A_369 : memref<2016xf32, #tpu.memory_space<vmem_shared>>) offsets(%arg21 : memref<2000xi32, #tpu.memory_space<vmem>>) semaphore(%arg41 : memref<!tpu.dma_semaphore, #tpu.memory_space<semaphore_mem>>) {add = true}
    %add3A_370 = arith.constant 512 : i32
    %add3A_371 = arith.addi %add3A_370, %add3A : i32
    %mul3A_372 = arith.constant 2000 : i32
    %mul3A_373 = arith.muli %add3A_371, %mul3A_372 : i32
    %dma_start3A_374 = tpu.memref_slice %arg4[%mul3A_373] : memref<1600000xi32, #tpu.memory_space<hbm>> -> memref<2000xi32, #tpu.memory_space<hbm>>
    %dma_start3A_375 = tpu.memref_slice %arg4[%mul3A_373] : memref<1600000xi32, #tpu.memory_space<hbm>> -> memref<2000xi32, #tpu.memory_space<hbm>>
    tpu.enqueue_dma source(%dma_start3A_375 : memref<2000xi32, #tpu.memory_space<hbm>>) target(%arg15 : memref<2000xi32, #tpu.memory_space<vmem>>) target_semaphore(%arg27 : memref<!tpu.dma_semaphore, #tpu.memory_space<semaphore_mem>>)
    %dma_start3A_376 = tpu.memref_slice %arg5[%mul3A_373] : memref<1600000xi32, #tpu.memory_space<hbm>> -> memref<2000xi32, #tpu.memory_space<hbm>>
    %dma_start3A_377 = tpu.memref_slice %arg5[%mul3A_373] : memref<1600000xi32, #tpu.memory_space<hbm>> -> memref<2000xi32, #tpu.memory_space<hbm>>
    tpu.enqueue_dma source(%dma_start3A_377 : memref<2000xi32, #tpu.memory_space<hbm>>) target(%arg19 : memref<2000xi32, #tpu.memory_space<vmem>>) target_semaphore(%arg27 : memref<!tpu.dma_semaphore, #tpu.memory_space<semaphore_mem>>)
    %dma_wait3A_378 = tpu.memref_slice %arg4[%mul3A_349] : memref<1600000xi32, #tpu.memory_space<hbm>> -> memref<2000xi32, #tpu.memory_space<hbm>>
    %dma_wait3A_379 = tpu.memref_slice %arg4[%mul3A_349] : memref<1600000xi32, #tpu.memory_space<hbm>> -> memref<2000xi32, #tpu.memory_space<hbm>>
    tpu.wait_dma2 semaphore(%arg30 : memref<!tpu.dma_semaphore, #tpu.memory_space<semaphore_mem>>) src(%dma_wait3A_379 : memref<2000xi32, #tpu.memory_space<hbm>>) dst(%arg18 : memref<2000xi32, #tpu.memory_space<vmem>>)
    %dma_wait3A_380 = tpu.memref_slice %arg5[%mul3A_349] : memref<1600000xi32, #tpu.memory_space<hbm>> -> memref<2000xi32, #tpu.memory_space<hbm>>
    %dma_wait3A_381 = tpu.memref_slice %arg5[%mul3A_349] : memref<1600000xi32, #tpu.memory_space<hbm>> -> memref<2000xi32, #tpu.memory_space<hbm>>
    tpu.wait_dma2 semaphore(%arg30 : memref<!tpu.dma_semaphore, #tpu.memory_space<semaphore_mem>>) src(%dma_wait3A_381 : memref<2000xi32, #tpu.memory_space<hbm>>) dst(%arg22 : memref<2000xi32, #tpu.memory_space<vmem>>)
    %dma_start3A_382 = arith.constant 0 : i32
    %dma_start3A_383 = tpu.memref_slice %arg8[%dma_start3A_382] : memref<100096xf32, #tpu.memory_space<vmem_shared>> -> memref<100096xf32, #tpu.memory_space<vmem_shared>>
    tpu.enqueue_indirect_dma source(%dma_start3A_383 : memref<100096xf32, #tpu.memory_space<vmem_shared>>) target(%arg26 : memref<2000xf32, #tpu.memory_space<vmem>>) offsets(%arg18 : memref<2000xi32, #tpu.memory_space<vmem>>) semaphore(%arg34 : memref<!tpu.dma_semaphore, #tpu.memory_space<semaphore_mem>>)
    %dma_wait3A_384 = arith.constant 0 : i32
    %dma_wait3A_385 = tpu.memref_slice %arg8[%dma_wait3A_384] : memref<100096xf32, #tpu.memory_space<vmem_shared>> -> memref<100096xf32, #tpu.memory_space<vmem_shared>>
    tpu.wait_indirect_dma semaphore(%arg33 : memref<!tpu.dma_semaphore, #tpu.memory_space<semaphore_mem>>) src(%dma_wait3A_385 : memref<100096xf32, #tpu.memory_space<vmem_shared>>) dst(%arg25 : memref<2000xf32, #tpu.memory_space<vmem>>)
    %dma_start3A_386 = arith.constant 0 : i32
    %dma_start3A_387 = tpu.memref_slice %arg9[%dma_start3A_386] : memref<2016xf32, #tpu.memory_space<vmem_shared>> -> memref<2016xf32, #tpu.memory_space<vmem_shared>>
    tpu.enqueue_indirect_dma source(%arg25 : memref<2000xf32, #tpu.memory_space<vmem>>) target(%dma_start3A_387 : memref<2016xf32, #tpu.memory_space<vmem_shared>>) offsets(%arg21 : memref<2000xi32, #tpu.memory_space<vmem>>) semaphore(%arg37 : memref<!tpu.dma_semaphore, #tpu.memory_space<semaphore_mem>>) {add = true}
    %dma_wait3A_388 = arith.constant 0 : i32
    %dma_wait3A_389 = tpu.memref_slice %arg9[%dma_wait3A_388] : memref<2016xf32, #tpu.memory_space<vmem_shared>> -> memref<2016xf32, #tpu.memory_space<vmem_shared>>
    tpu.wait_indirect_dma semaphore(%arg36 : memref<!tpu.dma_semaphore, #tpu.memory_space<semaphore_mem>>) src(%arg24 : memref<2000xf32, #tpu.memory_space<vmem>>) dst(%dma_wait3A_389 : memref<2016xf32, #tpu.memory_space<vmem_shared>>)
    %dma_wait3A_390 = arith.constant 0 : i32
    %dma_wait3A_391 = tpu.memref_slice %arg10[%dma_wait3A_390] : memref<2016xf32, #tpu.memory_space<vmem_shared>> -> memref<2016xf32, #tpu.memory_space<vmem_shared>>
    tpu.wait_indirect_dma semaphore(%arg40 : memref<!tpu.dma_semaphore, #tpu.memory_space<semaphore_mem>>) src(%arg14 : memref<2000xf32, #tpu.memory_space<vmem>>) dst(%dma_wait3A_391 : memref<2016xf32, #tpu.memory_space<vmem_shared>>)
    %dma_start3A_392 = arith.constant 0 : i32
    %dma_start3A_393 = tpu.memref_slice %arg10[%dma_start3A_392] : memref<2016xf32, #tpu.memory_space<vmem_shared>> -> memref<2016xf32, #tpu.memory_space<vmem_shared>>
    tpu.enqueue_indirect_dma source(%arg14 : memref<2000xf32, #tpu.memory_space<vmem>>) target(%dma_start3A_393 : memref<2016xf32, #tpu.memory_space<vmem_shared>>) offsets(%arg22 : memref<2000xi32, #tpu.memory_space<vmem>>) semaphore(%arg42 : memref<!tpu.dma_semaphore, #tpu.memory_space<semaphore_mem>>) {add = true}
    %add3A_394 = arith.constant 544 : i32
    %add3A_395 = arith.addi %add3A_394, %add3A : i32
    %mul3A_396 = arith.constant 2000 : i32
    %mul3A_397 = arith.muli %add3A_395, %mul3A_396 : i32
    %dma_start3A_398 = tpu.memref_slice %arg4[%mul3A_397] : memref<1600000xi32, #tpu.memory_space<hbm>> -> memref<2000xi32, #tpu.memory_space<hbm>>
    %dma_start3A_399 = tpu.memref_slice %arg4[%mul3A_397] : memref<1600000xi32, #tpu.memory_space<hbm>> -> memref<2000xi32, #tpu.memory_space<hbm>>
    tpu.enqueue_dma source(%dma_start3A_399 : memref<2000xi32, #tpu.memory_space<hbm>>) target(%arg16 : memref<2000xi32, #tpu.memory_space<vmem>>) target_semaphore(%arg28 : memref<!tpu.dma_semaphore, #tpu.memory_space<semaphore_mem>>)
    %dma_start3A_400 = tpu.memref_slice %arg5[%mul3A_397] : memref<1600000xi32, #tpu.memory_space<hbm>> -> memref<2000xi32, #tpu.memory_space<hbm>>
    %dma_start3A_401 = tpu.memref_slice %arg5[%mul3A_397] : memref<1600000xi32, #tpu.memory_space<hbm>> -> memref<2000xi32, #tpu.memory_space<hbm>>
    tpu.enqueue_dma source(%dma_start3A_401 : memref<2000xi32, #tpu.memory_space<hbm>>) target(%arg20 : memref<2000xi32, #tpu.memory_space<vmem>>) target_semaphore(%arg28 : memref<!tpu.dma_semaphore, #tpu.memory_space<semaphore_mem>>)
    %dma_wait3A_402 = tpu.memref_slice %arg4[%mul3A_373] : memref<1600000xi32, #tpu.memory_space<hbm>> -> memref<2000xi32, #tpu.memory_space<hbm>>
    %dma_wait3A_403 = tpu.memref_slice %arg4[%mul3A_373] : memref<1600000xi32, #tpu.memory_space<hbm>> -> memref<2000xi32, #tpu.memory_space<hbm>>
    tpu.wait_dma2 semaphore(%arg27 : memref<!tpu.dma_semaphore, #tpu.memory_space<semaphore_mem>>) src(%dma_wait3A_403 : memref<2000xi32, #tpu.memory_space<hbm>>) dst(%arg15 : memref<2000xi32, #tpu.memory_space<vmem>>)
    %dma_wait3A_404 = tpu.memref_slice %arg5[%mul3A_373] : memref<1600000xi32, #tpu.memory_space<hbm>> -> memref<2000xi32, #tpu.memory_space<hbm>>
    %dma_wait3A_405 = tpu.memref_slice %arg5[%mul3A_373] : memref<1600000xi32, #tpu.memory_space<hbm>> -> memref<2000xi32, #tpu.memory_space<hbm>>
    tpu.wait_dma2 semaphore(%arg27 : memref<!tpu.dma_semaphore, #tpu.memory_space<semaphore_mem>>) src(%dma_wait3A_405 : memref<2000xi32, #tpu.memory_space<hbm>>) dst(%arg19 : memref<2000xi32, #tpu.memory_space<vmem>>)
    %dma_start3A_406 = arith.constant 0 : i32
    %dma_start3A_407 = tpu.memref_slice %arg8[%dma_start3A_406] : memref<100096xf32, #tpu.memory_space<vmem_shared>> -> memref<100096xf32, #tpu.memory_space<vmem_shared>>
    tpu.enqueue_indirect_dma source(%dma_start3A_407 : memref<100096xf32, #tpu.memory_space<vmem_shared>>) target(%arg23 : memref<2000xf32, #tpu.memory_space<vmem>>) offsets(%arg15 : memref<2000xi32, #tpu.memory_space<vmem>>) semaphore(%arg31 : memref<!tpu.dma_semaphore, #tpu.memory_space<semaphore_mem>>)
    %dma_wait3A_408 = arith.constant 0 : i32
    %dma_wait3A_409 = tpu.memref_slice %arg8[%dma_wait3A_408] : memref<100096xf32, #tpu.memory_space<vmem_shared>> -> memref<100096xf32, #tpu.memory_space<vmem_shared>>
    tpu.wait_indirect_dma semaphore(%arg34 : memref<!tpu.dma_semaphore, #tpu.memory_space<semaphore_mem>>) src(%dma_wait3A_409 : memref<100096xf32, #tpu.memory_space<vmem_shared>>) dst(%arg26 : memref<2000xf32, #tpu.memory_space<vmem>>)
    %dma_start3A_410 = arith.constant 0 : i32
    %dma_start3A_411 = tpu.memref_slice %arg9[%dma_start3A_410] : memref<2016xf32, #tpu.memory_space<vmem_shared>> -> memref<2016xf32, #tpu.memory_space<vmem_shared>>
    tpu.enqueue_indirect_dma source(%arg26 : memref<2000xf32, #tpu.memory_space<vmem>>) target(%dma_start3A_411 : memref<2016xf32, #tpu.memory_space<vmem_shared>>) offsets(%arg22 : memref<2000xi32, #tpu.memory_space<vmem>>) semaphore(%arg38 : memref<!tpu.dma_semaphore, #tpu.memory_space<semaphore_mem>>) {add = true}
    %dma_wait3A_412 = arith.constant 0 : i32
    %dma_wait3A_413 = tpu.memref_slice %arg9[%dma_wait3A_412] : memref<2016xf32, #tpu.memory_space<vmem_shared>> -> memref<2016xf32, #tpu.memory_space<vmem_shared>>
    tpu.wait_indirect_dma semaphore(%arg37 : memref<!tpu.dma_semaphore, #tpu.memory_space<semaphore_mem>>) src(%arg25 : memref<2000xf32, #tpu.memory_space<vmem>>) dst(%dma_wait3A_413 : memref<2016xf32, #tpu.memory_space<vmem_shared>>)
    %dma_wait3A_414 = arith.constant 0 : i32
    %dma_wait3A_415 = tpu.memref_slice %arg10[%dma_wait3A_414] : memref<2016xf32, #tpu.memory_space<vmem_shared>> -> memref<2016xf32, #tpu.memory_space<vmem_shared>>
    tpu.wait_indirect_dma semaphore(%arg41 : memref<!tpu.dma_semaphore, #tpu.memory_space<semaphore_mem>>) src(%arg14 : memref<2000xf32, #tpu.memory_space<vmem>>) dst(%dma_wait3A_415 : memref<2016xf32, #tpu.memory_space<vmem_shared>>)
    %dma_start3A_416 = arith.constant 0 : i32
    %dma_start3A_417 = tpu.memref_slice %arg10[%dma_start3A_416] : memref<2016xf32, #tpu.memory_space<vmem_shared>> -> memref<2016xf32, #tpu.memory_space<vmem_shared>>
    tpu.enqueue_indirect_dma source(%arg14 : memref<2000xf32, #tpu.memory_space<vmem>>) target(%dma_start3A_417 : memref<2016xf32, #tpu.memory_space<vmem_shared>>) offsets(%arg19 : memref<2000xi32, #tpu.memory_space<vmem>>) semaphore(%arg39 : memref<!tpu.dma_semaphore, #tpu.memory_space<semaphore_mem>>) {add = true}
    %add3A_418 = arith.constant 576 : i32
    %add3A_419 = arith.addi %add3A_418, %add3A : i32
    %mul3A_420 = arith.constant 2000 : i32
    %mul3A_421 = arith.muli %add3A_419, %mul3A_420 : i32
    %dma_start3A_422 = tpu.memref_slice %arg4[%mul3A_421] : memref<1600000xi32, #tpu.memory_space<hbm>> -> memref<2000xi32, #tpu.memory_space<hbm>>
    %dma_start3A_423 = tpu.memref_slice %arg4[%mul3A_421] : memref<1600000xi32, #tpu.memory_space<hbm>> -> memref<2000xi32, #tpu.memory_space<hbm>>
    tpu.enqueue_dma source(%dma_start3A_423 : memref<2000xi32, #tpu.memory_space<hbm>>) target(%arg17 : memref<2000xi32, #tpu.memory_space<vmem>>) target_semaphore(%arg29 : memref<!tpu.dma_semaphore, #tpu.memory_space<semaphore_mem>>)
    %dma_start3A_424 = tpu.memref_slice %arg5[%mul3A_421] : memref<1600000xi32, #tpu.memory_space<hbm>> -> memref<2000xi32, #tpu.memory_space<hbm>>
    %dma_start3A_425 = tpu.memref_slice %arg5[%mul3A_421] : memref<1600000xi32, #tpu.memory_space<hbm>> -> memref<2000xi32, #tpu.memory_space<hbm>>
    tpu.enqueue_dma source(%dma_start3A_425 : memref<2000xi32, #tpu.memory_space<hbm>>) target(%arg21 : memref<2000xi32, #tpu.memory_space<vmem>>) target_semaphore(%arg29 : memref<!tpu.dma_semaphore, #tpu.memory_space<semaphore_mem>>)
    %dma_wait3A_426 = tpu.memref_slice %arg4[%mul3A_397] : memref<1600000xi32, #tpu.memory_space<hbm>> -> memref<2000xi32, #tpu.memory_space<hbm>>
    %dma_wait3A_427 = tpu.memref_slice %arg4[%mul3A_397] : memref<1600000xi32, #tpu.memory_space<hbm>> -> memref<2000xi32, #tpu.memory_space<hbm>>
    tpu.wait_dma2 semaphore(%arg28 : memref<!tpu.dma_semaphore, #tpu.memory_space<semaphore_mem>>) src(%dma_wait3A_427 : memref<2000xi32, #tpu.memory_space<hbm>>) dst(%arg16 : memref<2000xi32, #tpu.memory_space<vmem>>)
    %dma_wait3A_428 = tpu.memref_slice %arg5[%mul3A_397] : memref<1600000xi32, #tpu.memory_space<hbm>> -> memref<2000xi32, #tpu.memory_space<hbm>>
    %dma_wait3A_429 = tpu.memref_slice %arg5[%mul3A_397] : memref<1600000xi32, #tpu.memory_space<hbm>> -> memref<2000xi32, #tpu.memory_space<hbm>>
    tpu.wait_dma2 semaphore(%arg28 : memref<!tpu.dma_semaphore, #tpu.memory_space<semaphore_mem>>) src(%dma_wait3A_429 : memref<2000xi32, #tpu.memory_space<hbm>>) dst(%arg20 : memref<2000xi32, #tpu.memory_space<vmem>>)
    %dma_start3A_430 = arith.constant 0 : i32
    %dma_start3A_431 = tpu.memref_slice %arg8[%dma_start3A_430] : memref<100096xf32, #tpu.memory_space<vmem_shared>> -> memref<100096xf32, #tpu.memory_space<vmem_shared>>
    tpu.enqueue_indirect_dma source(%dma_start3A_431 : memref<100096xf32, #tpu.memory_space<vmem_shared>>) target(%arg24 : memref<2000xf32, #tpu.memory_space<vmem>>) offsets(%arg16 : memref<2000xi32, #tpu.memory_space<vmem>>) semaphore(%arg32 : memref<!tpu.dma_semaphore, #tpu.memory_space<semaphore_mem>>)
    %dma_wait3A_432 = arith.constant 0 : i32
    %dma_wait3A_433 = tpu.memref_slice %arg8[%dma_wait3A_432] : memref<100096xf32, #tpu.memory_space<vmem_shared>> -> memref<100096xf32, #tpu.memory_space<vmem_shared>>
    tpu.wait_indirect_dma semaphore(%arg31 : memref<!tpu.dma_semaphore, #tpu.memory_space<semaphore_mem>>) src(%dma_wait3A_433 : memref<100096xf32, #tpu.memory_space<vmem_shared>>) dst(%arg23 : memref<2000xf32, #tpu.memory_space<vmem>>)
    %dma_start3A_434 = arith.constant 0 : i32
    %dma_start3A_435 = tpu.memref_slice %arg9[%dma_start3A_434] : memref<2016xf32, #tpu.memory_space<vmem_shared>> -> memref<2016xf32, #tpu.memory_space<vmem_shared>>
    tpu.enqueue_indirect_dma source(%arg23 : memref<2000xf32, #tpu.memory_space<vmem>>) target(%dma_start3A_435 : memref<2016xf32, #tpu.memory_space<vmem_shared>>) offsets(%arg19 : memref<2000xi32, #tpu.memory_space<vmem>>) semaphore(%arg35 : memref<!tpu.dma_semaphore, #tpu.memory_space<semaphore_mem>>) {add = true}
    %dma_wait3A_436 = arith.constant 0 : i32
    %dma_wait3A_437 = tpu.memref_slice %arg9[%dma_wait3A_436] : memref<2016xf32, #tpu.memory_space<vmem_shared>> -> memref<2016xf32, #tpu.memory_space<vmem_shared>>
    tpu.wait_indirect_dma semaphore(%arg38 : memref<!tpu.dma_semaphore, #tpu.memory_space<semaphore_mem>>) src(%arg26 : memref<2000xf32, #tpu.memory_space<vmem>>) dst(%dma_wait3A_437 : memref<2016xf32, #tpu.memory_space<vmem_shared>>)
    %dma_wait3A_438 = arith.constant 0 : i32
    %dma_wait3A_439 = tpu.memref_slice %arg10[%dma_wait3A_438] : memref<2016xf32, #tpu.memory_space<vmem_shared>> -> memref<2016xf32, #tpu.memory_space<vmem_shared>>
    tpu.wait_indirect_dma semaphore(%arg42 : memref<!tpu.dma_semaphore, #tpu.memory_space<semaphore_mem>>) src(%arg14 : memref<2000xf32, #tpu.memory_space<vmem>>) dst(%dma_wait3A_439 : memref<2016xf32, #tpu.memory_space<vmem_shared>>)
    %dma_start3A_440 = arith.constant 0 : i32
    %dma_start3A_441 = tpu.memref_slice %arg10[%dma_start3A_440] : memref<2016xf32, #tpu.memory_space<vmem_shared>> -> memref<2016xf32, #tpu.memory_space<vmem_shared>>
    tpu.enqueue_indirect_dma source(%arg14 : memref<2000xf32, #tpu.memory_space<vmem>>) target(%dma_start3A_441 : memref<2016xf32, #tpu.memory_space<vmem_shared>>) offsets(%arg20 : memref<2000xi32, #tpu.memory_space<vmem>>) semaphore(%arg40 : memref<!tpu.dma_semaphore, #tpu.memory_space<semaphore_mem>>) {add = true}
    %add3A_442 = arith.constant 608 : i32
    %add3A_443 = arith.addi %add3A_442, %add3A : i32
    %mul3A_444 = arith.constant 2000 : i32
    %mul3A_445 = arith.muli %add3A_443, %mul3A_444 : i32
    %dma_start3A_446 = tpu.memref_slice %arg4[%mul3A_445] : memref<1600000xi32, #tpu.memory_space<hbm>> -> memref<2000xi32, #tpu.memory_space<hbm>>
    %dma_start3A_447 = tpu.memref_slice %arg4[%mul3A_445] : memref<1600000xi32, #tpu.memory_space<hbm>> -> memref<2000xi32, #tpu.memory_space<hbm>>
    tpu.enqueue_dma source(%dma_start3A_447 : memref<2000xi32, #tpu.memory_space<hbm>>) target(%arg18 : memref<2000xi32, #tpu.memory_space<vmem>>) target_semaphore(%arg30 : memref<!tpu.dma_semaphore, #tpu.memory_space<semaphore_mem>>)
    %dma_start3A_448 = tpu.memref_slice %arg5[%mul3A_445] : memref<1600000xi32, #tpu.memory_space<hbm>> -> memref<2000xi32, #tpu.memory_space<hbm>>
    %dma_start3A_449 = tpu.memref_slice %arg5[%mul3A_445] : memref<1600000xi32, #tpu.memory_space<hbm>> -> memref<2000xi32, #tpu.memory_space<hbm>>
    tpu.enqueue_dma source(%dma_start3A_449 : memref<2000xi32, #tpu.memory_space<hbm>>) target(%arg22 : memref<2000xi32, #tpu.memory_space<vmem>>) target_semaphore(%arg30 : memref<!tpu.dma_semaphore, #tpu.memory_space<semaphore_mem>>)
    %dma_wait3A_450 = tpu.memref_slice %arg4[%mul3A_421] : memref<1600000xi32, #tpu.memory_space<hbm>> -> memref<2000xi32, #tpu.memory_space<hbm>>
    %dma_wait3A_451 = tpu.memref_slice %arg4[%mul3A_421] : memref<1600000xi32, #tpu.memory_space<hbm>> -> memref<2000xi32, #tpu.memory_space<hbm>>
    tpu.wait_dma2 semaphore(%arg29 : memref<!tpu.dma_semaphore, #tpu.memory_space<semaphore_mem>>) src(%dma_wait3A_451 : memref<2000xi32, #tpu.memory_space<hbm>>) dst(%arg17 : memref<2000xi32, #tpu.memory_space<vmem>>)
    %dma_wait3A_452 = tpu.memref_slice %arg5[%mul3A_421] : memref<1600000xi32, #tpu.memory_space<hbm>> -> memref<2000xi32, #tpu.memory_space<hbm>>
    %dma_wait3A_453 = tpu.memref_slice %arg5[%mul3A_421] : memref<1600000xi32, #tpu.memory_space<hbm>> -> memref<2000xi32, #tpu.memory_space<hbm>>
    tpu.wait_dma2 semaphore(%arg29 : memref<!tpu.dma_semaphore, #tpu.memory_space<semaphore_mem>>) src(%dma_wait3A_453 : memref<2000xi32, #tpu.memory_space<hbm>>) dst(%arg21 : memref<2000xi32, #tpu.memory_space<vmem>>)
    %dma_start3A_454 = arith.constant 0 : i32
    %dma_start3A_455 = tpu.memref_slice %arg8[%dma_start3A_454] : memref<100096xf32, #tpu.memory_space<vmem_shared>> -> memref<100096xf32, #tpu.memory_space<vmem_shared>>
    tpu.enqueue_indirect_dma source(%dma_start3A_455 : memref<100096xf32, #tpu.memory_space<vmem_shared>>) target(%arg25 : memref<2000xf32, #tpu.memory_space<vmem>>) offsets(%arg17 : memref<2000xi32, #tpu.memory_space<vmem>>) semaphore(%arg33 : memref<!tpu.dma_semaphore, #tpu.memory_space<semaphore_mem>>)
    %dma_wait3A_456 = arith.constant 0 : i32
    %dma_wait3A_457 = tpu.memref_slice %arg8[%dma_wait3A_456] : memref<100096xf32, #tpu.memory_space<vmem_shared>> -> memref<100096xf32, #tpu.memory_space<vmem_shared>>
    tpu.wait_indirect_dma semaphore(%arg32 : memref<!tpu.dma_semaphore, #tpu.memory_space<semaphore_mem>>) src(%dma_wait3A_457 : memref<100096xf32, #tpu.memory_space<vmem_shared>>) dst(%arg24 : memref<2000xf32, #tpu.memory_space<vmem>>)
    %dma_start3A_458 = arith.constant 0 : i32
    %dma_start3A_459 = tpu.memref_slice %arg9[%dma_start3A_458] : memref<2016xf32, #tpu.memory_space<vmem_shared>> -> memref<2016xf32, #tpu.memory_space<vmem_shared>>
    tpu.enqueue_indirect_dma source(%arg24 : memref<2000xf32, #tpu.memory_space<vmem>>) target(%dma_start3A_459 : memref<2016xf32, #tpu.memory_space<vmem_shared>>) offsets(%arg20 : memref<2000xi32, #tpu.memory_space<vmem>>) semaphore(%arg36 : memref<!tpu.dma_semaphore, #tpu.memory_space<semaphore_mem>>) {add = true}
    %dma_wait3A_460 = arith.constant 0 : i32
    %dma_wait3A_461 = tpu.memref_slice %arg9[%dma_wait3A_460] : memref<2016xf32, #tpu.memory_space<vmem_shared>> -> memref<2016xf32, #tpu.memory_space<vmem_shared>>
    tpu.wait_indirect_dma semaphore(%arg35 : memref<!tpu.dma_semaphore, #tpu.memory_space<semaphore_mem>>) src(%arg23 : memref<2000xf32, #tpu.memory_space<vmem>>) dst(%dma_wait3A_461 : memref<2016xf32, #tpu.memory_space<vmem_shared>>)
    %dma_wait3A_462 = arith.constant 0 : i32
    %dma_wait3A_463 = tpu.memref_slice %arg10[%dma_wait3A_462] : memref<2016xf32, #tpu.memory_space<vmem_shared>> -> memref<2016xf32, #tpu.memory_space<vmem_shared>>
    tpu.wait_indirect_dma semaphore(%arg39 : memref<!tpu.dma_semaphore, #tpu.memory_space<semaphore_mem>>) src(%arg14 : memref<2000xf32, #tpu.memory_space<vmem>>) dst(%dma_wait3A_463 : memref<2016xf32, #tpu.memory_space<vmem_shared>>)
    %dma_start3A_464 = arith.constant 0 : i32
    %dma_start3A_465 = tpu.memref_slice %arg10[%dma_start3A_464] : memref<2016xf32, #tpu.memory_space<vmem_shared>> -> memref<2016xf32, #tpu.memory_space<vmem_shared>>
    tpu.enqueue_indirect_dma source(%arg14 : memref<2000xf32, #tpu.memory_space<vmem>>) target(%dma_start3A_465 : memref<2016xf32, #tpu.memory_space<vmem_shared>>) offsets(%arg21 : memref<2000xi32, #tpu.memory_space<vmem>>) semaphore(%arg41 : memref<!tpu.dma_semaphore, #tpu.memory_space<semaphore_mem>>) {add = true}
    %add3A_466 = arith.constant 640 : i32
    %add3A_467 = arith.addi %add3A_466, %add3A : i32
    %mul3A_468 = arith.constant 2000 : i32
    %mul3A_469 = arith.muli %add3A_467, %mul3A_468 : i32
    %dma_start3A_470 = tpu.memref_slice %arg4[%mul3A_469] : memref<1600000xi32, #tpu.memory_space<hbm>> -> memref<2000xi32, #tpu.memory_space<hbm>>
    %dma_start3A_471 = tpu.memref_slice %arg4[%mul3A_469] : memref<1600000xi32, #tpu.memory_space<hbm>> -> memref<2000xi32, #tpu.memory_space<hbm>>
    tpu.enqueue_dma source(%dma_start3A_471 : memref<2000xi32, #tpu.memory_space<hbm>>) target(%arg15 : memref<2000xi32, #tpu.memory_space<vmem>>) target_semaphore(%arg27 : memref<!tpu.dma_semaphore, #tpu.memory_space<semaphore_mem>>)
    %dma_start3A_472 = tpu.memref_slice %arg5[%mul3A_469] : memref<1600000xi32, #tpu.memory_space<hbm>> -> memref<2000xi32, #tpu.memory_space<hbm>>
    %dma_start3A_473 = tpu.memref_slice %arg5[%mul3A_469] : memref<1600000xi32, #tpu.memory_space<hbm>> -> memref<2000xi32, #tpu.memory_space<hbm>>
    tpu.enqueue_dma source(%dma_start3A_473 : memref<2000xi32, #tpu.memory_space<hbm>>) target(%arg19 : memref<2000xi32, #tpu.memory_space<vmem>>) target_semaphore(%arg27 : memref<!tpu.dma_semaphore, #tpu.memory_space<semaphore_mem>>)
    %dma_wait3A_474 = tpu.memref_slice %arg4[%mul3A_445] : memref<1600000xi32, #tpu.memory_space<hbm>> -> memref<2000xi32, #tpu.memory_space<hbm>>
    %dma_wait3A_475 = tpu.memref_slice %arg4[%mul3A_445] : memref<1600000xi32, #tpu.memory_space<hbm>> -> memref<2000xi32, #tpu.memory_space<hbm>>
    tpu.wait_dma2 semaphore(%arg30 : memref<!tpu.dma_semaphore, #tpu.memory_space<semaphore_mem>>) src(%dma_wait3A_475 : memref<2000xi32, #tpu.memory_space<hbm>>) dst(%arg18 : memref<2000xi32, #tpu.memory_space<vmem>>)
    %dma_wait3A_476 = tpu.memref_slice %arg5[%mul3A_445] : memref<1600000xi32, #tpu.memory_space<hbm>> -> memref<2000xi32, #tpu.memory_space<hbm>>
    %dma_wait3A_477 = tpu.memref_slice %arg5[%mul3A_445] : memref<1600000xi32, #tpu.memory_space<hbm>> -> memref<2000xi32, #tpu.memory_space<hbm>>
    tpu.wait_dma2 semaphore(%arg30 : memref<!tpu.dma_semaphore, #tpu.memory_space<semaphore_mem>>) src(%dma_wait3A_477 : memref<2000xi32, #tpu.memory_space<hbm>>) dst(%arg22 : memref<2000xi32, #tpu.memory_space<vmem>>)
    %dma_start3A_478 = arith.constant 0 : i32
    %dma_start3A_479 = tpu.memref_slice %arg8[%dma_start3A_478] : memref<100096xf32, #tpu.memory_space<vmem_shared>> -> memref<100096xf32, #tpu.memory_space<vmem_shared>>
    tpu.enqueue_indirect_dma source(%dma_start3A_479 : memref<100096xf32, #tpu.memory_space<vmem_shared>>) target(%arg26 : memref<2000xf32, #tpu.memory_space<vmem>>) offsets(%arg18 : memref<2000xi32, #tpu.memory_space<vmem>>) semaphore(%arg34 : memref<!tpu.dma_semaphore, #tpu.memory_space<semaphore_mem>>)
    %dma_wait3A_480 = arith.constant 0 : i32
    %dma_wait3A_481 = tpu.memref_slice %arg8[%dma_wait3A_480] : memref<100096xf32, #tpu.memory_space<vmem_shared>> -> memref<100096xf32, #tpu.memory_space<vmem_shared>>
    tpu.wait_indirect_dma semaphore(%arg33 : memref<!tpu.dma_semaphore, #tpu.memory_space<semaphore_mem>>) src(%dma_wait3A_481 : memref<100096xf32, #tpu.memory_space<vmem_shared>>) dst(%arg25 : memref<2000xf32, #tpu.memory_space<vmem>>)
    %dma_start3A_482 = arith.constant 0 : i32
    %dma_start3A_483 = tpu.memref_slice %arg9[%dma_start3A_482] : memref<2016xf32, #tpu.memory_space<vmem_shared>> -> memref<2016xf32, #tpu.memory_space<vmem_shared>>
    tpu.enqueue_indirect_dma source(%arg25 : memref<2000xf32, #tpu.memory_space<vmem>>) target(%dma_start3A_483 : memref<2016xf32, #tpu.memory_space<vmem_shared>>) offsets(%arg21 : memref<2000xi32, #tpu.memory_space<vmem>>) semaphore(%arg37 : memref<!tpu.dma_semaphore, #tpu.memory_space<semaphore_mem>>) {add = true}
    %dma_wait3A_484 = arith.constant 0 : i32
    %dma_wait3A_485 = tpu.memref_slice %arg9[%dma_wait3A_484] : memref<2016xf32, #tpu.memory_space<vmem_shared>> -> memref<2016xf32, #tpu.memory_space<vmem_shared>>
    tpu.wait_indirect_dma semaphore(%arg36 : memref<!tpu.dma_semaphore, #tpu.memory_space<semaphore_mem>>) src(%arg24 : memref<2000xf32, #tpu.memory_space<vmem>>) dst(%dma_wait3A_485 : memref<2016xf32, #tpu.memory_space<vmem_shared>>)
    %dma_wait3A_486 = arith.constant 0 : i32
    %dma_wait3A_487 = tpu.memref_slice %arg10[%dma_wait3A_486] : memref<2016xf32, #tpu.memory_space<vmem_shared>> -> memref<2016xf32, #tpu.memory_space<vmem_shared>>
    tpu.wait_indirect_dma semaphore(%arg40 : memref<!tpu.dma_semaphore, #tpu.memory_space<semaphore_mem>>) src(%arg14 : memref<2000xf32, #tpu.memory_space<vmem>>) dst(%dma_wait3A_487 : memref<2016xf32, #tpu.memory_space<vmem_shared>>)
    %dma_start3A_488 = arith.constant 0 : i32
    %dma_start3A_489 = tpu.memref_slice %arg10[%dma_start3A_488] : memref<2016xf32, #tpu.memory_space<vmem_shared>> -> memref<2016xf32, #tpu.memory_space<vmem_shared>>
    tpu.enqueue_indirect_dma source(%arg14 : memref<2000xf32, #tpu.memory_space<vmem>>) target(%dma_start3A_489 : memref<2016xf32, #tpu.memory_space<vmem_shared>>) offsets(%arg22 : memref<2000xi32, #tpu.memory_space<vmem>>) semaphore(%arg42 : memref<!tpu.dma_semaphore, #tpu.memory_space<semaphore_mem>>) {add = true}
    %add3A_490 = arith.constant 672 : i32
    %add3A_491 = arith.addi %add3A_490, %add3A : i32
    %mul3A_492 = arith.constant 2000 : i32
    %mul3A_493 = arith.muli %add3A_491, %mul3A_492 : i32
    %dma_start3A_494 = tpu.memref_slice %arg4[%mul3A_493] : memref<1600000xi32, #tpu.memory_space<hbm>> -> memref<2000xi32, #tpu.memory_space<hbm>>
    %dma_start3A_495 = tpu.memref_slice %arg4[%mul3A_493] : memref<1600000xi32, #tpu.memory_space<hbm>> -> memref<2000xi32, #tpu.memory_space<hbm>>
    tpu.enqueue_dma source(%dma_start3A_495 : memref<2000xi32, #tpu.memory_space<hbm>>) target(%arg16 : memref<2000xi32, #tpu.memory_space<vmem>>) target_semaphore(%arg28 : memref<!tpu.dma_semaphore, #tpu.memory_space<semaphore_mem>>)
    %dma_start3A_496 = tpu.memref_slice %arg5[%mul3A_493] : memref<1600000xi32, #tpu.memory_space<hbm>> -> memref<2000xi32, #tpu.memory_space<hbm>>
    %dma_start3A_497 = tpu.memref_slice %arg5[%mul3A_493] : memref<1600000xi32, #tpu.memory_space<hbm>> -> memref<2000xi32, #tpu.memory_space<hbm>>
    tpu.enqueue_dma source(%dma_start3A_497 : memref<2000xi32, #tpu.memory_space<hbm>>) target(%arg20 : memref<2000xi32, #tpu.memory_space<vmem>>) target_semaphore(%arg28 : memref<!tpu.dma_semaphore, #tpu.memory_space<semaphore_mem>>)
    %dma_wait3A_498 = tpu.memref_slice %arg4[%mul3A_469] : memref<1600000xi32, #tpu.memory_space<hbm>> -> memref<2000xi32, #tpu.memory_space<hbm>>
    %dma_wait3A_499 = tpu.memref_slice %arg4[%mul3A_469] : memref<1600000xi32, #tpu.memory_space<hbm>> -> memref<2000xi32, #tpu.memory_space<hbm>>
    tpu.wait_dma2 semaphore(%arg27 : memref<!tpu.dma_semaphore, #tpu.memory_space<semaphore_mem>>) src(%dma_wait3A_499 : memref<2000xi32, #tpu.memory_space<hbm>>) dst(%arg15 : memref<2000xi32, #tpu.memory_space<vmem>>)
    %dma_wait3A_500 = tpu.memref_slice %arg5[%mul3A_469] : memref<1600000xi32, #tpu.memory_space<hbm>> -> memref<2000xi32, #tpu.memory_space<hbm>>
    %dma_wait3A_501 = tpu.memref_slice %arg5[%mul3A_469] : memref<1600000xi32, #tpu.memory_space<hbm>> -> memref<2000xi32, #tpu.memory_space<hbm>>
    tpu.wait_dma2 semaphore(%arg27 : memref<!tpu.dma_semaphore, #tpu.memory_space<semaphore_mem>>) src(%dma_wait3A_501 : memref<2000xi32, #tpu.memory_space<hbm>>) dst(%arg19 : memref<2000xi32, #tpu.memory_space<vmem>>)
    %dma_start3A_502 = arith.constant 0 : i32
    %dma_start3A_503 = tpu.memref_slice %arg8[%dma_start3A_502] : memref<100096xf32, #tpu.memory_space<vmem_shared>> -> memref<100096xf32, #tpu.memory_space<vmem_shared>>
    tpu.enqueue_indirect_dma source(%dma_start3A_503 : memref<100096xf32, #tpu.memory_space<vmem_shared>>) target(%arg23 : memref<2000xf32, #tpu.memory_space<vmem>>) offsets(%arg15 : memref<2000xi32, #tpu.memory_space<vmem>>) semaphore(%arg31 : memref<!tpu.dma_semaphore, #tpu.memory_space<semaphore_mem>>)
    %dma_wait3A_504 = arith.constant 0 : i32
    %dma_wait3A_505 = tpu.memref_slice %arg8[%dma_wait3A_504] : memref<100096xf32, #tpu.memory_space<vmem_shared>> -> memref<100096xf32, #tpu.memory_space<vmem_shared>>
    tpu.wait_indirect_dma semaphore(%arg34 : memref<!tpu.dma_semaphore, #tpu.memory_space<semaphore_mem>>) src(%dma_wait3A_505 : memref<100096xf32, #tpu.memory_space<vmem_shared>>) dst(%arg26 : memref<2000xf32, #tpu.memory_space<vmem>>)
    %dma_start3A_506 = arith.constant 0 : i32
    %dma_start3A_507 = tpu.memref_slice %arg9[%dma_start3A_506] : memref<2016xf32, #tpu.memory_space<vmem_shared>> -> memref<2016xf32, #tpu.memory_space<vmem_shared>>
    tpu.enqueue_indirect_dma source(%arg26 : memref<2000xf32, #tpu.memory_space<vmem>>) target(%dma_start3A_507 : memref<2016xf32, #tpu.memory_space<vmem_shared>>) offsets(%arg22 : memref<2000xi32, #tpu.memory_space<vmem>>) semaphore(%arg38 : memref<!tpu.dma_semaphore, #tpu.memory_space<semaphore_mem>>) {add = true}
    %dma_wait3A_508 = arith.constant 0 : i32
    %dma_wait3A_509 = tpu.memref_slice %arg9[%dma_wait3A_508] : memref<2016xf32, #tpu.memory_space<vmem_shared>> -> memref<2016xf32, #tpu.memory_space<vmem_shared>>
    tpu.wait_indirect_dma semaphore(%arg37 : memref<!tpu.dma_semaphore, #tpu.memory_space<semaphore_mem>>) src(%arg25 : memref<2000xf32, #tpu.memory_space<vmem>>) dst(%dma_wait3A_509 : memref<2016xf32, #tpu.memory_space<vmem_shared>>)
    %dma_wait3A_510 = arith.constant 0 : i32
    %dma_wait3A_511 = tpu.memref_slice %arg10[%dma_wait3A_510] : memref<2016xf32, #tpu.memory_space<vmem_shared>> -> memref<2016xf32, #tpu.memory_space<vmem_shared>>
    tpu.wait_indirect_dma semaphore(%arg41 : memref<!tpu.dma_semaphore, #tpu.memory_space<semaphore_mem>>) src(%arg14 : memref<2000xf32, #tpu.memory_space<vmem>>) dst(%dma_wait3A_511 : memref<2016xf32, #tpu.memory_space<vmem_shared>>)
    %dma_start3A_512 = arith.constant 0 : i32
    %dma_start3A_513 = tpu.memref_slice %arg10[%dma_start3A_512] : memref<2016xf32, #tpu.memory_space<vmem_shared>> -> memref<2016xf32, #tpu.memory_space<vmem_shared>>
    tpu.enqueue_indirect_dma source(%arg14 : memref<2000xf32, #tpu.memory_space<vmem>>) target(%dma_start3A_513 : memref<2016xf32, #tpu.memory_space<vmem_shared>>) offsets(%arg19 : memref<2000xi32, #tpu.memory_space<vmem>>) semaphore(%arg39 : memref<!tpu.dma_semaphore, #tpu.memory_space<semaphore_mem>>) {add = true}
    %add3A_514 = arith.constant 704 : i32
    %add3A_515 = arith.addi %add3A_514, %add3A : i32
    %mul3A_516 = arith.constant 2000 : i32
    %mul3A_517 = arith.muli %add3A_515, %mul3A_516 : i32
    %dma_start3A_518 = tpu.memref_slice %arg4[%mul3A_517] : memref<1600000xi32, #tpu.memory_space<hbm>> -> memref<2000xi32, #tpu.memory_space<hbm>>
    %dma_start3A_519 = tpu.memref_slice %arg4[%mul3A_517] : memref<1600000xi32, #tpu.memory_space<hbm>> -> memref<2000xi32, #tpu.memory_space<hbm>>
    tpu.enqueue_dma source(%dma_start3A_519 : memref<2000xi32, #tpu.memory_space<hbm>>) target(%arg17 : memref<2000xi32, #tpu.memory_space<vmem>>) target_semaphore(%arg29 : memref<!tpu.dma_semaphore, #tpu.memory_space<semaphore_mem>>)
    %dma_start3A_520 = tpu.memref_slice %arg5[%mul3A_517] : memref<1600000xi32, #tpu.memory_space<hbm>> -> memref<2000xi32, #tpu.memory_space<hbm>>
    %dma_start3A_521 = tpu.memref_slice %arg5[%mul3A_517] : memref<1600000xi32, #tpu.memory_space<hbm>> -> memref<2000xi32, #tpu.memory_space<hbm>>
    tpu.enqueue_dma source(%dma_start3A_521 : memref<2000xi32, #tpu.memory_space<hbm>>) target(%arg21 : memref<2000xi32, #tpu.memory_space<vmem>>) target_semaphore(%arg29 : memref<!tpu.dma_semaphore, #tpu.memory_space<semaphore_mem>>)
    %dma_wait3A_522 = tpu.memref_slice %arg4[%mul3A_493] : memref<1600000xi32, #tpu.memory_space<hbm>> -> memref<2000xi32, #tpu.memory_space<hbm>>
    %dma_wait3A_523 = tpu.memref_slice %arg4[%mul3A_493] : memref<1600000xi32, #tpu.memory_space<hbm>> -> memref<2000xi32, #tpu.memory_space<hbm>>
    tpu.wait_dma2 semaphore(%arg28 : memref<!tpu.dma_semaphore, #tpu.memory_space<semaphore_mem>>) src(%dma_wait3A_523 : memref<2000xi32, #tpu.memory_space<hbm>>) dst(%arg16 : memref<2000xi32, #tpu.memory_space<vmem>>)
    %dma_wait3A_524 = tpu.memref_slice %arg5[%mul3A_493] : memref<1600000xi32, #tpu.memory_space<hbm>> -> memref<2000xi32, #tpu.memory_space<hbm>>
    %dma_wait3A_525 = tpu.memref_slice %arg5[%mul3A_493] : memref<1600000xi32, #tpu.memory_space<hbm>> -> memref<2000xi32, #tpu.memory_space<hbm>>
    tpu.wait_dma2 semaphore(%arg28 : memref<!tpu.dma_semaphore, #tpu.memory_space<semaphore_mem>>) src(%dma_wait3A_525 : memref<2000xi32, #tpu.memory_space<hbm>>) dst(%arg20 : memref<2000xi32, #tpu.memory_space<vmem>>)
    %dma_start3A_526 = arith.constant 0 : i32
    %dma_start3A_527 = tpu.memref_slice %arg8[%dma_start3A_526] : memref<100096xf32, #tpu.memory_space<vmem_shared>> -> memref<100096xf32, #tpu.memory_space<vmem_shared>>
    tpu.enqueue_indirect_dma source(%dma_start3A_527 : memref<100096xf32, #tpu.memory_space<vmem_shared>>) target(%arg24 : memref<2000xf32, #tpu.memory_space<vmem>>) offsets(%arg16 : memref<2000xi32, #tpu.memory_space<vmem>>) semaphore(%arg32 : memref<!tpu.dma_semaphore, #tpu.memory_space<semaphore_mem>>)
    %dma_wait3A_528 = arith.constant 0 : i32
    %dma_wait3A_529 = tpu.memref_slice %arg8[%dma_wait3A_528] : memref<100096xf32, #tpu.memory_space<vmem_shared>> -> memref<100096xf32, #tpu.memory_space<vmem_shared>>
    tpu.wait_indirect_dma semaphore(%arg31 : memref<!tpu.dma_semaphore, #tpu.memory_space<semaphore_mem>>) src(%dma_wait3A_529 : memref<100096xf32, #tpu.memory_space<vmem_shared>>) dst(%arg23 : memref<2000xf32, #tpu.memory_space<vmem>>)
    %dma_start3A_530 = arith.constant 0 : i32
    %dma_start3A_531 = tpu.memref_slice %arg9[%dma_start3A_530] : memref<2016xf32, #tpu.memory_space<vmem_shared>> -> memref<2016xf32, #tpu.memory_space<vmem_shared>>
    tpu.enqueue_indirect_dma source(%arg23 : memref<2000xf32, #tpu.memory_space<vmem>>) target(%dma_start3A_531 : memref<2016xf32, #tpu.memory_space<vmem_shared>>) offsets(%arg19 : memref<2000xi32, #tpu.memory_space<vmem>>) semaphore(%arg35 : memref<!tpu.dma_semaphore, #tpu.memory_space<semaphore_mem>>) {add = true}
    %dma_wait3A_532 = arith.constant 0 : i32
    %dma_wait3A_533 = tpu.memref_slice %arg9[%dma_wait3A_532] : memref<2016xf32, #tpu.memory_space<vmem_shared>> -> memref<2016xf32, #tpu.memory_space<vmem_shared>>
    tpu.wait_indirect_dma semaphore(%arg38 : memref<!tpu.dma_semaphore, #tpu.memory_space<semaphore_mem>>) src(%arg26 : memref<2000xf32, #tpu.memory_space<vmem>>) dst(%dma_wait3A_533 : memref<2016xf32, #tpu.memory_space<vmem_shared>>)
    %dma_wait3A_534 = arith.constant 0 : i32
    %dma_wait3A_535 = tpu.memref_slice %arg10[%dma_wait3A_534] : memref<2016xf32, #tpu.memory_space<vmem_shared>> -> memref<2016xf32, #tpu.memory_space<vmem_shared>>
    tpu.wait_indirect_dma semaphore(%arg42 : memref<!tpu.dma_semaphore, #tpu.memory_space<semaphore_mem>>) src(%arg14 : memref<2000xf32, #tpu.memory_space<vmem>>) dst(%dma_wait3A_535 : memref<2016xf32, #tpu.memory_space<vmem_shared>>)
    %dma_start3A_536 = arith.constant 0 : i32
    %dma_start3A_537 = tpu.memref_slice %arg10[%dma_start3A_536] : memref<2016xf32, #tpu.memory_space<vmem_shared>> -> memref<2016xf32, #tpu.memory_space<vmem_shared>>
    tpu.enqueue_indirect_dma source(%arg14 : memref<2000xf32, #tpu.memory_space<vmem>>) target(%dma_start3A_537 : memref<2016xf32, #tpu.memory_space<vmem_shared>>) offsets(%arg20 : memref<2000xi32, #tpu.memory_space<vmem>>) semaphore(%arg40 : memref<!tpu.dma_semaphore, #tpu.memory_space<semaphore_mem>>) {add = true}
    %add3A_538 = arith.constant 736 : i32
    %add3A_539 = arith.addi %add3A_538, %add3A : i32
    %mul3A_540 = arith.constant 2000 : i32
    %mul3A_541 = arith.muli %add3A_539, %mul3A_540 : i32
    %dma_start3A_542 = tpu.memref_slice %arg4[%mul3A_541] : memref<1600000xi32, #tpu.memory_space<hbm>> -> memref<2000xi32, #tpu.memory_space<hbm>>
    %dma_start3A_543 = tpu.memref_slice %arg4[%mul3A_541] : memref<1600000xi32, #tpu.memory_space<hbm>> -> memref<2000xi32, #tpu.memory_space<hbm>>
    tpu.enqueue_dma source(%dma_start3A_543 : memref<2000xi32, #tpu.memory_space<hbm>>) target(%arg18 : memref<2000xi32, #tpu.memory_space<vmem>>) target_semaphore(%arg30 : memref<!tpu.dma_semaphore, #tpu.memory_space<semaphore_mem>>)
    %dma_start3A_544 = tpu.memref_slice %arg5[%mul3A_541] : memref<1600000xi32, #tpu.memory_space<hbm>> -> memref<2000xi32, #tpu.memory_space<hbm>>
    %dma_start3A_545 = tpu.memref_slice %arg5[%mul3A_541] : memref<1600000xi32, #tpu.memory_space<hbm>> -> memref<2000xi32, #tpu.memory_space<hbm>>
    tpu.enqueue_dma source(%dma_start3A_545 : memref<2000xi32, #tpu.memory_space<hbm>>) target(%arg22 : memref<2000xi32, #tpu.memory_space<vmem>>) target_semaphore(%arg30 : memref<!tpu.dma_semaphore, #tpu.memory_space<semaphore_mem>>)
    %dma_wait3A_546 = tpu.memref_slice %arg4[%mul3A_517] : memref<1600000xi32, #tpu.memory_space<hbm>> -> memref<2000xi32, #tpu.memory_space<hbm>>
    %dma_wait3A_547 = tpu.memref_slice %arg4[%mul3A_517] : memref<1600000xi32, #tpu.memory_space<hbm>> -> memref<2000xi32, #tpu.memory_space<hbm>>
    tpu.wait_dma2 semaphore(%arg29 : memref<!tpu.dma_semaphore, #tpu.memory_space<semaphore_mem>>) src(%dma_wait3A_547 : memref<2000xi32, #tpu.memory_space<hbm>>) dst(%arg17 : memref<2000xi32, #tpu.memory_space<vmem>>)
    %dma_wait3A_548 = tpu.memref_slice %arg5[%mul3A_517] : memref<1600000xi32, #tpu.memory_space<hbm>> -> memref<2000xi32, #tpu.memory_space<hbm>>
    %dma_wait3A_549 = tpu.memref_slice %arg5[%mul3A_517] : memref<1600000xi32, #tpu.memory_space<hbm>> -> memref<2000xi32, #tpu.memory_space<hbm>>
    tpu.wait_dma2 semaphore(%arg29 : memref<!tpu.dma_semaphore, #tpu.memory_space<semaphore_mem>>) src(%dma_wait3A_549 : memref<2000xi32, #tpu.memory_space<hbm>>) dst(%arg21 : memref<2000xi32, #tpu.memory_space<vmem>>)
    %dma_start3A_550 = arith.constant 0 : i32
    %dma_start3A_551 = tpu.memref_slice %arg8[%dma_start3A_550] : memref<100096xf32, #tpu.memory_space<vmem_shared>> -> memref<100096xf32, #tpu.memory_space<vmem_shared>>
    tpu.enqueue_indirect_dma source(%dma_start3A_551 : memref<100096xf32, #tpu.memory_space<vmem_shared>>) target(%arg25 : memref<2000xf32, #tpu.memory_space<vmem>>) offsets(%arg17 : memref<2000xi32, #tpu.memory_space<vmem>>) semaphore(%arg33 : memref<!tpu.dma_semaphore, #tpu.memory_space<semaphore_mem>>)
    %dma_wait3A_552 = arith.constant 0 : i32
    %dma_wait3A_553 = tpu.memref_slice %arg8[%dma_wait3A_552] : memref<100096xf32, #tpu.memory_space<vmem_shared>> -> memref<100096xf32, #tpu.memory_space<vmem_shared>>
    tpu.wait_indirect_dma semaphore(%arg32 : memref<!tpu.dma_semaphore, #tpu.memory_space<semaphore_mem>>) src(%dma_wait3A_553 : memref<100096xf32, #tpu.memory_space<vmem_shared>>) dst(%arg24 : memref<2000xf32, #tpu.memory_space<vmem>>)
    %dma_start3A_554 = arith.constant 0 : i32
    %dma_start3A_555 = tpu.memref_slice %arg9[%dma_start3A_554] : memref<2016xf32, #tpu.memory_space<vmem_shared>> -> memref<2016xf32, #tpu.memory_space<vmem_shared>>
    tpu.enqueue_indirect_dma source(%arg24 : memref<2000xf32, #tpu.memory_space<vmem>>) target(%dma_start3A_555 : memref<2016xf32, #tpu.memory_space<vmem_shared>>) offsets(%arg20 : memref<2000xi32, #tpu.memory_space<vmem>>) semaphore(%arg36 : memref<!tpu.dma_semaphore, #tpu.memory_space<semaphore_mem>>) {add = true}
    %dma_wait3A_556 = arith.constant 0 : i32
    %dma_wait3A_557 = tpu.memref_slice %arg9[%dma_wait3A_556] : memref<2016xf32, #tpu.memory_space<vmem_shared>> -> memref<2016xf32, #tpu.memory_space<vmem_shared>>
    tpu.wait_indirect_dma semaphore(%arg35 : memref<!tpu.dma_semaphore, #tpu.memory_space<semaphore_mem>>) src(%arg23 : memref<2000xf32, #tpu.memory_space<vmem>>) dst(%dma_wait3A_557 : memref<2016xf32, #tpu.memory_space<vmem_shared>>)
    %dma_wait3A_558 = arith.constant 0 : i32
    %dma_wait3A_559 = tpu.memref_slice %arg10[%dma_wait3A_558] : memref<2016xf32, #tpu.memory_space<vmem_shared>> -> memref<2016xf32, #tpu.memory_space<vmem_shared>>
    tpu.wait_indirect_dma semaphore(%arg39 : memref<!tpu.dma_semaphore, #tpu.memory_space<semaphore_mem>>) src(%arg14 : memref<2000xf32, #tpu.memory_space<vmem>>) dst(%dma_wait3A_559 : memref<2016xf32, #tpu.memory_space<vmem_shared>>)
    %dma_start3A_560 = arith.constant 0 : i32
    %dma_start3A_561 = tpu.memref_slice %arg10[%dma_start3A_560] : memref<2016xf32, #tpu.memory_space<vmem_shared>> -> memref<2016xf32, #tpu.memory_space<vmem_shared>>
    tpu.enqueue_indirect_dma source(%arg14 : memref<2000xf32, #tpu.memory_space<vmem>>) target(%dma_start3A_561 : memref<2016xf32, #tpu.memory_space<vmem_shared>>) offsets(%arg21 : memref<2000xi32, #tpu.memory_space<vmem>>) semaphore(%arg41 : memref<!tpu.dma_semaphore, #tpu.memory_space<semaphore_mem>>) {add = true}
    %add3A_562 = arith.constant 768 : i32
    %add3A_563 = arith.addi %add3A_562, %add3A : i32
    %mul3A_564 = arith.constant 2000 : i32
    %mul3A_565 = arith.muli %add3A_563, %mul3A_564 : i32
    %dma_start3A_566 = tpu.memref_slice %arg4[%mul3A_565] : memref<1600000xi32, #tpu.memory_space<hbm>> -> memref<2000xi32, #tpu.memory_space<hbm>>
    %dma_start3A_567 = tpu.memref_slice %arg4[%mul3A_565] : memref<1600000xi32, #tpu.memory_space<hbm>> -> memref<2000xi32, #tpu.memory_space<hbm>>
    tpu.enqueue_dma source(%dma_start3A_567 : memref<2000xi32, #tpu.memory_space<hbm>>) target(%arg15 : memref<2000xi32, #tpu.memory_space<vmem>>) target_semaphore(%arg27 : memref<!tpu.dma_semaphore, #tpu.memory_space<semaphore_mem>>)
    %dma_start3A_568 = tpu.memref_slice %arg5[%mul3A_565] : memref<1600000xi32, #tpu.memory_space<hbm>> -> memref<2000xi32, #tpu.memory_space<hbm>>
    %dma_start3A_569 = tpu.memref_slice %arg5[%mul3A_565] : memref<1600000xi32, #tpu.memory_space<hbm>> -> memref<2000xi32, #tpu.memory_space<hbm>>
    tpu.enqueue_dma source(%dma_start3A_569 : memref<2000xi32, #tpu.memory_space<hbm>>) target(%arg19 : memref<2000xi32, #tpu.memory_space<vmem>>) target_semaphore(%arg27 : memref<!tpu.dma_semaphore, #tpu.memory_space<semaphore_mem>>)
    %dma_wait3A_570 = tpu.memref_slice %arg4[%mul3A_541] : memref<1600000xi32, #tpu.memory_space<hbm>> -> memref<2000xi32, #tpu.memory_space<hbm>>
    %dma_wait3A_571 = tpu.memref_slice %arg4[%mul3A_541] : memref<1600000xi32, #tpu.memory_space<hbm>> -> memref<2000xi32, #tpu.memory_space<hbm>>
    tpu.wait_dma2 semaphore(%arg30 : memref<!tpu.dma_semaphore, #tpu.memory_space<semaphore_mem>>) src(%dma_wait3A_571 : memref<2000xi32, #tpu.memory_space<hbm>>) dst(%arg18 : memref<2000xi32, #tpu.memory_space<vmem>>)
    %dma_wait3A_572 = tpu.memref_slice %arg5[%mul3A_541] : memref<1600000xi32, #tpu.memory_space<hbm>> -> memref<2000xi32, #tpu.memory_space<hbm>>
    %dma_wait3A_573 = tpu.memref_slice %arg5[%mul3A_541] : memref<1600000xi32, #tpu.memory_space<hbm>> -> memref<2000xi32, #tpu.memory_space<hbm>>
    tpu.wait_dma2 semaphore(%arg30 : memref<!tpu.dma_semaphore, #tpu.memory_space<semaphore_mem>>) src(%dma_wait3A_573 : memref<2000xi32, #tpu.memory_space<hbm>>) dst(%arg22 : memref<2000xi32, #tpu.memory_space<vmem>>)
    %dma_start3A_574 = arith.constant 0 : i32
    %dma_start3A_575 = tpu.memref_slice %arg8[%dma_start3A_574] : memref<100096xf32, #tpu.memory_space<vmem_shared>> -> memref<100096xf32, #tpu.memory_space<vmem_shared>>
    tpu.enqueue_indirect_dma source(%dma_start3A_575 : memref<100096xf32, #tpu.memory_space<vmem_shared>>) target(%arg26 : memref<2000xf32, #tpu.memory_space<vmem>>) offsets(%arg18 : memref<2000xi32, #tpu.memory_space<vmem>>) semaphore(%arg34 : memref<!tpu.dma_semaphore, #tpu.memory_space<semaphore_mem>>)
    %dma_wait3A_576 = arith.constant 0 : i32
    %dma_wait3A_577 = tpu.memref_slice %arg8[%dma_wait3A_576] : memref<100096xf32, #tpu.memory_space<vmem_shared>> -> memref<100096xf32, #tpu.memory_space<vmem_shared>>
    tpu.wait_indirect_dma semaphore(%arg33 : memref<!tpu.dma_semaphore, #tpu.memory_space<semaphore_mem>>) src(%dma_wait3A_577 : memref<100096xf32, #tpu.memory_space<vmem_shared>>) dst(%arg25 : memref<2000xf32, #tpu.memory_space<vmem>>)
    %dma_start3A_578 = arith.constant 0 : i32
    %dma_start3A_579 = tpu.memref_slice %arg9[%dma_start3A_578] : memref<2016xf32, #tpu.memory_space<vmem_shared>> -> memref<2016xf32, #tpu.memory_space<vmem_shared>>
    tpu.enqueue_indirect_dma source(%arg25 : memref<2000xf32, #tpu.memory_space<vmem>>) target(%dma_start3A_579 : memref<2016xf32, #tpu.memory_space<vmem_shared>>) offsets(%arg21 : memref<2000xi32, #tpu.memory_space<vmem>>) semaphore(%arg37 : memref<!tpu.dma_semaphore, #tpu.memory_space<semaphore_mem>>) {add = true}
    %dma_wait3A_580 = arith.constant 0 : i32
    %dma_wait3A_581 = tpu.memref_slice %arg9[%dma_wait3A_580] : memref<2016xf32, #tpu.memory_space<vmem_shared>> -> memref<2016xf32, #tpu.memory_space<vmem_shared>>
    tpu.wait_indirect_dma semaphore(%arg36 : memref<!tpu.dma_semaphore, #tpu.memory_space<semaphore_mem>>) src(%arg24 : memref<2000xf32, #tpu.memory_space<vmem>>) dst(%dma_wait3A_581 : memref<2016xf32, #tpu.memory_space<vmem_shared>>)
    %dma_wait3A_582 = arith.constant 0 : i32
    %dma_wait3A_583 = tpu.memref_slice %arg10[%dma_wait3A_582] : memref<2016xf32, #tpu.memory_space<vmem_shared>> -> memref<2016xf32, #tpu.memory_space<vmem_shared>>
    tpu.wait_indirect_dma semaphore(%arg40 : memref<!tpu.dma_semaphore, #tpu.memory_space<semaphore_mem>>) src(%arg14 : memref<2000xf32, #tpu.memory_space<vmem>>) dst(%dma_wait3A_583 : memref<2016xf32, #tpu.memory_space<vmem_shared>>)
    %dma_start3A_584 = arith.constant 0 : i32
    %dma_start3A_585 = tpu.memref_slice %arg10[%dma_start3A_584] : memref<2016xf32, #tpu.memory_space<vmem_shared>> -> memref<2016xf32, #tpu.memory_space<vmem_shared>>
    tpu.enqueue_indirect_dma source(%arg14 : memref<2000xf32, #tpu.memory_space<vmem>>) target(%dma_start3A_585 : memref<2016xf32, #tpu.memory_space<vmem_shared>>) offsets(%arg22 : memref<2000xi32, #tpu.memory_space<vmem>>) semaphore(%arg42 : memref<!tpu.dma_semaphore, #tpu.memory_space<semaphore_mem>>) {add = true}
    %dma_wait3A_586 = tpu.memref_slice %arg4[%mul3A_565] : memref<1600000xi32, #tpu.memory_space<hbm>> -> memref<2000xi32, #tpu.memory_space<hbm>>
    %dma_wait3A_587 = tpu.memref_slice %arg4[%mul3A_565] : memref<1600000xi32, #tpu.memory_space<hbm>> -> memref<2000xi32, #tpu.memory_space<hbm>>
    tpu.wait_dma2 semaphore(%arg27 : memref<!tpu.dma_semaphore, #tpu.memory_space<semaphore_mem>>) src(%dma_wait3A_587 : memref<2000xi32, #tpu.memory_space<hbm>>) dst(%arg15 : memref<2000xi32, #tpu.memory_space<vmem>>)
    %dma_wait3A_588 = tpu.memref_slice %arg5[%mul3A_565] : memref<1600000xi32, #tpu.memory_space<hbm>> -> memref<2000xi32, #tpu.memory_space<hbm>>
    %dma_wait3A_589 = tpu.memref_slice %arg5[%mul3A_565] : memref<1600000xi32, #tpu.memory_space<hbm>> -> memref<2000xi32, #tpu.memory_space<hbm>>
    tpu.wait_dma2 semaphore(%arg27 : memref<!tpu.dma_semaphore, #tpu.memory_space<semaphore_mem>>) src(%dma_wait3A_589 : memref<2000xi32, #tpu.memory_space<hbm>>) dst(%arg19 : memref<2000xi32, #tpu.memory_space<vmem>>)
    %dma_start3A_590 = arith.constant 0 : i32
    %dma_start3A_591 = tpu.memref_slice %arg8[%dma_start3A_590] : memref<100096xf32, #tpu.memory_space<vmem_shared>> -> memref<100096xf32, #tpu.memory_space<vmem_shared>>
    tpu.enqueue_indirect_dma source(%dma_start3A_591 : memref<100096xf32, #tpu.memory_space<vmem_shared>>) target(%arg23 : memref<2000xf32, #tpu.memory_space<vmem>>) offsets(%arg15 : memref<2000xi32, #tpu.memory_space<vmem>>) semaphore(%arg31 : memref<!tpu.dma_semaphore, #tpu.memory_space<semaphore_mem>>)
    %dma_wait3A_592 = arith.constant 0 : i32
    %dma_wait3A_593 = tpu.memref_slice %arg8[%dma_wait3A_592] : memref<100096xf32, #tpu.memory_space<vmem_shared>> -> memref<100096xf32, #tpu.memory_space<vmem_shared>>
    tpu.wait_indirect_dma semaphore(%arg34 : memref<!tpu.dma_semaphore, #tpu.memory_space<semaphore_mem>>) src(%dma_wait3A_593 : memref<100096xf32, #tpu.memory_space<vmem_shared>>) dst(%arg26 : memref<2000xf32, #tpu.memory_space<vmem>>)
    %dma_start3A_594 = arith.constant 0 : i32
    %dma_start3A_595 = tpu.memref_slice %arg9[%dma_start3A_594] : memref<2016xf32, #tpu.memory_space<vmem_shared>> -> memref<2016xf32, #tpu.memory_space<vmem_shared>>
    tpu.enqueue_indirect_dma source(%arg26 : memref<2000xf32, #tpu.memory_space<vmem>>) target(%dma_start3A_595 : memref<2016xf32, #tpu.memory_space<vmem_shared>>) offsets(%arg22 : memref<2000xi32, #tpu.memory_space<vmem>>) semaphore(%arg38 : memref<!tpu.dma_semaphore, #tpu.memory_space<semaphore_mem>>) {add = true}
    %dma_wait3A_596 = arith.constant 0 : i32
    %dma_wait3A_597 = tpu.memref_slice %arg9[%dma_wait3A_596] : memref<2016xf32, #tpu.memory_space<vmem_shared>> -> memref<2016xf32, #tpu.memory_space<vmem_shared>>
    tpu.wait_indirect_dma semaphore(%arg37 : memref<!tpu.dma_semaphore, #tpu.memory_space<semaphore_mem>>) src(%arg25 : memref<2000xf32, #tpu.memory_space<vmem>>) dst(%dma_wait3A_597 : memref<2016xf32, #tpu.memory_space<vmem_shared>>)
    %dma_wait3A_598 = arith.constant 0 : i32
    %dma_wait3A_599 = tpu.memref_slice %arg10[%dma_wait3A_598] : memref<2016xf32, #tpu.memory_space<vmem_shared>> -> memref<2016xf32, #tpu.memory_space<vmem_shared>>
    tpu.wait_indirect_dma semaphore(%arg41 : memref<!tpu.dma_semaphore, #tpu.memory_space<semaphore_mem>>) src(%arg14 : memref<2000xf32, #tpu.memory_space<vmem>>) dst(%dma_wait3A_599 : memref<2016xf32, #tpu.memory_space<vmem_shared>>)
    %dma_start3A_600 = arith.constant 0 : i32
    %dma_start3A_601 = tpu.memref_slice %arg10[%dma_start3A_600] : memref<2016xf32, #tpu.memory_space<vmem_shared>> -> memref<2016xf32, #tpu.memory_space<vmem_shared>>
    tpu.enqueue_indirect_dma source(%arg14 : memref<2000xf32, #tpu.memory_space<vmem>>) target(%dma_start3A_601 : memref<2016xf32, #tpu.memory_space<vmem_shared>>) offsets(%arg19 : memref<2000xi32, #tpu.memory_space<vmem>>) semaphore(%arg39 : memref<!tpu.dma_semaphore, #tpu.memory_space<semaphore_mem>>) {add = true}
    %dma_wait3A_602 = arith.constant 0 : i32
    %dma_wait3A_603 = tpu.memref_slice %arg8[%dma_wait3A_602] : memref<100096xf32, #tpu.memory_space<vmem_shared>> -> memref<100096xf32, #tpu.memory_space<vmem_shared>>
    tpu.wait_indirect_dma semaphore(%arg31 : memref<!tpu.dma_semaphore, #tpu.memory_space<semaphore_mem>>) src(%dma_wait3A_603 : memref<100096xf32, #tpu.memory_space<vmem_shared>>) dst(%arg23 : memref<2000xf32, #tpu.memory_space<vmem>>)
    %dma_start3A_604 = arith.constant 0 : i32
    %dma_start3A_605 = tpu.memref_slice %arg9[%dma_start3A_604] : memref<2016xf32, #tpu.memory_space<vmem_shared>> -> memref<2016xf32, #tpu.memory_space<vmem_shared>>
    tpu.enqueue_indirect_dma source(%arg23 : memref<2000xf32, #tpu.memory_space<vmem>>) target(%dma_start3A_605 : memref<2016xf32, #tpu.memory_space<vmem_shared>>) offsets(%arg19 : memref<2000xi32, #tpu.memory_space<vmem>>) semaphore(%arg35 : memref<!tpu.dma_semaphore, #tpu.memory_space<semaphore_mem>>) {add = true}
    %dma_wait3A_606 = arith.constant 0 : i32
    %dma_wait3A_607 = tpu.memref_slice %arg9[%dma_wait3A_606] : memref<2016xf32, #tpu.memory_space<vmem_shared>> -> memref<2016xf32, #tpu.memory_space<vmem_shared>>
    tpu.wait_indirect_dma semaphore(%arg38 : memref<!tpu.dma_semaphore, #tpu.memory_space<semaphore_mem>>) src(%arg26 : memref<2000xf32, #tpu.memory_space<vmem>>) dst(%dma_wait3A_607 : memref<2016xf32, #tpu.memory_space<vmem_shared>>)
    %dma_wait3A_608 = arith.constant 0 : i32
    %dma_wait3A_609 = tpu.memref_slice %arg10[%dma_wait3A_608] : memref<2016xf32, #tpu.memory_space<vmem_shared>> -> memref<2016xf32, #tpu.memory_space<vmem_shared>>
    tpu.wait_indirect_dma semaphore(%arg42 : memref<!tpu.dma_semaphore, #tpu.memory_space<semaphore_mem>>) src(%arg14 : memref<2000xf32, #tpu.memory_space<vmem>>) dst(%dma_wait3A_609 : memref<2016xf32, #tpu.memory_space<vmem_shared>>)
    %dma_wait3A_610 = arith.constant 0 : i32
    %dma_wait3A_611 = tpu.memref_slice %arg9[%dma_wait3A_610] : memref<2016xf32, #tpu.memory_space<vmem_shared>> -> memref<2016xf32, #tpu.memory_space<vmem_shared>>
    tpu.wait_indirect_dma semaphore(%arg35 : memref<!tpu.dma_semaphore, #tpu.memory_space<semaphore_mem>>) src(%arg23 : memref<2000xf32, #tpu.memory_space<vmem>>) dst(%dma_wait3A_611 : memref<2016xf32, #tpu.memory_space<vmem_shared>>)
    %dma_wait3A_612 = arith.constant 0 : i32
    %dma_wait3A_613 = tpu.memref_slice %arg10[%dma_wait3A_612] : memref<2016xf32, #tpu.memory_space<vmem_shared>> -> memref<2016xf32, #tpu.memory_space<vmem_shared>>
    tpu.wait_indirect_dma semaphore(%arg39 : memref<!tpu.dma_semaphore, #tpu.memory_space<semaphore_mem>>) src(%arg14 : memref<2000xf32, #tpu.memory_space<vmem>>) dst(%dma_wait3A_613 : memref<2016xf32, #tpu.memory_space<vmem_shared>>)
    %barrier3A_614 = arith.constant 0 : index
    tpu.barrier barrier_id(%barrier3A_614)
    %eq3A_615 = arith.constant 0 : i32
    %eq3A_616 = arith.cmpi eq, %arg1, %eq3A_615 : i32
    %convert_element_type3A_617 = arith.extui %eq3A_616 : i1 to i32
    %cond3A_618 = arith.constant 0 : i32
    %cond3A_619 = arith.cmpi ne, %convert_element_type3A_617, %cond3A_618 : i32
    scf.if %cond3A_619 {
      "tpu.region"() ({
        %run_scoped3A = tpu.sem_alloc : memref<!tpu.dma_semaphore, #tpu.memory_space<semaphore_mem>>
        tpu.enqueue_dma source(%arg9 : memref<2016xf32, #tpu.memory_space<vmem_shared>>) target(%arg13 : memref<2016xf32, #tpu.memory_space<vmem>>) target_semaphore(%run_scoped3A : memref<!tpu.dma_semaphore, #tpu.memory_space<semaphore_mem>>)
        tpu.wait_dma2 semaphore(%run_scoped3A : memref<!tpu.dma_semaphore, #tpu.memory_space<semaphore_mem>>) src(%arg9 : memref<2016xf32, #tpu.memory_space<vmem_shared>>) dst(%arg13 : memref<2016xf32, #tpu.memory_space<vmem>>)
        tpu.yield
      }) : () -> ()
      %mul3A_620 = arith.constant 2016 : i32
      %mul3A_621 = arith.muli %arg0, %mul3A_620 : i32
      "tpu.region"() ({
        %run_scoped3A = tpu.sem_alloc : memref<!tpu.dma_semaphore, #tpu.memory_space<semaphore_mem>>
        %dma_start3A_624 = tpu.memref_slice %arg6[%mul3A_621] : memref<4032xf32, #tpu.memory_space<hbm>> -> memref<2016xf32, #tpu.memory_space<hbm>>
        %dma_start3A_625 = tpu.memref_slice %arg6[%mul3A_621] : memref<4032xf32, #tpu.memory_space<hbm>> -> memref<2016xf32, #tpu.memory_space<hbm>>
        tpu.enqueue_dma source(%arg13 : memref<2016xf32, #tpu.memory_space<vmem>>) target(%dma_start3A_625 : memref<2016xf32, #tpu.memory_space<hbm>>) target_semaphore(%run_scoped3A : memref<!tpu.dma_semaphore, #tpu.memory_space<semaphore_mem>>)
        %dma_wait3A_626 = tpu.memref_slice %arg6[%mul3A_621] : memref<4032xf32, #tpu.memory_space<hbm>> -> memref<2016xf32, #tpu.memory_space<hbm>>
        %dma_wait3A_627 = tpu.memref_slice %arg6[%mul3A_621] : memref<4032xf32, #tpu.memory_space<hbm>> -> memref<2016xf32, #tpu.memory_space<hbm>>
        tpu.wait_dma2 semaphore(%run_scoped3A : memref<!tpu.dma_semaphore, #tpu.memory_space<semaphore_mem>>) src(%arg13 : memref<2016xf32, #tpu.memory_space<vmem>>) dst(%dma_wait3A_627 : memref<2016xf32, #tpu.memory_space<hbm>>)
        tpu.yield
      }) : () -> ()
      "tpu.region"() ({
        %run_scoped3A = tpu.sem_alloc : memref<!tpu.dma_semaphore, #tpu.memory_space<semaphore_mem>>
        tpu.enqueue_dma source(%arg10 : memref<2016xf32, #tpu.memory_space<vmem_shared>>) target(%arg13 : memref<2016xf32, #tpu.memory_space<vmem>>) target_semaphore(%run_scoped3A : memref<!tpu.dma_semaphore, #tpu.memory_space<semaphore_mem>>)
        tpu.wait_dma2 semaphore(%run_scoped3A : memref<!tpu.dma_semaphore, #tpu.memory_space<semaphore_mem>>) src(%arg10 : memref<2016xf32, #tpu.memory_space<vmem_shared>>) dst(%arg13 : memref<2016xf32, #tpu.memory_space<vmem>>)
        tpu.yield
      }) : () -> ()
      %mul3A_622 = arith.constant 2016 : i32
      %mul3A_623 = arith.muli %arg0, %mul3A_622 : i32
      "tpu.region"() ({
        %run_scoped3A = tpu.sem_alloc : memref<!tpu.dma_semaphore, #tpu.memory_space<semaphore_mem>>
        %dma_start3A_624 = tpu.memref_slice %arg7[%mul3A_623] : memref<4032xf32, #tpu.memory_space<hbm>> -> memref<2016xf32, #tpu.memory_space<hbm>>
        %dma_start3A_625 = tpu.memref_slice %arg7[%mul3A_623] : memref<4032xf32, #tpu.memory_space<hbm>> -> memref<2016xf32, #tpu.memory_space<hbm>>
        tpu.enqueue_dma source(%arg13 : memref<2016xf32, #tpu.memory_space<vmem>>) target(%dma_start3A_625 : memref<2016xf32, #tpu.memory_space<hbm>>) target_semaphore(%run_scoped3A : memref<!tpu.dma_semaphore, #tpu.memory_space<semaphore_mem>>)
        %dma_wait3A_626 = tpu.memref_slice %arg7[%mul3A_623] : memref<4032xf32, #tpu.memory_space<hbm>> -> memref<2016xf32, #tpu.memory_space<hbm>>
        %dma_wait3A_627 = tpu.memref_slice %arg7[%mul3A_623] : memref<4032xf32, #tpu.memory_space<hbm>> -> memref<2016xf32, #tpu.memory_space<hbm>>
        tpu.wait_dma2 semaphore(%run_scoped3A : memref<!tpu.dma_semaphore, #tpu.memory_space<semaphore_mem>>) src(%arg13 : memref<2016xf32, #tpu.memory_space<vmem>>) dst(%dma_wait3A_627 : memref<2016xf32, #tpu.memory_space<hbm>>)
        tpu.yield
      }) : () -> ()
    } else {
    }
    return
  }
}

module attributes {stable_mosaic.version = 14 : i64} {
  func.func @_elem_body(%arg0: memref<100000xf32, #tpu.memory_space<vmem>>, %arg1: memref<100000xf32, #tpu.memory_space<vmem>>, %arg2: memref<100000xf32, #tpu.memory_space<vmem>>, %arg3: memref<100000xf32, #tpu.memory_space<vmem>>, %arg4: memref<100000xf32, #tpu.memory_space<vmem>>, %arg5: memref<100000xf32, #tpu.memory_space<vmem>>, %arg6: memref<1xf32, #tpu.memory_space<smem>>, %arg7: memref<1xf32, #tpu.memory_space<smem>>, %arg8: memref<100000xf32, #tpu.memory_space<vmem>>, %arg9: memref<100000xf32, #tpu.memory_space<vmem>>, %arg10: memref<100000xf32, #tpu.memory_space<vmem>>, %arg11: memref<100000xf32, #tpu.memory_space<vmem>>, %arg12: memref<100000xf32, #tpu.memory_space<vmem>>) attributes {dimension_semantics = [], scalar_prefetch = 0 : i64, scratch_operands = 0 : i64, tpu.core_type = #tpu.core_type<tc>} {
    %get3A = arith.constant 0 : index
    %get3A_0 = vector.load %arg0[%get3A] : memref<100000xf32, #tpu.memory_space<vmem>>, vector<100000xf32>
    %get3A_1 = arith.constant 0 : index
    %get3A_2 = vector.load %arg1[%get3A_1] : memref<100000xf32, #tpu.memory_space<vmem>>, vector<100000xf32>
    %add3A = arith.addf %get3A_0, %get3A_2 : vector<100000xf32>
    %get3A_3 = arith.constant 0 : index
    %get3A_4 = vector.load %arg2[%get3A_3] : memref<100000xf32, #tpu.memory_space<vmem>>, vector<100000xf32>
    %get3A_5 = arith.constant 0 : index
    %get3A_6 = vector.load %arg3[%get3A_5] : memref<100000xf32, #tpu.memory_space<vmem>>, vector<100000xf32>
    %get3A_7 = arith.constant 0 : index
    %get3A_8 = vector.load %arg4[%get3A_7] : memref<100000xf32, #tpu.memory_space<vmem>>, vector<100000xf32>
    %get3A_9 = arith.constant 0 : index
    %get3A_10 = vector.load %arg5[%get3A_9] : memref<100000xf32, #tpu.memory_space<vmem>>, vector<100000xf32>
    %get3A_11 = arith.constant 0 : index
    %get3A_12 = memref.load %arg6[%get3A_11] : memref<1xf32, #tpu.memory_space<smem>>
    %get3A_13 = arith.constant 0 : index
    %get3A_14 = memref.load %arg7[%get3A_13] : memref<1xf32, #tpu.memory_space<smem>>
    %neg3A = arith.constant 0.000000e+00 : f32
    %neg3A_15 = arith.subf %neg3A, %get3A_14 : f32
    %mul3A = vector.broadcast %neg3A_15 : f32 to vector<100000xf32>
    %mul3A_16 = arith.mulf %mul3A, %get3A_4 : vector<100000xf32>
    %mul3A_17 = arith.mulf %mul3A_16, %add3A : vector<100000xf32>
    %exp3A = math.exp %mul3A_17 : vector<100000xf32>
    %jit3A = arith.constant 9.99999997E-7 : f32
    %jit3A_18 = arith.constant 0.999998986 : f32
    %max3A = vector.broadcast %jit3A : f32 to vector<100000xf32>
    %max3A_19 = arith.maximumf %max3A, %exp3A : vector<100000xf32>
    %min3A = vector.broadcast %jit3A_18 : f32 to vector<100000xf32>
    %min3A_20 = arith.minimumf %min3A, %max3A_19 : vector<100000xf32>
    %log3A = math.log %min3A_20 : vector<100000xf32>
    %neg3A_21 = arith.constant 0.000000e+00 : f32
    %neg3A_22 = vector.broadcast %neg3A_21 : f32 to vector<100000xf32>
    %neg3A_23 = arith.subf %neg3A_22, %min3A_20 : vector<100000xf32>
    %log1p3A = math.log1p %neg3A_23 : vector<100000xf32>
    %log3A_24 = math.log %get3A_10 : vector<100000xf32>
    %neg3A_25 = arith.constant 0.000000e+00 : f32
    %neg3A_26 = vector.broadcast %neg3A_25 : f32 to vector<100000xf32>
    %neg3A_27 = arith.subf %neg3A_26, %log3A_24 : vector<100000xf32>
    %log3A_28 = math.log %neg3A_27 : vector<100000xf32>
    %neg3A_29 = arith.constant 0.000000e+00 : f32
    %neg3A_30 = vector.broadcast %neg3A_29 : f32 to vector<100000xf32>
    %neg3A_31 = arith.subf %neg3A_30, %log3A_28 : vector<100000xf32>
    %sub3A = arith.constant 1.000000e+00 : f32
    %sub3A_32 = vector.broadcast %sub3A : f32 to vector<100000xf32>
    %sub3A_33 = arith.subf %sub3A_32, %get3A_10 : vector<100000xf32>
    %log3A_34 = math.log %sub3A_33 : vector<100000xf32>
    %neg3A_35 = arith.constant 0.000000e+00 : f32
    %neg3A_36 = vector.broadcast %neg3A_35 : f32 to vector<100000xf32>
    %neg3A_37 = arith.subf %neg3A_36, %log3A_34 : vector<100000xf32>
    %log3A_38 = math.log %neg3A_37 : vector<100000xf32>
    %neg3A_39 = arith.constant 0.000000e+00 : f32
    %neg3A_40 = vector.broadcast %neg3A_39 : f32 to vector<100000xf32>
    %neg3A_41 = arith.subf %neg3A_40, %log3A_38 : vector<100000xf32>
    %add3A_42 = arith.addf %log1p3A, %neg3A_41 : vector<100000xf32>
    %add3A_43 = arith.addf %log3A, %neg3A_31 : vector<100000xf32>
    %sub3A_44 = arith.subf %add3A_42, %add3A_43 : vector<100000xf32>
    %div3A = arith.constant 1.000000e-01 : f32
    %div3A_45 = vector.broadcast %div3A : f32 to vector<100000xf32>
    %div3A_46 = arith.divf %sub3A_44, %div3A_45 : vector<100000xf32>
    %neg3A_47 = arith.constant 0.000000e+00 : f32
    %neg3A_48 = vector.broadcast %neg3A_47 : f32 to vector<100000xf32>
    %neg3A_49 = arith.subf %neg3A_48, %div3A_46 : vector<100000xf32>
    %exp3A_50 = math.exp %neg3A_49 : vector<100000xf32>
    %add3A_51 = arith.constant 1.000000e+00 : f32
    %add3A_52 = vector.broadcast %add3A_51 : f32 to vector<100000xf32>
    %add3A_53 = arith.addf %add3A_52, %exp3A_50 : vector<100000xf32>
    %div3A_54 = arith.constant 1.000000e+00 : f32
    %div3A_55 = vector.broadcast %div3A_54 : f32 to vector<100000xf32>
    %div3A_56 = arith.divf %div3A_55, %add3A_53 : vector<100000xf32>
    %add3A_57 = arith.addf %get3A_6, %div3A_56 : vector<100000xf32>
    %gt3A = arith.constant 5.000000e-01 : f32
    %gt3A_58 = vector.broadcast %gt3A : f32 to vector<100000xf32>
    %gt3A_59 = arith.cmpf ogt, %div3A_56, %gt3A_58 : vector<100000xf32>
    %broadcast_in_dim3A = vector.broadcast %get3A_12 : f32 to vector<100000xf32>
    %select_n3A = arith.select %gt3A_59, %broadcast_in_dim3A, %get3A_8 : vector<100000xi1>, vector<100000xf32>
    %sub3A_60 = arith.subf %get3A_4, %div3A_56 : vector<100000xf32>
    %max3A_61 = arith.constant 0.000000e+00 : f32
    %max3A_62 = vector.broadcast %max3A_61 : f32 to vector<100000xf32>
    %max3A_63 = arith.maximumf %max3A_62, %sub3A_60 : vector<100000xf32>
    %swap3A = arith.constant 0 : index
    %swap3A_64 = vector.load %arg8[%swap3A] : memref<100000xf32, #tpu.memory_space<vmem>>, vector<100000xf32>
    tpu.vector_store %arg8[%swap3A], %max3A_63 {strides = array<i32>} : memref<100000xf32, #tpu.memory_space<vmem>>, vector<100000xf32>,
    %swap3A_65 = arith.constant 0 : index
    %swap3A_66 = vector.load %arg9[%swap3A_65] : memref<100000xf32, #tpu.memory_space<vmem>>, vector<100000xf32>
    tpu.vector_store %arg9[%swap3A_65], %add3A_57 {strides = array<i32>} : memref<100000xf32, #tpu.memory_space<vmem>>, vector<100000xf32>,
    %swap3A_67 = arith.constant 0 : index
    %swap3A_68 = vector.load %arg10[%swap3A_67] : memref<100000xf32, #tpu.memory_space<vmem>>, vector<100000xf32>
    tpu.vector_store %arg10[%swap3A_67], %select_n3A {strides = array<i32>} : memref<100000xf32, #tpu.memory_space<vmem>>, vector<100000xf32>,
    %sub3A_69 = vector.broadcast %get3A_12 : f32 to vector<100000xf32>
    %sub3A_70 = arith.subf %sub3A_69, %select_n3A : vector<100000xf32>
    %neg3A_71 = arith.constant 0.000000e+00 : f32
    %neg3A_72 = vector.broadcast %neg3A_71 : f32 to vector<100000xf32>
    %neg3A_73 = arith.subf %neg3A_72, %sub3A_70 : vector<100000xf32>
    %exp3A_74 = math.exp %neg3A_73 : vector<100000xf32>
    %mul3A_75 = arith.mulf %add3A_57, %exp3A_74 : vector<100000xf32>
    %swap3A_76 = arith.constant 0 : index
    %swap3A_77 = vector.load %arg11[%swap3A_76] : memref<100000xf32, #tpu.memory_space<vmem>>, vector<100000xf32>
    tpu.vector_store %arg11[%swap3A_76], %mul3A_75 {strides = array<i32>} : memref<100000xf32, #tpu.memory_space<vmem>>, vector<100000xf32>,
    %swap3A_78 = arith.constant 0 : index
    %swap3A_79 = vector.load %arg12[%swap3A_78] : memref<100000xf32, #tpu.memory_space<vmem>>, vector<100000xf32>
    tpu.vector_store %arg12[%swap3A_78], %exp3A {strides = array<i32>} : memref<100000xf32, #tpu.memory_space<vmem>>, vector<100000xf32>,
    return
  }
}

</mosaic_0001>

<sc_bundles>
// kernel: kernel.5.cloned.1.call-start
scs
__scs_entry_jumppad:
0x0: {  	(pc) =	sbr.rel $0x88, $3  }
0x1: {  	(tag) =	ssettag $0x0;
	lr =	simm.s32 $0x1  }
0x2: {  	[smem:$0x3F97] =	sst lr;
	_ =	strace $0xD0000000  }
0x3: {  	_ = 	snop  }
0x4: {  	_ = 	snop  }
0x5: {  	_ = 	snop  }
0x6: {  	_ = 	snop  }
0x7: {  	_ = 	snop  }
__scs_overlays_trampoline_lowered:
0x8: {  	[smem:$0x3FA6] =	sst s0  }
0x9: {  	[smem:$0x3FA7] =	sst s1  }
0xa: {  	[smem:$0x3FA8] =	sst s2  }
0xb: {  	[smem:$0x3FA9] =	sst s3  }
0xc: {  	[smem:$0x3FAA] =	sst s4  }
0xd: {  	[smem:$0x3FAB] =	sst s5  }
0xe: {  	[smem:$0x3FAC] =	sst s6  }
0xf: {  	[smem:$0x3FAD] =	sst s7  }
0x10: {  	[smem:$0x3FAE] =	sst s8  }
0x11: {  	[smem:$0x3FAF] =	sst s9;
	s0 =	simm.s32 @!p0 $0x0  }
0x12: {  	s1 =	sld [smem:$0x3F95];
	s0 =	simm.s32 @p0 $0x1  }
0x13: {  	[smem:$0x3FB0] =	sst s0;
	s0 =	simm.s32 @!p1 $0x0  }
0x14: {  	s2 =	sld [smem:$0x3F94];
	s0 =	simm.s32 @p1 $0x1  }
0x15: {  	[smem:$0x3FB1] =	sst s0;
	s0 =	simm.s32 @!p2 $0x0  }
0x16: {  	s3 =	sld [smem:$0x3FDB];
	s0 =	simm.s32 @p2 $0x1  }
0x17: {  	s4 =	simm.s32 $0x1BF5;
	[smem:$0x3FB3] =	sst s0  }
0x18: {  	s0 =	sld [smem:$0x3F96];
	_ =	swait.ge [sflag:s4], $0x0  }
0x19: {  	s7 =	sld [smem:$0x3F97]  }
0x1a: {  	s8 =	sadd.s32 $0xFFFFE003, lr  }
0x1b: {  	s9 =	sadd.s32 $0xFFFFFEF7, lr;
	s5 =	simm.s32 $0xFFFFFFFF;
	p2 =	slt.u32 s8, $0xFFFFF086  }
0x1c: {  	p1 =	slt.u32 s9, $0xF7A;
	s5 =	simm.s32 @!p2 $0x0  }
0x1d: {  	s5 =	simm.s32 @p1 $0x1;
	p0 =	seq.s32 s7, s2  }
0x1e: {  	s7 =	smul.u32 @!p0 $0xF7A, s2;
	p2 =	seq.s32 @!p0 s5, $0x0  }
0x1f: {  	s9 =	smul.u32 $0xF7A, s1;
	s8 =	simm.s32 @!p0 $0x1BF5;
	p2 =	por !p2, p0  }
0x20: {  	[sflag:s8] =	ssyncset.s32 @!p0 $0xFFFFF086;
	s6 =	sadd.s32 @!p0 s3, s7;
	s7 =	simm.s32 @!p0 $0x108  }
0x21: {  	s3 =	sadd.s32 s3, s9;
	s6 =	sadd.s32 @!p0 $0x88, s6;
	s7 =	simm.s32 @p2 $0x1082  }
0x22: {  	[simem:s7], [sflag:s8] =	dma.local @!p0 [hbm:s6], $0xF7A  }
0x23: {  	s9 =	sor.u32 $0xD0000000, s2;
	s6 =	simm.s32 $0x108;
	_ =	swait.ge @!p0 [sflag:s8], $0x0  }
0x24: {  	s3 =	sadd.s32 $0x88, s3;
	s6 =	simm.s32 @!p1 $0x1082;
	[sflag:s4] =	ssyncset.s32 $0xFFFFF086  }
0x25: {  	[simem:s6], [sflag:s4] =	dma.local [hbm:s3], $0xF7A  }
0x26: {  	[smem:$0x3F97] =	sst s1;
	(tag) =	ssettag s2;
	_ =	strace s9  }
0x27: {  	s1 =	sld [smem:$0x3FA7]  }
0x28: {  	s2 =	sld [smem:$0x3FA8]  }
0x29: {  	s4 =	sld [smem:$0x3FAA]  }
0x2a: {  	p0 =	seq.s32 s5, $0x0;
	s5 =	sld [smem:$0x3FAB]  }
0x2b: {  	s6 =	sld [smem:$0x3FAC]  }
0x2c: {  	s7 =	sld [smem:$0x3FAD]  }
0x2d: {  	s3 =	simm.s32 $0x108;
	s8 =	sld [smem:$0x3FAE]  }
0x2e: {  	s3 =	simm.s32 @!p0 $0x1082;
	s9 =	sld [smem:$0x3FAF]  }
0x2f: {  	lr =	sadd.s32 s0, s3;
	s0 =	sld [smem:$0x3FA6]  }
0x30: {  	s3 =	sld [smem:$0x3FA9]  }
0x31: {  	[smem:$0x3FB2] =	sst s10  }
0x32: {  	s10 =	sld [smem:$0x3FB0];
	_ =	sdelay $0x3  }
0x33: {  	p0 =	seq.s32 s10, $0x1;
	s10 =	sld [smem:$0x3FB2];
	_ =	sdelay $0x3  }
0x34: {  	[smem:$0x3FB2] =	sst s10  }
0x35: {  	s10 =	sld [smem:$0x3FB1];
	_ =	sdelay $0x3  }
0x36: {  	p1 =	seq.s32 s10, $0x1;
	s10 =	sld [smem:$0x3FB2];
	_ =	sdelay $0x3  }
0x37: {  	[smem:$0x3FB2] =	sst s10  }
0x38: {  	s10 =	sld [smem:$0x3FB3]  }
0x39: {  	_ = 	snop;
	(pc) =	sbr.ind lr, $3  }
0x3a: {  	_ = 	snop  }
0x3b: {  	_ = 	snop  }
0x3c: {  	p2 =	seq.s32 s10, $0x1;
	s10 =	sld [smem:$0x3FB2]  }
0x3d: {  	_ =	shalt  }
0x3e: {  	_ =	shalt  }
0x3f: {  	_ =	shalt  }
0x40: {  	_ =	shalt  }
0x41: {  	_ =	shalt  }
0x42: {  	_ =	shalt  }
0x43: {  	_ =	shalt  }
0x44: {  	_ =	shalt  }
0x45: {  	_ =	shalt  }
0x46: {  	_ =	shalt  }
0x47: {  	_ =	shalt  }
0x48: {  	_ =	shalt  }
0x49: {  	_ =	shalt  }
0x4a: {  	_ =	shalt  }
0x4b: {  	_ =	shalt  }
0x4c: {  	_ =	shalt  }
0x4d: {  	_ =	shalt  }
0x4e: {  	_ =	shalt  }
0x4f: {  	_ =	shalt  }
0x50: {  	_ =	shalt  }
0x51: {  	_ =	shalt  }
0x52: {  	_ =	shalt  }
0x53: {  	_ =	shalt  }
0x54: {  	_ =	shalt  }
0x55: {  	_ =	shalt  }
0x56: {  	_ =	shalt  }
0x57: {  	_ =	shalt  }
0x58: {  	_ =	shalt  }
0x59: {  	_ =	shalt  }
0x5a: {  	_ =	shalt  }
0x5b: {  	_ =	shalt  }
0x5c: {  	_ =	shalt  }
0x5d: {  	_ =	shalt  }
0x5e: {  	_ =	shalt  }
0x5f: {  	_ =	shalt  }
0x60: {  	_ =	shalt  }
0x61: {  	_ =	shalt  }
0x62: {  	_ =	shalt  }
0x63: {  	_ =	shalt  }
0x64: {  	_ =	shalt  }
0x65: {  	_ =	shalt  }
0x66: {  	_ =	shalt  }
0x67: {  	_ =	shalt  }
0x68: {  	_ =	shalt  }
0x69: {  	_ =	shalt  }
0x6a: {  	_ =	shalt  }
0x6b: {  	_ =	shalt  }
0x6c: {  	_ =	shalt  }
0x6d: {  	_ =	shalt  }
0x6e: {  	_ =	shalt  }
0x6f: {  	_ =	shalt  }
0x70: {  	_ =	shalt  }
0x71: {  	_ =	shalt  }
0x72: {  	_ =	shalt  }
0x73: {  	_ =	shalt  }
0x74: {  	_ =	shalt  }
0x75: {  	_ =	shalt  }
0x76: {  	_ =	shalt  }
0x77: {  	_ =	shalt  }
0x78: {  	_ =	shalt  }
0x79: {  	_ =	shalt  }
0x7a: {  	_ =	shalt  }
0x7b: {  	_ =	shalt  }
0x7c: {  	_ =	shalt  }
0x7d: {  	_ =	shalt  }
0x7e: {  	_ =	shalt  }
0x7f: {  	_ =	shalt  }
0x80: {  	_ =	shalt  }
0x81: {  	_ =	shalt  }
0x82: {  	_ =	shalt  }
0x83: {  	_ =	shalt  }
0x84: {  	_ =	shalt  }
0x85: {  	_ =	shalt  }
0x86: {  	_ =	shalt  }
0x87: {  	_ =	shalt  }
.Lfunc_end0:
.L_simem_size_0:
called_computation_lowered:
.L_overlay_start_0:
0x88: {  	s2 =	sld [smem:$0x3FD9]  }
0x89: {  	s3 =	sld [smem:$0x3FFE];
	_ =	sdelay $0x1  }
0x8a: {  	s1 =	srdreg.scid  }
0x8b: {  	s0 =	sand.u32 $0x1, s1  }
0x8c: {  	s15 =	sshll.u32 s0, $0xA;
	s2 =	sadd.s32 s3, s2  }
0x8d: {  	s2 =	sadd.s32 s2, s15  }
0x8e: {  	[smem:$0x3FBE] =	sst s2  }
0x8f: {  	_ = 	snop  }
0x90: {  	s2 =	sld [smem:$0x3FD0];
	_ =	sdelay $0x1  }
0x91: {  	s16 =	sld [smem:$0x3FC5]  }
0x92: {  	s5 =	simm.s32 $0xA;
	s6 =	simm.s32 $0x10;
	s4 =	sld [smem:$0x3FC4]  }
0x93: {  	[smem:s6], [sflag:s5] =	dma.local [hbm:s2], $0x1  }
0x94: {  	_ =	swait.eq [sflag:s5], $0x1  }
0x95: {  	s17 =	sld [smem:$0x11]  }
0x96: {  	s18 =	sld [smem:$0x12];
	[sflag:s5] =	ssyncset.done $0x0  }
0x97: {  	s7 =	sld [smem:$0x13];
	[sflag:s5] =	ssyncadd.s32 $0xFFFFFFFF  }
0x98: {  	s19 =	sld [smem:$0x14];
	(tm) =	ssettm $0x1  }
0x99: {  	s8 =	sld [smem:$0x3FFB];
	_ =	sdelay $0x3  }
0x9a: {  	_ =	strace s8  }
0x9b: {  	s8 =	sld [smem:$0x3FFC];
	_ =	sdelay $0x3  }
0x9c: {  	_ =	strace s8  }
0x9d: {  	s8 =	sld [smem:$0x3FFD];
	_ =	sdelay $0x3  }
0x9e: {  	_ =	strace s8  }
0x9f: {  	_ =	strace $0x8FFFFFFF  }
0xa0: {  	s20 =	sld [smem:$0x3FDB];
	_ =	sdelay $0x1  }
0xa1: {  	s9 =	simm.s32 $_scs_section_size  }
0xa2: {  	s10 =	simm.s32 $_size__tile_overlayer_lowered;
	s11 =	simm.s32 $_tile_overlayer_lowered  }
0xa3: {  	s23 =	simm.s32 $0x1BFF;
	s22 =	sshll.u32 s11, $0x1;
	s8 =	sadd.s32 s9, s20  }
0xa4: {  	s12 =	simm.s32 $0x0;
	s21 =	sshll.u32 s10, $0x1;
	s10 =	sadd.s32 s22, s8  }
0xa5: {  	[timem:s12], [sflag:s23] =	dma.local [hbm:s10], s21  }
0xa6: {  	_ =	swait.ge [sflag:s23], s21  }
0xa7: {  	s9 =	ssub.s32 $0x0, s21;
	[sflag:s23] =	ssyncset.done $0x0  }
0xa8: {  	[sflag:s23] =	ssyncadd.s32 s9;
	_ =	sdelay $0x1  }
0xa9: {  	s24 =	simm.s32 $0x1B8B  }
0xaa: {  	_ =	swait.ge [sflag:s24], $0x1  }
0xab: {  	[sflag:s24] =	ssyncset.done $0x0  }
0xac: {  	s25 =	simm.s32 $0x1B8E;
	[sflag:s24] =	ssyncadd.s32 $0xFFFFFFFF  }
0xad: {  	s26 =	simm.s32 $execute0_lowered;
	[smem:$0x3FD2] =	sst s25  }
0xae: {  	s9 =	sshll.u32 s26, $0x1;
	_ =	strace $0x80000046;
	[dreg:$0x1] =	wrdreg $0xFFFFFFFF  }
0xaf: {  	s28 =	simm.s32 $_size_execute0_lowered;
	s8 =	sadd.s32 s8, s9;
	[dreg:$0x0] =	wrdreg $0x0  }
0xb0: {  	s9 =	sshll.u32 s28, $0x1;
	[dreg:$0x2] =	wrdreg s8  }
0xb1: {  	[dreg:$0x3] =	wrdreg s9  }
0xb2: {  	[dreg:$0x4] =	wrdreg $0xC0  }
0xb3: {  	_ =	task [dreg:s12], $0x5FFFF  }
0xb4: {  	[dreg:$0x1] =	wrdreg $0xFFFFFFFF  }
0xb5: {  	[dreg:$0x0] =	wrdreg $0x60  }
0xb6: {  	[dreg:$0x2] =	wrdreg s19  }
0xb7: {  	[dreg:$0x3] =	wrdreg s7  }
0xb8: {  	[dreg:$0x4] =	wrdreg s16  }
0xb9: {  	[dreg:$0x5] =	wrdreg s4  }
0xba: {  	[dreg:$0x6] =	wrdreg s18  }
0xbb: {  	[dreg:$0x7] =	wrdreg s17  }
0xbc: {  	[dreg:$0x8] =	wrdreg $0x0  }
0xbd: {  	[dreg:$0x9] =	wrdreg $0x18700  }
0xbe: {  	[dreg:$0xa] =	wrdreg $0x18F00  }
0xbf: {  	[dreg:$0xb] =	wrdreg $0x9  }
0xc0: {  	_ =	task.clear_ibuf [dreg:s12], $0xCFFFF;
	_ =	strace $0x90000046  }
0xc1: {  	s29 =	simm.s32 $0x9;
	_ =	strace $0x80000048  }
0xc2: {  	_ =	swait.ge [sflag:s29], $0x1  }
0xc3: {  	[sflag:s29] =	ssyncadd.s32 $0xFFFFFFFF  }
0xc4: {  	_ =	strace $0x90000048  }
0xc5: {  	_ =	sfence  }
0xc6: {  	s30 =	sld [smem:$0x0];
	_ =	sdelay $0x2  }
0xc7: {  	s31 =	sshll.u32 s1, $0xD;
	s1 =	sshrl.u32 s1, $0x2  }
0xc8: {  	s3 =	sand.u32 $0x4000, s31;
	s1 =	sadd.s32 s1, s30  }
0xc9: {  	s0 =	sor.u32 s3, s0;
	s1 =	sshll.u32 s1, $0x11  }
0xca: {  	s0 =	sor.u32 s1, s0  }
0xcb: {  	s0 =	sadd.s32 $0x8F2B, s0  }
0xcc: {  	[sflag:s0] =	ssyncadd.remote.s32 $0x1  }
0xcd: {  	_ =	sfence.sel $0xFFFF  }
0xce: {  	[dreg:$0x0] =	wrdreg $0xFFFFFFFF;
	(pc) =	sbr.abs _section_cstart, $3  }
0xcf: {  	[dreg:$0x1] =	wrdreg $0xFFFFFFFF  }
0xd0: {  	_ =	task.clear_ibuf [dreg:s12], $0x2FFFF;
	_ =	strace $0x9FFFFFFF  }
0xd1: {  	(tm) =	ssettm $0x7FFFFFFF  }
tec
execute0_lowered:
.L_overlay_start_1:
0x0: {  	(tag) =	ssettag $0x1  }
0x1: {  	s7 =	rddreg [dreg:$0x0]  }
0x2: {  	s8 =	rddreg [dreg:$0x1]  }
0x3: {  	s2 =	rddreg [dreg:$0x2]  }
0x4: {  	s0 =	srdreg.scid;
	s1 =	stileid.u32  }
0x5: {  	s4 =	rddreg [dreg:$0x3];
	s5 =	sand.u32 $0x1, s0;
	s3 =	sshll.u32 s1, $0x1  }
0x6: {  	s0 =	simm.s32 $0x0;
	s6 =	sor.u32 s5, s3;
	s3 =	smul.u32 $0x1870, s1  }
0x7: {  	[smem:$0x7FF] =	sst s0  }
0x8: {  	s9 =	ssub.s32 $0x2, s5;
	s10 =	smul.u32 $0x7D0, s6;
	s12 =	sshrl.u32 s3, $0x3  }
0x9: {  	s11 =	sshrl.u32 s9, $0x1;
	s13 =	smul.u32 $0xFA, s6;
	s7 =	sadd.s32 s7, s12  }
0xa: {  	s6 =	ssub.s32 s9, s11;
	s8 =	sadd.s32 s8, s12;
	[dreg:$0xa] =	wrdreg s7  }
0xb: {  	s12 =	sadd.s32 s4, s13;
	s7 =	sshrl.u32 s10, $0x3;
	[dreg:$0xb] =	wrdreg s8  }
0xc: {  	s10 =	sadd.s32 s2, s13;
	[dreg:$0xd] =	wrdreg s12;
	s11 =	sadd.s32 $0x1F40, s7  }
0xd: {  	[dreg:$0xc] =	wrdreg s10;
	s13 =	sadd.s32 s2, s11  }
0xe: {  	s14 =	sadd.s32 $0x3E80, s7;
	s8 =	sadd.s32 s4, s11;
	[dreg:$0xe] =	wrdreg s13  }
0xf: {  	s15 =	sadd.s32 s2, s14;
	[dreg:$0xf] =	wrdreg s8  }
0x10: {  	s16 =	sadd.s32 $0x5DC0, s7;
	s9 =	sadd.s32 s4, s14;
	[dreg:$0x10] =	wrdreg s15  }
0x11: {  	s18 =	sadd.s32 $0x7D00, s7;
	s17 =	sadd.s32 s2, s16;
	[dreg:$0x11] =	wrdreg s9  }
0x12: {  	s20 =	sadd.s32 $0x9C40, s7;
	s19 =	sadd.s32 s2, s18;
	[dreg:$0x12] =	wrdreg s17  }
0x13: {  	s22 =	sadd.s32 $0xBB80, s7;
	s21 =	sadd.s32 s2, s20;
	[dreg:$0x14] =	wrdreg s19  }
0x14: {  	s24 =	sadd.s32 $0xDAC0, s7;
	s23 =	sadd.s32 s2, s22;
	[dreg:$0x16] =	wrdreg s21  }
0x15: {  	s26 =	sadd.s32 $0xFA00, s7;
	s25 =	sadd.s32 s2, s24;
	[dreg:$0x18] =	wrdreg s23  }
0x16: {  	s30 =	sadd.s32 $0x11940, s7;
	s28 =	sadd.s32 s2, s26;
	[dreg:$0x1a] =	wrdreg s25  }
0x17: {  	s10 =	sadd.s32 s2, s30;
	[dreg:$0x1c] =	wrdreg s28  }
0x18: {  	s8 =	sadd.s32 s4, s16;
	[dreg:$0x1e] =	wrdreg s10  }
0x19: {  	s11 =	sadd.s32 $0x13880, s7;
	s9 =	sadd.s32 s4, s18;
	[dreg:$0x13] =	wrdreg s8  }
0x1a: {  	s12 =	sadd.s32 s2, s11;
	[dreg:$0x15] =	wrdreg s9  }
0x1b: {  	s8 =	sadd.s32 s4, s20;
	[smem:$0x7DC] =	sst s12  }
0x1c: {  	s13 =	sadd.s32 $0x157C0, s7;
	s9 =	sadd.s32 s4, s22;
	[dreg:$0x17] =	wrdreg s8  }
0x1d: {  	s15 =	sadd.s32 $0x17700, s7;
	s14 =	sadd.s32 s2, s13;
	[dreg:$0x19] =	wrdreg s9  }
0x1e: {  	s17 =	sadd.s32 $0x19640, s7;
	s16 =	sadd.s32 s2, s15;
	[smem:$0x7DE] =	sst s14  }
0x1f: {  	s19 =	sadd.s32 $0x1B580, s7;
	s18 =	sadd.s32 s2, s17;
	[smem:$0x7E0] =	sst s16  }
0x20: {  	s21 =	sadd.s32 $0x1D4C0, s7;
	s20 =	sadd.s32 s2, s19;
	[smem:$0x7E2] =	sst s18  }
0x21: {  	s22 =	sadd.s32 s2, s21;
	[smem:$0x7E4] =	sst s20  }
0x22: {  	[smem:$0x7E6] =	sst s22  }
0x23: {  	s23 =	sadd.s32 $0x1F400, s7;
	s8 =	sadd.s32 s4, s24;
	s22 =	rddreg [dreg:$0x6]  }
0x24: {  	s25 =	sadd.s32 $0x21340, s7;
	s9 =	sadd.s32 s4, s26;
	[dreg:$0x1b] =	wrdreg s8  }
0x25: {  	s28 =	sadd.s32 $0x23280, s7;
	s24 =	sadd.s32 s2, s23;
	[dreg:$0x1d] =	wrdreg s9  }
0x26: {  	s10 =	sadd.s32 $0x251C0, s7;
	s26 =	sadd.s32 s2, s25;
	[smem:$0x7E8] =	sst s24  }
0x27: {  	s12 =	sadd.s32 $0x27100, s7;
	s8 =	sadd.s32 s4, s30;
	[smem:$0x7EA] =	sst s26  }
0x28: {  	s14 =	sadd.s32 $0x29040, s7;
	s9 =	sadd.s32 s4, s11;
	[dreg:$0x1f] =	wrdreg s8  }
0x29: {  	s16 =	sadd.s32 $0x2AF80, s7;
	s30 =	sadd.s32 s2, s28;
	[smem:$0x7DD] =	sst s9  }
0x2a: {  	s20 =	sadd.s32 $0x2CEC0, s7;
	s11 =	sadd.s32 s2, s10;
	[smem:$0x7EC] =	sst s30  }
0x2b: {  	s7 =	sadd.s32 $0x2EE00, s7;
	s18 =	sadd.s32 s2, s16;
	[smem:$0x7EE] =	sst s11  }
0x2c: {  	s24 =	sadd.s32 s4, s7;
	[smem:$0x7F4] =	sst s18  }
0x2d: {  	s8 =	sadd.s32 s4, s13;
	[smem:$0x7F9] =	sst s24  }
0x2e: {  	s9 =	sadd.s32 s4, s15;
	[smem:$0x7DF] =	sst s8  }
0x2f: {  	s13 =	sadd.s32 s2, s12;
	[smem:$0x7E1] =	sst s9  }
0x30: {  	s15 =	sadd.s32 s2, s14;
	[smem:$0x7F0] =	sst s13  }
0x31: {  	[smem:$0x7F2] =	sst s15  }
0x32: {  	s8 =	sadd.s32 s4, s17;
	s17 =	rddreg [dreg:$0x4]  }
0x33: {  	s9 =	sadd.s32 s4, s19;
	s19 =	rddreg [dreg:$0x5]  }
0x34: {  	[smem:$0x7E3] =	sst s8  }
0x35: {  	s29 =	simm.s32 $0x6;
	[smem:$0x7E5] =	sst s9;
	s8 =	sadd.s32 s4, s21  }
0x36: {  	s31 =	simm.s32 $0x9;
	s9 =	sadd.s32 s4, s23;
	[smem:$0x7E7] =	sst s8  }
0x37: {  	p0 =	sne.s32 s1, $0x0;
	s21 =	sadd.s32 s2, s20;
	[smem:$0x7E9] =	sst s9  }
0x38: {  	s1 =	simm.s32 $0x0;
	s2 =	sadd.s32 s2, s7;
	[smem:$0x7F6] =	sst s21  }
0x39: {  	s30 =	smax.u32 s6, $0x1;
	s8 =	sadd.s32 s4, s25;
	[smem:$0x7F8] =	sst s2  }
0x3a: {  	s6 =	simm.s32 $0x1;
	s9 =	sadd.s32 s4, s28;
	[smem:$0x7EB] =	sst s8  }
0x3b: {  	s15 =	simm.s32 $0x2;
	[smem:$0x7ED] =	sst s9;
	s8 =	sadd.s32 s4, s10  }
0x3c: {  	s23 =	smul.u32 $0xFC, s5;
	s9 =	sadd.s32 s4, s12;
	[smem:$0x7EF] =	sst s8  }
0x3d: {  	s7 =	simm.s32 $0x7D0;
	s10 =	sadd.s32 s4, s20;
	[smem:$0x7F1] =	sst s9  }
0x3e: {  	s28 =	sadd.s32 s3, s22;
	s25 =	sadd.s32 s17, s23;
	[smem:$0x7F7] =	sst s10  }
0x3f: {  	s22 =	simm.s32 $0x5270;
	s26 =	sadd.s32 s19, s23;
	[smem:$0x7FA] =	sst s25  }
.Ltmp0:
0x40: {  	s8 =	sadd.s32 s4, s14;
	[smem:$0x7FB] =	sst s26;
	(pc) =	sbr.rel .LBB2_1-.Ltmp0, $4  }
0x41: {  	s21 =	simm.s32 $0xD;
	s9 =	sadd.s32 s4, s16;
	[smem:$0x7F3] =	sst s8  }
0x42: {  	s17 =	simm.s32 $0x3;
	s23 =	simm.s32 $0x4;
	[smem:$0x7F5] =	sst s9  }
0x43: {  	s20 =	simm.s32 $0x5;
	_ =	strace $0x80000047;
	[smem:$0x7FC] =	sst s28  }
0x44: {  	v0 =	vimm.f32 $1.000000000e+00;
	v1 =	vimm.f32 $0.0e+00;
	s16 =	simm.s32 $0x7;
	s8 =	simm.s32 $0x1970;
	[smem:$0x7FD] =	sst s30  }
.LBB2_8:
0x45: {  	[tilespmem:s24+$0x4A70] =	vst v1;
	s8 =	simm.s32 $0x4A70;
	s2 =	rddreg [dreg:$0x7];
	s30 =	simm.s32 $0x11  }
0x46: {  	[spmem:s2] =	stream.linear.scatter [tilespmem:s8], [sflag:$0x11], $0x800, $0x38;
	[tilespmem:$0xBA70] =	vst v63  }
0x47: {  	_ =	swait.ge [sflag:s30], $0x800  }
0x48: {  	[sflag:s30] =	ssyncset.done $0x0  }
0x49: {  	[sflag:s30] =	ssyncadd.s32 $0xFFFFF800  }
0x4a: {  	s3 =	rddreg [dreg:$0x8]  }
0x4b: {  	[spmem:s3] =	stream.linear.scatter [tilespmem:s8], [sflag:$0x11], $0x800, $0x38;
	[tilespmem:$0xBA70] =	vst v63  }
0x4c: {  	_ =	swait.ge [sflag:s30], $0x800  }
0x4d: {  	[sflag:s30] =	ssyncset.done $0x0  }
0x4e: {  	[sflag:s30] =	ssyncadd.s32 $0xFFFFF800  }
.LBB2_9:
0x4f: {  	[smem:$0x7DB] =	sst s1  }
0x50: {  	[bflag:$0x0] =	sbarrier.arrive $0xFFFF  }
0x51: {  	s26 =	simm.s32 $0x5A70;
	s2 =	rddreg [dreg:$0xc]  }
0x52: {  	[tilespmem:s26], [sflag:$0x1] =	stream.linear.gather [hbm4b:s2+s0], $0x7D0, $0x38;
	[tilespmem:$0xBA70] =	vst v63  }
0x53: {  	s30 =	simm.s32 $0x7A70;
	s28 =	rddreg [dreg:$0xd]  }
0x54: {  	[tilespmem:s30], [sflag:$0x1] =	stream.linear.gather [hbm4b:s28+s0], $0x7D0, $0x38;
	[tilespmem:$0xBA70] =	vst v63  }
0x55: {  	s5 =	simm.s32 $0x6270;
	s4 =	rddreg [dreg:$0xe]  }
0x56: {  	[tilespmem:s5], [sflag:$0x2] =	stream.linear.gather [hbm4b:s4+s0], $0x7D0, $0x38;
	[tilespmem:$0xBA70] =	vst v63  }
0x57: {  	s9 =	simm.s32 $0x8270;
	s8 =	rddreg [dreg:$0xf]  }
0x58: {  	[tilespmem:s9], [sflag:$0x2] =	stream.linear.gather [hbm4b:s8+s0], $0x7D0, $0x38;
	[tilespmem:$0xBA70] =	vst v63  }
0x59: {  	_ =	swait.ge [sflag:s6], $0x7D0  }
0x5a: {  	[sflag:s6] =	ssyncset.done $0x0  }
0x5b: {  	[sflag:s6] =	ssyncadd.s32 $0xFFFFF830  }
0x5c: {  	_ =	swait.ge [sflag:s6], $0x7D0  }
0x5d: {  	[sflag:s6] =	ssyncset.done $0x0  }
0x5e: {  	[sflag:s6] =	ssyncadd.s32 $0xFFFFF830  }
0x5f: {  	s3 =	simm.s32 $0x5A70;
	s10 =	simm.s32 $0x9A70;
	s9 =	rddreg [dreg:$0x6]  }
0x60: {  	[tilespmem:s10], [sflag:$0x5] =	stream.indirect.gather [spmem:s9], $0x1, s3, s7, $0xb8;
	[tilespmem:$0xBA70] =	vst v63  }
0x61: {  	s11 =	simm.s32 $0x7A70;
	s10 =	rddreg [dreg:$0x8]  }
0x62: {  	[spmem:s10] =	stream.indirect.scatter.add.f32 [tilespmem:s22], [sflag:$0xD], $0x1, s11, s7, $0xb8;
	[tilespmem:$0xBA70] =	vst v63  }
0x63: {  	s13 =	simm.s32 $0x6A70;
	s12 =	rddreg [dreg:$0x10]  }
0x64: {  	[tilespmem:s13], [sflag:$0x3] =	stream.linear.gather [hbm4b:s12+s0], $0x7D0, $0x38;
	[tilespmem:$0xBA70] =	vst v63  }
0x65: {  	s18 =	simm.s32 $0x8A70;
	s14 =	rddreg [dreg:$0x11]  }
0x66: {  	[tilespmem:s18], [sflag:$0x3] =	stream.linear.gather [hbm4b:s14+s0], $0x7D0, $0x38;
	[tilespmem:$0xBA70] =	vst v63  }
0x67: {  	_ =	swait.ge [sflag:s15], $0x7D0  }
0x68: {  	[sflag:s15] =	ssyncset.done $0x0  }
0x69: {  	[sflag:s15] =	ssyncadd.s32 $0xFFFFF830  }
0x6a: {  	_ =	swait.ge [sflag:s15], $0x7D0  }
0x6b: {  	[sflag:s15] =	ssyncset.done $0x0  }
0x6c: {  	s19 =	simm.s32 $0xA270;
	s5 =	simm.s32 $0x6270;
	[sflag:s15] =	ssyncadd.s32 $0xFFFFF830  }
0x6d: {  	[tilespmem:s19], [sflag:$0x6] =	stream.indirect.gather [spmem:s9], $0x1, s5, s7, $0xb8;
	[tilespmem:$0xBA70] =	vst v63  }
0x6e: {  	_ =	swait.ge [sflag:s20], $0x7D0  }
0x6f: {  	[sflag:s20] =	ssyncset.done $0x0  }
0x70: {  	[sflag:s20] =	ssyncadd.s32 $0xFFFFF830  }
0x71: {  	s8 =	simm.s32 $0x9A70;
	s25 =	rddreg [dreg:$0x7]  }
0x72: {  	[spmem:s25] =	stream.indirect.scatter.add.f32 [tilespmem:s8], [sflag:$0x9], $0x1, s11, s7, $0xb8;
	[tilespmem:$0xBA70] =	vst v63  }
0x73: {  	s26 =	simm.s32 $0x8270  }
0x74: {  	[spmem:s10] =	stream.indirect.scatter.add.f32 [tilespmem:s22], [sflag:$0xE], $0x1, s26, s7, $0xb8;
	[tilespmem:$0xBA70] =	vst v63  }
0x75: {  	s30 =	simm.s32 $0x7270;
	s28 =	rddreg [dreg:$0x12]  }
0x76: {  	[tilespmem:s30], [sflag:$0x4] =	stream.linear.gather [hbm4b:s28+s0], $0x7D0, $0x38;
	[tilespmem:$0xBA70] =	vst v63  }
0x77: {  	s8 =	rddreg [dreg:$0x13];
	s11 =	simm.s32 $0x9270  }
0x78: {  	[tilespmem:s11], [sflag:$0x4] =	stream.linear.gather [hbm4b:s8+s0], $0x7D0, $0x38;
	[tilespmem:$0xBA70] =	vst v63  }
0x79: {  	_ =	swait.ge [sflag:s17], $0x7D0  }
0x7a: {  	[sflag:s17] =	ssyncset.done $0x0  }
0x7b: {  	[sflag:s17] =	ssyncadd.s32 $0xFFFFF830  }
0x7c: {  	_ =	swait.ge [sflag:s17], $0x7D0  }
0x7d: {  	[sflag:s17] =	ssyncset.done $0x0  }
0x7e: {  	s4 =	simm.s32 $0x6A70;
	s13 =	simm.s32 $0xAA70;
	[sflag:s17] =	ssyncadd.s32 $0xFFFFF830  }
0x7f: {  	[tilespmem:s13], [sflag:$0x7] =	stream.indirect.gather [spmem:s9], $0x1, s4, s7, $0xb8;
	[tilespmem:$0xBA70] =	vst v63  }
0x80: {  	_ =	swait.ge [sflag:s29], $0x7D0  }
0x81: {  	[sflag:s29] =	ssyncset.done $0x0  }
0x82: {  	s24 =	simm.s32 $0xA270;
	[sflag:s29] =	ssyncadd.s32 $0xFFFFF830  }
0x83: {  	[spmem:s25] =	stream.indirect.scatter.add.f32 [tilespmem:s24], [sflag:$0xA], $0x1, s26, s7, $0xb8;
	[tilespmem:$0xBA70] =	vst v63  }
0x84: {  	_ =	swait.ge [sflag:s31], $0x7D0  }
0x85: {  	[sflag:s31] =	ssyncset.done $0x0  }
0x86: {  	[sflag:s31] =	ssyncadd.s32 $0xFFFFF830  }
0x87: {  	_ =	swait.ge [sflag:s21], $0x7D0  }
0x88: {  	[sflag:s21] =	ssyncset.done $0x0  }
0x89: {  	s24 =	simm.s32 $0x8A70;
	[sflag:s21] =	ssyncadd.s32 $0xFFFFF830  }
0x8a: {  	[spmem:s10] =	stream.indirect.scatter.add.f32 [tilespmem:s22], [sflag:$0xF], $0x1, s24, s7, $0xb8;
	[tilespmem:$0xBA70] =	vst v63  }
0x8b: {  	s13 =	simm.s32 $0x5A70;
	s26 =	rddreg [dreg:$0x14]  }
0x8c: {  	[tilespmem:s13], [sflag:$0x1] =	stream.linear.gather [hbm4b:s26+s0], $0x7D0, $0x38;
	[tilespmem:$0xBA70] =	vst v63  }
0x8d: {  	s12 =	simm.s32 $0x7A70;
	s30 =	rddreg [dreg:$0x15]  }
0x8e: {  	[tilespmem:s12], [sflag:$0x1] =	stream.linear.gather [hbm4b:s30+s0], $0x7D0, $0x38;
	[tilespmem:$0xBA70] =	vst v63  }
0x8f: {  	_ =	swait.ge [sflag:s23], $0x7D0  }
0x90: {  	[sflag:s23] =	ssyncset.done $0x0  }
0x91: {  	[sflag:s23] =	ssyncadd.s32 $0xFFFFF830  }
0x92: {  	_ =	swait.ge [sflag:s23], $0x7D0  }
0x93: {  	[sflag:s23] =	ssyncset.done $0x0  }
0x94: {  	s1 =	simm.s32 $0x7270;
	s8 =	simm.s32 $0xB270;
	[sflag:s23] =	ssyncadd.s32 $0xFFFFF830  }
0x95: {  	[tilespmem:s8], [sflag:$0x8] =	stream.indirect.gather [spmem:s9], $0x1, s1, s7, $0xb8;
	[tilespmem:$0xBA70] =	vst v63  }
0x96: {  	_ =	swait.ge [sflag:s16], $0x7D0  }
0x97: {  	[sflag:s16] =	ssyncset.done $0x0  }
0x98: {  	s14 =	simm.s32 $0xAA70;
	s26 =	simm.s32 $0xA;
	[sflag:s16] =	ssyncadd.s32 $0xFFFFF830  }
0x99: {  	[spmem:s25] =	stream.indirect.scatter.add.f32 [tilespmem:s14], [sflag:$0xB], $0x1, s24, s7, $0xb8;
	[tilespmem:$0xBA70] =	vst v63  }
0x9a: {  	_ =	swait.ge [sflag:s26], $0x7D0  }
0x9b: {  	[sflag:s26] =	ssyncset.done $0x0  }
0x9c: {  	s30 =	simm.s32 $0xE;
	[sflag:s26] =	ssyncadd.s32 $0xFFFFF830  }
0x9d: {  	_ =	swait.ge [sflag:s30], $0x7D0  }
0x9e: {  	[sflag:s30] =	ssyncset.done $0x0  }
0x9f: {  	s19 =	simm.s32 $0x9270;
	[sflag:s30] =	ssyncadd.s32 $0xFFFFF830  }
0xa0: {  	[spmem:s10] =	stream.indirect.scatter.add.f32 [tilespmem:s22], [sflag:$0x10], $0x1, s19, s7, $0xb8;
	[tilespmem:$0xBA70] =	vst v63  }
0xa1: {  	s3 =	rddreg [dreg:$0x16];
	s30 =	simm.s32 $0x6270  }
0xa2: {  	[tilespmem:s30], [sflag:$0x2] =	stream.linear.gather [hbm4b:s3+s0], $0x7D0, $0x38;
	[tilespmem:$0xBA70] =	vst v63  }
0xa3: {  	s18 =	simm.s32 $0x8270;
	s4 =	rddreg [dreg:$0x17]  }
0xa4: {  	[tilespmem:s18], [sflag:$0x2] =	stream.linear.gather [hbm4b:s4+s0], $0x7D0, $0x38;
	[tilespmem:$0xBA70] =	vst v63  }
0xa5: {  	_ =	swait.ge [sflag:s6], $0x7D0  }
0xa6: {  	[sflag:s6] =	ssyncset.done $0x0  }
0xa7: {  	[sflag:s6] =	ssyncadd.s32 $0xFFFFF830  }
0xa8: {  	_ =	swait.ge [sflag:s6], $0x7D0  }
0xa9: {  	[sflag:s6] =	ssyncset.done $0x0  }
0xaa: {  	s18 =	simm.s32 $0x9A70;
	[sflag:s6] =	ssyncadd.s32 $0xFFFFF830  }
0xab: {  	[tilespmem:s18], [sflag:$0x5] =	stream.indirect.gather [spmem:s9], $0x1, s13, s7, $0xb8;
	[tilespmem:$0xBA70] =	vst v63  }
0xac: {  	s13 =	simm.s32 $0x8  }
0xad: {  	_ =	swait.ge [sflag:s13], $0x7D0  }
0xae: {  	[sflag:s13] =	ssyncset.done $0x0  }
0xaf: {  	s11 =	simm.s32 $0xB270;
	[sflag:s13] =	ssyncadd.s32 $0xFFFFF830  }
0xb0: {  	[spmem:s25] =	stream.indirect.scatter.add.f32 [tilespmem:s11], [sflag:$0xC], $0x1, s19, s7, $0xb8;
	[tilespmem:$0xBA70] =	vst v63  }
0xb1: {  	s11 =	simm.s32 $0xB  }
0xb2: {  	_ =	swait.ge [sflag:s11], $0x7D0  }
0xb3: {  	[sflag:s11] =	ssyncset.done $0x0  }
0xb4: {  	s19 =	simm.s32 $0xF;
	[sflag:s11] =	ssyncadd.s32 $0xFFFFF830  }
0xb5: {  	_ =	swait.ge [sflag:s19], $0x7D0  }
0xb6: {  	[sflag:s19] =	ssyncset.done $0x0  }
0xb7: {  	[sflag:s19] =	ssyncadd.s32 $0xFFFFF830  }
0xb8: {  	[spmem:s10] =	stream.indirect.scatter.add.f32 [tilespmem:s22], [sflag:$0xD], $0x1, s12, s7, $0xb8;
	[tilespmem:$0xBA70] =	vst v63  }
0xb9: {  	s28 =	simm.s32 $0x6A70;
	s8 =	rddreg [dreg:$0x18]  }
0xba: {  	[tilespmem:s28], [sflag:$0x3] =	stream.linear.gather [hbm4b:s8+s0], $0x7D0, $0x38;
	[tilespmem:$0xBA70] =	vst v63  }
0xbb: {  	s1 =	simm.s32 $0x8A70;
	s28 =	rddreg [dreg:$0x19]  }
0xbc: {  	[tilespmem:s1], [sflag:$0x3] =	stream.linear.gather [hbm4b:s28+s0], $0x7D0, $0x38;
	[tilespmem:$0xBA70] =	vst v63  }
0xbd: {  	_ =	swait.ge [sflag:s15], $0x7D0  }
0xbe: {  	[sflag:s15] =	ssyncset.done $0x0  }
0xbf: {  	[sflag:s15] =	ssyncadd.s32 $0xFFFFF830  }
0xc0: {  	_ =	swait.ge [sflag:s15], $0x7D0  }
0xc1: {  	[sflag:s15] =	ssyncset.done $0x0  }
0xc2: {  	s2 =	simm.s32 $0xA270;
	[sflag:s15] =	ssyncadd.s32 $0xFFFFF830  }
0xc3: {  	[tilespmem:s2], [sflag:$0x6] =	stream.indirect.gather [spmem:s9], $0x1, s30, s7, $0xb8;
	[tilespmem:$0xBA70] =	vst v63  }
0xc4: {  	_ =	swait.ge [sflag:s20], $0x7D0  }
0xc5: {  	[sflag:s20] =	ssyncset.done $0x0  }
0xc6: {  	s28 =	simm.s32 $0xC;
	[sflag:s20] =	ssyncadd.s32 $0xFFFFF830  }
0xc7: {  	[spmem:s25] =	stream.indirect.scatter.add.f32 [tilespmem:s18], [sflag:$0x9], $0x1, s12, s7, $0xb8;
	[tilespmem:$0xBA70] =	vst v63  }
0xc8: {  	_ =	swait.ge [sflag:s28], $0x7D0  }
0xc9: {  	[sflag:s28] =	ssyncset.done $0x0  }
0xca: {  	s30 =	simm.s32 $0x10;
	[sflag:s28] =	ssyncadd.s32 $0xFFFFF830  }
0xcb: {  	_ =	swait.ge [sflag:s30], $0x7D0  }
0xcc: {  	[sflag:s30] =	ssyncset.done $0x0  }
0xcd: {  	s5 =	simm.s32 $0x8270;
	[sflag:s30] =	ssyncadd.s32 $0xFFFFF830  }
0xce: {  	[spmem:s10] =	stream.indirect.scatter.add.f32 [tilespmem:s22], [sflag:$0xE], $0x1, s5, s7, $0xb8;
	[tilespmem:$0xBA70] =	vst v63  }
0xcf: {  	s18 =	simm.s32 $0x7270;
	s2 =	rddreg [dreg:$0x1a]  }
0xd0: {  	[tilespmem:s18], [sflag:$0x4] =	stream.linear.gather [hbm4b:s2+s0], $0x7D0, $0x38;
	[tilespmem:$0xBA70] =	vst v63  }
0xd1: {  	s3 =	simm.s32 $0x9270;
	s2 =	rddreg [dreg:$0x1b]  }
0xd2: {  	[tilespmem:s3], [sflag:$0x4] =	stream.linear.gather [hbm4b:s2+s0], $0x7D0, $0x38;
	[tilespmem:$0xBA70] =	vst v63  }
0xd3: {  	_ =	swait.ge [sflag:s17], $0x7D0  }
0xd4: {  	[sflag:s17] =	ssyncset.done $0x0  }
0xd5: {  	[sflag:s17] =	ssyncadd.s32 $0xFFFFF830  }
0xd6: {  	_ =	swait.ge [sflag:s17], $0x7D0  }
0xd7: {  	[sflag:s17] =	ssyncset.done $0x0  }
0xd8: {  	s8 =	simm.s32 $0x6A70;
	s2 =	simm.s32 $0xAA70;
	[sflag:s17] =	ssyncadd.s32 $0xFFFFF830  }
0xd9: {  	[tilespmem:s2], [sflag:$0x7] =	stream.indirect.gather [spmem:s9], $0x1, s8, s7, $0xb8;
	[tilespmem:$0xBA70] =	vst v63  }
0xda: {  	_ =	swait.ge [sflag:s29], $0x7D0  }
0xdb: {  	[sflag:s29] =	ssyncset.done $0x0  }
0xdc: {  	s1 =	simm.s32 $0xA270;
	[sflag:s29] =	ssyncadd.s32 $0xFFFFF830  }
0xdd: {  	[spmem:s25] =	stream.indirect.scatter.add.f32 [tilespmem:s1], [sflag:$0xA], $0x1, s5, s7, $0xb8;
	[tilespmem:$0xBA70] =	vst v63  }
0xde: {  	_ =	swait.ge [sflag:s31], $0x7D0  }
0xdf: {  	[sflag:s31] =	ssyncset.done $0x0  }
0xe0: {  	[sflag:s31] =	ssyncadd.s32 $0xFFFFF830  }
0xe1: {  	_ =	swait.ge [sflag:s21], $0x7D0  }
0xe2: {  	[sflag:s21] =	ssyncset.done $0x0  }
0xe3: {  	s4 =	simm.s32 $0x8A70;
	[sflag:s21] =	ssyncadd.s32 $0xFFFFF830  }
0xe4: {  	[spmem:s10] =	stream.indirect.scatter.add.f32 [tilespmem:s22], [sflag:$0xF], $0x1, s4, s7, $0xb8;
	[tilespmem:$0xBA70] =	vst v63  }
0xe5: {  	s24 =	simm.s32 $0x5A70;
	s5 =	rddreg [dreg:$0x1c]  }
0xe6: {  	[tilespmem:s24], [sflag:$0x1] =	stream.linear.gather [hbm4b:s5+s0], $0x7D0, $0x38;
	[tilespmem:$0xBA70] =	vst v63  }
0xe7: {  	s24 =	rddreg [dreg:$0x1d]  }
0xe8: {  	[tilespmem:s12], [sflag:$0x1] =	stream.linear.gather [hbm4b:s24+s0], $0x7D0, $0x38;
	[tilespmem:$0xBA70] =	vst v63  }
0xe9: {  	_ =	swait.ge [sflag:s23], $0x7D0  }
0xea: {  	[sflag:s23] =	ssyncset.done $0x0  }
0xeb: {  	[sflag:s23] =	ssyncadd.s32 $0xFFFFF830  }
0xec: {  	_ =	swait.ge [sflag:s23], $0x7D0  }
0xed: {  	[sflag:s23] =	ssyncset.done $0x0  }
0xee: {  	s18 =	simm.s32 $0x7270;
	s24 =	simm.s32 $0xB270;
	[sflag:s23] =	ssyncadd.s32 $0xFFFFF830  }
0xef: {  	[tilespmem:s24], [sflag:$0x8] =	stream.indirect.gather [spmem:s9], $0x1, s18, s7, $0xb8;
	[tilespmem:$0xBA70] =	vst v63  }
0xf0: {  	_ =	swait.ge [sflag:s16], $0x7D0  }
0xf1: {  	[sflag:s16] =	ssyncset.done $0x0  }
0xf2: {  	s26 =	simm.s32 $0xA;
	s8 =	simm.s32 $0xAA70;
	[sflag:s16] =	ssyncadd.s32 $0xFFFFF830  }
0xf3: {  	[spmem:s25] =	stream.indirect.scatter.add.f32 [tilespmem:s8], [sflag:$0xB], $0x1, s4, s7, $0xb8;
	[tilespmem:$0xBA70] =	vst v63  }
0xf4: {  	_ =	swait.ge [sflag:s26], $0x7D0  }
0xf5: {  	[sflag:s26] =	ssyncset.done $0x0  }
0xf6: {  	s14 =	simm.s32 $0xE;
	[sflag:s26] =	ssyncadd.s32 $0xFFFFF830  }
0xf7: {  	_ =	swait.ge [sflag:s14], $0x7D0  }
0xf8: {  	[sflag:s14] =	ssyncset.done $0x0  }
0xf9: {  	s3 =	simm.s32 $0x9270;
	[sflag:s14] =	ssyncadd.s32 $0xFFFFF830  }
0xfa: {  	[spmem:s10] =	stream.indirect.scatter.add.f32 [tilespmem:s22], [sflag:$0x10], $0x1, s3, s7, $0xb8;
	[tilespmem:$0xBA70] =	vst v63  }
0xfb: {  	s26 =	rddreg [dreg:$0x1e];
	s3 =	simm.s32 $0x6270  }
0xfc: {  	[tilespmem:s3], [sflag:$0x2] =	stream.linear.gather [hbm4b:s26+s0], $0x7D0, $0x38;
	[tilespmem:$0xBA70] =	vst v63  }
0xfd: {  	s1 =	simm.s32 $0x8270;
	s4 =	rddreg [dreg:$0x1f]  }
0xfe: {  	[tilespmem:s1], [sflag:$0x2] =	stream.linear.gather [hbm4b:s4+s0], $0x7D0, $0x38;
	[tilespmem:$0xBA70] =	vst v63  }
0xff: {  	_ =	swait.ge [sflag:s6], $0x7D0  }
0x100: {  	[sflag:s6] =	ssyncset.done $0x0  }
0x101: {  	[sflag:s6] =	ssyncadd.s32 $0xFFFFF830  }
0x102: {  	_ =	swait.ge [sflag:s6], $0x7D0  }
0x103: {  	[sflag:s6] =	ssyncset.done $0x0  }
0x104: {  	s5 =	simm.s32 $0x5A70;
	s1 =	simm.s32 $0x9A70;
	[sflag:s6] =	ssyncadd.s32 $0xFFFFF830  }
0x105: {  	[tilespmem:s1], [sflag:$0x5] =	stream.indirect.gather [spmem:s9], $0x1, s5, s7, $0xb8;
	[tilespmem:$0xBA70] =	vst v63  }
0x106: {  	_ =	swait.ge [sflag:s13], $0x7D0  }
0x107: {  	[sflag:s13] =	ssyncset.done $0x0  }
0x108: {  	s4 =	simm.s32 $0x9270;
	[sflag:s13] =	ssyncadd.s32 $0xFFFFF830  }
0x109: {  	[spmem:s25] =	stream.indirect.scatter.add.f32 [tilespmem:s24], [sflag:$0xC], $0x1, s4, s7, $0xb8;
	[tilespmem:$0xBA70] =	vst v63  }
0x10a: {  	_ =	swait.ge [sflag:s11], $0x7D0  }
0x10b: {  	[sflag:s11] =	ssyncset.done $0x0  }
0x10c: {  	[sflag:s11] =	ssyncadd.s32 $0xFFFFF830  }
0x10d: {  	_ =	swait.ge [sflag:s19], $0x7D0  }
0x10e: {  	[sflag:s19] =	ssyncset.done $0x0  }
0x10f: {  	s5 =	sld [smem:$0x7DC];
	[sflag:s19] =	ssyncadd.s32 $0xFFFFF830  }
0x110: {  	[spmem:s10] =	stream.indirect.scatter.add.f32 [tilespmem:s22], [sflag:$0xD], $0x1, s12, s7, $0xb8;
	[tilespmem:$0xBA70] =	vst v63  }
0x111: {  	s14 =	simm.s32 $0x6A70;
	s3 =	sld [smem:$0x7DD]  }
0x112: {  	[tilespmem:s14], [sflag:$0x3] =	stream.linear.gather [hbm4b:s5+s0], $0x7D0, $0x38;
	[tilespmem:$0xBA70] =	vst v63  }
0x113: {  	s5 =	simm.s32 $0x8A70  }
0x114: {  	[tilespmem:s5], [sflag:$0x3] =	stream.linear.gather [hbm4b:s3+s0], $0x7D0, $0x38;
	[tilespmem:$0xBA70] =	vst v63  }
0x115: {  	_ =	swait.ge [sflag:s15], $0x7D0  }
0x116: {  	[sflag:s15] =	ssyncset.done $0x0  }
0x117: {  	[sflag:s15] =	ssyncadd.s32 $0xFFFFF830  }
0x118: {  	_ =	swait.ge [sflag:s15], $0x7D0  }
0x119: {  	[sflag:s15] =	ssyncset.done $0x0  }
0x11a: {  	s8 =	simm.s32 $0x6270;
	s3 =	simm.s32 $0xA270;
	[sflag:s15] =	ssyncadd.s32 $0xFFFFF830  }
0x11b: {  	[tilespmem:s3], [sflag:$0x6] =	stream.indirect.gather [spmem:s9], $0x1, s8, s7, $0xb8;
	[tilespmem:$0xBA70] =	vst v63  }
0x11c: {  	_ =	swait.ge [sflag:s20], $0x7D0  }
0x11d: {  	[sflag:s20] =	ssyncset.done $0x0  }
0x11e: {  	[sflag:s20] =	ssyncadd.s32 $0xFFFFF830  }
0x11f: {  	[spmem:s25] =	stream.indirect.scatter.add.f32 [tilespmem:s1], [sflag:$0x9], $0x1, s12, s7, $0xb8;
	[tilespmem:$0xBA70] =	vst v63  }
0x120: {  	_ =	swait.ge [sflag:s28], $0x7D0  }
0x121: {  	[sflag:s28] =	ssyncset.done $0x0  }
0x122: {  	[sflag:s28] =	ssyncadd.s32 $0xFFFFF830  }
0x123: {  	_ =	swait.ge [sflag:s30], $0x7D0  }
0x124: {  	[sflag:s30] =	ssyncset.done $0x0  }
0x125: {  	s1 =	simm.s32 $0x8270;
	s8 =	sld [smem:$0x7DE];
	[sflag:s30] =	ssyncadd.s32 $0xFFFFF830  }
0x126: {  	[spmem:s10] =	stream.indirect.scatter.add.f32 [tilespmem:s22], [sflag:$0xE], $0x1, s1, s7, $0xb8;
	[tilespmem:$0xBA70] =	vst v63  }
0x127: {  	s18 =	simm.s32 $0x7270  }
0x128: {  	[tilespmem:s18], [sflag:$0x4] =	stream.linear.gather [hbm4b:s8+s0], $0x7D0, $0x38;
	[tilespmem:$0xBA70] =	vst v63  }
0x129: {  	s8 =	sld [smem:$0x7DF];
	_ =	sdelay $0x2  }
0x12a: {  	[tilespmem:s4], [sflag:$0x4] =	stream.linear.gather [hbm4b:s8+s0], $0x7D0, $0x38;
	[tilespmem:$0xBA70] =	vst v63  }
0x12b: {  	_ =	swait.ge [sflag:s17], $0x7D0  }
0x12c: {  	[sflag:s17] =	ssyncset.done $0x0  }
0x12d: {  	[sflag:s17] =	ssyncadd.s32 $0xFFFFF830  }
0x12e: {  	_ =	swait.ge [sflag:s17], $0x7D0  }
0x12f: {  	[sflag:s17] =	ssyncset.done $0x0  }
0x130: {  	s14 =	simm.s32 $0x6A70;
	s8 =	simm.s32 $0xAA70;
	[sflag:s17] =	ssyncadd.s32 $0xFFFFF830  }
0x131: {  	[tilespmem:s8], [sflag:$0x7] =	stream.indirect.gather [spmem:s9], $0x1, s14, s7, $0xb8;
	[tilespmem:$0xBA70] =	vst v63  }
0x132: {  	_ =	swait.ge [sflag:s29], $0x7D0  }
0x133: {  	[sflag:s29] =	ssyncset.done $0x0  }
0x134: {  	[sflag:s29] =	ssyncadd.s32 $0xFFFFF830  }
0x135: {  	[spmem:s25] =	stream.indirect.scatter.add.f32 [tilespmem:s3], [sflag:$0xA], $0x1, s1, s7, $0xb8;
	[tilespmem:$0xBA70] =	vst v63  }
0x136: {  	_ =	swait.ge [sflag:s31], $0x7D0  }
0x137: {  	[sflag:s31] =	ssyncset.done $0x0  }
0x138: {  	[sflag:s31] =	ssyncadd.s32 $0xFFFFF830  }
0x139: {  	_ =	swait.ge [sflag:s21], $0x7D0  }
0x13a: {  	[sflag:s21] =	ssyncset.done $0x0  }
0x13b: {  	s3 =	sld [smem:$0x7E0];
	[sflag:s21] =	ssyncadd.s32 $0xFFFFF830  }
0x13c: {  	[spmem:s10] =	stream.indirect.scatter.add.f32 [tilespmem:s22], [sflag:$0xF], $0x1, s5, s7, $0xb8;
	[tilespmem:$0xBA70] =	vst v63  }
0x13d: {  	s26 =	simm.s32 $0x5A70;
	s4 =	sld [smem:$0x7E1]  }
0x13e: {  	[tilespmem:s26], [sflag:$0x1] =	stream.linear.gather [hbm4b:s3+s0], $0x7D0, $0x38;
	[tilespmem:$0xBA70] =	vst v63  }
0x13f: {  	_ = 	snop  }
0x140: {  	[tilespmem:s12], [sflag:$0x1] =	stream.linear.gather [hbm4b:s4+s0], $0x7D0, $0x38;
	[tilespmem:$0xBA70] =	vst v63  }
0x141: {  	_ =	swait.ge [sflag:s23], $0x7D0  }
0x142: {  	[sflag:s23] =	ssyncset.done $0x0  }
0x143: {  	[sflag:s23] =	ssyncadd.s32 $0xFFFFF830  }
0x144: {  	_ =	swait.ge [sflag:s23], $0x7D0  }
0x145: {  	[sflag:s23] =	ssyncset.done $0x0  }
0x146: {  	s18 =	simm.s32 $0x7270;
	[sflag:s23] =	ssyncadd.s32 $0xFFFFF830  }
0x147: {  	[tilespmem:s24], [sflag:$0x8] =	stream.indirect.gather [spmem:s9], $0x1, s18, s7, $0xb8;
	[tilespmem:$0xBA70] =	vst v63  }
0x148: {  	_ =	swait.ge [sflag:s16], $0x7D0  }
0x149: {  	[sflag:s16] =	ssyncset.done $0x0  }
0x14a: {  	s8 =	simm.s32 $0xAA70;
	[sflag:s16] =	ssyncadd.s32 $0xFFFFF830  }
0x14b: {  	[spmem:s25] =	stream.indirect.scatter.add.f32 [tilespmem:s8], [sflag:$0xB], $0x1, s5, s7, $0xb8;
	[tilespmem:$0xBA70] =	vst v63  }
0x14c: {  	s8 =	simm.s32 $0xA  }
0x14d: {  	_ =	swait.ge [sflag:s8], $0x7D0  }
0x14e: {  	[sflag:s8] =	ssyncset.done $0x0  }
0x14f: {  	s24 =	simm.s32 $0xE;
	[sflag:s8] =	ssyncadd.s32 $0xFFFFF830  }
0x150: {  	_ =	swait.ge [sflag:s24], $0x7D0  }
0x151: {  	[sflag:s24] =	ssyncset.done $0x0  }
0x152: {  	s8 =	simm.s32 $0x9270;
	s5 =	sld [smem:$0x7E2];
	[sflag:s24] =	ssyncadd.s32 $0xFFFFF830  }
0x153: {  	[spmem:s10] =	stream.indirect.scatter.add.f32 [tilespmem:s22], [sflag:$0x10], $0x1, s8, s7, $0xb8;
	[tilespmem:$0xBA70] =	vst v63  }
0x154: {  	s24 =	simm.s32 $0x6270  }
0x155: {  	[tilespmem:s24], [sflag:$0x2] =	stream.linear.gather [hbm4b:s5+s0], $0x7D0, $0x38;
	[tilespmem:$0xBA70] =	vst v63  }
0x156: {  	s5 =	sld [smem:$0x7E3];
	_ =	sdelay $0x1  }
0x157: {  	s1 =	simm.s32 $0x8270  }
0x158: {  	[tilespmem:s1], [sflag:$0x2] =	stream.linear.gather [hbm4b:s5+s0], $0x7D0, $0x38;
	[tilespmem:$0xBA70] =	vst v63  }
0x159: {  	_ =	swait.ge [sflag:s6], $0x7D0  }
0x15a: {  	[sflag:s6] =	ssyncset.done $0x0  }
0x15b: {  	[sflag:s6] =	ssyncadd.s32 $0xFFFFF830  }
0x15c: {  	_ =	swait.ge [sflag:s6], $0x7D0  }
0x15d: {  	[sflag:s6] =	ssyncset.done $0x0  }
0x15e: {  	s3 =	simm.s32 $0x5A70;
	s1 =	simm.s32 $0x9A70;
	[sflag:s6] =	ssyncadd.s32 $0xFFFFF830  }
0x15f: {  	[tilespmem:s1], [sflag:$0x5] =	stream.indirect.gather [spmem:s9], $0x1, s3, s7, $0xb8;
	[tilespmem:$0xBA70] =	vst v63  }
0x160: {  	_ =	swait.ge [sflag:s13], $0x7D0  }
0x161: {  	[sflag:s13] =	ssyncset.done $0x0  }
0x162: {  	s18 =	simm.s32 $0xB270;
	[sflag:s13] =	ssyncadd.s32 $0xFFFFF830  }
0x163: {  	[spmem:s25] =	stream.indirect.scatter.add.f32 [tilespmem:s18], [sflag:$0xC], $0x1, s8, s7, $0xb8;
	[tilespmem:$0xBA70] =	vst v63  }
0x164: {  	_ =	swait.ge [sflag:s11], $0x7D0  }
0x165: {  	[sflag:s11] =	ssyncset.done $0x0  }
0x166: {  	[sflag:s11] =	ssyncadd.s32 $0xFFFFF830  }
0x167: {  	_ =	swait.ge [sflag:s19], $0x7D0  }
0x168: {  	[sflag:s19] =	ssyncset.done $0x0  }
0x169: {  	s8 =	sld [smem:$0x7E4];
	[sflag:s19] =	ssyncadd.s32 $0xFFFFF830  }
0x16a: {  	[spmem:s10] =	stream.indirect.scatter.add.f32 [tilespmem:s22], [sflag:$0xD], $0x1, s12, s7, $0xb8;
	[tilespmem:$0xBA70] =	vst v63  }
0x16b: {  	s14 =	simm.s32 $0x6A70;
	s18 =	sld [smem:$0x7E5]  }
0x16c: {  	[tilespmem:s14], [sflag:$0x3] =	stream.linear.gather [hbm4b:s8+s0], $0x7D0, $0x38;
	[tilespmem:$0xBA70] =	vst v63  }
0x16d: {  	s4 =	simm.s32 $0x8A70  }
0x16e: {  	[tilespmem:s4], [sflag:$0x3] =	stream.linear.gather [hbm4b:s18+s0], $0x7D0, $0x38;
	[tilespmem:$0xBA70] =	vst v63  }
0x16f: {  	_ =	swait.ge [sflag:s15], $0x7D0  }
0x170: {  	[sflag:s15] =	ssyncset.done $0x0  }
0x171: {  	[sflag:s15] =	ssyncadd.s32 $0xFFFFF830  }
0x172: {  	_ =	swait.ge [sflag:s15], $0x7D0  }
0x173: {  	[sflag:s15] =	ssyncset.done $0x0  }
0x174: {  	s24 =	simm.s32 $0x6270;
	s18 =	simm.s32 $0xA270;
	[sflag:s15] =	ssyncadd.s32 $0xFFFFF830  }
0x175: {  	[tilespmem:s18], [sflag:$0x6] =	stream.indirect.gather [spmem:s9], $0x1, s24, s7, $0xb8;
	[tilespmem:$0xBA70] =	vst v63  }
0x176: {  	_ =	swait.ge [sflag:s20], $0x7D0  }
0x177: {  	[sflag:s20] =	ssyncset.done $0x0  }
0x178: {  	[sflag:s20] =	ssyncadd.s32 $0xFFFFF830  }
0x179: {  	[spmem:s25] =	stream.indirect.scatter.add.f32 [tilespmem:s1], [sflag:$0x9], $0x1, s12, s7, $0xb8;
	[tilespmem:$0xBA70] =	vst v63  }
0x17a: {  	_ =	swait.ge [sflag:s28], $0x7D0  }
0x17b: {  	[sflag:s28] =	ssyncset.done $0x0  }
0x17c: {  	[sflag:s28] =	ssyncadd.s32 $0xFFFFF830  }
0x17d: {  	_ =	swait.ge [sflag:s30], $0x7D0  }
0x17e: {  	[sflag:s30] =	ssyncset.done $0x0  }
0x17f: {  	s5 =	simm.s32 $0x8270;
	s1 =	sld [smem:$0x7E6];
	[sflag:s30] =	ssyncadd.s32 $0xFFFFF830  }
0x180: {  	[spmem:s10] =	stream.indirect.scatter.add.f32 [tilespmem:s22], [sflag:$0xE], $0x1, s5, s7, $0xb8;
	[tilespmem:$0xBA70] =	vst v63  }
0x181: {  	s14 =	simm.s32 $0x7270;
	s24 =	sld [smem:$0x7E7]  }
0x182: {  	[tilespmem:s14], [sflag:$0x4] =	stream.linear.gather [hbm4b:s1+s0], $0x7D0, $0x38;
	[tilespmem:$0xBA70] =	vst v63  }
0x183: {  	s3 =	simm.s32 $0x9270  }
0x184: {  	[tilespmem:s3], [sflag:$0x4] =	stream.linear.gather [hbm4b:s24+s0], $0x7D0, $0x38;
	[tilespmem:$0xBA70] =	vst v63  }
0x185: {  	_ =	swait.ge [sflag:s17], $0x7D0  }
0x186: {  	[sflag:s17] =	ssyncset.done $0x0  }
0x187: {  	[sflag:s17] =	ssyncadd.s32 $0xFFFFF830  }
0x188: {  	_ =	swait.ge [sflag:s17], $0x7D0  }
0x189: {  	[sflag:s17] =	ssyncset.done $0x0  }
0x18a: {  	s26 =	simm.s32 $0xAA70;
	s8 =	simm.s32 $0x6A70;
	[sflag:s17] =	ssyncadd.s32 $0xFFFFF830  }
0x18b: {  	[tilespmem:s26], [sflag:$0x7] =	stream.indirect.gather [spmem:s9], $0x1, s8, s7, $0xb8;
	[tilespmem:$0xBA70] =	vst v63  }
0x18c: {  	_ =	swait.ge [sflag:s29], $0x7D0  }
0x18d: {  	[sflag:s29] =	ssyncset.done $0x0  }
0x18e: {  	[sflag:s29] =	ssyncadd.s32 $0xFFFFF830  }
0x18f: {  	[spmem:s25] =	stream.indirect.scatter.add.f32 [tilespmem:s18], [sflag:$0xA], $0x1, s5, s7, $0xb8;
	[tilespmem:$0xBA70] =	vst v63  }
0x190: {  	_ =	swait.ge [sflag:s31], $0x7D0  }
0x191: {  	[sflag:s31] =	ssyncset.done $0x0  }
0x192: {  	[sflag:s31] =	ssyncadd.s32 $0xFFFFF830  }
0x193: {  	_ =	swait.ge [sflag:s21], $0x7D0  }
0x194: {  	[sflag:s21] =	ssyncset.done $0x0  }
0x195: {  	s4 =	simm.s32 $0x8A70;
	s3 =	sld [smem:$0x7E8];
	[sflag:s21] =	ssyncadd.s32 $0xFFFFF830  }
0x196: {  	[spmem:s10] =	stream.indirect.scatter.add.f32 [tilespmem:s22], [sflag:$0xF], $0x1, s4, s7, $0xb8;
	[tilespmem:$0xBA70] =	vst v63  }
0x197: {  	s8 =	simm.s32 $0x5A70;
	s14 =	sld [smem:$0x7E9]  }
0x198: {  	[tilespmem:s8], [sflag:$0x1] =	stream.linear.gather [hbm4b:s3+s0], $0x7D0, $0x38;
	[tilespmem:$0xBA70] =	vst v63  }
0x199: {  	_ = 	snop  }
0x19a: {  	[tilespmem:s12], [sflag:$0x1] =	stream.linear.gather [hbm4b:s14+s0], $0x7D0, $0x38;
	[tilespmem:$0xBA70] =	vst v63  }
0x19b: {  	_ =	swait.ge [sflag:s23], $0x7D0  }
0x19c: {  	[sflag:s23] =	ssyncset.done $0x0  }
0x19d: {  	[sflag:s23] =	ssyncadd.s32 $0xFFFFF830  }
0x19e: {  	_ =	swait.ge [sflag:s23], $0x7D0  }
0x19f: {  	[sflag:s23] =	ssyncset.done $0x0  }
0x1a0: {  	s1 =	simm.s32 $0x7270;
	s18 =	simm.s32 $0xB270;
	[sflag:s23] =	ssyncadd.s32 $0xFFFFF830  }
0x1a1: {  	[tilespmem:s18], [sflag:$0x8] =	stream.indirect.gather [spmem:s9], $0x1, s1, s7, $0xb8;
	[tilespmem:$0xBA70] =	vst v63  }
0x1a2: {  	_ =	swait.ge [sflag:s16], $0x7D0  }
0x1a3: {  	[sflag:s16] =	ssyncset.done $0x0  }
0x1a4: {  	s2 =	simm.s32 $0xA;
	[sflag:s16] =	ssyncadd.s32 $0xFFFFF830  }
0x1a5: {  	[spmem:s25] =	stream.indirect.scatter.add.f32 [tilespmem:s26], [sflag:$0xB], $0x1, s4, s7, $0xb8;
	[tilespmem:$0xBA70] =	vst v63  }
0x1a6: {  	_ =	swait.ge [sflag:s2], $0x7D0  }
0x1a7: {  	[sflag:s2] =	ssyncset.done $0x0  }
0x1a8: {  	s8 =	simm.s32 $0xE;
	[sflag:s2] =	ssyncadd.s32 $0xFFFFF830  }
0x1a9: {  	_ =	swait.ge [sflag:s8], $0x7D0  }
0x1aa: {  	[sflag:s8] =	ssyncset.done $0x0  }
0x1ab: {  	s1 =	simm.s32 $0x9270;
	s14 =	sld [smem:$0x7EA];
	[sflag:s8] =	ssyncadd.s32 $0xFFFFF830  }
0x1ac: {  	[spmem:s10] =	stream.indirect.scatter.add.f32 [tilespmem:s22], [sflag:$0x10], $0x1, s1, s7, $0xb8;
	[tilespmem:$0xBA70] =	vst v63  }
0x1ad: {  	s26 =	simm.s32 $0x6270  }
0x1ae: {  	[tilespmem:s26], [sflag:$0x2] =	stream.linear.gather [hbm4b:s14+s0], $0x7D0, $0x38;
	[tilespmem:$0xBA70] =	vst v63  }
0x1af: {  	s14 =	sld [smem:$0x7EB];
	_ =	sdelay $0x1  }
0x1b0: {  	s5 =	simm.s32 $0x8270  }
0x1b1: {  	[tilespmem:s5], [sflag:$0x2] =	stream.linear.gather [hbm4b:s14+s0], $0x7D0, $0x38;
	[tilespmem:$0xBA70] =	vst v63  }
0x1b2: {  	_ =	swait.ge [sflag:s6], $0x7D0  }
0x1b3: {  	[sflag:s6] =	ssyncset.done $0x0  }
0x1b4: {  	[sflag:s6] =	ssyncadd.s32 $0xFFFFF830  }
0x1b5: {  	_ =	swait.ge [sflag:s6], $0x7D0  }
0x1b6: {  	[sflag:s6] =	ssyncset.done $0x0  }
0x1b7: {  	s24 =	simm.s32 $0x5A70;
	s8 =	simm.s32 $0x9A70;
	[sflag:s6] =	ssyncadd.s32 $0xFFFFF830  }
0x1b8: {  	[tilespmem:s8], [sflag:$0x5] =	stream.indirect.gather [spmem:s9], $0x1, s24, s7, $0xb8;
	[tilespmem:$0xBA70] =	vst v63  }
0x1b9: {  	_ =	swait.ge [sflag:s13], $0x7D0  }
0x1ba: {  	[sflag:s13] =	ssyncset.done $0x0  }
0x1bb: {  	s3 =	simm.s32 $0xB270;
	[sflag:s13] =	ssyncadd.s32 $0xFFFFF830  }
0x1bc: {  	[spmem:s25] =	stream.indirect.scatter.add.f32 [tilespmem:s3], [sflag:$0xC], $0x1, s1, s7, $0xb8;
	[tilespmem:$0xBA70] =	vst v63  }
0x1bd: {  	_ =	swait.ge [sflag:s11], $0x7D0  }
0x1be: {  	[sflag:s11] =	ssyncset.done $0x0  }
0x1bf: {  	[sflag:s11] =	ssyncadd.s32 $0xFFFFF830  }
0x1c0: {  	_ =	swait.ge [sflag:s19], $0x7D0  }
0x1c1: {  	[sflag:s19] =	ssyncset.done $0x0  }
0x1c2: {  	s3 =	sld [smem:$0x7EC];
	[sflag:s19] =	ssyncadd.s32 $0xFFFFF830  }
0x1c3: {  	[spmem:s10] =	stream.indirect.scatter.add.f32 [tilespmem:s22], [sflag:$0xD], $0x1, s12, s7, $0xb8;
	[tilespmem:$0xBA70] =	vst v63  }
0x1c4: {  	s24 =	simm.s32 $0x6A70;
	s1 =	sld [smem:$0x7ED]  }
0x1c5: {  	[tilespmem:s24], [sflag:$0x3] =	stream.linear.gather [hbm4b:s3+s0], $0x7D0, $0x38;
	[tilespmem:$0xBA70] =	vst v63  }
0x1c6: {  	s4 =	simm.s32 $0x8A70  }
0x1c7: {  	[tilespmem:s4], [sflag:$0x3] =	stream.linear.gather [hbm4b:s1+s0], $0x7D0, $0x38;
	[tilespmem:$0xBA70] =	vst v63  }
0x1c8: {  	_ =	swait.ge [sflag:s15], $0x7D0  }
0x1c9: {  	[sflag:s15] =	ssyncset.done $0x0  }
0x1ca: {  	[sflag:s15] =	ssyncadd.s32 $0xFFFFF830  }
0x1cb: {  	_ =	swait.ge [sflag:s15], $0x7D0  }
0x1cc: {  	[sflag:s15] =	ssyncset.done $0x0  }
0x1cd: {  	s26 =	simm.s32 $0x6270;
	s24 =	simm.s32 $0xA270;
	[sflag:s15] =	ssyncadd.s32 $0xFFFFF830  }
0x1ce: {  	[tilespmem:s24], [sflag:$0x6] =	stream.indirect.gather [spmem:s9], $0x1, s26, s7, $0xb8;
	[tilespmem:$0xBA70] =	vst v63  }
0x1cf: {  	_ =	swait.ge [sflag:s20], $0x7D0  }
0x1d0: {  	[sflag:s20] =	ssyncset.done $0x0  }
0x1d1: {  	[sflag:s20] =	ssyncadd.s32 $0xFFFFF830  }
0x1d2: {  	[spmem:s25] =	stream.indirect.scatter.add.f32 [tilespmem:s8], [sflag:$0x9], $0x1, s12, s7, $0xb8;
	[tilespmem:$0xBA70] =	vst v63  }
0x1d3: {  	_ =	swait.ge [sflag:s28], $0x7D0  }
0x1d4: {  	[sflag:s28] =	ssyncset.done $0x0  }
0x1d5: {  	[sflag:s28] =	ssyncadd.s32 $0xFFFFF830  }
0x1d6: {  	_ =	swait.ge [sflag:s30], $0x7D0  }
0x1d7: {  	[sflag:s30] =	ssyncset.done $0x0  }
0x1d8: {  	s5 =	simm.s32 $0x8270;
	s8 =	sld [smem:$0x7EE];
	[sflag:s30] =	ssyncadd.s32 $0xFFFFF830  }
0x1d9: {  	[spmem:s10] =	stream.indirect.scatter.add.f32 [tilespmem:s22], [sflag:$0xE], $0x1, s5, s7, $0xb8;
	[tilespmem:$0xBA70] =	vst v63  }
0x1da: {  	s26 =	simm.s32 $0x7270;
	s1 =	sld [smem:$0x7EF]  }
0x1db: {  	[tilespmem:s26], [sflag:$0x4] =	stream.linear.gather [hbm4b:s8+s0], $0x7D0, $0x38;
	[tilespmem:$0xBA70] =	vst v63  }
0x1dc: {  	s14 =	simm.s32 $0x9270  }
0x1dd: {  	[tilespmem:s14], [sflag:$0x4] =	stream.linear.gather [hbm4b:s1+s0], $0x7D0, $0x38;
	[tilespmem:$0xBA70] =	vst v63  }
0x1de: {  	_ =	swait.ge [sflag:s17], $0x7D0  }
0x1df: {  	[sflag:s17] =	ssyncset.done $0x0  }
0x1e0: {  	[sflag:s17] =	ssyncadd.s32 $0xFFFFF830  }
0x1e1: {  	_ =	swait.ge [sflag:s17], $0x7D0  }
0x1e2: {  	[sflag:s17] =	ssyncset.done $0x0  }
0x1e3: {  	s3 =	simm.s32 $0x6A70;
	s1 =	simm.s32 $0xAA70;
	[sflag:s17] =	ssyncadd.s32 $0xFFFFF830  }
0x1e4: {  	[tilespmem:s1], [sflag:$0x7] =	stream.indirect.gather [spmem:s9], $0x1, s3, s7, $0xb8;
	[tilespmem:$0xBA70] =	vst v63  }
0x1e5: {  	_ =	swait.ge [sflag:s29], $0x7D0  }
0x1e6: {  	[sflag:s29] =	ssyncset.done $0x0  }
0x1e7: {  	[sflag:s29] =	ssyncadd.s32 $0xFFFFF830  }
0x1e8: {  	[spmem:s25] =	stream.indirect.scatter.add.f32 [tilespmem:s24], [sflag:$0xA], $0x1, s5, s7, $0xb8;
	[tilespmem:$0xBA70] =	vst v63  }
0x1e9: {  	_ =	swait.ge [sflag:s31], $0x7D0  }
0x1ea: {  	[sflag:s31] =	ssyncset.done $0x0  }
0x1eb: {  	[sflag:s31] =	ssyncadd.s32 $0xFFFFF830  }
0x1ec: {  	_ =	swait.ge [sflag:s21], $0x7D0  }
0x1ed: {  	[sflag:s21] =	ssyncset.done $0x0  }
0x1ee: {  	s4 =	simm.s32 $0x8A70;
	s8 =	sld [smem:$0x7F0];
	[sflag:s21] =	ssyncadd.s32 $0xFFFFF830  }
0x1ef: {  	[spmem:s10] =	stream.indirect.scatter.add.f32 [tilespmem:s22], [sflag:$0xF], $0x1, s4, s7, $0xb8;
	[tilespmem:$0xBA70] =	vst v63  }
0x1f0: {  	s24 =	simm.s32 $0x5A70  }
0x1f1: {  	[tilespmem:s24], [sflag:$0x1] =	stream.linear.gather [hbm4b:s8+s0], $0x7D0, $0x38;
	[tilespmem:$0xBA70] =	vst v63  }
0x1f2: {  	s8 =	sld [smem:$0x7F1];
	_ =	sdelay $0x2  }
0x1f3: {  	[tilespmem:s12], [sflag:$0x1] =	stream.linear.gather [hbm4b:s8+s0], $0x7D0, $0x38;
	[tilespmem:$0xBA70] =	vst v63  }
0x1f4: {  	_ =	swait.ge [sflag:s23], $0x7D0  }
0x1f5: {  	[sflag:s23] =	ssyncset.done $0x0  }
0x1f6: {  	[sflag:s23] =	ssyncadd.s32 $0xFFFFF830  }
0x1f7: {  	_ =	swait.ge [sflag:s23], $0x7D0  }
0x1f8: {  	[sflag:s23] =	ssyncset.done $0x0  }
0x1f9: {  	s26 =	simm.s32 $0x7270;
	s24 =	simm.s32 $0xB270;
	[sflag:s23] =	ssyncadd.s32 $0xFFFFF830  }
0x1fa: {  	[tilespmem:s24], [sflag:$0x8] =	stream.indirect.gather [spmem:s9], $0x1, s26, s7, $0xb8;
	[tilespmem:$0xBA70] =	vst v63  }
0x1fb: {  	_ =	swait.ge [sflag:s16], $0x7D0  }
0x1fc: {  	[sflag:s16] =	ssyncset.done $0x0  }
0x1fd: {  	s18 =	simm.s32 $0xA;
	[sflag:s16] =	ssyncadd.s32 $0xFFFFF830  }
0x1fe: {  	[spmem:s25] =	stream.indirect.scatter.add.f32 [tilespmem:s1], [sflag:$0xB], $0x1, s4, s7, $0xb8;
	[tilespmem:$0xBA70] =	vst v63  }
0x1ff: {  	_ =	swait.ge [sflag:s18], $0x7D0  }
0x200: {  	[sflag:s18] =	ssyncset.done $0x0  }
0x201: {  	s8 =	simm.s32 $0xE;
	[sflag:s18] =	ssyncadd.s32 $0xFFFFF830  }
0x202: {  	_ =	swait.ge [sflag:s8], $0x7D0  }
0x203: {  	[sflag:s8] =	ssyncset.done $0x0  }
0x204: {  	s24 =	sld [smem:$0x7F2];
	[sflag:s8] =	ssyncadd.s32 $0xFFFFF830  }
0x205: {  	[spmem:s10] =	stream.indirect.scatter.add.f32 [tilespmem:s22], [sflag:$0x10], $0x1, s14, s7, $0xb8;
	[tilespmem:$0xBA70] =	vst v63  }
0x206: {  	s26 =	simm.s32 $0x6270;
	s1 =	sld [smem:$0x7F3]  }
0x207: {  	[tilespmem:s26], [sflag:$0x2] =	stream.linear.gather [hbm4b:s24+s0], $0x7D0, $0x38;
	[tilespmem:$0xBA70] =	vst v63  }
0x208: {  	_ = 	snop  }
0x209: {  	[tilespmem:s5], [sflag:$0x2] =	stream.linear.gather [hbm4b:s1+s0], $0x7D0, $0x38;
	[tilespmem:$0xBA70] =	vst v63  }
0x20a: {  	_ =	swait.ge [sflag:s6], $0x7D0  }
0x20b: {  	[sflag:s6] =	ssyncset.done $0x0  }
0x20c: {  	[sflag:s6] =	ssyncadd.s32 $0xFFFFF830  }
0x20d: {  	_ =	swait.ge [sflag:s6], $0x7D0  }
0x20e: {  	[sflag:s6] =	ssyncset.done $0x0  }
0x20f: {  	s3 =	simm.s32 $0x5A70;
	s1 =	simm.s32 $0x9A70;
	[sflag:s6] =	ssyncadd.s32 $0xFFFFF830  }
0x210: {  	[tilespmem:s1], [sflag:$0x5] =	stream.indirect.gather [spmem:s9], $0x1, s3, s7, $0xb8;
	[tilespmem:$0xBA70] =	vst v63  }
0x211: {  	_ =	swait.ge [sflag:s13], $0x7D0  }
0x212: {  	[sflag:s13] =	ssyncset.done $0x0  }
0x213: {  	s12 =	simm.s32 $0xB270;
	s3 =	simm.s32 $0x9270;
	[sflag:s13] =	ssyncadd.s32 $0xFFFFF830  }
0x214: {  	[spmem:s25] =	stream.indirect.scatter.add.f32 [tilespmem:s12], [sflag:$0xC], $0x1, s3, s7, $0xb8;
	[tilespmem:$0xBA70] =	vst v63  }
0x215: {  	_ =	swait.ge [sflag:s11], $0x7D0  }
0x216: {  	[sflag:s11] =	ssyncset.done $0x0  }
0x217: {  	[sflag:s11] =	ssyncadd.s32 $0xFFFFF830  }
0x218: {  	_ =	swait.ge [sflag:s19], $0x7D0  }
0x219: {  	[sflag:s19] =	ssyncset.done $0x0  }
0x21a: {  	s26 =	simm.s32 $0x7A70;
	s12 =	sld [smem:$0x7F4];
	[sflag:s19] =	ssyncadd.s32 $0xFFFFF830  }
0x21b: {  	[spmem:s10] =	stream.indirect.scatter.add.f32 [tilespmem:s22], [sflag:$0xD], $0x1, s26, s7, $0xb8;
	[tilespmem:$0xBA70] =	vst v63  }
0x21c: {  	s14 =	simm.s32 $0x6A70  }
0x21d: {  	[tilespmem:s14], [sflag:$0x3] =	stream.linear.gather [hbm4b:s12+s0], $0x7D0, $0x38;
	[tilespmem:$0xBA70] =	vst v63  }
0x21e: {  	s12 =	sld [smem:$0x7F5];
	_ =	sdelay $0x2  }
0x21f: {  	[tilespmem:s4], [sflag:$0x3] =	stream.linear.gather [hbm4b:s12+s0], $0x7D0, $0x38;
	[tilespmem:$0xBA70] =	vst v63  }
0x220: {  	_ =	swait.ge [sflag:s15], $0x7D0  }
0x221: {  	[sflag:s15] =	ssyncset.done $0x0  }
0x222: {  	[sflag:s15] =	ssyncadd.s32 $0xFFFFF830  }
0x223: {  	_ =	swait.ge [sflag:s15], $0x7D0  }
0x224: {  	[sflag:s15] =	ssyncset.done $0x0  }
0x225: {  	s24 =	simm.s32 $0x6270;
	s12 =	simm.s32 $0xA270;
	[sflag:s15] =	ssyncadd.s32 $0xFFFFF830  }
0x226: {  	[tilespmem:s12], [sflag:$0x6] =	stream.indirect.gather [spmem:s9], $0x1, s24, s7, $0xb8;
	[tilespmem:$0xBA70] =	vst v63  }
0x227: {  	_ =	swait.ge [sflag:s20], $0x7D0  }
0x228: {  	[sflag:s20] =	ssyncset.done $0x0  }
0x229: {  	[sflag:s20] =	ssyncadd.s32 $0xFFFFF830  }
0x22a: {  	[spmem:s25] =	stream.indirect.scatter.add.f32 [tilespmem:s1], [sflag:$0x9], $0x1, s26, s7, $0xb8;
	[tilespmem:$0xBA70] =	vst v63  }
0x22b: {  	_ =	swait.ge [sflag:s28], $0x7D0  }
0x22c: {  	[sflag:s28] =	ssyncset.done $0x0  }
0x22d: {  	[sflag:s28] =	ssyncadd.s32 $0xFFFFF830  }
0x22e: {  	_ =	swait.ge [sflag:s30], $0x7D0  }
0x22f: {  	[sflag:s30] =	ssyncset.done $0x0  }
0x230: {  	s26 =	sld [smem:$0x7F6];
	[sflag:s30] =	ssyncadd.s32 $0xFFFFF830  }
0x231: {  	[spmem:s10] =	stream.indirect.scatter.add.f32 [tilespmem:s22], [sflag:$0xE], $0x1, s5, s7, $0xb8;
	[tilespmem:$0xBA70] =	vst v63  }
0x232: {  	s24 =	simm.s32 $0x7270  }
0x233: {  	[tilespmem:s24], [sflag:$0x4] =	stream.linear.gather [hbm4b:s26+s0], $0x7D0, $0x38;
	[tilespmem:$0xBA70] =	vst v63  }
0x234: {  	s26 =	sld [smem:$0x7F7];
	_ =	sdelay $0x2  }
0x235: {  	[tilespmem:s3], [sflag:$0x4] =	stream.linear.gather [hbm4b:s26+s0], $0x7D0, $0x38;
	[tilespmem:$0xBA70] =	vst v63  }
0x236: {  	_ =	swait.ge [sflag:s17], $0x7D0  }
0x237: {  	[sflag:s17] =	ssyncset.done $0x0  }
0x238: {  	[sflag:s17] =	ssyncadd.s32 $0xFFFFF830  }
0x239: {  	_ =	swait.ge [sflag:s17], $0x7D0  }
0x23a: {  	[sflag:s17] =	ssyncset.done $0x0  }
0x23b: {  	s26 =	simm.s32 $0xAA70;
	[sflag:s17] =	ssyncadd.s32 $0xFFFFF830  }
0x23c: {  	[tilespmem:s26], [sflag:$0x7] =	stream.indirect.gather [spmem:s9], $0x1, s14, s7, $0xb8;
	[tilespmem:$0xBA70] =	vst v63  }
0x23d: {  	_ =	swait.ge [sflag:s29], $0x7D0  }
0x23e: {  	[sflag:s29] =	ssyncset.done $0x0  }
0x23f: {  	[sflag:s29] =	ssyncadd.s32 $0xFFFFF830  }
0x240: {  	[spmem:s25] =	stream.indirect.scatter.add.f32 [tilespmem:s12], [sflag:$0xA], $0x1, s5, s7, $0xb8;
	[tilespmem:$0xBA70] =	vst v63  }
0x241: {  	_ =	swait.ge [sflag:s31], $0x7D0  }
0x242: {  	[sflag:s31] =	ssyncset.done $0x0  }
0x243: {  	[sflag:s31] =	ssyncadd.s32 $0xFFFFF830  }
0x244: {  	_ =	swait.ge [sflag:s21], $0x7D0  }
0x245: {  	[sflag:s21] =	ssyncset.done $0x0  }
0x246: {  	s14 =	sld [smem:$0x7F8];
	[sflag:s21] =	ssyncadd.s32 $0xFFFFF830  }
0x247: {  	[spmem:s10] =	stream.indirect.scatter.add.f32 [tilespmem:s22], [sflag:$0xF], $0x1, s4, s7, $0xb8;
	[tilespmem:$0xBA70] =	vst v63  }
0x248: {  	s5 =	simm.s32 $0x5A70;
	s12 =	sld [smem:$0x7F9]  }
0x249: {  	[tilespmem:s5], [sflag:$0x1] =	stream.linear.gather [hbm4b:s14+s0], $0x7D0, $0x38;
	[tilespmem:$0xBA70] =	vst v63  }
0x24a: {  	s1 =	simm.s32 $0x7A70  }
0x24b: {  	[tilespmem:s1], [sflag:$0x1] =	stream.linear.gather [hbm4b:s12+s0], $0x7D0, $0x38;
	[tilespmem:$0xBA70] =	vst v63  }
0x24c: {  	_ =	swait.ge [sflag:s23], $0x7D0  }
0x24d: {  	[sflag:s23] =	ssyncset.done $0x0  }
0x24e: {  	[sflag:s23] =	ssyncadd.s32 $0xFFFFF830  }
0x24f: {  	_ =	swait.ge [sflag:s23], $0x7D0  }
0x250: {  	[sflag:s23] =	ssyncset.done $0x0  }
0x251: {  	s14 =	simm.s32 $0xB270;
	[sflag:s23] =	ssyncadd.s32 $0xFFFFF830  }
0x252: {  	[tilespmem:s14], [sflag:$0x8] =	stream.indirect.gather [spmem:s9], $0x1, s24, s7, $0xb8;
	[tilespmem:$0xBA70] =	vst v63  }
0x253: {  	_ =	swait.ge [sflag:s16], $0x7D0  }
0x254: {  	[sflag:s16] =	ssyncset.done $0x0  }
0x255: {  	[sflag:s16] =	ssyncadd.s32 $0xFFFFF830  }
0x256: {  	[spmem:s25] =	stream.indirect.scatter.add.f32 [tilespmem:s26], [sflag:$0xB], $0x1, s4, s7, $0xb8;
	[tilespmem:$0xBA70] =	vst v63  }
0x257: {  	_ =	swait.ge [sflag:s18], $0x7D0  }
0x258: {  	[sflag:s18] =	ssyncset.done $0x0  }
0x259: {  	s8 =	simm.s32 $0xE;
	[sflag:s18] =	ssyncadd.s32 $0xFFFFF830  }
0x25a: {  	_ =	swait.ge [sflag:s8], $0x7D0  }
0x25b: {  	[sflag:s8] =	ssyncset.done $0x0  }
0x25c: {  	s3 =	simm.s32 $0x9270;
	[sflag:s8] =	ssyncadd.s32 $0xFFFFF830  }
0x25d: {  	[spmem:s10] =	stream.indirect.scatter.add.f32 [tilespmem:s22], [sflag:$0x10], $0x1, s3, s7, $0xb8;
	[tilespmem:$0xBA70] =	vst v63  }
0x25e: {  	_ =	swait.ge [sflag:s6], $0x7D0  }
0x25f: {  	[sflag:s6] =	ssyncset.done $0x0  }
0x260: {  	[sflag:s6] =	ssyncadd.s32 $0xFFFFF830  }
0x261: {  	_ =	swait.ge [sflag:s6], $0x7D0  }
0x262: {  	[sflag:s6] =	ssyncset.done $0x0  }
0x263: {  	s24 =	simm.s32 $0x9A70;
	[sflag:s6] =	ssyncadd.s32 $0xFFFFF830  }
0x264: {  	[tilespmem:s24], [sflag:$0x5] =	stream.indirect.gather [spmem:s9], $0x1, s5, s7, $0xb8;
	[tilespmem:$0xBA70] =	vst v63  }
0x265: {  	_ =	swait.ge [sflag:s13], $0x7D0  }
0x266: {  	[sflag:s13] =	ssyncset.done $0x0  }
0x267: {  	[sflag:s13] =	ssyncadd.s32 $0xFFFFF830  }
0x268: {  	[spmem:s25] =	stream.indirect.scatter.add.f32 [tilespmem:s14], [sflag:$0xC], $0x1, s3, s7, $0xb8;
	[tilespmem:$0xBA70] =	vst v63  }
0x269: {  	_ =	swait.ge [sflag:s11], $0x7D0  }
0x26a: {  	[sflag:s11] =	ssyncset.done $0x0  }
0x26b: {  	[sflag:s11] =	ssyncadd.s32 $0xFFFFF830  }
0x26c: {  	_ =	swait.ge [sflag:s19], $0x7D0  }
0x26d: {  	[sflag:s19] =	ssyncset.done $0x0  }
0x26e: {  	s26 =	simm.s32 $0x7A70;
	[sflag:s19] =	ssyncadd.s32 $0xFFFFF830  }
0x26f: {  	[spmem:s10] =	stream.indirect.scatter.add.f32 [tilespmem:s22], [sflag:$0xD], $0x1, s26, s7, $0xb8;
	[tilespmem:$0xBA70] =	vst v63  }
0x270: {  	_ =	swait.ge [sflag:s20], $0x7D0  }
0x271: {  	[sflag:s20] =	ssyncset.done $0x0  }
0x272: {  	[sflag:s20] =	ssyncadd.s32 $0xFFFFF830  }
0x273: {  	[spmem:s25] =	stream.indirect.scatter.add.f32 [tilespmem:s24], [sflag:$0x9], $0x1, s26, s7, $0xb8;
	[tilespmem:$0xBA70] =	vst v63  }
0x274: {  	_ =	swait.ge [sflag:s28], $0x7D0  }
0x275: {  	[sflag:s28] =	ssyncset.done $0x0  }
0x276: {  	[sflag:s28] =	ssyncadd.s32 $0xFFFFF830  }
0x277: {  	_ =	swait.ge [sflag:s30], $0x7D0  }
0x278: {  	[sflag:s30] =	ssyncset.done $0x0  }
0x279: {  	[sflag:s30] =	ssyncadd.s32 $0xFFFFF830  }
0x27a: {  	_ =	swait.ge [sflag:s31], $0x7D0  }
0x27b: {  	[sflag:s31] =	ssyncset.done $0x0  }
0x27c: {  	[sflag:s31] =	ssyncadd.s32 $0xFFFFF830  }
0x27d: {  	_ =	swait.ge [sflag:s21], $0x7D0  }
0x27e: {  	[sflag:s21] =	ssyncset.done $0x0  }
0x27f: {  	[sflag:s21] =	ssyncadd.s32 $0xFFFFF830  }
0x280: {  	s2 =	simm.s32 @!p0 $0x4A70;
	s18 =	simm.s32 @!p0 $0x11;
	[bflag:$0x0] =	sbarrier.arrive $0xFFFF  }
0x281: {  	[tilespmem:s2], [sflag:$0x11] =	stream.linear.gather @!p0 [spmem:s25], $0x800, $0x38;
	[tilespmem:$0xBA70] =	vst v63  }
0x282: {  	_ =	swait.ge @!p0 [sflag:s18], $0x800  }
0x283: {  	s8 =	sld [smem:$0x7FA]  }
0x284: {  	[sflag:s18] =	ssyncset.done @!p0 $0x0  }
0x285: {  	s24 =	simm.s32 @!p0 $0x0;
	[sflag:s18] =	ssyncadd.s32 @!p0 $0xFFFFF800  }
0x286: {  	[hbm4b:s8+s24] =	stream.linear.scatter @!p0 [tilespmem:s2], [sflag:$0x11], $0x7E0, $0x38;
	[tilespmem:$0xBA70] =	vst v63  }
0x287: {  	_ =	swait.ge @!p0 [sflag:s18], $0x7E0  }
0x288: {  	[sflag:s18] =	ssyncset.done @!p0 $0x0  }
0x289: {  	[sflag:s18] =	ssyncadd.s32 @!p0 $0xFFFFF820  }
0x28a: {  	[tilespmem:s2], [sflag:$0x11] =	stream.linear.gather @!p0 [spmem:s10], $0x800, $0x38;
	[tilespmem:$0xBA70] =	vst v63  }
0x28b: {  	_ =	swait.ge @!p0 [sflag:s18], $0x800  }
0x28c: {  	s8 =	sld [smem:$0x7FB]  }
0x28d: {  	[sflag:s18] =	ssyncset.done @!p0 $0x0  }
0x28e: {  	[sflag:s18] =	ssyncadd.s32 @!p0 $0xFFFFF800  }
0x28f: {  	[hbm4b:s8+s24] =	stream.linear.scatter @!p0 [tilespmem:s2], [sflag:$0x11], $0x7E0, $0x38;
	[tilespmem:$0xBA70] =	vst v63  }
0x290: {  	_ =	swait.ge @!p0 [sflag:s18], $0x7E0  }
0x291: {  	s28 =	sld [smem:$0x7DB]  }
0x292: {  	s30 =	sld [smem:$0x7FD];
	_ =	sdelay $0x1  }
0x293: {  	s1 =	sadd.s32 $0x1, s28  }
0x294: {  	p1 =	sne.s32 s1, s30  }
.Ltmp1:
0x295: {  	_ = 	snop;
	(pc) =	sbr.rel @!p1 .LBB2_10-.Ltmp1, $3  }
0x296: {  	_ =	sdelay $0x1  }
0x297: {  	[sflag:s18] =	ssyncset.done @!p0 $0x0  }
0x298: {  	s8 =	simm.s32 $0x1970;
	[sflag:s18] =	ssyncadd.s32 @!p0 $0xFFFFF820  }
.LBB2_1:
0x299: {  	s2 =	rddreg [dreg:$0xa];
	s18 =	simm.s32 $0x11  }
0x29a: {  	[tilespmem:s8], [sflag:$0x11] =	stream.linear.gather [hbm4b:s2+s0], $0x1870, $0x38;
	[tilespmem:$0xBA70] =	vst v63  }
0x29b: {  	_ =	swait.ge [sflag:s18], $0x1870  }
0x29c: {  	[sflag:s18] =	ssyncset.done $0x0  }
0x29d: {  	s24 =	simm.s32 $0x31F0;
	s30 =	rddreg [dreg:$0xb];
	[sflag:s18] =	ssyncadd.s32 $0xFFFFE790  }
0x29e: {  	[tilespmem:s24], [sflag:$0x11] =	stream.linear.gather [hbm4b:s30+s0], $0x1870, $0x38;
	[tilespmem:$0xBA70] =	vst v63  }
0x29f: {  	_ =	swait.ge [sflag:s18], $0x1870  }
0x2a0: {  	[sflag:s18] =	ssyncset.done $0x0  }
0x2a1: {  	[sflag:s18] =	ssyncadd.s32 $0xFFFFE790;
	s18 =	simm.s32 $0x0  }
0x2a2: {  	s24 =	simm.s32 $0x40;
	v2 =	vld [tilespmem:s18+$0x31F0]  }
.LBB2_2:
0x2a3: {  	p1 =	sne.s32 s24, $0x6180;
	v3 =	vld [tilespmem:s18+$0x1970];
	_ =	sdelay $0x2  }
.Ltmp2:
0x2a4: {  	(pc) =	sbr.rel @p1 .LBB2_2-.Ltmp2, $4  }
0x2a5: {  	_ = 	snop  }
0x2a6: {  	v3 =	vmul.f32 v2, v3  }
0x2a7: {  	s2 =	sshra.s32 s24, $0x2  }
0x2a8: {  	s24 =	sadd.s32 $0x40, s24;
	v2 =	vld [tilespmem:s2+$0x31F0];
	[tilespmem:s18+$0x1970] =	vst v3;
	s18 =	smov.u32 s2  }
0x2a9: {  	v3 =	vld [tilespmem:s18+$0x1970];
	_ =	sdelay $0x4  }
0x2aa: {  	s2 =	sld [smem:$0x7FC];
	v2 =	vmul.f32 v2, v3;
	_ =	sdelay $0x1  }
0x2ab: {  	s30 =	simm.s32 $0x11;
	[tilespmem:s18+$0x1970] =	vst v2  }
0x2ac: {  	[spmem:s2] =	stream.linear.scatter [tilespmem:s8], [sflag:$0x11], $0x1870, $0x38;
	[tilespmem:$0xBA70] =	vst v63  }
0x2ad: {  	_ =	swait.ge [sflag:s30], $0x1870  }
0x2ae: {  	[sflag:s30] =	ssyncset.done $0x0  }
0x2af: {  	s24 =	simm.s32 $0x0;
	s18 =	simm.s32 $0x40;
	[sflag:s30] =	ssyncadd.s32 $0xFFFFE790  }
.LBB2_4:
0x2b0: {  	p1 =	sne.s32 s18, $0x1F00;
	[tilespmem:s24+$0x5270] =	vst v0;
	s2 =	smov.u32 s18;
	s18 =	sadd.s32 $0x40, s18  }
.Ltmp3:
0x2b1: {  	(pc) =	sbr.rel @p1 .LBB2_4-.Ltmp3, $2  }
0x2b2: {  	_ =	sdelay $0x2  }
0x2b3: {  	s24 =	sshra.s32 s2, $0x2  }
.Ltmp4:
0x2b4: {  	(pc) =	sbr.rel @p0 .LBB2_9-.Ltmp4, $2  }
0x2b5: {  	_ =	sdelay $0x2  }
0x2b6: {  	[tilespmem:s24+$0x5270] =	vst v0  }
0x2b7: {  	s18 =	simm.s32 $0x40;
	s24 =	simm.s32 $0x0  }
.LBB2_7:
0x2b8: {  	p1 =	sne.s32 s18, $0x1F40;
	[tilespmem:s24+$0x4A70] =	vst v1;
	s2 =	smov.u32 s18;
	s18 =	sadd.s32 $0x40, s18  }
.Ltmp5:
0x2b9: {  	(pc) =	sbr.rel @p1 .LBB2_7-.Ltmp5, $2  }
0x2ba: {  	_ =	sdelay $0x2  }
0x2bb: {  	s24 =	sshra.s32 s2, $0x2  }
.Ltmp6:
0x2bc: {  	_ = 	snop;
	(pc) =	sbr.rel .LBB2_8-.Ltmp6, $1  }
0x2bd: {  	_ =	sdelay $0x3  }
.LBB2_10:
0x2be: {  	_ =	sfence.sel $0x180000  }
0x2bf: {  	[bflag:$0x0] =	sbarrier.arrive $0xFFFF  }
0x2c0: {  	_ =	strace $0x90000047  }
0x2c1: {  	[bflag:$0x2] =	sbarrier.arrive $0xFFFF  }
0x2c2: {  	s0 =	rddreg [dreg:$0x9]  }
0x2c3: {  	s0 =	sadd.s32 @!p0 $0x100000, s0  }
0x2c4: {  	[sflag:s0] =	ssyncadd.tile.s32 @!p0 $0x1;
	_ =	shalt  }
.Lfunc_end2:
_tile_overlayer_lowered:
.L_overlay_start_2:
0x2c5: {  	(tag) =	ssettag $0x2  }
0x2c6: {  	s0 =	rddreg [dreg:$0x0];
	s2 =	stileid.u32  }
0x2c7: {  	s1 =	rddreg [dreg:$0x1];
	p0 =	sne.s32 s2, $0x0  }
0x2c8: {  	s3 =	rddreg [dreg:$0x2];
	[bflag:$0x3] =	sbarrier.arrive $0xFFFF;
	s2 =	simm.s32 @!p0 $0x1C11  }
0x2c9: {  	[timem:s3], [sflag:s2] =	dma.local @!p0 [hbm:s0], s1  }
0x2ca: {  	s0 =	simm.s32 @!p0 $0x11  }
0x2cb: {  	_ =	swait.ge @!p0 [sflag:s0], s1  }
0x2cc: {  	s1 =	ssub.s32 @!p0 $0x0, s1;
	[sflag:s0] =	ssyncset.done @!p0 $0x0  }
0x2cd: {  	[sflag:s0] =	ssyncadd.s32 @!p0 s1  }
0x2ce: {  	[bflag:$0x3] =	sbarrier.arrive $0xFFFF  }
0x2cf: {  	_ =	shalt  }

// kernel: kernel.8.cloned.1.call-start
scs
__scs_entry_jumppad:
0x0: {  	(pc) =	sbr.rel $0x88, $3  }
0x1: {  	(tag) =	ssettag $0x0;
	lr =	simm.s32 $0x1  }
0x2: {  	[smem:$0x3F97] =	sst lr;
	_ =	strace $0xD0000000  }
0x3: {  	_ = 	snop  }
0x4: {  	_ = 	snop  }
0x5: {  	_ = 	snop  }
0x6: {  	_ = 	snop  }
0x7: {  	_ = 	snop  }
__scs_overlays_trampoline_lowered:
0x8: {  	[smem:$0x3FA6] =	sst s0  }
0x9: {  	[smem:$0x3FA7] =	sst s1  }
0xa: {  	[smem:$0x3FA8] =	sst s2  }
0xb: {  	[smem:$0x3FA9] =	sst s3  }
0xc: {  	[smem:$0x3FAA] =	sst s4  }
0xd: {  	[smem:$0x3FAB] =	sst s5  }
0xe: {  	[smem:$0x3FAC] =	sst s6  }
0xf: {  	[smem:$0x3FAD] =	sst s7  }
0x10: {  	[smem:$0x3FAE] =	sst s8  }
0x11: {  	[smem:$0x3FAF] =	sst s9;
	s0 =	simm.s32 @!p0 $0x0  }
0x12: {  	s1 =	sld [smem:$0x3F95];
	s0 =	simm.s32 @p0 $0x1  }
0x13: {  	[smem:$0x3FB0] =	sst s0;
	s0 =	simm.s32 @!p1 $0x0  }
0x14: {  	s2 =	sld [smem:$0x3F94];
	s0 =	simm.s32 @p1 $0x1  }
0x15: {  	[smem:$0x3FB1] =	sst s0;
	s0 =	simm.s32 @!p2 $0x0  }
0x16: {  	s3 =	sld [smem:$0x3FDB];
	s0 =	simm.s32 @p2 $0x1  }
0x17: {  	s4 =	simm.s32 $0x1BF5;
	[smem:$0x3FB3] =	sst s0  }
0x18: {  	s0 =	sld [smem:$0x3F96];
	_ =	swait.ge [sflag:s4], $0x0  }
0x19: {  	s7 =	sld [smem:$0x3F97]  }
0x1a: {  	s8 =	sadd.s32 $0xFFFFE003, lr  }
0x1b: {  	s9 =	sadd.s32 $0xFFFFFEF7, lr;
	s5 =	simm.s32 $0xFFFFFFFF;
	p2 =	slt.u32 s8, $0xFFFFF086  }
0x1c: {  	p1 =	slt.u32 s9, $0xF7A;
	s5 =	simm.s32 @!p2 $0x0  }
0x1d: {  	s5 =	simm.s32 @p1 $0x1;
	p0 =	seq.s32 s7, s2  }
0x1e: {  	s7 =	smul.u32 @!p0 $0xF7A, s2;
	p2 =	seq.s32 @!p0 s5, $0x0  }
0x1f: {  	s9 =	smul.u32 $0xF7A, s1;
	s8 =	simm.s32 @!p0 $0x1BF5;
	p2 =	por !p2, p0  }
0x20: {  	[sflag:s8] =	ssyncset.s32 @!p0 $0xFFFFF086;
	s6 =	sadd.s32 @!p0 s3, s7;
	s7 =	simm.s32 @!p0 $0x108  }
0x21: {  	s3 =	sadd.s32 s3, s9;
	s6 =	sadd.s32 @!p0 $0x88, s6;
	s7 =	simm.s32 @p2 $0x1082  }
0x22: {  	[simem:s7], [sflag:s8] =	dma.local @!p0 [hbm:s6], $0xF7A  }
0x23: {  	s9 =	sor.u32 $0xD0000000, s2;
	s6 =	simm.s32 $0x108;
	_ =	swait.ge @!p0 [sflag:s8], $0x0  }
0x24: {  	s3 =	sadd.s32 $0x88, s3;
	s6 =	simm.s32 @!p1 $0x1082;
	[sflag:s4] =	ssyncset.s32 $0xFFFFF086  }
0x25: {  	[simem:s6], [sflag:s4] =	dma.local [hbm:s3], $0xF7A  }
0x26: {  	[smem:$0x3F97] =	sst s1;
	(tag) =	ssettag s2;
	_ =	strace s9  }
0x27: {  	s1 =	sld [smem:$0x3FA7]  }
0x28: {  	s2 =	sld [smem:$0x3FA8]  }
0x29: {  	s4 =	sld [smem:$0x3FAA]  }
0x2a: {  	p0 =	seq.s32 s5, $0x0;
	s5 =	sld [smem:$0x3FAB]  }
0x2b: {  	s6 =	sld [smem:$0x3FAC]  }
0x2c: {  	s7 =	sld [smem:$0x3FAD]  }
0x2d: {  	s3 =	simm.s32 $0x108;
	s8 =	sld [smem:$0x3FAE]  }
0x2e: {  	s3 =	simm.s32 @!p0 $0x1082;
	s9 =	sld [smem:$0x3FAF]  }
0x2f: {  	lr =	sadd.s32 s0, s3;
	s0 =	sld [smem:$0x3FA6]  }
0x30: {  	s3 =	sld [smem:$0x3FA9]  }
0x31: {  	[smem:$0x3FB2] =	sst s10  }
0x32: {  	s10 =	sld [smem:$0x3FB0];
	_ =	sdelay $0x3  }
0x33: {  	p0 =	seq.s32 s10, $0x1;
	s10 =	sld [smem:$0x3FB2];
	_ =	sdelay $0x3  }
0x34: {  	[smem:$0x3FB2] =	sst s10  }
0x35: {  	s10 =	sld [smem:$0x3FB1];
	_ =	sdelay $0x3  }
0x36: {  	p1 =	seq.s32 s10, $0x1;
	s10 =	sld [smem:$0x3FB2];
	_ =	sdelay $0x3  }
0x37: {  	[smem:$0x3FB2] =	sst s10  }
0x38: {  	s10 =	sld [smem:$0x3FB3]  }
0x39: {  	_ = 	snop;
	(pc) =	sbr.ind lr, $3  }
0x3a: {  	_ = 	snop  }
0x3b: {  	_ = 	snop  }
0x3c: {  	p2 =	seq.s32 s10, $0x1;
	s10 =	sld [smem:$0x3FB2]  }
0x3d: {  	_ =	shalt  }
0x3e: {  	_ =	shalt  }
0x3f: {  	_ =	shalt  }
0x40: {  	_ =	shalt  }
0x41: {  	_ =	shalt  }
0x42: {  	_ =	shalt  }
0x43: {  	_ =	shalt  }
0x44: {  	_ =	shalt  }
0x45: {  	_ =	shalt  }
0x46: {  	_ =	shalt  }
0x47: {  	_ =	shalt  }
0x48: {  	_ =	shalt  }
0x49: {  	_ =	shalt  }
0x4a: {  	_ =	shalt  }
0x4b: {  	_ =	shalt  }
0x4c: {  	_ =	shalt  }
0x4d: {  	_ =	shalt  }
0x4e: {  	_ =	shalt  }
0x4f: {  	_ =	shalt  }
0x50: {  	_ =	shalt  }
0x51: {  	_ =	shalt  }
0x52: {  	_ =	shalt  }
0x53: {  	_ =	shalt  }
0x54: {  	_ =	shalt  }
0x55: {  	_ =	shalt  }
0x56: {  	_ =	shalt  }
0x57: {  	_ =	shalt  }
0x58: {  	_ =	shalt  }
0x59: {  	_ =	shalt  }
0x5a: {  	_ =	shalt  }
0x5b: {  	_ =	shalt  }
0x5c: {  	_ =	shalt  }
0x5d: {  	_ =	shalt  }
0x5e: {  	_ =	shalt  }
0x5f: {  	_ =	shalt  }
0x60: {  	_ =	shalt  }
0x61: {  	_ =	shalt  }
0x62: {  	_ =	shalt  }
0x63: {  	_ =	shalt  }
0x64: {  	_ =	shalt  }
0x65: {  	_ =	shalt  }
0x66: {  	_ =	shalt  }
0x67: {  	_ =	shalt  }
0x68: {  	_ =	shalt  }
0x69: {  	_ =	shalt  }
0x6a: {  	_ =	shalt  }
0x6b: {  	_ =	shalt  }
0x6c: {  	_ =	shalt  }
0x6d: {  	_ =	shalt  }
0x6e: {  	_ =	shalt  }
0x6f: {  	_ =	shalt  }
0x70: {  	_ =	shalt  }
0x71: {  	_ =	shalt  }
0x72: {  	_ =	shalt  }
0x73: {  	_ =	shalt  }
0x74: {  	_ =	shalt  }
0x75: {  	_ =	shalt  }
0x76: {  	_ =	shalt  }
0x77: {  	_ =	shalt  }
0x78: {  	_ =	shalt  }
0x79: {  	_ =	shalt  }
0x7a: {  	_ =	shalt  }
0x7b: {  	_ =	shalt  }
0x7c: {  	_ =	shalt  }
0x7d: {  	_ =	shalt  }
0x7e: {  	_ =	shalt  }
0x7f: {  	_ =	shalt  }
0x80: {  	_ =	shalt  }
0x81: {  	_ =	shalt  }
0x82: {  	_ =	shalt  }
0x83: {  	_ =	shalt  }
0x84: {  	_ =	shalt  }
0x85: {  	_ =	shalt  }
0x86: {  	_ =	shalt  }
0x87: {  	_ =	shalt  }
.Lfunc_end0:
.L_simem_size_0:
called_computation.1_lowered:
.L_overlay_start_0:
0x88: {  	s2 =	sld [smem:$0x3FD9]  }
0x89: {  	s3 =	sld [smem:$0x3FFE];
	_ =	sdelay $0x1  }
0x8a: {  	s1 =	srdreg.scid  }
0x8b: {  	s0 =	sand.u32 $0x1, s1  }
0x8c: {  	s14 =	sshll.u32 s0, $0xA;
	s2 =	sadd.s32 s3, s2  }
0x8d: {  	s2 =	sadd.s32 s2, s14  }
0x8e: {  	[smem:$0x3FBE] =	sst s2  }
0x8f: {  	_ = 	snop  }
0x90: {  	s2 =	sld [smem:$0x3FD0];
	_ =	sdelay $0x1  }
0x91: {  	s15 =	sld [smem:$0x3FC5]  }
0x92: {  	s5 =	simm.s32 $0xA;
	s6 =	simm.s32 $0x10;
	s4 =	sld [smem:$0x3FC4]  }
0x93: {  	[smem:s6], [sflag:s5] =	dma.local [hbm:s2], $0x1  }
0x94: {  	_ =	swait.eq [sflag:s5], $0x1  }
0x95: {  	s16 =	sld [smem:$0x10];
	[sflag:s5] =	ssyncset.done $0x0  }
0x96: {  	s17 =	sld [smem:$0x11];
	[sflag:s5] =	ssyncadd.s32 $0xFFFFFFFF  }
0x97: {  	s18 =	sld [smem:$0x12];
	(tm) =	ssettm $0x1  }
0x98: {  	s7 =	sld [smem:$0x3FFB];
	_ =	sdelay $0x3  }
0x99: {  	_ =	strace s7  }
0x9a: {  	s7 =	sld [smem:$0x3FFC];
	_ =	sdelay $0x3  }
0x9b: {  	_ =	strace s7  }
0x9c: {  	s7 =	sld [smem:$0x3FFD];
	_ =	sdelay $0x3  }
0x9d: {  	_ =	strace s7  }
0x9e: {  	_ =	strace $0x8FFFFFFF  }
0x9f: {  	s19 =	sld [smem:$0x3FDB];
	_ =	sdelay $0x1  }
0xa0: {  	s8 =	simm.s32 $_scs_section_size  }
0xa1: {  	s9 =	simm.s32 $_size__tile_overlayer_lowered;
	s10 =	simm.s32 $_tile_overlayer_lowered  }
0xa2: {  	s22 =	simm.s32 $0x1BFF;
	s21 =	sshll.u32 s10, $0x1;
	s7 =	sadd.s32 s8, s19  }
0xa3: {  	s11 =	simm.s32 $0x0;
	s20 =	sshll.u32 s9, $0x1;
	s9 =	sadd.s32 s21, s7  }
0xa4: {  	[timem:s11], [sflag:s22] =	dma.local [hbm:s9], s20  }
0xa5: {  	_ =	swait.ge [sflag:s22], s20  }
0xa6: {  	s8 =	ssub.s32 $0x0, s20;
	[sflag:s22] =	ssyncset.done $0x0  }
0xa7: {  	[sflag:s22] =	ssyncadd.s32 s8;
	_ =	sdelay $0x1  }
0xa8: {  	s23 =	simm.s32 $0x1B8B  }
0xa9: {  	_ =	swait.ge [sflag:s23], $0x1  }
0xaa: {  	[sflag:s23] =	ssyncset.done $0x0  }
0xab: {  	s25 =	simm.s32 $0x1B8E;
	s24 =	sld [smem:$0x3FFE];
	[sflag:s23] =	ssyncadd.s32 $0xFFFFFFFF  }
0xac: {  	s26 =	simm.s32 $execute0_lowered;
	[smem:$0x3FD2] =	sst s25  }
0xad: {  	s9 =	sshll.u32 s26, $0x1;
	_ =	strace $0x80000049;
	[dreg:$0x1] =	wrdreg $0xFFFFFFFF  }
0xae: {  	s28 =	simm.s32 $_size_execute0_lowered;
	s7 =	sadd.s32 s7, s9;
	[dreg:$0x0] =	wrdreg $0x0  }
0xaf: {  	s9 =	sshll.u32 s28, $0x1;
	[dreg:$0x2] =	wrdreg s7  }
0xb0: {  	[dreg:$0x3] =	wrdreg s9  }
0xb1: {  	[dreg:$0x4] =	wrdreg $0xC0  }
0xb2: {  	_ =	task [dreg:s11], $0x5FFFF  }
0xb3: {  	[dreg:$0x1] =	wrdreg $0xFFFFFFFF  }
0xb4: {  	[dreg:$0x0] =	wrdreg $0x60  }
0xb5: {  	[dreg:$0x2] =	wrdreg s18  }
0xb6: {  	[dreg:$0x3] =	wrdreg s17  }
0xb7: {  	[dreg:$0x4] =	wrdreg s16  }
0xb8: {  	[dreg:$0x5] =	wrdreg s15  }
0xb9: {  	[dreg:$0x6] =	wrdreg s4  }
0xba: {  	[dreg:$0x7] =	wrdreg s24  }
0xbb: {  	[dreg:$0x8] =	wrdreg $0x800  }
0xbc: {  	[dreg:$0x9] =	wrdreg $0x0  }
0xbd: {  	[dreg:$0xa] =	wrdreg $0x9  }
0xbe: {  	_ =	task.clear_ibuf [dreg:s11], $0xBFFFF;
	_ =	strace $0x90000049  }
0xbf: {  	s29 =	simm.s32 $0x9;
	_ =	strace $0x8000004B  }
0xc0: {  	_ =	swait.ge [sflag:s29], $0x1  }
0xc1: {  	[sflag:s29] =	ssyncadd.s32 $0xFFFFFFFF  }
0xc2: {  	_ =	strace $0x9000004B  }
0xc3: {  	_ =	sfence  }
0xc4: {  	s30 =	sld [smem:$0x0];
	_ =	sdelay $0x2  }
0xc5: {  	s31 =	sshll.u32 s1, $0xD;
	s1 =	sshrl.u32 s1, $0x2  }
0xc6: {  	s3 =	sand.u32 $0x4000, s31;
	s1 =	sadd.s32 s1, s30  }
0xc7: {  	s0 =	sor.u32 s3, s0;
	s1 =	sshll.u32 s1, $0x11  }
0xc8: {  	s0 =	sor.u32 s1, s0  }
0xc9: {  	s0 =	sadd.s32 $0x8F2B, s0  }
0xca: {  	[sflag:s0] =	ssyncadd.remote.s32 $0x1  }
0xcb: {  	_ =	sfence.sel $0xFFFF  }
0xcc: {  	[dreg:$0x0] =	wrdreg $0xFFFFFFFF;
	(pc) =	sbr.abs _section_cstart, $3  }
0xcd: {  	[dreg:$0x1] =	wrdreg $0xFFFFFFFF  }
0xce: {  	_ =	task.clear_ibuf [dreg:s11], $0x2FFFF;
	_ =	strace $0x9FFFFFFF  }
0xcf: {  	(tm) =	ssettm $0x7FFFFFFF  }
tec
execute0_lowered:
.L_overlay_start_1:
0x0: {  	(tag) =	ssettag $0x1  }
0x1: {  	s0 =	srdreg.scid;
	s1 =	stileid.u32  }
0x2: {  	s5 =	sand.u32 $0x1, s0;
	s2 =	smul.u32 $0x1870, s1;
	s7 =	sshll.u32 s1, $0x1  }
0x3: {  	s3 =	rddreg [dreg:$0x3];
	s6 =	smul.u32 $0x18700, s5;
	s7 =	sor.u32 s5, s7  }
0x4: {  	s4 =	rddreg [dreg:$0x4];
	s9 =	smul.u32 $0x7D0, s7  }
0x5: {  	s8 =	rddreg [dreg:$0x5];
	s0 =	simm.s32 $0x0;
	s11 =	smul.u32 $0xFA, s7  }
0x6: {  	[smem:$0x7FF] =	sst s0;
	s10 =	ssub.s32 $0x2, s5;
	s6 =	sadd.s32 s2, s6  }
0x7: {  	s6 =	sshrl.u32 s6, $0x3;
	s7 =	sshrl.u32 s9, $0x3;
	s13 =	sadd.s32 s4, s11  }
0x8: {  	s5 =	sadd.s32 s6, s8;
	s8 =	sshrl.u32 s10, $0x1;
	s12 =	sadd.s32 $0x1F40, s7  }
0x9: {  	[dreg:$0xa] =	wrdreg s13;
	s6 =	ssub.s32 s10, s8;
	s10 =	sadd.s32 s3, s11  }
0xa: {  	s14 =	sadd.s32 s3, s12;
	[dreg:$0x9] =	wrdreg s10  }
0xb: {  	s15 =	sadd.s32 $0x3E80, s7;
	s8 =	sadd.s32 s4, s12;
	[dreg:$0xb] =	wrdreg s14  }
0xc: {  	s16 =	sadd.s32 s3, s15;
	[dreg:$0xc] =	wrdreg s8  }
0xd: {  	s17 =	sadd.s32 $0x5DC0, s7;
	s9 =	sadd.s32 s4, s15;
	[dreg:$0xd] =	wrdreg s16  }
0xe: {  	s19 =	sadd.s32 $0x7D00, s7;
	s18 =	sadd.s32 s3, s17;
	[dreg:$0xe] =	wrdreg s9  }
0xf: {  	s21 =	sadd.s32 $0x9C40, s7;
	s20 =	sadd.s32 s3, s19;
	[dreg:$0xf] =	wrdreg s18  }
0x10: {  	s23 =	sadd.s32 $0xBB80, s7;
	s22 =	sadd.s32 s3, s21;
	[dreg:$0x11] =	wrdreg s20  }
0x11: {  	s25 =	sadd.s32 $0xDAC0, s7;
	s24 =	sadd.s32 s3, s23;
	[dreg:$0x13] =	wrdreg s22  }
0x12: {  	s26 =	sadd.s32 s3, s25;
	[dreg:$0x15] =	wrdreg s24  }
0x13: {  	s8 =	sadd.s32 s4, s17;
	[dreg:$0x17] =	wrdreg s26  }
0x14: {  	s31 =	sadd.s32 $0xFA00, s7;
	s9 =	sadd.s32 s4, s19;
	[dreg:$0x10] =	wrdreg s8  }
0x15: {  	s11 =	sadd.s32 $0x11940, s7;
	s10 =	sadd.s32 s3, s31;
	[dreg:$0x12] =	wrdreg s9  }
0x16: {  	s13 =	sadd.s32 $0x13880, s7;
	s12 =	sadd.s32 s3, s11;
	[dreg:$0x19] =	wrdreg s10  }
0x17: {  	s15 =	sadd.s32 $0x157C0, s7;
	s14 =	sadd.s32 s3, s13;
	[dreg:$0x1b] =	wrdreg s12  }
0x18: {  	s16 =	sadd.s32 s3, s15;
	[dreg:$0x1d] =	wrdreg s14  }
0x19: {  	s8 =	sadd.s32 s4, s21;
	[dreg:$0x1f] =	wrdreg s16  }
0x1a: {  	s17 =	sadd.s32 $0x17700, s7;
	s9 =	sadd.s32 s4, s23;
	[dreg:$0x14] =	wrdreg s8  }
0x1b: {  	s19 =	sadd.s32 $0x19640, s7;
	s18 =	sadd.s32 s3, s17;
	[dreg:$0x16] =	wrdreg s9  }
0x1c: {  	s20 =	sadd.s32 s3, s19;
	[smem:$0x7E1] =	sst s18  }
0x1d: {  	s28 =	simm.s32 $0xD;
	s8 =	sadd.s32 s4, s25;
	[smem:$0x7E3] =	sst s20  }
0x1e: {  	s21 =	sadd.s32 $0x1B580, s7;
	s9 =	sadd.s32 s4, s31;
	[dreg:$0x18] =	wrdreg s8  }
0x1f: {  	s23 =	sadd.s32 $0x1D4C0, s7;
	s22 =	sadd.s32 s3, s21;
	[dreg:$0x1a] =	wrdreg s9  }
0x20: {  	s29 =	simm.s32 $0x5970;
	s24 =	sadd.s32 s3, s23;
	[smem:$0x7E5] =	sst s22  }
0x21: {  	s30 =	simm.s32 $0x7970;
	s8 =	sadd.s32 s4, s11;
	[smem:$0x7E7] =	sst s24  }
0x22: {  	s25 =	sadd.s32 $0x1F400, s7;
	s9 =	sadd.s32 s4, s13;
	[dreg:$0x1c] =	wrdreg s8  }
0x23: {  	s31 =	sadd.s32 $0x21340, s7;
	s26 =	sadd.s32 s3, s25;
	[dreg:$0x1e] =	wrdreg s9  }
0x24: {  	p0 =	sne.s32 s1, $0x0;
	s10 =	sadd.s32 s3, s31;
	[smem:$0x7E9] =	sst s26  }
0x25: {  	s11 =	sadd.s32 $0x23280, s7;
	s8 =	sadd.s32 s4, s15;
	[smem:$0x7EB] =	sst s10  }
0x26: {  	s13 =	sadd.s32 $0x251C0, s7;
	s9 =	sadd.s32 s4, s17;
	[smem:$0x7E0] =	sst s8  }
0x27: {  	s12 =	sadd.s32 s3, s11;
	s14 =	sadd.s32 s3, s13;
	[smem:$0x7E2] =	sst s9  }
0x28: {  	s15 =	sadd.s32 $0x27100, s7;
	s17 =	sadd.s32 $0x29040, s7;
	[smem:$0x7ED] =	sst s12  }
0x29: {  	s26 =	sadd.s32 $0x1800, s5;
	s8 =	sadd.s32 s4, s19;
	[smem:$0x7EF] =	sst s14  }
0x2a: {  	s10 =	simm.s32 $0x7170;
	s9 =	sadd.s32 s4, s21;
	[smem:$0x7E4] =	sst s8  }
0x2b: {  	s16 =	sadd.s32 s3, s15;
	s18 =	sadd.s32 s3, s17;
	[smem:$0x7E6] =	sst s9  }
0x2c: {  	s19 =	sadd.s32 $0x2AF80, s7;
	s21 =	sadd.s32 $0x2CEC0, s7;
	[smem:$0x7F1] =	sst s16  }
0x2d: {  	s7 =	sadd.s32 $0x2EE00, s7;
	s8 =	sadd.s32 s4, s23;
	[smem:$0x7F3] =	sst s18  }
0x2e: {  	s12 =	simm.s32 $0x3;
	s9 =	sadd.s32 s4, s25;
	[smem:$0x7E8] =	sst s8  }
0x2f: {  	s14 =	simm.s32 $0x6;
	s20 =	sadd.s32 s3, s19;
	[smem:$0x7EA] =	sst s9  }
0x30: {  	s22 =	sadd.s32 s3, s21;
	s23 =	sadd.s32 s4, s21;
	[smem:$0x7F5] =	sst s20  }
0x31: {  	s3 =	sadd.s32 s3, s7;
	s24 =	sadd.s32 s4, s7;
	[smem:$0x7F7] =	sst s22  }
0x32: {  	s7 =	simm.s32 $0x2;
	s16 =	simm.s32 $0x4;
	[smem:$0x7F8] =	sst s23  }
0x33: {  	s18 =	simm.s32 $0xB170;
	s21 =	simm.s32 $0xA;
	s20 =	rddreg [dreg:$0x7]  }
0x34: {  	s8 =	sadd.s32 s4, s31;
	s9 =	sadd.s32 s4, s11;
	[smem:$0x7F9] =	sst s3  }
0x35: {  	[smem:$0x7FA] =	sst s24;
	s31 =	smax.u32 s6, $0x1;
	s3 =	simm.s32 $0x7D0  }
0x36: {  	s6 =	simm.s32 $0x8970;
	s11 =	simm.s32 $0x9170;
	[smem:$0x7EC] =	sst s8  }
0x37: {  	s22 =	simm.s32 $0x8;
	[smem:$0x7EE] =	sst s9;
	s8 =	sadd.s32 s4, s13  }
0x38: {  	s24 =	simm.s32 $0xB;
	s9 =	sadd.s32 s4, s15;
	[smem:$0x7F0] =	sst s8  }
0x39: {  	s13 =	simm.s32 $0xA970;
	s15 =	simm.s32 $0x9;
	[smem:$0x7F2] =	sst s9  }
0x3a: {  	s8 =	sadd.s32 s4, s17;
	s17 =	rddreg [dreg:$0x6];
	s9 =	simm.s32 $0x5  }
.Ltmp0:
0x3b: {  	[smem:$0x7F4] =	sst s8;
	s8 =	sadd.s32 s4, s19;
	(pc) =	sbr.rel .LBB2_1-.Ltmp0, $4  }
0x3c: {  	s25 =	sadd.s32 s2, s17;
	s2 =	simm.s32 $0x1;
	[smem:$0x7F6] =	sst s8  }
0x3d: {  	s4 =	simm.s32 $0x9970;
	_ =	strace $0x8000004A;
	[smem:$0x7FB] =	sst s25  }
0x3e: {  	s19 =	simm.s32 $0x7;
	s8 =	simm.s32 $0xA170;
	[smem:$0x7FC] =	sst s26  }
0x3f: {  	v0 =	vimm.f32 $0.0e+00;
	[smem:$0x7FD] =	sst s31;
	s25 =	simm.s32 $0xC;
	s26 =	simm.s32 $0x0  }
.LBB2_6:
0x40: {  	v5 =	vld [tilespmem:s1+$0x30D0];
	[tilespmem:s31+$0x38F0] =	vst v4  }
0x41: {  	v4 =	vld [tilespmem:s23+$0x38F0];
	_ =	sdelay $0x2  }
0x42: {  	v1 =	vadd.f32 v2, v1  }
0x43: {  	v2 =	vadd.f32 v5, v3  }
0x44: {  	v1 =	vmul.f32 v4, v1  }
0x45: {  	v63 =	vld [tilespmem:s1+$0x18F0];
	v3 =	vpop (erf);
	v2 =	vmax.f32 v2, $1.000000000e+00  }
0x46: {  	(erf) = vrcp.f32 v2;
	v1 =	vmul.f32 v3, v1;
	v2 =	vld [tilespmem:s1+$0x20D0];
	_ =	sdelay $0x1  }
0x47: {  	[tilespmem:s23+$0x38F0] =	vst v1  }
0x48: {  	v1 =	vld [tilespmem:s1+$0x38F0];
	_ =	sdelay $0x1  }
0x49: {  	v2 =	vadd.f32 v2, v63;
	_ =	sdelay $0x2  }
0x4a: {  	v1 =	vmul.f32 v1, v2  }
0x4b: {  	v2 =	vpop (erf)  }
0x4c: {  	v1 =	vmul.f32 v2, v1;
	_ =	sdelay $0x1  }
0x4d: {  	s31 =	simm.s32 $0x38F0;
	[tilespmem:s1+$0x38F0] =	vst v1  }
0x4e: {  	[spmem:s20] =	stream.linear.scatter [tilespmem:s31], [sflag:$0xD], $0x800, $0x38;
	[tilespmem:$0xB970] =	vst v63  }
0x4f: {  	_ =	swait.ge [sflag:s28], $0x800  }
0x50: {  	[sflag:s28] =	ssyncset.done $0x0  }
0x51: {  	[sflag:s28] =	ssyncadd.s32 $0xFFFFF800  }
.LBB2_7:
0x52: {  	[bflag:$0x0] =	sbarrier.arrive $0xFFFF  }
0x53: {  	s1 =	rddreg [dreg:$0x9]  }
0x54: {  	[tilespmem:s29], [sflag:$0x1] =	stream.linear.gather [hbm4b:s1+s0], $0x7D0, $0x38;
	[tilespmem:$0xB970] =	vst v63  }
0x55: {  	s31 =	rddreg [dreg:$0xa]  }
0x56: {  	[tilespmem:s30], [sflag:$0x1] =	stream.linear.gather [hbm4b:s31+s0], $0x7D0, $0x38;
	[tilespmem:$0xB970] =	vst v63  }
0x57: {  	s5 =	rddreg [dreg:$0xb];
	s31 =	simm.s32 $0x6170  }
0x58: {  	[tilespmem:s31], [sflag:$0x2] =	stream.linear.gather [hbm4b:s5+s0], $0x7D0, $0x38;
	[tilespmem:$0xB970] =	vst v63  }
0x59: {  	s23 =	rddreg [dreg:$0xc];
	s5 =	simm.s32 $0x8170  }
0x5a: {  	[tilespmem:s5], [sflag:$0x2] =	stream.linear.gather [hbm4b:s23+s0], $0x7D0, $0x38;
	[tilespmem:$0xB970] =	vst v63  }
0x5b: {  	_ =	swait.ge [sflag:s2], $0x7D0  }
0x5c: {  	[sflag:s2] =	ssyncset.done $0x0  }
0x5d: {  	[sflag:s2] =	ssyncadd.s32 $0xFFFFF830  }
0x5e: {  	_ =	swait.ge [sflag:s2], $0x7D0  }
0x5f: {  	[sflag:s2] =	ssyncset.done $0x0  }
0x60: {  	[sflag:s2] =	ssyncadd.s32 $0xFFFFF830  }
0x61: {  	[tilespmem:s4], [sflag:$0x5] =	stream.indirect.gather [spmem:s20], $0x1, s30, s3, $0xb8;
	[tilespmem:$0xB970] =	vst v63  }
0x62: {  	s23 =	simm.s32 $0x6970;
	s1 =	rddreg [dreg:$0xd]  }
0x63: {  	[tilespmem:s23], [sflag:$0x3] =	stream.linear.gather [hbm4b:s1+s0], $0x7D0, $0x38;
	[tilespmem:$0xB970] =	vst v63  }
0x64: {  	s1 =	rddreg [dreg:$0xe]  }
0x65: {  	[tilespmem:s6], [sflag:$0x3] =	stream.linear.gather [hbm4b:s1+s0], $0x7D0, $0x38;
	[tilespmem:$0xB970] =	vst v63  }
0x66: {  	_ =	swait.ge [sflag:s7], $0x7D0  }
0x67: {  	[sflag:s7] =	ssyncset.done $0x0  }
0x68: {  	[sflag:s7] =	ssyncadd.s32 $0xFFFFF830  }
0x69: {  	_ =	swait.ge [sflag:s7], $0x7D0  }
0x6a: {  	[sflag:s7] =	ssyncset.done $0x0  }
0x6b: {  	[sflag:s7] =	ssyncadd.s32 $0xFFFFF830  }
0x6c: {  	[tilespmem:s8], [sflag:$0x6] =	stream.indirect.gather [spmem:s20], $0x1, s5, s3, $0xb8;
	[tilespmem:$0xB970] =	vst v63  }
0x6d: {  	_ =	swait.ge [sflag:s9], $0x7D0  }
0x6e: {  	[sflag:s9] =	ssyncset.done $0x0  }
0x6f: {  	[sflag:s9] =	ssyncadd.s32 $0xFFFFF830  }
0x70: {  	[spmem:s17] =	stream.indirect.scatter.add.f32 [tilespmem:s4], [sflag:$0x9], $0x1, s29, s3, $0xb8;
	[tilespmem:$0xB970] =	vst v63  }
0x71: {  	s1 =	rddreg [dreg:$0xf]  }
0x72: {  	[tilespmem:s10], [sflag:$0x4] =	stream.linear.gather [hbm4b:s1+s0], $0x7D0, $0x38;
	[tilespmem:$0xB970] =	vst v63  }
0x73: {  	s1 =	rddreg [dreg:$0x10]  }
0x74: {  	[tilespmem:s11], [sflag:$0x4] =	stream.linear.gather [hbm4b:s1+s0], $0x7D0, $0x38;
	[tilespmem:$0xB970] =	vst v63  }
0x75: {  	_ =	swait.ge [sflag:s12], $0x7D0  }
0x76: {  	[sflag:s12] =	ssyncset.done $0x0  }
0x77: {  	[sflag:s12] =	ssyncadd.s32 $0xFFFFF830  }
0x78: {  	_ =	swait.ge [sflag:s12], $0x7D0  }
0x79: {  	[sflag:s12] =	ssyncset.done $0x0  }
0x7a: {  	[sflag:s12] =	ssyncadd.s32 $0xFFFFF830  }
0x7b: {  	[tilespmem:s13], [sflag:$0x7] =	stream.indirect.gather [spmem:s20], $0x1, s6, s3, $0xb8;
	[tilespmem:$0xB970] =	vst v63  }
0x7c: {  	_ =	swait.ge [sflag:s14], $0x7D0  }
0x7d: {  	[sflag:s14] =	ssyncset.done $0x0  }
0x7e: {  	[sflag:s14] =	ssyncadd.s32 $0xFFFFF830  }
0x7f: {  	[spmem:s17] =	stream.indirect.scatter.add.f32 [tilespmem:s8], [sflag:$0xA], $0x1, s31, s3, $0xb8;
	[tilespmem:$0xB970] =	vst v63  }
0x80: {  	_ =	swait.ge [sflag:s15], $0x7D0  }
0x81: {  	[sflag:s15] =	ssyncset.done $0x0  }
0x82: {  	s1 =	rddreg [dreg:$0x11];
	[sflag:s15] =	ssyncadd.s32 $0xFFFFF830  }
0x83: {  	[tilespmem:s29], [sflag:$0x1] =	stream.linear.gather [hbm4b:s1+s0], $0x7D0, $0x38;
	[tilespmem:$0xB970] =	vst v63  }
0x84: {  	s1 =	rddreg [dreg:$0x12]  }
0x85: {  	[tilespmem:s30], [sflag:$0x1] =	stream.linear.gather [hbm4b:s1+s0], $0x7D0, $0x38;
	[tilespmem:$0xB970] =	vst v63  }
0x86: {  	_ =	swait.ge [sflag:s16], $0x7D0  }
0x87: {  	[sflag:s16] =	ssyncset.done $0x0  }
0x88: {  	[sflag:s16] =	ssyncadd.s32 $0xFFFFF830  }
0x89: {  	_ =	swait.ge [sflag:s16], $0x7D0  }
0x8a: {  	[sflag:s16] =	ssyncset.done $0x0  }
0x8b: {  	[sflag:s16] =	ssyncadd.s32 $0xFFFFF830  }
0x8c: {  	[tilespmem:s18], [sflag:$0x8] =	stream.indirect.gather [spmem:s20], $0x1, s11, s3, $0xb8;
	[tilespmem:$0xB970] =	vst v63  }
0x8d: {  	_ =	swait.ge [sflag:s19], $0x7D0  }
0x8e: {  	[sflag:s19] =	ssyncset.done $0x0  }
0x8f: {  	[sflag:s19] =	ssyncadd.s32 $0xFFFFF830  }
0x90: {  	[spmem:s17] =	stream.indirect.scatter.add.f32 [tilespmem:s13], [sflag:$0xB], $0x1, s23, s3, $0xb8;
	[tilespmem:$0xB970] =	vst v63  }
0x91: {  	_ =	swait.ge [sflag:s21], $0x7D0  }
0x92: {  	[sflag:s21] =	ssyncset.done $0x0  }
0x93: {  	s1 =	rddreg [dreg:$0x13];
	[sflag:s21] =	ssyncadd.s32 $0xFFFFF830  }
0x94: {  	[tilespmem:s31], [sflag:$0x2] =	stream.linear.gather [hbm4b:s1+s0], $0x7D0, $0x38;
	[tilespmem:$0xB970] =	vst v63  }
0x95: {  	s1 =	rddreg [dreg:$0x14]  }
0x96: {  	[tilespmem:s5], [sflag:$0x2] =	stream.linear.gather [hbm4b:s1+s0], $0x7D0, $0x38;
	[tilespmem:$0xB970] =	vst v63  }
0x97: {  	_ =	swait.ge [sflag:s2], $0x7D0  }
0x98: {  	[sflag:s2] =	ssyncset.done $0x0  }
0x99: {  	[sflag:s2] =	ssyncadd.s32 $0xFFFFF830  }
0x9a: {  	_ =	swait.ge [sflag:s2], $0x7D0  }
0x9b: {  	[sflag:s2] =	ssyncset.done $0x0  }
0x9c: {  	[sflag:s2] =	ssyncadd.s32 $0xFFFFF830  }
0x9d: {  	[tilespmem:s4], [sflag:$0x5] =	stream.indirect.gather [spmem:s20], $0x1, s30, s3, $0xb8;
	[tilespmem:$0xB970] =	vst v63  }
0x9e: {  	_ =	swait.ge [sflag:s22], $0x7D0  }
0x9f: {  	[sflag:s22] =	ssyncset.done $0x0  }
0xa0: {  	[sflag:s22] =	ssyncadd.s32 $0xFFFFF830  }
0xa1: {  	[spmem:s17] =	stream.indirect.scatter.add.f32 [tilespmem:s18], [sflag:$0xC], $0x1, s10, s3, $0xb8;
	[tilespmem:$0xB970] =	vst v63  }
0xa2: {  	_ =	swait.ge [sflag:s24], $0x7D0  }
0xa3: {  	[sflag:s24] =	ssyncset.done $0x0  }
0xa4: {  	s1 =	rddreg [dreg:$0x15];
	[sflag:s24] =	ssyncadd.s32 $0xFFFFF830  }
0xa5: {  	[tilespmem:s23], [sflag:$0x3] =	stream.linear.gather [hbm4b:s1+s0], $0x7D0, $0x38;
	[tilespmem:$0xB970] =	vst v63  }
0xa6: {  	s1 =	rddreg [dreg:$0x16]  }
0xa7: {  	[tilespmem:s6], [sflag:$0x3] =	stream.linear.gather [hbm4b:s1+s0], $0x7D0, $0x38;
	[tilespmem:$0xB970] =	vst v63  }
0xa8: {  	_ =	swait.ge [sflag:s7], $0x7D0  }
0xa9: {  	[sflag:s7] =	ssyncset.done $0x0  }
0xaa: {  	[sflag:s7] =	ssyncadd.s32 $0xFFFFF830  }
0xab: {  	_ =	swait.ge [sflag:s7], $0x7D0  }
0xac: {  	[sflag:s7] =	ssyncset.done $0x0  }
0xad: {  	[sflag:s7] =	ssyncadd.s32 $0xFFFFF830  }
0xae: {  	[tilespmem:s8], [sflag:$0x6] =	stream.indirect.gather [spmem:s20], $0x1, s5, s3, $0xb8;
	[tilespmem:$0xB970] =	vst v63  }
0xaf: {  	_ =	swait.ge [sflag:s9], $0x7D0  }
0xb0: {  	[sflag:s9] =	ssyncset.done $0x0  }
0xb1: {  	[sflag:s9] =	ssyncadd.s32 $0xFFFFF830  }
0xb2: {  	[spmem:s17] =	stream.indirect.scatter.add.f32 [tilespmem:s4], [sflag:$0x9], $0x1, s29, s3, $0xb8;
	[tilespmem:$0xB970] =	vst v63  }
0xb3: {  	_ =	swait.ge [sflag:s25], $0x7D0  }
0xb4: {  	[sflag:s25] =	ssyncset.done $0x0  }
0xb5: {  	s1 =	rddreg [dreg:$0x17];
	[sflag:s25] =	ssyncadd.s32 $0xFFFFF830  }
0xb6: {  	[tilespmem:s10], [sflag:$0x4] =	stream.linear.gather [hbm4b:s1+s0], $0x7D0, $0x38;
	[tilespmem:$0xB970] =	vst v63  }
0xb7: {  	s1 =	rddreg [dreg:$0x18]  }
0xb8: {  	[tilespmem:s11], [sflag:$0x4] =	stream.linear.gather [hbm4b:s1+s0], $0x7D0, $0x38;
	[tilespmem:$0xB970] =	vst v63  }
0xb9: {  	_ =	swait.ge [sflag:s12], $0x7D0  }
0xba: {  	[sflag:s12] =	ssyncset.done $0x0  }
0xbb: {  	[sflag:s12] =	ssyncadd.s32 $0xFFFFF830  }
0xbc: {  	_ =	swait.ge [sflag:s12], $0x7D0  }
0xbd: {  	[sflag:s12] =	ssyncset.done $0x0  }
0xbe: {  	[sflag:s12] =	ssyncadd.s32 $0xFFFFF830  }
0xbf: {  	[tilespmem:s13], [sflag:$0x7] =	stream.indirect.gather [spmem:s20], $0x1, s6, s3, $0xb8;
	[tilespmem:$0xB970] =	vst v63  }
0xc0: {  	_ =	swait.ge [sflag:s14], $0x7D0  }
0xc1: {  	[sflag:s14] =	ssyncset.done $0x0  }
0xc2: {  	[sflag:s14] =	ssyncadd.s32 $0xFFFFF830  }
0xc3: {  	[spmem:s17] =	stream.indirect.scatter.add.f32 [tilespmem:s8], [sflag:$0xA], $0x1, s31, s3, $0xb8;
	[tilespmem:$0xB970] =	vst v63  }
0xc4: {  	_ =	swait.ge [sflag:s15], $0x7D0  }
0xc5: {  	[sflag:s15] =	ssyncset.done $0x0  }
0xc6: {  	s1 =	rddreg [dreg:$0x19];
	[sflag:s15] =	ssyncadd.s32 $0xFFFFF830  }
0xc7: {  	[tilespmem:s29], [sflag:$0x1] =	stream.linear.gather [hbm4b:s1+s0], $0x7D0, $0x38;
	[tilespmem:$0xB970] =	vst v63  }
0xc8: {  	s1 =	rddreg [dreg:$0x1a]  }
0xc9: {  	[tilespmem:s30], [sflag:$0x1] =	stream.linear.gather [hbm4b:s1+s0], $0x7D0, $0x38;
	[tilespmem:$0xB970] =	vst v63  }
0xca: {  	_ =	swait.ge [sflag:s16], $0x7D0  }
0xcb: {  	[sflag:s16] =	ssyncset.done $0x0  }
0xcc: {  	[sflag:s16] =	ssyncadd.s32 $0xFFFFF830  }
0xcd: {  	_ =	swait.ge [sflag:s16], $0x7D0  }
0xce: {  	[sflag:s16] =	ssyncset.done $0x0  }
0xcf: {  	[sflag:s16] =	ssyncadd.s32 $0xFFFFF830  }
0xd0: {  	[tilespmem:s18], [sflag:$0x8] =	stream.indirect.gather [spmem:s20], $0x1, s11, s3, $0xb8;
	[tilespmem:$0xB970] =	vst v63  }
0xd1: {  	_ =	swait.ge [sflag:s19], $0x7D0  }
0xd2: {  	[sflag:s19] =	ssyncset.done $0x0  }
0xd3: {  	[sflag:s19] =	ssyncadd.s32 $0xFFFFF830  }
0xd4: {  	[spmem:s17] =	stream.indirect.scatter.add.f32 [tilespmem:s13], [sflag:$0xB], $0x1, s23, s3, $0xb8;
	[tilespmem:$0xB970] =	vst v63  }
0xd5: {  	_ =	swait.ge [sflag:s21], $0x7D0  }
0xd6: {  	[sflag:s21] =	ssyncset.done $0x0  }
0xd7: {  	s1 =	rddreg [dreg:$0x1b];
	[sflag:s21] =	ssyncadd.s32 $0xFFFFF830  }
0xd8: {  	[tilespmem:s31], [sflag:$0x2] =	stream.linear.gather [hbm4b:s1+s0], $0x7D0, $0x38;
	[tilespmem:$0xB970] =	vst v63  }
0xd9: {  	s1 =	rddreg [dreg:$0x1c]  }
0xda: {  	[tilespmem:s5], [sflag:$0x2] =	stream.linear.gather [hbm4b:s1+s0], $0x7D0, $0x38;
	[tilespmem:$0xB970] =	vst v63  }
0xdb: {  	_ =	swait.ge [sflag:s2], $0x7D0  }
0xdc: {  	[sflag:s2] =	ssyncset.done $0x0  }
0xdd: {  	[sflag:s2] =	ssyncadd.s32 $0xFFFFF830  }
0xde: {  	_ =	swait.ge [sflag:s2], $0x7D0  }
0xdf: {  	[sflag:s2] =	ssyncset.done $0x0  }
0xe0: {  	[sflag:s2] =	ssyncadd.s32 $0xFFFFF830  }
0xe1: {  	[tilespmem:s4], [sflag:$0x5] =	stream.indirect.gather [spmem:s20], $0x1, s30, s3, $0xb8;
	[tilespmem:$0xB970] =	vst v63  }
0xe2: {  	_ =	swait.ge [sflag:s22], $0x7D0  }
0xe3: {  	[sflag:s22] =	ssyncset.done $0x0  }
0xe4: {  	[sflag:s22] =	ssyncadd.s32 $0xFFFFF830  }
0xe5: {  	[spmem:s17] =	stream.indirect.scatter.add.f32 [tilespmem:s18], [sflag:$0xC], $0x1, s10, s3, $0xb8;
	[tilespmem:$0xB970] =	vst v63  }
0xe6: {  	_ =	swait.ge [sflag:s24], $0x7D0  }
0xe7: {  	[sflag:s24] =	ssyncset.done $0x0  }
0xe8: {  	s1 =	rddreg [dreg:$0x1d];
	[sflag:s24] =	ssyncadd.s32 $0xFFFFF830  }
0xe9: {  	[tilespmem:s23], [sflag:$0x3] =	stream.linear.gather [hbm4b:s1+s0], $0x7D0, $0x38;
	[tilespmem:$0xB970] =	vst v63  }
0xea: {  	s1 =	rddreg [dreg:$0x1e]  }
0xeb: {  	[tilespmem:s6], [sflag:$0x3] =	stream.linear.gather [hbm4b:s1+s0], $0x7D0, $0x38;
	[tilespmem:$0xB970] =	vst v63  }
0xec: {  	_ =	swait.ge [sflag:s7], $0x7D0  }
0xed: {  	[sflag:s7] =	ssyncset.done $0x0  }
0xee: {  	[sflag:s7] =	ssyncadd.s32 $0xFFFFF830  }
0xef: {  	_ =	swait.ge [sflag:s7], $0x7D0  }
0xf0: {  	[sflag:s7] =	ssyncset.done $0x0  }
0xf1: {  	[sflag:s7] =	ssyncadd.s32 $0xFFFFF830  }
0xf2: {  	[tilespmem:s8], [sflag:$0x6] =	stream.indirect.gather [spmem:s20], $0x1, s5, s3, $0xb8;
	[tilespmem:$0xB970] =	vst v63  }
0xf3: {  	_ =	swait.ge [sflag:s9], $0x7D0  }
0xf4: {  	[sflag:s9] =	ssyncset.done $0x0  }
0xf5: {  	[sflag:s9] =	ssyncadd.s32 $0xFFFFF830  }
0xf6: {  	[spmem:s17] =	stream.indirect.scatter.add.f32 [tilespmem:s4], [sflag:$0x9], $0x1, s29, s3, $0xb8;
	[tilespmem:$0xB970] =	vst v63  }
0xf7: {  	_ =	swait.ge [sflag:s25], $0x7D0  }
0xf8: {  	[sflag:s25] =	ssyncset.done $0x0  }
0xf9: {  	s1 =	rddreg [dreg:$0x1f];
	[sflag:s25] =	ssyncadd.s32 $0xFFFFF830  }
0xfa: {  	[tilespmem:s10], [sflag:$0x4] =	stream.linear.gather [hbm4b:s1+s0], $0x7D0, $0x38;
	[tilespmem:$0xB970] =	vst v63  }
0xfb: {  	s1 =	sld [smem:$0x7E0];
	_ =	sdelay $0x2  }
0xfc: {  	[tilespmem:s11], [sflag:$0x4] =	stream.linear.gather [hbm4b:s1+s0], $0x7D0, $0x38;
	[tilespmem:$0xB970] =	vst v63  }
0xfd: {  	_ =	swait.ge [sflag:s12], $0x7D0  }
0xfe: {  	[sflag:s12] =	ssyncset.done $0x0  }
0xff: {  	[sflag:s12] =	ssyncadd.s32 $0xFFFFF830  }
0x100: {  	_ =	swait.ge [sflag:s12], $0x7D0  }
0x101: {  	[sflag:s12] =	ssyncset.done $0x0  }
0x102: {  	[sflag:s12] =	ssyncadd.s32 $0xFFFFF830  }
0x103: {  	[tilespmem:s13], [sflag:$0x7] =	stream.indirect.gather [spmem:s20], $0x1, s6, s3, $0xb8;
	[tilespmem:$0xB970] =	vst v63  }
0x104: {  	_ =	swait.ge [sflag:s14], $0x7D0  }
0x105: {  	[sflag:s14] =	ssyncset.done $0x0  }
0x106: {  	[sflag:s14] =	ssyncadd.s32 $0xFFFFF830  }
0x107: {  	[spmem:s17] =	stream.indirect.scatter.add.f32 [tilespmem:s8], [sflag:$0xA], $0x1, s31, s3, $0xb8;
	[tilespmem:$0xB970] =	vst v63  }
0x108: {  	_ =	swait.ge [sflag:s15], $0x7D0  }
0x109: {  	s1 =	sld [smem:$0x7E1]  }
0x10a: {  	[sflag:s15] =	ssyncset.done $0x0  }
0x10b: {  	[sflag:s15] =	ssyncadd.s32 $0xFFFFF830  }
0x10c: {  	[tilespmem:s29], [sflag:$0x1] =	stream.linear.gather [hbm4b:s1+s0], $0x7D0, $0x38;
	[tilespmem:$0xB970] =	vst v63  }
0x10d: {  	s1 =	sld [smem:$0x7E2];
	_ =	sdelay $0x2  }
0x10e: {  	[tilespmem:s30], [sflag:$0x1] =	stream.linear.gather [hbm4b:s1+s0], $0x7D0, $0x38;
	[tilespmem:$0xB970] =	vst v63  }
0x10f: {  	_ =	swait.ge [sflag:s16], $0x7D0  }
0x110: {  	[sflag:s16] =	ssyncset.done $0x0  }
0x111: {  	[sflag:s16] =	ssyncadd.s32 $0xFFFFF830  }
0x112: {  	_ =	swait.ge [sflag:s16], $0x7D0  }
0x113: {  	[sflag:s16] =	ssyncset.done $0x0  }
0x114: {  	[sflag:s16] =	ssyncadd.s32 $0xFFFFF830  }
0x115: {  	[tilespmem:s18], [sflag:$0x8] =	stream.indirect.gather [spmem:s20], $0x1, s11, s3, $0xb8;
	[tilespmem:$0xB970] =	vst v63  }
0x116: {  	_ =	swait.ge [sflag:s19], $0x7D0  }
0x117: {  	[sflag:s19] =	ssyncset.done $0x0  }
0x118: {  	[sflag:s19] =	ssyncadd.s32 $0xFFFFF830  }
0x119: {  	[spmem:s17] =	stream.indirect.scatter.add.f32 [tilespmem:s13], [sflag:$0xB], $0x1, s23, s3, $0xb8;
	[tilespmem:$0xB970] =	vst v63  }
0x11a: {  	_ =	swait.ge [sflag:s21], $0x7D0  }
0x11b: {  	s1 =	sld [smem:$0x7E3]  }
0x11c: {  	[sflag:s21] =	ssyncset.done $0x0  }
0x11d: {  	[sflag:s21] =	ssyncadd.s32 $0xFFFFF830  }
0x11e: {  	[tilespmem:s31], [sflag:$0x2] =	stream.linear.gather [hbm4b:s1+s0], $0x7D0, $0x38;
	[tilespmem:$0xB970] =	vst v63  }
0x11f: {  	s1 =	sld [smem:$0x7E4];
	_ =	sdelay $0x2  }
0x120: {  	[tilespmem:s5], [sflag:$0x2] =	stream.linear.gather [hbm4b:s1+s0], $0x7D0, $0x38;
	[tilespmem:$0xB970] =	vst v63  }
0x121: {  	_ =	swait.ge [sflag:s2], $0x7D0  }
0x122: {  	[sflag:s2] =	ssyncset.done $0x0  }
0x123: {  	[sflag:s2] =	ssyncadd.s32 $0xFFFFF830  }
0x124: {  	_ =	swait.ge [sflag:s2], $0x7D0  }
0x125: {  	[sflag:s2] =	ssyncset.done $0x0  }
0x126: {  	[sflag:s2] =	ssyncadd.s32 $0xFFFFF830  }
0x127: {  	[tilespmem:s4], [sflag:$0x5] =	stream.indirect.gather [spmem:s20], $0x1, s30, s3, $0xb8;
	[tilespmem:$0xB970] =	vst v63  }
0x128: {  	_ =	swait.ge [sflag:s22], $0x7D0  }
0x129: {  	[sflag:s22] =	ssyncset.done $0x0  }
0x12a: {  	[sflag:s22] =	ssyncadd.s32 $0xFFFFF830  }
0x12b: {  	[spmem:s17] =	stream.indirect.scatter.add.f32 [tilespmem:s18], [sflag:$0xC], $0x1, s10, s3, $0xb8;
	[tilespmem:$0xB970] =	vst v63  }
0x12c: {  	_ =	swait.ge [sflag:s24], $0x7D0  }
0x12d: {  	s1 =	sld [smem:$0x7E5]  }
0x12e: {  	[sflag:s24] =	ssyncset.done $0x0  }
0x12f: {  	[sflag:s24] =	ssyncadd.s32 $0xFFFFF830  }
0x130: {  	[tilespmem:s23], [sflag:$0x3] =	stream.linear.gather [hbm4b:s1+s0], $0x7D0, $0x38;
	[tilespmem:$0xB970] =	vst v63  }
0x131: {  	s1 =	sld [smem:$0x7E6];
	_ =	sdelay $0x2  }
0x132: {  	[tilespmem:s6], [sflag:$0x3] =	stream.linear.gather [hbm4b:s1+s0], $0x7D0, $0x38;
	[tilespmem:$0xB970] =	vst v63  }
0x133: {  	_ =	swait.ge [sflag:s7], $0x7D0  }
0x134: {  	[sflag:s7] =	ssyncset.done $0x0  }
0x135: {  	[sflag:s7] =	ssyncadd.s32 $0xFFFFF830  }
0x136: {  	_ =	swait.ge [sflag:s7], $0x7D0  }
0x137: {  	[sflag:s7] =	ssyncset.done $0x0  }
0x138: {  	[sflag:s7] =	ssyncadd.s32 $0xFFFFF830  }
0x139: {  	[tilespmem:s8], [sflag:$0x6] =	stream.indirect.gather [spmem:s20], $0x1, s5, s3, $0xb8;
	[tilespmem:$0xB970] =	vst v63  }
0x13a: {  	_ =	swait.ge [sflag:s9], $0x7D0  }
0x13b: {  	[sflag:s9] =	ssyncset.done $0x0  }
0x13c: {  	[sflag:s9] =	ssyncadd.s32 $0xFFFFF830  }
0x13d: {  	[spmem:s17] =	stream.indirect.scatter.add.f32 [tilespmem:s4], [sflag:$0x9], $0x1, s29, s3, $0xb8;
	[tilespmem:$0xB970] =	vst v63  }
0x13e: {  	_ =	swait.ge [sflag:s25], $0x7D0  }
0x13f: {  	s1 =	sld [smem:$0x7E7]  }
0x140: {  	[sflag:s25] =	ssyncset.done $0x0  }
0x141: {  	[sflag:s25] =	ssyncadd.s32 $0xFFFFF830  }
0x142: {  	[tilespmem:s10], [sflag:$0x4] =	stream.linear.gather [hbm4b:s1+s0], $0x7D0, $0x38;
	[tilespmem:$0xB970] =	vst v63  }
0x143: {  	s1 =	sld [smem:$0x7E8];
	_ =	sdelay $0x2  }
0x144: {  	[tilespmem:s11], [sflag:$0x4] =	stream.linear.gather [hbm4b:s1+s0], $0x7D0, $0x38;
	[tilespmem:$0xB970] =	vst v63  }
0x145: {  	_ =	swait.ge [sflag:s12], $0x7D0  }
0x146: {  	[sflag:s12] =	ssyncset.done $0x0  }
0x147: {  	[sflag:s12] =	ssyncadd.s32 $0xFFFFF830  }
0x148: {  	_ =	swait.ge [sflag:s12], $0x7D0  }
0x149: {  	[sflag:s12] =	ssyncset.done $0x0  }
0x14a: {  	[sflag:s12] =	ssyncadd.s32 $0xFFFFF830  }
0x14b: {  	[tilespmem:s13], [sflag:$0x7] =	stream.indirect.gather [spmem:s20], $0x1, s6, s3, $0xb8;
	[tilespmem:$0xB970] =	vst v63  }
0x14c: {  	_ =	swait.ge [sflag:s14], $0x7D0  }
0x14d: {  	[sflag:s14] =	ssyncset.done $0x0  }
0x14e: {  	[sflag:s14] =	ssyncadd.s32 $0xFFFFF830  }
0x14f: {  	[spmem:s17] =	stream.indirect.scatter.add.f32 [tilespmem:s8], [sflag:$0xA], $0x1, s31, s3, $0xb8;
	[tilespmem:$0xB970] =	vst v63  }
0x150: {  	_ =	swait.ge [sflag:s15], $0x7D0  }
0x151: {  	s1 =	sld [smem:$0x7E9]  }
0x152: {  	[sflag:s15] =	ssyncset.done $0x0  }
0x153: {  	[sflag:s15] =	ssyncadd.s32 $0xFFFFF830  }
0x154: {  	[tilespmem:s29], [sflag:$0x1] =	stream.linear.gather [hbm4b:s1+s0], $0x7D0, $0x38;
	[tilespmem:$0xB970] =	vst v63  }
0x155: {  	s1 =	sld [smem:$0x7EA];
	_ =	sdelay $0x2  }
0x156: {  	[tilespmem:s30], [sflag:$0x1] =	stream.linear.gather [hbm4b:s1+s0], $0x7D0, $0x38;
	[tilespmem:$0xB970] =	vst v63  }
0x157: {  	_ =	swait.ge [sflag:s16], $0x7D0  }
0x158: {  	[sflag:s16] =	ssyncset.done $0x0  }
0x159: {  	[sflag:s16] =	ssyncadd.s32 $0xFFFFF830  }
0x15a: {  	_ =	swait.ge [sflag:s16], $0x7D0  }
0x15b: {  	[sflag:s16] =	ssyncset.done $0x0  }
0x15c: {  	[sflag:s16] =	ssyncadd.s32 $0xFFFFF830  }
0x15d: {  	[tilespmem:s18], [sflag:$0x8] =	stream.indirect.gather [spmem:s20], $0x1, s11, s3, $0xb8;
	[tilespmem:$0xB970] =	vst v63  }
0x15e: {  	_ =	swait.ge [sflag:s19], $0x7D0  }
0x15f: {  	[sflag:s19] =	ssyncset.done $0x0  }
0x160: {  	[sflag:s19] =	ssyncadd.s32 $0xFFFFF830  }
0x161: {  	[spmem:s17] =	stream.indirect.scatter.add.f32 [tilespmem:s13], [sflag:$0xB], $0x1, s23, s3, $0xb8;
	[tilespmem:$0xB970] =	vst v63  }
0x162: {  	_ =	swait.ge [sflag:s21], $0x7D0  }
0x163: {  	s1 =	sld [smem:$0x7EB]  }
0x164: {  	[sflag:s21] =	ssyncset.done $0x0  }
0x165: {  	[sflag:s21] =	ssyncadd.s32 $0xFFFFF830  }
0x166: {  	[tilespmem:s31], [sflag:$0x2] =	stream.linear.gather [hbm4b:s1+s0], $0x7D0, $0x38;
	[tilespmem:$0xB970] =	vst v63  }
0x167: {  	s1 =	sld [smem:$0x7EC];
	_ =	sdelay $0x2  }
0x168: {  	[tilespmem:s5], [sflag:$0x2] =	stream.linear.gather [hbm4b:s1+s0], $0x7D0, $0x38;
	[tilespmem:$0xB970] =	vst v63  }
0x169: {  	_ =	swait.ge [sflag:s2], $0x7D0  }
0x16a: {  	[sflag:s2] =	ssyncset.done $0x0  }
0x16b: {  	[sflag:s2] =	ssyncadd.s32 $0xFFFFF830  }
0x16c: {  	_ =	swait.ge [sflag:s2], $0x7D0  }
0x16d: {  	[sflag:s2] =	ssyncset.done $0x0  }
0x16e: {  	[sflag:s2] =	ssyncadd.s32 $0xFFFFF830  }
0x16f: {  	[tilespmem:s4], [sflag:$0x5] =	stream.indirect.gather [spmem:s20], $0x1, s30, s3, $0xb8;
	[tilespmem:$0xB970] =	vst v63  }
0x170: {  	_ =	swait.ge [sflag:s22], $0x7D0  }
0x171: {  	[sflag:s22] =	ssyncset.done $0x0  }
0x172: {  	[sflag:s22] =	ssyncadd.s32 $0xFFFFF830  }
0x173: {  	[spmem:s17] =	stream.indirect.scatter.add.f32 [tilespmem:s18], [sflag:$0xC], $0x1, s10, s3, $0xb8;
	[tilespmem:$0xB970] =	vst v63  }
0x174: {  	_ =	swait.ge [sflag:s24], $0x7D0  }
0x175: {  	s1 =	sld [smem:$0x7ED]  }
0x176: {  	[sflag:s24] =	ssyncset.done $0x0  }
0x177: {  	[sflag:s24] =	ssyncadd.s32 $0xFFFFF830  }
0x178: {  	[tilespmem:s23], [sflag:$0x3] =	stream.linear.gather [hbm4b:s1+s0], $0x7D0, $0x38;
	[tilespmem:$0xB970] =	vst v63  }
0x179: {  	s1 =	sld [smem:$0x7EE];
	_ =	sdelay $0x2  }
0x17a: {  	[tilespmem:s6], [sflag:$0x3] =	stream.linear.gather [hbm4b:s1+s0], $0x7D0, $0x38;
	[tilespmem:$0xB970] =	vst v63  }
0x17b: {  	_ =	swait.ge [sflag:s7], $0x7D0  }
0x17c: {  	[sflag:s7] =	ssyncset.done $0x0  }
0x17d: {  	[sflag:s7] =	ssyncadd.s32 $0xFFFFF830  }
0x17e: {  	_ =	swait.ge [sflag:s7], $0x7D0  }
0x17f: {  	[sflag:s7] =	ssyncset.done $0x0  }
0x180: {  	[sflag:s7] =	ssyncadd.s32 $0xFFFFF830  }
0x181: {  	[tilespmem:s8], [sflag:$0x6] =	stream.indirect.gather [spmem:s20], $0x1, s5, s3, $0xb8;
	[tilespmem:$0xB970] =	vst v63  }
0x182: {  	_ =	swait.ge [sflag:s9], $0x7D0  }
0x183: {  	[sflag:s9] =	ssyncset.done $0x0  }
0x184: {  	[sflag:s9] =	ssyncadd.s32 $0xFFFFF830  }
0x185: {  	[spmem:s17] =	stream.indirect.scatter.add.f32 [tilespmem:s4], [sflag:$0x9], $0x1, s29, s3, $0xb8;
	[tilespmem:$0xB970] =	vst v63  }
0x186: {  	_ =	swait.ge [sflag:s25], $0x7D0  }
0x187: {  	s1 =	sld [smem:$0x7EF]  }
0x188: {  	[sflag:s25] =	ssyncset.done $0x0  }
0x189: {  	[sflag:s25] =	ssyncadd.s32 $0xFFFFF830  }
0x18a: {  	[tilespmem:s10], [sflag:$0x4] =	stream.linear.gather [hbm4b:s1+s0], $0x7D0, $0x38;
	[tilespmem:$0xB970] =	vst v63  }
0x18b: {  	s1 =	sld [smem:$0x7F0];
	_ =	sdelay $0x2  }
0x18c: {  	[tilespmem:s11], [sflag:$0x4] =	stream.linear.gather [hbm4b:s1+s0], $0x7D0, $0x38;
	[tilespmem:$0xB970] =	vst v63  }
0x18d: {  	_ =	swait.ge [sflag:s12], $0x7D0  }
0x18e: {  	[sflag:s12] =	ssyncset.done $0x0  }
0x18f: {  	[sflag:s12] =	ssyncadd.s32 $0xFFFFF830  }
0x190: {  	_ =	swait.ge [sflag:s12], $0x7D0  }
0x191: {  	[sflag:s12] =	ssyncset.done $0x0  }
0x192: {  	[sflag:s12] =	ssyncadd.s32 $0xFFFFF830  }
0x193: {  	[tilespmem:s13], [sflag:$0x7] =	stream.indirect.gather [spmem:s20], $0x1, s6, s3, $0xb8;
	[tilespmem:$0xB970] =	vst v63  }
0x194: {  	_ =	swait.ge [sflag:s14], $0x7D0  }
0x195: {  	[sflag:s14] =	ssyncset.done $0x0  }
0x196: {  	[sflag:s14] =	ssyncadd.s32 $0xFFFFF830  }
0x197: {  	[spmem:s17] =	stream.indirect.scatter.add.f32 [tilespmem:s8], [sflag:$0xA], $0x1, s31, s3, $0xb8;
	[tilespmem:$0xB970] =	vst v63  }
0x198: {  	_ =	swait.ge [sflag:s15], $0x7D0  }
0x199: {  	s1 =	sld [smem:$0x7F1]  }
0x19a: {  	[sflag:s15] =	ssyncset.done $0x0  }
0x19b: {  	[sflag:s15] =	ssyncadd.s32 $0xFFFFF830  }
0x19c: {  	[tilespmem:s29], [sflag:$0x1] =	stream.linear.gather [hbm4b:s1+s0], $0x7D0, $0x38;
	[tilespmem:$0xB970] =	vst v63  }
0x19d: {  	s1 =	sld [smem:$0x7F2];
	_ =	sdelay $0x2  }
0x19e: {  	[tilespmem:s30], [sflag:$0x1] =	stream.linear.gather [hbm4b:s1+s0], $0x7D0, $0x38;
	[tilespmem:$0xB970] =	vst v63  }
0x19f: {  	_ =	swait.ge [sflag:s16], $0x7D0  }
0x1a0: {  	[sflag:s16] =	ssyncset.done $0x0  }
0x1a1: {  	[sflag:s16] =	ssyncadd.s32 $0xFFFFF830  }
0x1a2: {  	_ =	swait.ge [sflag:s16], $0x7D0  }
0x1a3: {  	[sflag:s16] =	ssyncset.done $0x0  }
0x1a4: {  	[sflag:s16] =	ssyncadd.s32 $0xFFFFF830  }
0x1a5: {  	[tilespmem:s18], [sflag:$0x8] =	stream.indirect.gather [spmem:s20], $0x1, s11, s3, $0xb8;
	[tilespmem:$0xB970] =	vst v63  }
0x1a6: {  	_ =	swait.ge [sflag:s19], $0x7D0  }
0x1a7: {  	[sflag:s19] =	ssyncset.done $0x0  }
0x1a8: {  	[sflag:s19] =	ssyncadd.s32 $0xFFFFF830  }
0x1a9: {  	[spmem:s17] =	stream.indirect.scatter.add.f32 [tilespmem:s13], [sflag:$0xB], $0x1, s23, s3, $0xb8;
	[tilespmem:$0xB970] =	vst v63  }
0x1aa: {  	_ =	swait.ge [sflag:s21], $0x7D0  }
0x1ab: {  	s1 =	sld [smem:$0x7F3]  }
0x1ac: {  	[sflag:s21] =	ssyncset.done $0x0  }
0x1ad: {  	[sflag:s21] =	ssyncadd.s32 $0xFFFFF830  }
0x1ae: {  	[tilespmem:s31], [sflag:$0x2] =	stream.linear.gather [hbm4b:s1+s0], $0x7D0, $0x38;
	[tilespmem:$0xB970] =	vst v63  }
0x1af: {  	s1 =	sld [smem:$0x7F4];
	_ =	sdelay $0x2  }
0x1b0: {  	[tilespmem:s5], [sflag:$0x2] =	stream.linear.gather [hbm4b:s1+s0], $0x7D0, $0x38;
	[tilespmem:$0xB970] =	vst v63  }
0x1b1: {  	_ =	swait.ge [sflag:s2], $0x7D0  }
0x1b2: {  	[sflag:s2] =	ssyncset.done $0x0  }
0x1b3: {  	[sflag:s2] =	ssyncadd.s32 $0xFFFFF830  }
0x1b4: {  	_ =	swait.ge [sflag:s2], $0x7D0  }
0x1b5: {  	[sflag:s2] =	ssyncset.done $0x0  }
0x1b6: {  	[sflag:s2] =	ssyncadd.s32 $0xFFFFF830  }
0x1b7: {  	[tilespmem:s4], [sflag:$0x5] =	stream.indirect.gather [spmem:s20], $0x1, s30, s3, $0xb8;
	[tilespmem:$0xB970] =	vst v63  }
0x1b8: {  	_ =	swait.ge [sflag:s22], $0x7D0  }
0x1b9: {  	[sflag:s22] =	ssyncset.done $0x0  }
0x1ba: {  	[sflag:s22] =	ssyncadd.s32 $0xFFFFF830  }
0x1bb: {  	[spmem:s17] =	stream.indirect.scatter.add.f32 [tilespmem:s18], [sflag:$0xC], $0x1, s10, s3, $0xb8;
	[tilespmem:$0xB970] =	vst v63  }
0x1bc: {  	_ =	swait.ge [sflag:s24], $0x7D0  }
0x1bd: {  	s1 =	sld [smem:$0x7F5]  }
0x1be: {  	[sflag:s24] =	ssyncset.done $0x0  }
0x1bf: {  	[sflag:s24] =	ssyncadd.s32 $0xFFFFF830  }
0x1c0: {  	[tilespmem:s23], [sflag:$0x3] =	stream.linear.gather [hbm4b:s1+s0], $0x7D0, $0x38;
	[tilespmem:$0xB970] =	vst v63  }
0x1c1: {  	s1 =	sld [smem:$0x7F6];
	_ =	sdelay $0x2  }
0x1c2: {  	[tilespmem:s6], [sflag:$0x3] =	stream.linear.gather [hbm4b:s1+s0], $0x7D0, $0x38;
	[tilespmem:$0xB970] =	vst v63  }
0x1c3: {  	_ =	swait.ge [sflag:s7], $0x7D0  }
0x1c4: {  	[sflag:s7] =	ssyncset.done $0x0  }
0x1c5: {  	[sflag:s7] =	ssyncadd.s32 $0xFFFFF830  }
0x1c6: {  	_ =	swait.ge [sflag:s7], $0x7D0  }
0x1c7: {  	[sflag:s7] =	ssyncset.done $0x0  }
0x1c8: {  	[sflag:s7] =	ssyncadd.s32 $0xFFFFF830  }
0x1c9: {  	[tilespmem:s8], [sflag:$0x6] =	stream.indirect.gather [spmem:s20], $0x1, s5, s3, $0xb8;
	[tilespmem:$0xB970] =	vst v63  }
0x1ca: {  	_ =	swait.ge [sflag:s9], $0x7D0  }
0x1cb: {  	[sflag:s9] =	ssyncset.done $0x0  }
0x1cc: {  	[sflag:s9] =	ssyncadd.s32 $0xFFFFF830  }
0x1cd: {  	[spmem:s17] =	stream.indirect.scatter.add.f32 [tilespmem:s4], [sflag:$0x9], $0x1, s29, s3, $0xb8;
	[tilespmem:$0xB970] =	vst v63  }
0x1ce: {  	_ =	swait.ge [sflag:s25], $0x7D0  }
0x1cf: {  	s5 =	sld [smem:$0x7F7]  }
0x1d0: {  	[sflag:s25] =	ssyncset.done $0x0  }
0x1d1: {  	[sflag:s25] =	ssyncadd.s32 $0xFFFFF830  }
0x1d2: {  	[tilespmem:s10], [sflag:$0x4] =	stream.linear.gather [hbm4b:s5+s0], $0x7D0, $0x38;
	[tilespmem:$0xB970] =	vst v63  }
0x1d3: {  	s5 =	sld [smem:$0x7F8];
	_ =	sdelay $0x2  }
0x1d4: {  	[tilespmem:s11], [sflag:$0x4] =	stream.linear.gather [hbm4b:s5+s0], $0x7D0, $0x38;
	[tilespmem:$0xB970] =	vst v63  }
0x1d5: {  	_ =	swait.ge [sflag:s12], $0x7D0  }
0x1d6: {  	[sflag:s12] =	ssyncset.done $0x0  }
0x1d7: {  	[sflag:s12] =	ssyncadd.s32 $0xFFFFF830  }
0x1d8: {  	_ =	swait.ge [sflag:s12], $0x7D0  }
0x1d9: {  	[sflag:s12] =	ssyncset.done $0x0  }
0x1da: {  	[sflag:s12] =	ssyncadd.s32 $0xFFFFF830  }
0x1db: {  	[tilespmem:s13], [sflag:$0x7] =	stream.indirect.gather [spmem:s20], $0x1, s6, s3, $0xb8;
	[tilespmem:$0xB970] =	vst v63  }
0x1dc: {  	_ =	swait.ge [sflag:s14], $0x7D0  }
0x1dd: {  	[sflag:s14] =	ssyncset.done $0x0  }
0x1de: {  	[sflag:s14] =	ssyncadd.s32 $0xFFFFF830  }
0x1df: {  	[spmem:s17] =	stream.indirect.scatter.add.f32 [tilespmem:s8], [sflag:$0xA], $0x1, s31, s3, $0xb8;
	[tilespmem:$0xB970] =	vst v63  }
0x1e0: {  	_ =	swait.ge [sflag:s15], $0x7D0  }
0x1e1: {  	s31 =	sld [smem:$0x7F9]  }
0x1e2: {  	[sflag:s15] =	ssyncset.done $0x0  }
0x1e3: {  	s5 =	sld [smem:$0x7FA];
	[sflag:s15] =	ssyncadd.s32 $0xFFFFF830  }
0x1e4: {  	[tilespmem:s29], [sflag:$0x1] =	stream.linear.gather [hbm4b:s31+s0], $0x7D0, $0x38;
	[tilespmem:$0xB970] =	vst v63  }
0x1e5: {  	_ = 	snop  }
0x1e6: {  	[tilespmem:s30], [sflag:$0x1] =	stream.linear.gather [hbm4b:s5+s0], $0x7D0, $0x38;
	[tilespmem:$0xB970] =	vst v63  }
0x1e7: {  	_ =	swait.ge [sflag:s16], $0x7D0  }
0x1e8: {  	[sflag:s16] =	ssyncset.done $0x0  }
0x1e9: {  	[sflag:s16] =	ssyncadd.s32 $0xFFFFF830  }
0x1ea: {  	_ =	swait.ge [sflag:s16], $0x7D0  }
0x1eb: {  	[sflag:s16] =	ssyncset.done $0x0  }
0x1ec: {  	[sflag:s16] =	ssyncadd.s32 $0xFFFFF830  }
0x1ed: {  	[tilespmem:s18], [sflag:$0x8] =	stream.indirect.gather [spmem:s20], $0x1, s11, s3, $0xb8;
	[tilespmem:$0xB970] =	vst v63  }
0x1ee: {  	_ =	swait.ge [sflag:s19], $0x7D0  }
0x1ef: {  	[sflag:s19] =	ssyncset.done $0x0  }
0x1f0: {  	[sflag:s19] =	ssyncadd.s32 $0xFFFFF830  }
0x1f1: {  	[spmem:s17] =	stream.indirect.scatter.add.f32 [tilespmem:s13], [sflag:$0xB], $0x1, s23, s3, $0xb8;
	[tilespmem:$0xB970] =	vst v63  }
0x1f2: {  	_ =	swait.ge [sflag:s21], $0x7D0  }
0x1f3: {  	[sflag:s21] =	ssyncset.done $0x0  }
0x1f4: {  	[sflag:s21] =	ssyncadd.s32 $0xFFFFF830  }
0x1f5: {  	_ =	swait.ge [sflag:s2], $0x7D0  }
0x1f6: {  	[sflag:s2] =	ssyncset.done $0x0  }
0x1f7: {  	[sflag:s2] =	ssyncadd.s32 $0xFFFFF830  }
0x1f8: {  	_ =	swait.ge [sflag:s2], $0x7D0  }
0x1f9: {  	[sflag:s2] =	ssyncset.done $0x0  }
0x1fa: {  	[sflag:s2] =	ssyncadd.s32 $0xFFFFF830  }
0x1fb: {  	[tilespmem:s4], [sflag:$0x5] =	stream.indirect.gather [spmem:s20], $0x1, s30, s3, $0xb8;
	[tilespmem:$0xB970] =	vst v63  }
0x1fc: {  	_ =	swait.ge [sflag:s22], $0x7D0  }
0x1fd: {  	[sflag:s22] =	ssyncset.done $0x0  }
0x1fe: {  	[sflag:s22] =	ssyncadd.s32 $0xFFFFF830  }
0x1ff: {  	[spmem:s17] =	stream.indirect.scatter.add.f32 [tilespmem:s18], [sflag:$0xC], $0x1, s10, s3, $0xb8;
	[tilespmem:$0xB970] =	vst v63  }
0x200: {  	_ =	swait.ge [sflag:s24], $0x7D0  }
0x201: {  	[sflag:s24] =	ssyncset.done $0x0  }
0x202: {  	[sflag:s24] =	ssyncadd.s32 $0xFFFFF830  }
0x203: {  	_ =	swait.ge [sflag:s9], $0x7D0  }
0x204: {  	[sflag:s9] =	ssyncset.done $0x0  }
0x205: {  	[sflag:s9] =	ssyncadd.s32 $0xFFFFF830  }
0x206: {  	[spmem:s17] =	stream.indirect.scatter.add.f32 [tilespmem:s4], [sflag:$0x9], $0x1, s29, s3, $0xb8;
	[tilespmem:$0xB970] =	vst v63  }
0x207: {  	_ =	swait.ge [sflag:s25], $0x7D0  }
0x208: {  	[sflag:s25] =	ssyncset.done $0x0  }
0x209: {  	[sflag:s25] =	ssyncadd.s32 $0xFFFFF830  }
0x20a: {  	_ =	swait.ge [sflag:s15], $0x7D0  }
0x20b: {  	[sflag:s15] =	ssyncset.done $0x0  }
0x20c: {  	[sflag:s15] =	ssyncadd.s32 $0xFFFFF830  }
0x20d: {  	[bflag:$0x0] =	sbarrier.arrive $0xFFFF  }
0x20e: {  	s31 =	sld [smem:$0x7FB];
	_ =	sdelay $0x1  }
0x20f: {  	s5 =	simm.s32 $0x40F0  }
0x210: {  	[tilespmem:s5], [sflag:$0xD] =	stream.linear.gather [spmem:s31], $0x1870, $0x38;
	[tilespmem:$0xB970] =	vst v63  }
0x211: {  	_ =	swait.ge [sflag:s28], $0x1870  }
0x212: {  	s23 =	sld [smem:$0x7FC]  }
0x213: {  	[sflag:s28] =	ssyncset.done $0x0  }
0x214: {  	[sflag:s28] =	ssyncadd.s32 $0xFFFFE790  }
0x215: {  	[hbm4b:s23+s0] =	stream.linear.scatter [tilespmem:s5], [sflag:$0xD], $0x1870, $0x38;
	[tilespmem:$0xB970] =	vst v63  }
0x216: {  	_ =	swait.ge [sflag:s28], $0x1870  }
0x217: {  	s31 =	sld [smem:$0x7FD];
	_ =	sdelay $0x1  }
0x218: {  	s26 =	sadd.s32 $0x1, s26  }
0x219: {  	p1 =	sne.s32 s26, s31  }
.Ltmp1:
0x21a: {  	_ = 	snop;
	(pc) =	sbr.rel @!p1 .LBB2_8-.Ltmp1, $3  }
0x21b: {  	_ =	sdelay $0x1  }
0x21c: {  	[sflag:s28] =	ssyncset.done $0x0  }
0x21d: {  	[sflag:s28] =	ssyncadd.s32 $0xFFFFE790  }
.LBB2_1:
0x21e: {  	s1 =	simm.s32 $0x40;
	s5 =	simm.s32 $0x0  }
.LBB2_2:
0x21f: {  	p1 =	sne.s32 s1, $0x6180;
	[tilespmem:s5+$0x40F0] =	vst v0;
	s5 =	smov.u32 s1;
	s1 =	sadd.s32 $0x40, s1  }
.Ltmp2:
0x220: {  	(pc) =	sbr.rel @p1 .LBB2_2-.Ltmp2, $2  }
0x221: {  	_ =	sdelay $0x2  }
0x222: {  	s5 =	sshra.s32 s5, $0x2  }
0x223: {  	s31 =	sld [smem:$0x7FB];
	_ =	sdelay $0x1  }
.Ltmp3:
0x224: {  	[tilespmem:s5+$0x40F0] =	vst v0;
	s1 =	simm.s32 $0x40F0;
	(pc) =	sbr.rel @p0 .LBB2_7-.Ltmp3, $4  }
0x225: {  	[spmem:s31] =	stream.linear.scatter [tilespmem:s1], [sflag:$0xD], $0x1870, $0x38;
	[tilespmem:$0xB970] =	vst v63  }
0x226: {  	_ =	swait.ge [sflag:s28], $0x1870  }
0x227: {  	[sflag:s28] =	ssyncset.done $0x0  }
0x228: {  	[sflag:s28] =	ssyncadd.s32 $0xFFFFE790  }
0x229: {  	s1 =	simm.s32 $0x0;
	s5 =	rddreg [dreg:$0x0];
	s23 =	simm.s32 $0x18F0  }
0x22a: {  	[tilespmem:s23], [sflag:$0xD] =	stream.linear.gather [hbm4b:s5+s1], $0x1000, $0x38;
	[tilespmem:$0xB970] =	vst v63  }
0x22b: {  	_ =	swait.ge [sflag:s28], $0x1000  }
0x22c: {  	[sflag:s28] =	ssyncset.done $0x0  }
0x22d: {  	[sflag:s28] =	ssyncadd.s32 $0xFFFFF000  }
0x22e: {  	s23 =	simm.s32 $0x28F0;
	s5 =	rddreg [dreg:$0x1]  }
0x22f: {  	[tilespmem:s23], [sflag:$0xD] =	stream.linear.gather [hbm4b:s5+s1], $0x1000, $0x38;
	[tilespmem:$0xB970] =	vst v63  }
0x230: {  	_ =	swait.ge [sflag:s28], $0x1000  }
0x231: {  	[sflag:s28] =	ssyncset.done $0x0  }
0x232: {  	[sflag:s28] =	ssyncadd.s32 $0xFFFFF000  }
0x233: {  	s23 =	simm.s32 $0x38F0;
	s5 =	rddreg [dreg:$0x2]  }
0x234: {  	[tilespmem:s23], [sflag:$0xD] =	stream.linear.gather [hbm4b:s5+s1], $0x800, $0x38;
	[tilespmem:$0xB970] =	vst v63  }
0x235: {  	_ =	swait.ge [sflag:s28], $0x800  }
0x236: {  	[sflag:s28] =	ssyncset.done $0x0  }
0x237: {  	s31 =	simm.s32 $0x0;
	[sflag:s28] =	ssyncadd.s32 $0xFFFFF800  }
0x238: {  	v1 =	vld [tilespmem:s31+$0x28F0]  }
0x239: {  	v2 =	vld [tilespmem:s31+$0x30D0];
	_ =	sdelay $0x4  }
0x23a: {  	v1 =	vadd.f32 v2, v1;
	_ =	sdelay $0x1  }
0x23b: {  	s23 =	simm.s32 $0x10;
	v3 =	vld [tilespmem:s31+$0x20D0];
	v1 =	vmax.f32 v1, $1.000000000e+00  }
0x23c: {  	v4 =	vld [tilespmem:s23+$0x30D0];
	(erf) = vrcp.f32 v1  }
0x23d: {  	v2 =	vld [tilespmem:s31+$0x18F0]  }
0x23e: {  	v1 =	vld [tilespmem:s23+$0x28F0]  }
0x23f: {  	v5 =	vld [tilespmem:s31+$0x38F0];
	_ =	sdelay $0x2  }
0x240: {  	v2 =	vadd.f32 v3, v2  }
0x241: {  	v3 =	vadd.f32 v4, v1  }
0x242: {  	v4 =	vmul.f32 v5, v2  }
0x243: {  	v1 =	vld [tilespmem:s23+$0x18F0];
	v3 =	vmax.f32 v3, $1.000000000e+00;
	v5 =	vpop (erf)  }
0x244: {  	s1 =	simm.s32 $0x20;
	v2 =	vld [tilespmem:s23+$0x20D0];
	(erf) = vrcp.f32 v3;
	v4 =	vmul.f32 v5, v4  }
0x245: {  	s5 =	simm.s32 $0xC0;
	v3 =	vld [tilespmem:s1+$0x28F0]  }
.LBB2_5:
0x246: {  	p1 =	sne.s32 s5, $0x1F40;
	v5 =	vld [tilespmem:s1+$0x30D0];
	[tilespmem:s31+$0x38F0] =	vst v4;
	s31 =	smov.u32 s23;
	s23 =	smov.u32 s1  }
0x247: {  	v4 =	vld [tilespmem:s31+$0x38F0];
	_ =	sdelay $0x2  }
0x248: {  	v1 =	vadd.f32 v2, v1  }
.Ltmp4:
0x249: {  	v2 =	vadd.f32 v5, v3;
	(pc) =	sbr.rel @p1 .LBB2_5-.Ltmp4, $4  }
0x24a: {  	v3 =	vmul.f32 v4, v1  }
0x24b: {  	v1 =	vld [tilespmem:s23+$0x18F0];
	v4 =	vmax.f32 v2, $1.000000000e+00;
	v5 =	vpop (erf)  }
0x24c: {  	s1 =	sshra.s32 s5, $0x2;
	v2 =	vld [tilespmem:s23+$0x20D0];
	(erf) = vrcp.f32 v4;
	v4 =	vmul.f32 v5, v3  }
0x24d: {  	s5 =	sadd.s32 $0x40, s5;
	v3 =	vld [tilespmem:s1+$0x28F0]  }
.Ltmp5:
0x24e: {  	_ = 	snop;
	(pc) =	sbr.rel .LBB2_6-.Ltmp5, $1  }
0x24f: {  	_ =	sdelay $0x3  }
.LBB2_8:
0x250: {  	_ =	sfence.sel $0x180000  }
0x251: {  	[bflag:$0x0] =	sbarrier.arrive $0xFFFF  }
0x252: {  	_ =	strace $0x9000004A  }
0x253: {  	[bflag:$0x2] =	sbarrier.arrive $0xFFFF  }
0x254: {  	s0 =	rddreg [dreg:$0x8]  }
0x255: {  	s0 =	sadd.s32 @!p0 $0x100000, s0  }
0x256: {  	[sflag:s0] =	ssyncadd.tile.s32 @!p0 $0x1;
	_ =	shalt  }
.Lfunc_end2:
_tile_overlayer_lowered:
.L_overlay_start_2:
0x257: {  	(tag) =	ssettag $0x2  }
0x258: {  	s0 =	rddreg [dreg:$0x0];
	s2 =	stileid.u32  }
0x259: {  	s1 =	rddreg [dreg:$0x1];
	p0 =	sne.s32 s2, $0x0  }
0x25a: {  	s3 =	rddreg [dreg:$0x2];
	[bflag:$0x3] =	sbarrier.arrive $0xFFFF;
	s2 =	simm.s32 @!p0 $0x1C0D  }
0x25b: {  	[timem:s3], [sflag:s2] =	dma.local @!p0 [hbm:s0], s1  }
0x25c: {  	s0 =	simm.s32 @!p0 $0xD  }
0x25d: {  	_ =	swait.ge @!p0 [sflag:s0], s1  }
0x25e: {  	s1 =	ssub.s32 @!p0 $0x0, s1;
	[sflag:s0] =	ssyncset.done @!p0 $0x0  }
0x25f: {  	[sflag:s0] =	ssyncadd.s32 @!p0 s1  }
0x260: {  	[bflag:$0x3] =	sbarrier.arrive $0xFFFF  }
0x261: {  	_ =	shalt  }

</sc_bundles>
